<compile_context>
chip_gen: v7x
topology: tpu7x:2x2x1
jax: 0.10.2.dev20260603
libtpu: 0.0.44.dev20260713+nightly
codegen_flags: <defaults>
</compile_context>

<pallas_src>
import jax
import jax.numpy as jnp
from jax import lax
from jax.experimental import pallas as pl
from jax.experimental.pallas import tpu as pltpu
from jax.experimental.pallas import tpu_sc as plsc

N = 10000
E = 320000
D = 128
ED = 16

NC = 2
NS = 16
NW = NC * NS
L = 16

EPW = E // NW
BLK = 2000
NBLK = EPW // BLK
GRP = BLK // L

EPC = E // NC
BLK2 = 8000
NBLK2 = EPC // BLK2
GRP2 = BLK2 // L

NPAD = 10240
STRIPE = NPAD // NS


def _node_alpha_body(h_ref, wa_ref, o1_ref, o2_ref):
    hb = h_ref[...]
    w1 = wa_ref[0, :D]
    w2 = wa_ref[0, D:2 * D]
    o1_ref[...] = jnp.dot(hb, w1, preferred_element_type=jnp.float32)
    o2_ref[...] = jnp.dot(hb, w2, preferred_element_type=jnp.float32)


def _node_alpha(h, W_att):
    return pl.pallas_call(
        _node_alpha_body,
        out_shape=[
            jax.ShapeDtypeStruct((N,), jnp.float32),
            jax.ShapeDtypeStruct((N,), jnp.float32),
        ],
    )(h, W_att)


EB = 16000


def _split_body(ei_ref, src_ref, dst_ref):
    i = pl.program_id(0)
    sl = pl.ds(i * EB, EB)
    src_ref[sl] = ei_ref[0, :]
    dst_ref[sl] = ei_ref[1, :]


def _split_ei(edge_index):
    return pl.pallas_call(
        _split_body,
        grid=(E // EB,),
        in_specs=[pl.BlockSpec((2, EB), lambda i: (0, i))],
        out_specs=[
            pl.BlockSpec((E,), lambda i: (0,)),
            pl.BlockSpec((E,), lambda i: (0,)),
        ],
        out_shape=[
            jax.ShapeDtypeStruct((E,), jnp.int32),
            jax.ShapeDtypeStruct((E,), jnp.int32),
        ],
    )(edge_index)


def _beta_body(et_ref, we_ref, wa_ref, b_ref):
    i = pl.program_id(0)
    w3 = wa_ref[0, 2 * D:]
    v3 = lax.dot_general(w3, we_ref[...], (((0,), (0,)), ((), ())),
                         preferred_element_type=jnp.float32)
    b_ref[pl.ds(i * EB, EB)] = lax.dot_general(
        v3, et_ref[...], (((0,), (0,)), ((), ())),
        preferred_element_type=jnp.float32)


def _beta_k(et, W_edge, W_att):
    return pl.pallas_call(
        _beta_body,
        grid=(E // EB,),
        in_specs=[
            pl.BlockSpec((ED, EB), lambda i: (0, i)),
            pl.BlockSpec((ED, ED), lambda i: (0, 0)),
            pl.BlockSpec((1, 2 * D + ED), lambda i: (0, 0)),
        ],
        out_specs=pl.BlockSpec((E,), lambda i: (0,)),
        out_shape=jax.ShapeDtypeStruct((E,), jnp.float32),
    )(et, W_edge, W_att)


def _sc_body(src_hbm, dst_hbm, asrc_hbm, adst_hbm, beta_hbm, et_hbm,
             s_out, den_out, ee_out,
             asrc_v, adst_v, den_v, sf_v, src_v, dstf_v, beta_v, ee_v,
             dst2a, dst2b, ee2a, ee2b, efa, efb, dsum_v,
             den_sh, insem, psa, psb):
    cid = lax.axis_index("c")
    sid = lax.axis_index("s")
    wid = cid * NS + sid
    ebase = wid * EPW

    zero16 = jnp.zeros((L,), jnp.float32)

    pltpu.async_copy(asrc_hbm, asrc_v, insem)
    pltpu.async_copy(adst_hbm, adst_v, insem)
    pltpu.make_async_copy(asrc_hbm, asrc_v, insem).wait()
    pltpu.make_async_copy(adst_hbm, adst_v, insem).wait()

    def _z_den(i, _):
        den_v[pl.ds(i * L, L)] = zero16
        sf_v[pl.ds(i * L, L)] = zero16
        return _
    lax.fori_loop(0, NPAD // L, _z_den, None)

    for blk in range(NBLK):
        base = ebase + blk * BLK
        pltpu.async_copy(src_hbm.at[pl.ds(base, BLK)], src_v, insem)
        pltpu.async_copy(dst_hbm.at[pl.ds(base, BLK)], dstf_v, insem)
        pltpu.async_copy(beta_hbm.at[pl.ds(base, BLK)], beta_v, insem)
        pltpu.make_async_copy(src_hbm.at[pl.ds(base, BLK)], src_v, insem).wait()
        pltpu.make_async_copy(dst_hbm.at[pl.ds(base, BLK)], dstf_v, insem).wait()
        pltpu.make_async_copy(beta_hbm.at[pl.ds(base, BLK)], beta_v, insem).wait()

        def _grp(g, _):
            o = g * L
            sv = src_v[pl.ds(o, L)]
            dv = dstf_v[pl.ds(o, L)]
            a1 = plsc.load_gather(asrc_v, [sv])
            a2 = plsc.load_gather(adst_v, [dv])
            att = a1 + a2 + beta_v[pl.ds(o, L)]
            att = jnp.maximum(att, att * 0.01)
            ee = jnp.exp(att)
            plsc.addupdate_scatter(den_v, [dv], ee)
            ee_v[pl.ds(o, L)] = ee
            return _
        lax.fori_loop(0, GRP, _grp, None)
        pltpu.sync_copy(ee_v, ee_out.at[pl.ds(base, BLK)])

    plsc.subcore_barrier()

    dst_bufs = (dst2a, dst2b)
    ee_bufs = (ee2a, ee2b)
    ef_bufs = (efa, efb)
    sems = (psa, psb)
    cbase = cid * EPC

    def _issue(b2, which):
        b = cbase + b2 * BLK2
        pltpu.async_copy(dst_hbm.at[pl.ds(b, BLK2)], dst_bufs[which], sems[which])
        pltpu.async_copy(ee_out.at[pl.ds(b, BLK2)], ee_bufs[which], sems[which])
        pltpu.async_copy(et_hbm.at[sid, pl.ds(b, BLK2)], ef_bufs[which],
                         sems[which])

    def _wait(b2, which):
        b = cbase + b2 * BLK2
        pltpu.make_async_copy(dst_hbm.at[pl.ds(b, BLK2)], dst_bufs[which],
                              sems[which]).wait()
        pltpu.make_async_copy(ee_out.at[pl.ds(b, BLK2)], ee_bufs[which],
                              sems[which]).wait()
        pltpu.make_async_copy(et_hbm.at[sid, pl.ds(b, BLK2)], ef_bufs[which],
                              sems[which]).wait()

    _issue(0, 0)
    for b2 in range(NBLK2):
        which = b2 % 2
        _wait(b2, which)
        if b2 + 1 < NBLK2:
            _issue(b2 + 1, 1 - which)
        dbuf, ebuf, fbuf = dst_bufs[which], ee_bufs[which], ef_bufs[which]

        def _grp2(g, _):
            o = g * L
            dv = dbuf[pl.ds(o, L)]
            val = ebuf[pl.ds(o, L)] * fbuf[pl.ds(o, L)]
            plsc.addupdate_scatter(sf_v, [dv], val)
            return _
        lax.fori_loop(0, GRP2, _grp2, None)

    pltpu.sync_copy(sf_v, s_out.at[cid, sid, :])

    pltpu.sync_copy(den_v, den_sh.at[sid])
    plsc.subcore_barrier()

    sbase = sid * STRIPE
    for t in range(NS):
        pltpu.sync_copy(den_sh.at[t, pl.ds(sbase, STRIPE)], dsum_v.at[t])

    def _red(g, _):
        sl = pl.ds(g * L, L)
        acc = dsum_v[0, sl]
        for t in range(1, NS):
            acc = acc + dsum_v[t, sl]
        dsum_v[0, sl] = acc
        return _
    lax.fori_loop(0, STRIPE // L, _red, None)

    pltpu.sync_copy(dsum_v.at[0], den_out.at[cid, pl.ds(sbase, STRIPE)])


def _sc_agg(src, dst, a_src, a_dst, beta, et):
    mesh = plsc.VectorSubcoreMesh(core_axis_name="c", subcore_axis_name="s",
                                  num_cores=NC, num_subcores=NS)
    f32 = jnp.float32
    kern = pl.kernel(
        _sc_body,
        out_type=[
            jax.ShapeDtypeStruct((NC, ED, NPAD), f32),
            jax.ShapeDtypeStruct((NC, NPAD), f32),
            jax.ShapeDtypeStruct((E,), f32),
        ],
        mesh=mesh,
        compiler_params=pltpu.CompilerParams(needs_layout_passes=False,
                                             use_tc_tiling_on_sc=False),
        scratch_types=[
            pltpu.VMEM((N,), f32),
            pltpu.VMEM((N,), f32),
            pltpu.VMEM((NPAD,), f32),
            pltpu.VMEM((NPAD,), f32),
            pltpu.VMEM((BLK,), jnp.int32),
            pltpu.VMEM((BLK,), jnp.int32),
            pltpu.VMEM((BLK,), f32),
            pltpu.VMEM((BLK,), f32),
            pltpu.VMEM((BLK2,), jnp.int32),
            pltpu.VMEM((BLK2,), jnp.int32),
            pltpu.VMEM((BLK2,), f32),
            pltpu.VMEM((BLK2,), f32),
            pltpu.VMEM((BLK2,), f32),
            pltpu.VMEM((BLK2,), f32),
            pltpu.VMEM((NS, STRIPE), f32),
            pltpu.VMEM_SHARED((NS, NPAD), f32),
            pltpu.SemaphoreType.DMA,
            pltpu.SemaphoreType.DMA,
            pltpu.SemaphoreType.DMA,
        ],
    )
    return kern(src, dst, a_src, a_dst, beta, et)


def _finish_body(s_ref, d_ref, we_ref, wn_ref, o_ref):
    s = s_ref[0] + s_ref[1]
    d = d_ref[0] + d_ref[1]
    d = jnp.where(d == 0.0, 1.0, d)
    sw = s / d[None, :]
    t = lax.dot_general(we_ref[...], sw, (((1,), (0,)), ((), ())),
                        preferred_element_type=jnp.float32)
    o_ref[...] = lax.dot_general(t, wn_ref[...], (((0,), (1,)), ((), ())),
                                 preferred_element_type=jnp.float32)


def _finish(s_parts, den_parts, W_edge, W_e2n):
    blk = 1024
    grid = (NPAD // blk,)
    return pl.pallas_call(
        _finish_body,
        grid=grid,
        in_specs=[
            pl.BlockSpec((NC, ED, blk), lambda i: (0, 0, i)),
            pl.BlockSpec((NC, blk), lambda i: (0, i)),
            pl.BlockSpec((ED, ED), lambda i: (0, 0)),
            pl.BlockSpec((D, ED), lambda i: (0, 0)),
        ],
        out_specs=pl.BlockSpec((blk, D), lambda i: (i, 0)),
        out_shape=jax.ShapeDtypeStruct((NPAD, D), jnp.float32),
    )(s_parts, den_parts, W_edge, W_e2n)


@jax.jit
def kernel(h, edge_index, e, W_att, W_edge, W_e2n):
    et = e.T
    a_src, a_dst = _node_alpha(h, W_att)
    src, dst = _split_ei(edge_index)
    beta = _beta_k(et, W_edge, W_att)
    s_parts, den_parts, _ = _sc_agg(src, dst, a_src, a_dst, beta, et)
    return _finish(s_parts, den_parts, W_edge, W_e2n)[:N]

# --- scband reference (transcript-rebuilt; emitter-appended) ---
"""Pipeline reference for scband-edge-agg-71451075936282 (READ-ONLY COPY).

The authoritative reference and input builder live on the scoring server;
editing this copy changes nothing except your own understanding.
"""

import jax, jax.numpy as jnp
import numpy as np

N = 10000
E = 320000
D = 128
ED = 16

def _xavier(key, shape, gain):
    fan_out, fan_in = shape
    std = gain * np.sqrt(2.0 / (fan_in + fan_out))
    return jax.random.normal(key, shape, dtype=jnp.float32) * std

def setup_inputs(seed: int = 0) -> dict:
    key = jax.random.key(seed)
    k1, k2, k3, k4, k5, k6 = jax.random.split(key, 6)
    gain = np.sqrt(2.0)  # calculate_gain('relu')
    h = jax.random.normal(k1, (N, D), dtype=jnp.float32)
    edge_index = jax.random.randint(k2, (2, E), 0, N, dtype=jnp.int32)
    e = jax.random.normal(k3, (E, ED), dtype=jnp.float32)
    W_att = _xavier(k4, (1, 2 * D + ED), gain)      # attn_fc.weight
    W_edge = _xavier(k5, (ED, ED), gain)            # fc_edge_for_att_calc.weight
    W_e2n = _xavier(k6, (D, ED), gain)              # fc_eFeatsDim_to_nFeatsDim.weight
    return {"h": h, "edge_index": edge_index, "e": e, "W_att": W_att, "W_edge": W_edge, "W_e2n": W_e2n}

def reference(h, edge_index, e, W_att, W_edge, W_e2n):
    src = edge_index[0]
    dst = edge_index[1]
    # ex = fc_edge_for_att_calc(e)
    ex = e @ W_edge.T
    # edge attention: a = attn_fc(cat[z_src, z_dst, ex]); e_att = leaky_relu(a)
    z_src = jnp.take(h, src, axis=0)
    z_dst = jnp.take(h, dst, axis=0)
    z2 = jnp.concatenate([z_src, z_dst, ex], axis=1)
    a = z2 @ W_att.T                     # [E, 1]
    e_att = jax.nn.leaky_relu(a, negative_slope=0.01)[:, 0]
    # ez = fc_eFeatsDim_to_nFeatsDim(ex)
    ez = ex @ W_e2n.T                    # [E, D]
    # segment softmax over incoming edges per dst node
    m = jax.ops.segment_max(e_att, dst, num_segments=N)
    m = jnp.where(jnp.isfinite(m), m, 0.0)
    ee = jnp.exp(e_att - m[dst])
    denom = jax.ops.segment_sum(ee, dst, num_segments=N)
    denom_e = denom[dst]
    w = ee / jnp.where(denom_e == 0, 1.0, denom_e)
    # weighted scatter-add of ez into dst nodes
    out = jax.ops.segment_sum(w[:, None] * ez, dst, num_segments=N)
    return out

if __name__ == "__main__":
    import jax
    _d = setup_inputs()
    print(jax.jit(kernel)(*tuple(_d.values())))

</pallas_src>

<mosaic_0001>
#map = affine_map<(d0, d1) -> (0)>
#map1 = affine_map<(d0, d1) -> (0, 0)>
#map2 = affine_map<(d0, d1) -> (0, 0, 0)>
module attributes {stable_mosaic.version = 14 : i64} {
  func.func @_sc_body(%arg0: i32, %arg1: i32, %arg2: memref<320000xi32, #tpu.memory_space<hbm>>, %arg3: memref<320000xi32, #tpu.memory_space<hbm>>, %arg4: memref<10000xf32, #tpu.memory_space<hbm>>, %arg5: memref<10000xf32, #tpu.memory_space<hbm>>, %arg6: memref<320000xf32, #tpu.memory_space<hbm>>, %arg7: memref<16x320000xf32, #tpu.memory_space<hbm>>, %arg8: memref<2x16x10240xf32, #tpu.memory_space<hbm>>, %arg9: memref<2x10240xf32, #tpu.memory_space<hbm>>, %arg10: memref<320000xf32, #tpu.memory_space<hbm>>, %arg11: memref<10000xf32, #tpu.memory_space<vmem>>, %arg12: memref<10000xf32, #tpu.memory_space<vmem>>, %arg13: memref<10240xf32, #tpu.memory_space<vmem>>, %arg14: memref<10240xf32, #tpu.memory_space<vmem>>, %arg15: memref<2000xi32, #tpu.memory_space<vmem>>, %arg16: memref<2000xi32, #tpu.memory_space<vmem>>, %arg17: memref<2000xf32, #tpu.memory_space<vmem>>, %arg18: memref<2000xf32, #tpu.memory_space<vmem>>, %arg19: memref<8000xi32, #tpu.memory_space<vmem>>, %arg20: memref<8000xi32, #tpu.memory_space<vmem>>, %arg21: memref<8000xf32, #tpu.memory_space<vmem>>, %arg22: memref<8000xf32, #tpu.memory_space<vmem>>, %arg23: memref<8000xf32, #tpu.memory_space<vmem>>, %arg24: memref<8000xf32, #tpu.memory_space<vmem>>, %arg25: memref<16x640xf32, #tpu.memory_space<vmem>>, %arg26: memref<16x10240xf32, #tpu.memory_space<vmem_shared>>, %arg27: memref<!tpu.dma_semaphore, #tpu.memory_space<semaphore_mem>>, %arg28: memref<!tpu.dma_semaphore, #tpu.memory_space<semaphore_mem>>, %arg29: memref<!tpu.dma_semaphore, #tpu.memory_space<semaphore_mem>>) attributes {dimension_semantics = [#tpu.dimension_semantics<core_parallel>, #tpu.dimension_semantics<subcore_parallel>], iteration_bounds = array<i64: 2, 16>, scalar_prefetch = 0 : i64, scratch_operands = 19 : i64, tpu.core_type = #tpu.core_type<sc_vector_subcore>, window_params = [{transform_indices = #map}, {transform_indices = #map}, {transform_indices = #map}, {transform_indices = #map}, {transform_indices = #map}, {transform_indices = #map1}, {transform_indices = #map2}, {transform_indices = #map1}, {transform_indices = #map}]} {
    %mul3A = arith.constant 16 : i32
    %mul3A_0 = arith.muli %arg0, %mul3A : i32
    %add3A = arith.addi %mul3A_0, %arg1 : i32
    %mul3A_1 = arith.constant 10000 : i32
    %mul3A_2 = arith.muli %add3A, %mul3A_1 : i32
    %broadcast_in_dim3A = arith.constant 0.000000e+00 : f32
    %broadcast_in_dim3A_3 = vector.broadcast %broadcast_in_dim3A : f32 to vector<16xf32>
    tpu.enqueue_dma source(%arg4 : memref<10000xf32, #tpu.memory_space<hbm>>) target(%arg11 : memref<10000xf32, #tpu.memory_space<vmem>>) target_semaphore(%arg27 : memref<!tpu.dma_semaphore, #tpu.memory_space<semaphore_mem>>)
    tpu.enqueue_dma source(%arg5 : memref<10000xf32, #tpu.memory_space<hbm>>) target(%arg12 : memref<10000xf32, #tpu.memory_space<vmem>>) target_semaphore(%arg27 : memref<!tpu.dma_semaphore, #tpu.memory_space<semaphore_mem>>)
    tpu.wait_dma2 semaphore(%arg27 : memref<!tpu.dma_semaphore, #tpu.memory_space<semaphore_mem>>) src(%arg4 : memref<10000xf32, #tpu.memory_space<hbm>>) dst(%arg11 : memref<10000xf32, #tpu.memory_space<vmem>>)
    tpu.wait_dma2 semaphore(%arg27 : memref<!tpu.dma_semaphore, #tpu.memory_space<semaphore_mem>>) src(%arg5 : memref<10000xf32, #tpu.memory_space<hbm>>) dst(%arg12 : memref<10000xf32, #tpu.memory_space<vmem>>)
    %scan3A = arith.constant 0 : i32
    %scan3A_4 = arith.constant 640 : i32
    %scan3A_5 = arith.addi %scan3A, %scan3A_4 : i32
    %scan3A_6 = arith.constant 1 : i32
    scf.for %scan3A_643 = %scan3A to %scan3A_5 step %scan3A_6  : i32 {
      %mul3A_644 = arith.constant 16 : i32
      %mul3A_645 = arith.muli %scan3A_643, %mul3A_644 : i32
      %swap3A = arith.index_cast %mul3A_645 : i32 to index
      %swap3A_646 = tpu.vector_load %arg13[%swap3A] {strides = array<i32>} : memref<10240xf32, #tpu.memory_space<vmem>>, vector<16xf32>,
      tpu.vector_store %arg13[%swap3A], %broadcast_in_dim3A_3 {strides = array<i32>} : memref<10240xf32, #tpu.memory_space<vmem>>, vector<16xf32>,
      %mul3A_647 = arith.constant 16 : i32
      %mul3A_648 = arith.muli %scan3A_643, %mul3A_647 : i32
      %swap3A_649 = arith.index_cast %mul3A_648 : i32 to index
      %swap3A_650 = tpu.vector_load %arg14[%swap3A_649] {strides = array<i32>} : memref<10240xf32, #tpu.memory_space<vmem>>, vector<16xf32>,
      tpu.vector_store %arg14[%swap3A_649], %broadcast_in_dim3A_3 {strides = array<i32>} : memref<10240xf32, #tpu.memory_space<vmem>>, vector<16xf32>,
    }
    %scan3A_7 = arith.constant 640 : i32
    %add3A_8 = arith.constant 0 : i32
    %add3A_9 = arith.addi %mul3A_2, %add3A_8 : i32
    %dma_start3A = tpu.memref_slice %arg2[%add3A_9] : memref<320000xi32, #tpu.memory_space<hbm>> -> memref<2000xi32, #tpu.memory_space<hbm>>
    %dma_start3A_10 = tpu.memref_slice %arg2[%add3A_9] : memref<320000xi32, #tpu.memory_space<hbm>> -> memref<2000xi32, #tpu.memory_space<hbm>>
    tpu.enqueue_dma source(%dma_start3A_10 : memref<2000xi32, #tpu.memory_space<hbm>>) target(%arg15 : memref<2000xi32, #tpu.memory_space<vmem>>) target_semaphore(%arg27 : memref<!tpu.dma_semaphore, #tpu.memory_space<semaphore_mem>>)
    %dma_start3A_11 = tpu.memref_slice %arg3[%add3A_9] : memref<320000xi32, #tpu.memory_space<hbm>> -> memref<2000xi32, #tpu.memory_space<hbm>>
    %dma_start3A_12 = tpu.memref_slice %arg3[%add3A_9] : memref<320000xi32, #tpu.memory_space<hbm>> -> memref<2000xi32, #tpu.memory_space<hbm>>
    tpu.enqueue_dma source(%dma_start3A_12 : memref<2000xi32, #tpu.memory_space<hbm>>) target(%arg16 : memref<2000xi32, #tpu.memory_space<vmem>>) target_semaphore(%arg27 : memref<!tpu.dma_semaphore, #tpu.memory_space<semaphore_mem>>)
    %dma_start3A_13 = tpu.memref_slice %arg6[%add3A_9] : memref<320000xf32, #tpu.memory_space<hbm>> -> memref<2000xf32, #tpu.memory_space<hbm>>
    %dma_start3A_14 = tpu.memref_slice %arg6[%add3A_9] : memref<320000xf32, #tpu.memory_space<hbm>> -> memref<2000xf32, #tpu.memory_space<hbm>>
    tpu.enqueue_dma source(%dma_start3A_14 : memref<2000xf32, #tpu.memory_space<hbm>>) target(%arg17 : memref<2000xf32, #tpu.memory_space<vmem>>) target_semaphore(%arg27 : memref<!tpu.dma_semaphore, #tpu.memory_space<semaphore_mem>>)
    %dma_wait3A = tpu.memref_slice %arg2[%add3A_9] : memref<320000xi32, #tpu.memory_space<hbm>> -> memref<2000xi32, #tpu.memory_space<hbm>>
    %dma_wait3A_15 = tpu.memref_slice %arg2[%add3A_9] : memref<320000xi32, #tpu.memory_space<hbm>> -> memref<2000xi32, #tpu.memory_space<hbm>>
    tpu.wait_dma2 semaphore(%arg27 : memref<!tpu.dma_semaphore, #tpu.memory_space<semaphore_mem>>) src(%dma_wait3A_15 : memref<2000xi32, #tpu.memory_space<hbm>>) dst(%arg15 : memref<2000xi32, #tpu.memory_space<vmem>>)
    %dma_wait3A_16 = tpu.memref_slice %arg3[%add3A_9] : memref<320000xi32, #tpu.memory_space<hbm>> -> memref<2000xi32, #tpu.memory_space<hbm>>
    %dma_wait3A_17 = tpu.memref_slice %arg3[%add3A_9] : memref<320000xi32, #tpu.memory_space<hbm>> -> memref<2000xi32, #tpu.memory_space<hbm>>
    tpu.wait_dma2 semaphore(%arg27 : memref<!tpu.dma_semaphore, #tpu.memory_space<semaphore_mem>>) src(%dma_wait3A_17 : memref<2000xi32, #tpu.memory_space<hbm>>) dst(%arg16 : memref<2000xi32, #tpu.memory_space<vmem>>)
    %dma_wait3A_18 = tpu.memref_slice %arg6[%add3A_9] : memref<320000xf32, #tpu.memory_space<hbm>> -> memref<2000xf32, #tpu.memory_space<hbm>>
    %dma_wait3A_19 = tpu.memref_slice %arg6[%add3A_9] : memref<320000xf32, #tpu.memory_space<hbm>> -> memref<2000xf32, #tpu.memory_space<hbm>>
    tpu.wait_dma2 semaphore(%arg27 : memref<!tpu.dma_semaphore, #tpu.memory_space<semaphore_mem>>) src(%dma_wait3A_19 : memref<2000xf32, #tpu.memory_space<hbm>>) dst(%arg17 : memref<2000xf32, #tpu.memory_space<vmem>>)
    %scan3A_20 = arith.constant 0 : i32
    %scan3A_21 = arith.constant 125 : i32
    %scan3A_22 = arith.addi %scan3A_20, %scan3A_21 : i32
    %scan3A_23 = arith.constant 1 : i32
    scf.for %scan3A_643 = %scan3A_20 to %scan3A_22 step %scan3A_23  : i32 {
      %mul3A_644 = arith.constant 16 : i32
      %mul3A_645 = arith.muli %scan3A_643, %mul3A_644 : i32
      %get3A = arith.index_cast %mul3A_645 : i32 to index
      %get3A_646 = tpu.vector_load %arg15[%get3A] {strides = array<i32>} : memref<2000xi32, #tpu.memory_space<vmem>>, vector<16xi32>,
      %get3A_647 = arith.index_cast %mul3A_645 : i32 to index
      %get3A_648 = tpu.vector_load %arg16[%get3A_647] {strides = array<i32>} : memref<2000xi32, #tpu.memory_space<vmem>>, vector<16xi32>,
      %gather3A = tpu.vector_load_idx %arg11[%get3A_646] : memref<10000xf32, #tpu.memory_space<vmem>>[vector<16xi32>], vector<16xf32>,
      %gather3A_649 = tpu.vector_load_idx %arg12[%get3A_648] : memref<10000xf32, #tpu.memory_space<vmem>>[vector<16xi32>], vector<16xf32>,
      %add3A_650 = arith.addf %gather3A, %gather3A_649 : vector<16xf32>
      %get3A_651 = arith.index_cast %mul3A_645 : i32 to index
      %get3A_652 = tpu.vector_load %arg17[%get3A_651] {strides = array<i32>} : memref<2000xf32, #tpu.memory_space<vmem>>, vector<16xf32>,
      %add3A_653 = arith.addf %add3A_650, %get3A_652 : vector<16xf32>
      %mul3A_654 = arith.constant 0.00999999977 : f32
      %mul3A_655 = vector.broadcast %mul3A_654 : f32 to vector<16xf32>
      %mul3A_656 = arith.mulf %add3A_653, %mul3A_655 : vector<16xf32>
      %max3A = arith.maximumf %add3A_653, %mul3A_656 : vector<16xf32>
      %exp3A = math.exp %max3A : vector<16xf32>
      tpu.vector_store_idx %arg13[%get3A_648], %exp3A {add = true} : memref<10240xf32, #tpu.memory_space<vmem>>[vector<16xi32>], vector<16xf32>,
      %swap3A = arith.index_cast %mul3A_645 : i32 to index
      %swap3A_657 = tpu.vector_load %arg18[%swap3A] {strides = array<i32>} : memref<2000xf32, #tpu.memory_space<vmem>>, vector<16xf32>,
      tpu.vector_store %arg18[%swap3A], %exp3A {strides = array<i32>} : memref<2000xf32, #tpu.memory_space<vmem>>, vector<16xf32>,
    }
    %scan3A_24 = arith.constant 125 : i32
    "tpu.region"() ({
      %run_scoped3A_643 = tpu.sem_alloc : memref<!tpu.dma_semaphore, #tpu.memory_space<semaphore_mem>>
      %dma_start3A_644 = tpu.memref_slice %arg10[%add3A_9] : memref<320000xf32, #tpu.memory_space<hbm>> -> memref<2000xf32, #tpu.memory_space<hbm>>
      %dma_start3A_645 = tpu.memref_slice %arg10[%add3A_9] : memref<320000xf32, #tpu.memory_space<hbm>> -> memref<2000xf32, #tpu.memory_space<hbm>>
      tpu.enqueue_dma source(%arg18 : memref<2000xf32, #tpu.memory_space<vmem>>) target(%dma_start3A_645 : memref<2000xf32, #tpu.memory_space<hbm>>) target_semaphore(%run_scoped3A_643 : memref<!tpu.dma_semaphore, #tpu.memory_space<semaphore_mem>>)
      %dma_wait3A_646 = tpu.memref_slice %arg10[%add3A_9] : memref<320000xf32, #tpu.memory_space<hbm>> -> memref<2000xf32, #tpu.memory_space<hbm>>
      %dma_wait3A_647 = tpu.memref_slice %arg10[%add3A_9] : memref<320000xf32, #tpu.memory_space<hbm>> -> memref<2000xf32, #tpu.memory_space<hbm>>
      tpu.wait_dma2 semaphore(%run_scoped3A_643 : memref<!tpu.dma_semaphore, #tpu.memory_space<semaphore_mem>>) src(%arg18 : memref<2000xf32, #tpu.memory_space<vmem>>) dst(%dma_wait3A_647 : memref<2000xf32, #tpu.memory_space<hbm>>)
      tpu.yield
    }) : () -> ()
    %add3A_25 = arith.constant 2000 : i32
    %add3A_26 = arith.addi %mul3A_2, %add3A_25 : i32
    %dma_start3A_27 = tpu.memref_slice %arg2[%add3A_26] : memref<320000xi32, #tpu.memory_space<hbm>> -> memref<2000xi32, #tpu.memory_space<hbm>>
    %dma_start3A_28 = tpu.memref_slice %arg2[%add3A_26] : memref<320000xi32, #tpu.memory_space<hbm>> -> memref<2000xi32, #tpu.memory_space<hbm>>
    tpu.enqueue_dma source(%dma_start3A_28 : memref<2000xi32, #tpu.memory_space<hbm>>) target(%arg15 : memref<2000xi32, #tpu.memory_space<vmem>>) target_semaphore(%arg27 : memref<!tpu.dma_semaphore, #tpu.memory_space<semaphore_mem>>)
    %dma_start3A_29 = tpu.memref_slice %arg3[%add3A_26] : memref<320000xi32, #tpu.memory_space<hbm>> -> memref<2000xi32, #tpu.memory_space<hbm>>
    %dma_start3A_30 = tpu.memref_slice %arg3[%add3A_26] : memref<320000xi32, #tpu.memory_space<hbm>> -> memref<2000xi32, #tpu.memory_space<hbm>>
    tpu.enqueue_dma source(%dma_start3A_30 : memref<2000xi32, #tpu.memory_space<hbm>>) target(%arg16 : memref<2000xi32, #tpu.memory_space<vmem>>) target_semaphore(%arg27 : memref<!tpu.dma_semaphore, #tpu.memory_space<semaphore_mem>>)
    %dma_start3A_31 = tpu.memref_slice %arg6[%add3A_26] : memref<320000xf32, #tpu.memory_space<hbm>> -> memref<2000xf32, #tpu.memory_space<hbm>>
    %dma_start3A_32 = tpu.memref_slice %arg6[%add3A_26] : memref<320000xf32, #tpu.memory_space<hbm>> -> memref<2000xf32, #tpu.memory_space<hbm>>
    tpu.enqueue_dma source(%dma_start3A_32 : memref<2000xf32, #tpu.memory_space<hbm>>) target(%arg17 : memref<2000xf32, #tpu.memory_space<vmem>>) target_semaphore(%arg27 : memref<!tpu.dma_semaphore, #tpu.memory_space<semaphore_mem>>)
    %dma_wait3A_33 = tpu.memref_slice %arg2[%add3A_26] : memref<320000xi32, #tpu.memory_space<hbm>> -> memref<2000xi32, #tpu.memory_space<hbm>>
    %dma_wait3A_34 = tpu.memref_slice %arg2[%add3A_26] : memref<320000xi32, #tpu.memory_space<hbm>> -> memref<2000xi32, #tpu.memory_space<hbm>>
    tpu.wait_dma2 semaphore(%arg27 : memref<!tpu.dma_semaphore, #tpu.memory_space<semaphore_mem>>) src(%dma_wait3A_34 : memref<2000xi32, #tpu.memory_space<hbm>>) dst(%arg15 : memref<2000xi32, #tpu.memory_space<vmem>>)
    %dma_wait3A_35 = tpu.memref_slice %arg3[%add3A_26] : memref<320000xi32, #tpu.memory_space<hbm>> -> memref<2000xi32, #tpu.memory_space<hbm>>
    %dma_wait3A_36 = tpu.memref_slice %arg3[%add3A_26] : memref<320000xi32, #tpu.memory_space<hbm>> -> memref<2000xi32, #tpu.memory_space<hbm>>
    tpu.wait_dma2 semaphore(%arg27 : memref<!tpu.dma_semaphore, #tpu.memory_space<semaphore_mem>>) src(%dma_wait3A_36 : memref<2000xi32, #tpu.memory_space<hbm>>) dst(%arg16 : memref<2000xi32, #tpu.memory_space<vmem>>)
    %dma_wait3A_37 = tpu.memref_slice %arg6[%add3A_26] : memref<320000xf32, #tpu.memory_space<hbm>> -> memref<2000xf32, #tpu.memory_space<hbm>>
    %dma_wait3A_38 = tpu.memref_slice %arg6[%add3A_26] : memref<320000xf32, #tpu.memory_space<hbm>> -> memref<2000xf32, #tpu.memory_space<hbm>>
    tpu.wait_dma2 semaphore(%arg27 : memref<!tpu.dma_semaphore, #tpu.memory_space<semaphore_mem>>) src(%dma_wait3A_38 : memref<2000xf32, #tpu.memory_space<hbm>>) dst(%arg17 : memref<2000xf32, #tpu.memory_space<vmem>>)
    %scan3A_39 = arith.constant 0 : i32
    %scan3A_40 = arith.constant 125 : i32
    %scan3A_41 = arith.addi %scan3A_39, %scan3A_40 : i32
    %scan3A_42 = arith.constant 1 : i32
    scf.for %scan3A_643 = %scan3A_39 to %scan3A_41 step %scan3A_42  : i32 {
      %mul3A_644 = arith.constant 16 : i32
      %mul3A_645 = arith.muli %scan3A_643, %mul3A_644 : i32
      %get3A = arith.index_cast %mul3A_645 : i32 to index
      %get3A_646 = tpu.vector_load %arg15[%get3A] {strides = array<i32>} : memref<2000xi32, #tpu.memory_space<vmem>>, vector<16xi32>,
      %get3A_647 = arith.index_cast %mul3A_645 : i32 to index
      %get3A_648 = tpu.vector_load %arg16[%get3A_647] {strides = array<i32>} : memref<2000xi32, #tpu.memory_space<vmem>>, vector<16xi32>,
      %gather3A = tpu.vector_load_idx %arg11[%get3A_646] : memref<10000xf32, #tpu.memory_space<vmem>>[vector<16xi32>], vector<16xf32>,
      %gather3A_649 = tpu.vector_load_idx %arg12[%get3A_648] : memref<10000xf32, #tpu.memory_space<vmem>>[vector<16xi32>], vector<16xf32>,
      %add3A_650 = arith.addf %gather3A, %gather3A_649 : vector<16xf32>
      %get3A_651 = arith.index_cast %mul3A_645 : i32 to index
      %get3A_652 = tpu.vector_load %arg17[%get3A_651] {strides = array<i32>} : memref<2000xf32, #tpu.memory_space<vmem>>, vector<16xf32>,
      %add3A_653 = arith.addf %add3A_650, %get3A_652 : vector<16xf32>
      %mul3A_654 = arith.constant 0.00999999977 : f32
      %mul3A_655 = vector.broadcast %mul3A_654 : f32 to vector<16xf32>
      %mul3A_656 = arith.mulf %add3A_653, %mul3A_655 : vector<16xf32>
      %max3A = arith.maximumf %add3A_653, %mul3A_656 : vector<16xf32>
      %exp3A = math.exp %max3A : vector<16xf32>
      tpu.vector_store_idx %arg13[%get3A_648], %exp3A {add = true} : memref<10240xf32, #tpu.memory_space<vmem>>[vector<16xi32>], vector<16xf32>,
      %swap3A = arith.index_cast %mul3A_645 : i32 to index
      %swap3A_657 = tpu.vector_load %arg18[%swap3A] {strides = array<i32>} : memref<2000xf32, #tpu.memory_space<vmem>>, vector<16xf32>,
      tpu.vector_store %arg18[%swap3A], %exp3A {strides = array<i32>} : memref<2000xf32, #tpu.memory_space<vmem>>, vector<16xf32>,
    }
    %scan3A_43 = arith.constant 125 : i32
    "tpu.region"() ({
      %run_scoped3A_643 = tpu.sem_alloc : memref<!tpu.dma_semaphore, #tpu.memory_space<semaphore_mem>>
      %dma_start3A_644 = tpu.memref_slice %arg10[%add3A_26] : memref<320000xf32, #tpu.memory_space<hbm>> -> memref<2000xf32, #tpu.memory_space<hbm>>
      %dma_start3A_645 = tpu.memref_slice %arg10[%add3A_26] : memref<320000xf32, #tpu.memory_space<hbm>> -> memref<2000xf32, #tpu.memory_space<hbm>>
      tpu.enqueue_dma source(%arg18 : memref<2000xf32, #tpu.memory_space<vmem>>) target(%dma_start3A_645 : memref<2000xf32, #tpu.memory_space<hbm>>) target_semaphore(%run_scoped3A_643 : memref<!tpu.dma_semaphore, #tpu.memory_space<semaphore_mem>>)
      %dma_wait3A_646 = tpu.memref_slice %arg10[%add3A_26] : memref<320000xf32, #tpu.memory_space<hbm>> -> memref<2000xf32, #tpu.memory_space<hbm>>
      %dma_wait3A_647 = tpu.memref_slice %arg10[%add3A_26] : memref<320000xf32, #tpu.memory_space<hbm>> -> memref<2000xf32, #tpu.memory_space<hbm>>
      tpu.wait_dma2 semaphore(%run_scoped3A_643 : memref<!tpu.dma_semaphore, #tpu.memory_space<semaphore_mem>>) src(%arg18 : memref<2000xf32, #tpu.memory_space<vmem>>) dst(%dma_wait3A_647 : memref<2000xf32, #tpu.memory_space<hbm>>)
      tpu.yield
    }) : () -> ()
    %add3A_44 = arith.constant 4000 : i32
    %add3A_45 = arith.addi %mul3A_2, %add3A_44 : i32
    %dma_start3A_46 = tpu.memref_slice %arg2[%add3A_45] : memref<320000xi32, #tpu.memory_space<hbm>> -> memref<2000xi32, #tpu.memory_space<hbm>>
    %dma_start3A_47 = tpu.memref_slice %arg2[%add3A_45] : memref<320000xi32, #tpu.memory_space<hbm>> -> memref<2000xi32, #tpu.memory_space<hbm>>
    tpu.enqueue_dma source(%dma_start3A_47 : memref<2000xi32, #tpu.memory_space<hbm>>) target(%arg15 : memref<2000xi32, #tpu.memory_space<vmem>>) target_semaphore(%arg27 : memref<!tpu.dma_semaphore, #tpu.memory_space<semaphore_mem>>)
    %dma_start3A_48 = tpu.memref_slice %arg3[%add3A_45] : memref<320000xi32, #tpu.memory_space<hbm>> -> memref<2000xi32, #tpu.memory_space<hbm>>
    %dma_start3A_49 = tpu.memref_slice %arg3[%add3A_45] : memref<320000xi32, #tpu.memory_space<hbm>> -> memref<2000xi32, #tpu.memory_space<hbm>>
    tpu.enqueue_dma source(%dma_start3A_49 : memref<2000xi32, #tpu.memory_space<hbm>>) target(%arg16 : memref<2000xi32, #tpu.memory_space<vmem>>) target_semaphore(%arg27 : memref<!tpu.dma_semaphore, #tpu.memory_space<semaphore_mem>>)
    %dma_start3A_50 = tpu.memref_slice %arg6[%add3A_45] : memref<320000xf32, #tpu.memory_space<hbm>> -> memref<2000xf32, #tpu.memory_space<hbm>>
    %dma_start3A_51 = tpu.memref_slice %arg6[%add3A_45] : memref<320000xf32, #tpu.memory_space<hbm>> -> memref<2000xf32, #tpu.memory_space<hbm>>
    tpu.enqueue_dma source(%dma_start3A_51 : memref<2000xf32, #tpu.memory_space<hbm>>) target(%arg17 : memref<2000xf32, #tpu.memory_space<vmem>>) target_semaphore(%arg27 : memref<!tpu.dma_semaphore, #tpu.memory_space<semaphore_mem>>)
    %dma_wait3A_52 = tpu.memref_slice %arg2[%add3A_45] : memref<320000xi32, #tpu.memory_space<hbm>> -> memref<2000xi32, #tpu.memory_space<hbm>>
    %dma_wait3A_53 = tpu.memref_slice %arg2[%add3A_45] : memref<320000xi32, #tpu.memory_space<hbm>> -> memref<2000xi32, #tpu.memory_space<hbm>>
    tpu.wait_dma2 semaphore(%arg27 : memref<!tpu.dma_semaphore, #tpu.memory_space<semaphore_mem>>) src(%dma_wait3A_53 : memref<2000xi32, #tpu.memory_space<hbm>>) dst(%arg15 : memref<2000xi32, #tpu.memory_space<vmem>>)
    %dma_wait3A_54 = tpu.memref_slice %arg3[%add3A_45] : memref<320000xi32, #tpu.memory_space<hbm>> -> memref<2000xi32, #tpu.memory_space<hbm>>
    %dma_wait3A_55 = tpu.memref_slice %arg3[%add3A_45] : memref<320000xi32, #tpu.memory_space<hbm>> -> memref<2000xi32, #tpu.memory_space<hbm>>
    tpu.wait_dma2 semaphore(%arg27 : memref<!tpu.dma_semaphore, #tpu.memory_space<semaphore_mem>>) src(%dma_wait3A_55 : memref<2000xi32, #tpu.memory_space<hbm>>) dst(%arg16 : memref<2000xi32, #tpu.memory_space<vmem>>)
    %dma_wait3A_56 = tpu.memref_slice %arg6[%add3A_45] : memref<320000xf32, #tpu.memory_space<hbm>> -> memref<2000xf32, #tpu.memory_space<hbm>>
    %dma_wait3A_57 = tpu.memref_slice %arg6[%add3A_45] : memref<320000xf32, #tpu.memory_space<hbm>> -> memref<2000xf32, #tpu.memory_space<hbm>>
    tpu.wait_dma2 semaphore(%arg27 : memref<!tpu.dma_semaphore, #tpu.memory_space<semaphore_mem>>) src(%dma_wait3A_57 : memref<2000xf32, #tpu.memory_space<hbm>>) dst(%arg17 : memref<2000xf32, #tpu.memory_space<vmem>>)
    %scan3A_58 = arith.constant 0 : i32
    %scan3A_59 = arith.constant 125 : i32
    %scan3A_60 = arith.addi %scan3A_58, %scan3A_59 : i32
    %scan3A_61 = arith.constant 1 : i32
    scf.for %scan3A_643 = %scan3A_58 to %scan3A_60 step %scan3A_61  : i32 {
      %mul3A_644 = arith.constant 16 : i32
      %mul3A_645 = arith.muli %scan3A_643, %mul3A_644 : i32
      %get3A = arith.index_cast %mul3A_645 : i32 to index
      %get3A_646 = tpu.vector_load %arg15[%get3A] {strides = array<i32>} : memref<2000xi32, #tpu.memory_space<vmem>>, vector<16xi32>,
      %get3A_647 = arith.index_cast %mul3A_645 : i32 to index
      %get3A_648 = tpu.vector_load %arg16[%get3A_647] {strides = array<i32>} : memref<2000xi32, #tpu.memory_space<vmem>>, vector<16xi32>,
      %gather3A = tpu.vector_load_idx %arg11[%get3A_646] : memref<10000xf32, #tpu.memory_space<vmem>>[vector<16xi32>], vector<16xf32>,
      %gather3A_649 = tpu.vector_load_idx %arg12[%get3A_648] : memref<10000xf32, #tpu.memory_space<vmem>>[vector<16xi32>], vector<16xf32>,
      %add3A_650 = arith.addf %gather3A, %gather3A_649 : vector<16xf32>
      %get3A_651 = arith.index_cast %mul3A_645 : i32 to index
      %get3A_652 = tpu.vector_load %arg17[%get3A_651] {strides = array<i32>} : memref<2000xf32, #tpu.memory_space<vmem>>, vector<16xf32>,
      %add3A_653 = arith.addf %add3A_650, %get3A_652 : vector<16xf32>
      %mul3A_654 = arith.constant 0.00999999977 : f32
      %mul3A_655 = vector.broadcast %mul3A_654 : f32 to vector<16xf32>
      %mul3A_656 = arith.mulf %add3A_653, %mul3A_655 : vector<16xf32>
      %max3A = arith.maximumf %add3A_653, %mul3A_656 : vector<16xf32>
      %exp3A = math.exp %max3A : vector<16xf32>
      tpu.vector_store_idx %arg13[%get3A_648], %exp3A {add = true} : memref<10240xf32, #tpu.memory_space<vmem>>[vector<16xi32>], vector<16xf32>,
      %swap3A = arith.index_cast %mul3A_645 : i32 to index
      %swap3A_657 = tpu.vector_load %arg18[%swap3A] {strides = array<i32>} : memref<2000xf32, #tpu.memory_space<vmem>>, vector<16xf32>,
      tpu.vector_store %arg18[%swap3A], %exp3A {strides = array<i32>} : memref<2000xf32, #tpu.memory_space<vmem>>, vector<16xf32>,
    }
    %scan3A_62 = arith.constant 125 : i32
    "tpu.region"() ({
      %run_scoped3A_643 = tpu.sem_alloc : memref<!tpu.dma_semaphore, #tpu.memory_space<semaphore_mem>>
      %dma_start3A_644 = tpu.memref_slice %arg10[%add3A_45] : memref<320000xf32, #tpu.memory_space<hbm>> -> memref<2000xf32, #tpu.memory_space<hbm>>
      %dma_start3A_645 = tpu.memref_slice %arg10[%add3A_45] : memref<320000xf32, #tpu.memory_space<hbm>> -> memref<2000xf32, #tpu.memory_space<hbm>>
      tpu.enqueue_dma source(%arg18 : memref<2000xf32, #tpu.memory_space<vmem>>) target(%dma_start3A_645 : memref<2000xf32, #tpu.memory_space<hbm>>) target_semaphore(%run_scoped3A_643 : memref<!tpu.dma_semaphore, #tpu.memory_space<semaphore_mem>>)
      %dma_wait3A_646 = tpu.memref_slice %arg10[%add3A_45] : memref<320000xf32, #tpu.memory_space<hbm>> -> memref<2000xf32, #tpu.memory_space<hbm>>
      %dma_wait3A_647 = tpu.memref_slice %arg10[%add3A_45] : memref<320000xf32, #tpu.memory_space<hbm>> -> memref<2000xf32, #tpu.memory_space<hbm>>
      tpu.wait_dma2 semaphore(%run_scoped3A_643 : memref<!tpu.dma_semaphore, #tpu.memory_space<semaphore_mem>>) src(%arg18 : memref<2000xf32, #tpu.memory_space<vmem>>) dst(%dma_wait3A_647 : memref<2000xf32, #tpu.memory_space<hbm>>)
      tpu.yield
    }) : () -> ()
    %add3A_63 = arith.constant 6000 : i32
    %add3A_64 = arith.addi %mul3A_2, %add3A_63 : i32
    %dma_start3A_65 = tpu.memref_slice %arg2[%add3A_64] : memref<320000xi32, #tpu.memory_space<hbm>> -> memref<2000xi32, #tpu.memory_space<hbm>>
    %dma_start3A_66 = tpu.memref_slice %arg2[%add3A_64] : memref<320000xi32, #tpu.memory_space<hbm>> -> memref<2000xi32, #tpu.memory_space<hbm>>
    tpu.enqueue_dma source(%dma_start3A_66 : memref<2000xi32, #tpu.memory_space<hbm>>) target(%arg15 : memref<2000xi32, #tpu.memory_space<vmem>>) target_semaphore(%arg27 : memref<!tpu.dma_semaphore, #tpu.memory_space<semaphore_mem>>)
    %dma_start3A_67 = tpu.memref_slice %arg3[%add3A_64] : memref<320000xi32, #tpu.memory_space<hbm>> -> memref<2000xi32, #tpu.memory_space<hbm>>
    %dma_start3A_68 = tpu.memref_slice %arg3[%add3A_64] : memref<320000xi32, #tpu.memory_space<hbm>> -> memref<2000xi32, #tpu.memory_space<hbm>>
    tpu.enqueue_dma source(%dma_start3A_68 : memref<2000xi32, #tpu.memory_space<hbm>>) target(%arg16 : memref<2000xi32, #tpu.memory_space<vmem>>) target_semaphore(%arg27 : memref<!tpu.dma_semaphore, #tpu.memory_space<semaphore_mem>>)
    %dma_start3A_69 = tpu.memref_slice %arg6[%add3A_64] : memref<320000xf32, #tpu.memory_space<hbm>> -> memref<2000xf32, #tpu.memory_space<hbm>>
    %dma_start3A_70 = tpu.memref_slice %arg6[%add3A_64] : memref<320000xf32, #tpu.memory_space<hbm>> -> memref<2000xf32, #tpu.memory_space<hbm>>
    tpu.enqueue_dma source(%dma_start3A_70 : memref<2000xf32, #tpu.memory_space<hbm>>) target(%arg17 : memref<2000xf32, #tpu.memory_space<vmem>>) target_semaphore(%arg27 : memref<!tpu.dma_semaphore, #tpu.memory_space<semaphore_mem>>)
    %dma_wait3A_71 = tpu.memref_slice %arg2[%add3A_64] : memref<320000xi32, #tpu.memory_space<hbm>> -> memref<2000xi32, #tpu.memory_space<hbm>>
    %dma_wait3A_72 = tpu.memref_slice %arg2[%add3A_64] : memref<320000xi32, #tpu.memory_space<hbm>> -> memref<2000xi32, #tpu.memory_space<hbm>>
    tpu.wait_dma2 semaphore(%arg27 : memref<!tpu.dma_semaphore, #tpu.memory_space<semaphore_mem>>) src(%dma_wait3A_72 : memref<2000xi32, #tpu.memory_space<hbm>>) dst(%arg15 : memref<2000xi32, #tpu.memory_space<vmem>>)
    %dma_wait3A_73 = tpu.memref_slice %arg3[%add3A_64] : memref<320000xi32, #tpu.memory_space<hbm>> -> memref<2000xi32, #tpu.memory_space<hbm>>
    %dma_wait3A_74 = tpu.memref_slice %arg3[%add3A_64] : memref<320000xi32, #tpu.memory_space<hbm>> -> memref<2000xi32, #tpu.memory_space<hbm>>
    tpu.wait_dma2 semaphore(%arg27 : memref<!tpu.dma_semaphore, #tpu.memory_space<semaphore_mem>>) src(%dma_wait3A_74 : memref<2000xi32, #tpu.memory_space<hbm>>) dst(%arg16 : memref<2000xi32, #tpu.memory_space<vmem>>)
    %dma_wait3A_75 = tpu.memref_slice %arg6[%add3A_64] : memref<320000xf32, #tpu.memory_space<hbm>> -> memref<2000xf32, #tpu.memory_space<hbm>>
    %dma_wait3A_76 = tpu.memref_slice %arg6[%add3A_64] : memref<320000xf32, #tpu.memory_space<hbm>> -> memref<2000xf32, #tpu.memory_space<hbm>>
    tpu.wait_dma2 semaphore(%arg27 : memref<!tpu.dma_semaphore, #tpu.memory_space<semaphore_mem>>) src(%dma_wait3A_76 : memref<2000xf32, #tpu.memory_space<hbm>>) dst(%arg17 : memref<2000xf32, #tpu.memory_space<vmem>>)
    %scan3A_77 = arith.constant 0 : i32
    %scan3A_78 = arith.constant 125 : i32
    %scan3A_79 = arith.addi %scan3A_77, %scan3A_78 : i32
    %scan3A_80 = arith.constant 1 : i32
    scf.for %scan3A_643 = %scan3A_77 to %scan3A_79 step %scan3A_80  : i32 {
      %mul3A_644 = arith.constant 16 : i32
      %mul3A_645 = arith.muli %scan3A_643, %mul3A_644 : i32
      %get3A = arith.index_cast %mul3A_645 : i32 to index
      %get3A_646 = tpu.vector_load %arg15[%get3A] {strides = array<i32>} : memref<2000xi32, #tpu.memory_space<vmem>>, vector<16xi32>,
      %get3A_647 = arith.index_cast %mul3A_645 : i32 to index
      %get3A_648 = tpu.vector_load %arg16[%get3A_647] {strides = array<i32>} : memref<2000xi32, #tpu.memory_space<vmem>>, vector<16xi32>,
      %gather3A = tpu.vector_load_idx %arg11[%get3A_646] : memref<10000xf32, #tpu.memory_space<vmem>>[vector<16xi32>], vector<16xf32>,
      %gather3A_649 = tpu.vector_load_idx %arg12[%get3A_648] : memref<10000xf32, #tpu.memory_space<vmem>>[vector<16xi32>], vector<16xf32>,
      %add3A_650 = arith.addf %gather3A, %gather3A_649 : vector<16xf32>
      %get3A_651 = arith.index_cast %mul3A_645 : i32 to index
      %get3A_652 = tpu.vector_load %arg17[%get3A_651] {strides = array<i32>} : memref<2000xf32, #tpu.memory_space<vmem>>, vector<16xf32>,
      %add3A_653 = arith.addf %add3A_650, %get3A_652 : vector<16xf32>
      %mul3A_654 = arith.constant 0.00999999977 : f32
      %mul3A_655 = vector.broadcast %mul3A_654 : f32 to vector<16xf32>
      %mul3A_656 = arith.mulf %add3A_653, %mul3A_655 : vector<16xf32>
      %max3A = arith.maximumf %add3A_653, %mul3A_656 : vector<16xf32>
      %exp3A = math.exp %max3A : vector<16xf32>
      tpu.vector_store_idx %arg13[%get3A_648], %exp3A {add = true} : memref<10240xf32, #tpu.memory_space<vmem>>[vector<16xi32>], vector<16xf32>,
      %swap3A = arith.index_cast %mul3A_645 : i32 to index
      %swap3A_657 = tpu.vector_load %arg18[%swap3A] {strides = array<i32>} : memref<2000xf32, #tpu.memory_space<vmem>>, vector<16xf32>,
      tpu.vector_store %arg18[%swap3A], %exp3A {strides = array<i32>} : memref<2000xf32, #tpu.memory_space<vmem>>, vector<16xf32>,
    }
    %scan3A_81 = arith.constant 125 : i32
    "tpu.region"() ({
      %run_scoped3A_643 = tpu.sem_alloc : memref<!tpu.dma_semaphore, #tpu.memory_space<semaphore_mem>>
      %dma_start3A_644 = tpu.memref_slice %arg10[%add3A_64] : memref<320000xf32, #tpu.memory_space<hbm>> -> memref<2000xf32, #tpu.memory_space<hbm>>
      %dma_start3A_645 = tpu.memref_slice %arg10[%add3A_64] : memref<320000xf32, #tpu.memory_space<hbm>> -> memref<2000xf32, #tpu.memory_space<hbm>>
      tpu.enqueue_dma source(%arg18 : memref<2000xf32, #tpu.memory_space<vmem>>) target(%dma_start3A_645 : memref<2000xf32, #tpu.memory_space<hbm>>) target_semaphore(%run_scoped3A_643 : memref<!tpu.dma_semaphore, #tpu.memory_space<semaphore_mem>>)
      %dma_wait3A_646 = tpu.memref_slice %arg10[%add3A_64] : memref<320000xf32, #tpu.memory_space<hbm>> -> memref<2000xf32, #tpu.memory_space<hbm>>
      %dma_wait3A_647 = tpu.memref_slice %arg10[%add3A_64] : memref<320000xf32, #tpu.memory_space<hbm>> -> memref<2000xf32, #tpu.memory_space<hbm>>
      tpu.wait_dma2 semaphore(%run_scoped3A_643 : memref<!tpu.dma_semaphore, #tpu.memory_space<semaphore_mem>>) src(%arg18 : memref<2000xf32, #tpu.memory_space<vmem>>) dst(%dma_wait3A_647 : memref<2000xf32, #tpu.memory_space<hbm>>)
      tpu.yield
    }) : () -> ()
    %add3A_82 = arith.constant 8000 : i32
    %add3A_83 = arith.addi %mul3A_2, %add3A_82 : i32
    %dma_start3A_84 = tpu.memref_slice %arg2[%add3A_83] : memref<320000xi32, #tpu.memory_space<hbm>> -> memref<2000xi32, #tpu.memory_space<hbm>>
    %dma_start3A_85 = tpu.memref_slice %arg2[%add3A_83] : memref<320000xi32, #tpu.memory_space<hbm>> -> memref<2000xi32, #tpu.memory_space<hbm>>
    tpu.enqueue_dma source(%dma_start3A_85 : memref<2000xi32, #tpu.memory_space<hbm>>) target(%arg15 : memref<2000xi32, #tpu.memory_space<vmem>>) target_semaphore(%arg27 : memref<!tpu.dma_semaphore, #tpu.memory_space<semaphore_mem>>)
    %dma_start3A_86 = tpu.memref_slice %arg3[%add3A_83] : memref<320000xi32, #tpu.memory_space<hbm>> -> memref<2000xi32, #tpu.memory_space<hbm>>
    %dma_start3A_87 = tpu.memref_slice %arg3[%add3A_83] : memref<320000xi32, #tpu.memory_space<hbm>> -> memref<2000xi32, #tpu.memory_space<hbm>>
    tpu.enqueue_dma source(%dma_start3A_87 : memref<2000xi32, #tpu.memory_space<hbm>>) target(%arg16 : memref<2000xi32, #tpu.memory_space<vmem>>) target_semaphore(%arg27 : memref<!tpu.dma_semaphore, #tpu.memory_space<semaphore_mem>>)
    %dma_start3A_88 = tpu.memref_slice %arg6[%add3A_83] : memref<320000xf32, #tpu.memory_space<hbm>> -> memref<2000xf32, #tpu.memory_space<hbm>>
    %dma_start3A_89 = tpu.memref_slice %arg6[%add3A_83] : memref<320000xf32, #tpu.memory_space<hbm>> -> memref<2000xf32, #tpu.memory_space<hbm>>
    tpu.enqueue_dma source(%dma_start3A_89 : memref<2000xf32, #tpu.memory_space<hbm>>) target(%arg17 : memref<2000xf32, #tpu.memory_space<vmem>>) target_semaphore(%arg27 : memref<!tpu.dma_semaphore, #tpu.memory_space<semaphore_mem>>)
    %dma_wait3A_90 = tpu.memref_slice %arg2[%add3A_83] : memref<320000xi32, #tpu.memory_space<hbm>> -> memref<2000xi32, #tpu.memory_space<hbm>>
    %dma_wait3A_91 = tpu.memref_slice %arg2[%add3A_83] : memref<320000xi32, #tpu.memory_space<hbm>> -> memref<2000xi32, #tpu.memory_space<hbm>>
    tpu.wait_dma2 semaphore(%arg27 : memref<!tpu.dma_semaphore, #tpu.memory_space<semaphore_mem>>) src(%dma_wait3A_91 : memref<2000xi32, #tpu.memory_space<hbm>>) dst(%arg15 : memref<2000xi32, #tpu.memory_space<vmem>>)
    %dma_wait3A_92 = tpu.memref_slice %arg3[%add3A_83] : memref<320000xi32, #tpu.memory_space<hbm>> -> memref<2000xi32, #tpu.memory_space<hbm>>
    %dma_wait3A_93 = tpu.memref_slice %arg3[%add3A_83] : memref<320000xi32, #tpu.memory_space<hbm>> -> memref<2000xi32, #tpu.memory_space<hbm>>
    tpu.wait_dma2 semaphore(%arg27 : memref<!tpu.dma_semaphore, #tpu.memory_space<semaphore_mem>>) src(%dma_wait3A_93 : memref<2000xi32, #tpu.memory_space<hbm>>) dst(%arg16 : memref<2000xi32, #tpu.memory_space<vmem>>)
    %dma_wait3A_94 = tpu.memref_slice %arg6[%add3A_83] : memref<320000xf32, #tpu.memory_space<hbm>> -> memref<2000xf32, #tpu.memory_space<hbm>>
    %dma_wait3A_95 = tpu.memref_slice %arg6[%add3A_83] : memref<320000xf32, #tpu.memory_space<hbm>> -> memref<2000xf32, #tpu.memory_space<hbm>>
    tpu.wait_dma2 semaphore(%arg27 : memref<!tpu.dma_semaphore, #tpu.memory_space<semaphore_mem>>) src(%dma_wait3A_95 : memref<2000xf32, #tpu.memory_space<hbm>>) dst(%arg17 : memref<2000xf32, #tpu.memory_space<vmem>>)
    %scan3A_96 = arith.constant 0 : i32
    %scan3A_97 = arith.constant 125 : i32
    %scan3A_98 = arith.addi %scan3A_96, %scan3A_97 : i32
    %scan3A_99 = arith.constant 1 : i32
    scf.for %scan3A_643 = %scan3A_96 to %scan3A_98 step %scan3A_99  : i32 {
      %mul3A_644 = arith.constant 16 : i32
      %mul3A_645 = arith.muli %scan3A_643, %mul3A_644 : i32
      %get3A = arith.index_cast %mul3A_645 : i32 to index
      %get3A_646 = tpu.vector_load %arg15[%get3A] {strides = array<i32>} : memref<2000xi32, #tpu.memory_space<vmem>>, vector<16xi32>,
      %get3A_647 = arith.index_cast %mul3A_645 : i32 to index
      %get3A_648 = tpu.vector_load %arg16[%get3A_647] {strides = array<i32>} : memref<2000xi32, #tpu.memory_space<vmem>>, vector<16xi32>,
      %gather3A = tpu.vector_load_idx %arg11[%get3A_646] : memref<10000xf32, #tpu.memory_space<vmem>>[vector<16xi32>], vector<16xf32>,
      %gather3A_649 = tpu.vector_load_idx %arg12[%get3A_648] : memref<10000xf32, #tpu.memory_space<vmem>>[vector<16xi32>], vector<16xf32>,
      %add3A_650 = arith.addf %gather3A, %gather3A_649 : vector<16xf32>
      %get3A_651 = arith.index_cast %mul3A_645 : i32 to index
      %get3A_652 = tpu.vector_load %arg17[%get3A_651] {strides = array<i32>} : memref<2000xf32, #tpu.memory_space<vmem>>, vector<16xf32>,
      %add3A_653 = arith.addf %add3A_650, %get3A_652 : vector<16xf32>
      %mul3A_654 = arith.constant 0.00999999977 : f32
      %mul3A_655 = vector.broadcast %mul3A_654 : f32 to vector<16xf32>
      %mul3A_656 = arith.mulf %add3A_653, %mul3A_655 : vector<16xf32>
      %max3A = arith.maximumf %add3A_653, %mul3A_656 : vector<16xf32>
      %exp3A = math.exp %max3A : vector<16xf32>
      tpu.vector_store_idx %arg13[%get3A_648], %exp3A {add = true} : memref<10240xf32, #tpu.memory_space<vmem>>[vector<16xi32>], vector<16xf32>,
      %swap3A = arith.index_cast %mul3A_645 : i32 to index
      %swap3A_657 = tpu.vector_load %arg18[%swap3A] {strides = array<i32>} : memref<2000xf32, #tpu.memory_space<vmem>>, vector<16xf32>,
      tpu.vector_store %arg18[%swap3A], %exp3A {strides = array<i32>} : memref<2000xf32, #tpu.memory_space<vmem>>, vector<16xf32>,
    }
    %scan3A_100 = arith.constant 125 : i32
    "tpu.region"() ({
      %run_scoped3A_643 = tpu.sem_alloc : memref<!tpu.dma_semaphore, #tpu.memory_space<semaphore_mem>>
      %dma_start3A_644 = tpu.memref_slice %arg10[%add3A_83] : memref<320000xf32, #tpu.memory_space<hbm>> -> memref<2000xf32, #tpu.memory_space<hbm>>
      %dma_start3A_645 = tpu.memref_slice %arg10[%add3A_83] : memref<320000xf32, #tpu.memory_space<hbm>> -> memref<2000xf32, #tpu.memory_space<hbm>>
      tpu.enqueue_dma source(%arg18 : memref<2000xf32, #tpu.memory_space<vmem>>) target(%dma_start3A_645 : memref<2000xf32, #tpu.memory_space<hbm>>) target_semaphore(%run_scoped3A_643 : memref<!tpu.dma_semaphore, #tpu.memory_space<semaphore_mem>>)
      %dma_wait3A_646 = tpu.memref_slice %arg10[%add3A_83] : memref<320000xf32, #tpu.memory_space<hbm>> -> memref<2000xf32, #tpu.memory_space<hbm>>
      %dma_wait3A_647 = tpu.memref_slice %arg10[%add3A_83] : memref<320000xf32, #tpu.memory_space<hbm>> -> memref<2000xf32, #tpu.memory_space<hbm>>
      tpu.wait_dma2 semaphore(%run_scoped3A_643 : memref<!tpu.dma_semaphore, #tpu.memory_space<semaphore_mem>>) src(%arg18 : memref<2000xf32, #tpu.memory_space<vmem>>) dst(%dma_wait3A_647 : memref<2000xf32, #tpu.memory_space<hbm>>)
      tpu.yield
    }) : () -> ()
    %barrier3A = arith.constant 0 : index
    tpu.barrier barrier_id(%barrier3A)
    %mul3A_101 = arith.constant 160000 : i32
    %mul3A_102 = arith.muli %arg0, %mul3A_101 : i32
    %add3A_103 = arith.constant 0 : i32
    %add3A_104 = arith.addi %mul3A_102, %add3A_103 : i32
    %dma_start3A_105 = tpu.memref_slice %arg3[%add3A_104] : memref<320000xi32, #tpu.memory_space<hbm>> -> memref<8000xi32, #tpu.memory_space<hbm>>
    %dma_start3A_106 = tpu.memref_slice %arg3[%add3A_104] : memref<320000xi32, #tpu.memory_space<hbm>> -> memref<8000xi32, #tpu.memory_space<hbm>>
    tpu.enqueue_dma source(%dma_start3A_106 : memref<8000xi32, #tpu.memory_space<hbm>>) target(%arg19 : memref<8000xi32, #tpu.memory_space<vmem>>) target_semaphore(%arg28 : memref<!tpu.dma_semaphore, #tpu.memory_space<semaphore_mem>>)
    %dma_start3A_107 = tpu.memref_slice %arg10[%add3A_104] : memref<320000xf32, #tpu.memory_space<hbm>> -> memref<8000xf32, #tpu.memory_space<hbm>>
    %dma_start3A_108 = tpu.memref_slice %arg10[%add3A_104] : memref<320000xf32, #tpu.memory_space<hbm>> -> memref<8000xf32, #tpu.memory_space<hbm>>
    tpu.enqueue_dma source(%dma_start3A_108 : memref<8000xf32, #tpu.memory_space<hbm>>) target(%arg21 : memref<8000xf32, #tpu.memory_space<vmem>>) target_semaphore(%arg28 : memref<!tpu.dma_semaphore, #tpu.memory_space<semaphore_mem>>)
    %dma_start3A_109 = tpu.memref_slice %arg7[%arg1, %add3A_104] : memref<16x320000xf32, #tpu.memory_space<hbm>> -> memref<1x8000xf32, #tpu.memory_space<hbm>>
    %dma_start3A_110 = tpu.memref_squeeze %dma_start3A_109 : memref<1x8000xf32, #tpu.memory_space<hbm>> -> memref<8000xf32, #tpu.memory_space<hbm>>
    %dma_start3A_111 = tpu.memref_slice %arg7[%arg1, %add3A_104] : memref<16x320000xf32, #tpu.memory_space<hbm>> -> memref<1x8000xf32, #tpu.memory_space<hbm>>
    %dma_start3A_112 = tpu.memref_squeeze %dma_start3A_111 : memref<1x8000xf32, #tpu.memory_space<hbm>> -> memref<8000xf32, #tpu.memory_space<hbm>>
    tpu.enqueue_dma source(%dma_start3A_112 : memref<8000xf32, #tpu.memory_space<hbm>>) target(%arg23 : memref<8000xf32, #tpu.memory_space<vmem>>) target_semaphore(%arg28 : memref<!tpu.dma_semaphore, #tpu.memory_space<semaphore_mem>>)
    %add3A_113 = arith.constant 0 : i32
    %add3A_114 = arith.addi %mul3A_102, %add3A_113 : i32
    %dma_wait3A_115 = tpu.memref_slice %arg3[%add3A_114] : memref<320000xi32, #tpu.memory_space<hbm>> -> memref<8000xi32, #tpu.memory_space<hbm>>
    %dma_wait3A_116 = tpu.memref_slice %arg3[%add3A_114] : memref<320000xi32, #tpu.memory_space<hbm>> -> memref<8000xi32, #tpu.memory_space<hbm>>
    tpu.wait_dma2 semaphore(%arg28 : memref<!tpu.dma_semaphore, #tpu.memory_space<semaphore_mem>>) src(%dma_wait3A_116 : memref<8000xi32, #tpu.memory_space<hbm>>) dst(%arg19 : memref<8000xi32, #tpu.memory_space<vmem>>)
    %dma_wait3A_117 = tpu.memref_slice %arg10[%add3A_114] : memref<320000xf32, #tpu.memory_space<hbm>> -> memref<8000xf32, #tpu.memory_space<hbm>>
    %dma_wait3A_118 = tpu.memref_slice %arg10[%add3A_114] : memref<320000xf32, #tpu.memory_space<hbm>> -> memref<8000xf32, #tpu.memory_space<hbm>>
    tpu.wait_dma2 semaphore(%arg28 : memref<!tpu.dma_semaphore, #tpu.memory_space<semaphore_mem>>) src(%dma_wait3A_118 : memref<8000xf32, #tpu.memory_space<hbm>>) dst(%arg21 : memref<8000xf32, #tpu.memory_space<vmem>>)
    %dma_wait3A_119 = tpu.memref_slice %arg7[%arg1, %add3A_114] : memref<16x320000xf32, #tpu.memory_space<hbm>> -> memref<1x8000xf32, #tpu.memory_space<hbm>>
    %dma_wait3A_120 = tpu.memref_squeeze %dma_wait3A_119 : memref<1x8000xf32, #tpu.memory_space<hbm>> -> memref<8000xf32, #tpu.memory_space<hbm>>
    %dma_wait3A_121 = tpu.memref_slice %arg7[%arg1, %add3A_114] : memref<16x320000xf32, #tpu.memory_space<hbm>> -> memref<1x8000xf32, #tpu.memory_space<hbm>>
    %dma_wait3A_122 = tpu.memref_squeeze %dma_wait3A_121 : memref<1x8000xf32, #tpu.memory_space<hbm>> -> memref<8000xf32, #tpu.memory_space<hbm>>
    tpu.wait_dma2 semaphore(%arg28 : memref<!tpu.dma_semaphore, #tpu.memory_space<semaphore_mem>>) src(%dma_wait3A_122 : memref<8000xf32, #tpu.memory_space<hbm>>) dst(%arg23 : memref<8000xf32, #tpu.memory_space<vmem>>)
    %add3A_123 = arith.constant 8000 : i32
    %add3A_124 = arith.addi %mul3A_102, %add3A_123 : i32
    %dma_start3A_125 = tpu.memref_slice %arg3[%add3A_124] : memref<320000xi32, #tpu.memory_space<hbm>> -> memref<8000xi32, #tpu.memory_space<hbm>>
    %dma_start3A_126 = tpu.memref_slice %arg3[%add3A_124] : memref<320000xi32, #tpu.memory_space<hbm>> -> memref<8000xi32, #tpu.memory_space<hbm>>
    tpu.enqueue_dma source(%dma_start3A_126 : memref<8000xi32, #tpu.memory_space<hbm>>) target(%arg20 : memref<8000xi32, #tpu.memory_space<vmem>>) target_semaphore(%arg29 : memref<!tpu.dma_semaphore, #tpu.memory_space<semaphore_mem>>)
    %dma_start3A_127 = tpu.memref_slice %arg10[%add3A_124] : memref<320000xf32, #tpu.memory_space<hbm>> -> memref<8000xf32, #tpu.memory_space<hbm>>
    %dma_start3A_128 = tpu.memref_slice %arg10[%add3A_124] : memref<320000xf32, #tpu.memory_space<hbm>> -> memref<8000xf32, #tpu.memory_space<hbm>>
    tpu.enqueue_dma source(%dma_start3A_128 : memref<8000xf32, #tpu.memory_space<hbm>>) target(%arg22 : memref<8000xf32, #tpu.memory_space<vmem>>) target_semaphore(%arg29 : memref<!tpu.dma_semaphore, #tpu.memory_space<semaphore_mem>>)
    %dma_start3A_129 = tpu.memref_slice %arg7[%arg1, %add3A_124] : memref<16x320000xf32, #tpu.memory_space<hbm>> -> memref<1x8000xf32, #tpu.memory_space<hbm>>
    %dma_start3A_130 = tpu.memref_squeeze %dma_start3A_129 : memref<1x8000xf32, #tpu.memory_space<hbm>> -> memref<8000xf32, #tpu.memory_space<hbm>>
    %dma_start3A_131 = tpu.memref_slice %arg7[%arg1, %add3A_124] : memref<16x320000xf32, #tpu.memory_space<hbm>> -> memref<1x8000xf32, #tpu.memory_space<hbm>>
    %dma_start3A_132 = tpu.memref_squeeze %dma_start3A_131 : memref<1x8000xf32, #tpu.memory_space<hbm>> -> memref<8000xf32, #tpu.memory_space<hbm>>
    tpu.enqueue_dma source(%dma_start3A_132 : memref<8000xf32, #tpu.memory_space<hbm>>) target(%arg24 : memref<8000xf32, #tpu.memory_space<vmem>>) target_semaphore(%arg29 : memref<!tpu.dma_semaphore, #tpu.memory_space<semaphore_mem>>)
    %scan3A_133 = arith.constant 0 : i32
    %scan3A_134 = arith.constant 500 : i32
    %scan3A_135 = arith.addi %scan3A_133, %scan3A_134 : i32
    %scan3A_136 = arith.constant 1 : i32
    scf.for %scan3A_643 = %scan3A_133 to %scan3A_135 step %scan3A_136  : i32 {
      %mul3A_644 = arith.constant 16 : i32
      %mul3A_645 = arith.muli %scan3A_643, %mul3A_644 : i32
      %get3A = arith.index_cast %mul3A_645 : i32 to index
      %get3A_646 = tpu.vector_load %arg19[%get3A] {strides = array<i32>} : memref<8000xi32, #tpu.memory_space<vmem>>, vector<16xi32>,
      %get3A_647 = arith.index_cast %mul3A_645 : i32 to index
      %get3A_648 = tpu.vector_load %arg21[%get3A_647] {strides = array<i32>} : memref<8000xf32, #tpu.memory_space<vmem>>, vector<16xf32>,
      %get3A_649 = arith.index_cast %mul3A_645 : i32 to index
      %get3A_650 = tpu.vector_load %arg23[%get3A_649] {strides = array<i32>} : memref<8000xf32, #tpu.memory_space<vmem>>, vector<16xf32>,
      %mul3A_651 = arith.mulf %get3A_648, %get3A_650 : vector<16xf32>
      tpu.vector_store_idx %arg14[%get3A_646], %mul3A_651 {add = true} : memref<10240xf32, #tpu.memory_space<vmem>>[vector<16xi32>], vector<16xf32>,
    }
    %scan3A_137 = arith.constant 500 : i32
    %add3A_138 = arith.constant 8000 : i32
    %add3A_139 = arith.addi %mul3A_102, %add3A_138 : i32
    %dma_wait3A_140 = tpu.memref_slice %arg3[%add3A_139] : memref<320000xi32, #tpu.memory_space<hbm>> -> memref<8000xi32, #tpu.memory_space<hbm>>
    %dma_wait3A_141 = tpu.memref_slice %arg3[%add3A_139] : memref<320000xi32, #tpu.memory_space<hbm>> -> memref<8000xi32, #tpu.memory_space<hbm>>
    tpu.wait_dma2 semaphore(%arg29 : memref<!tpu.dma_semaphore, #tpu.memory_space<semaphore_mem>>) src(%dma_wait3A_141 : memref<8000xi32, #tpu.memory_space<hbm>>) dst(%arg20 : memref<8000xi32, #tpu.memory_space<vmem>>)
    %dma_wait3A_142 = tpu.memref_slice %arg10[%add3A_139] : memref<320000xf32, #tpu.memory_space<hbm>> -> memref<8000xf32, #tpu.memory_space<hbm>>
    %dma_wait3A_143 = tpu.memref_slice %arg10[%add3A_139] : memref<320000xf32, #tpu.memory_space<hbm>> -> memref<8000xf32, #tpu.memory_space<hbm>>
    tpu.wait_dma2 semaphore(%arg29 : memref<!tpu.dma_semaphore, #tpu.memory_space<semaphore_mem>>) src(%dma_wait3A_143 : memref<8000xf32, #tpu.memory_space<hbm>>) dst(%arg22 : memref<8000xf32, #tpu.memory_space<vmem>>)
    %dma_wait3A_144 = tpu.memref_slice %arg7[%arg1, %add3A_139] : memref<16x320000xf32, #tpu.memory_space<hbm>> -> memref<1x8000xf32, #tpu.memory_space<hbm>>
    %dma_wait3A_145 = tpu.memref_squeeze %dma_wait3A_144 : memref<1x8000xf32, #tpu.memory_space<hbm>> -> memref<8000xf32, #tpu.memory_space<hbm>>
    %dma_wait3A_146 = tpu.memref_slice %arg7[%arg1, %add3A_139] : memref<16x320000xf32, #tpu.memory_space<hbm>> -> memref<1x8000xf32, #tpu.memory_space<hbm>>
    %dma_wait3A_147 = tpu.memref_squeeze %dma_wait3A_146 : memref<1x8000xf32, #tpu.memory_space<hbm>> -> memref<8000xf32, #tpu.memory_space<hbm>>
    tpu.wait_dma2 semaphore(%arg29 : memref<!tpu.dma_semaphore, #tpu.memory_space<semaphore_mem>>) src(%dma_wait3A_147 : memref<8000xf32, #tpu.memory_space<hbm>>) dst(%arg24 : memref<8000xf32, #tpu.memory_space<vmem>>)
    %add3A_148 = arith.constant 16000 : i32
    %add3A_149 = arith.addi %mul3A_102, %add3A_148 : i32
    %dma_start3A_150 = tpu.memref_slice %arg3[%add3A_149] : memref<320000xi32, #tpu.memory_space<hbm>> -> memref<8000xi32, #tpu.memory_space<hbm>>
    %dma_start3A_151 = tpu.memref_slice %arg3[%add3A_149] : memref<320000xi32, #tpu.memory_space<hbm>> -> memref<8000xi32, #tpu.memory_space<hbm>>
    tpu.enqueue_dma source(%dma_start3A_151 : memref<8000xi32, #tpu.memory_space<hbm>>) target(%arg19 : memref<8000xi32, #tpu.memory_space<vmem>>) target_semaphore(%arg28 : memref<!tpu.dma_semaphore, #tpu.memory_space<semaphore_mem>>)
    %dma_start3A_152 = tpu.memref_slice %arg10[%add3A_149] : memref<320000xf32, #tpu.memory_space<hbm>> -> memref<8000xf32, #tpu.memory_space<hbm>>
    %dma_start3A_153 = tpu.memref_slice %arg10[%add3A_149] : memref<320000xf32, #tpu.memory_space<hbm>> -> memref<8000xf32, #tpu.memory_space<hbm>>
    tpu.enqueue_dma source(%dma_start3A_153 : memref<8000xf32, #tpu.memory_space<hbm>>) target(%arg21 : memref<8000xf32, #tpu.memory_space<vmem>>) target_semaphore(%arg28 : memref<!tpu.dma_semaphore, #tpu.memory_space<semaphore_mem>>)
    %dma_start3A_154 = tpu.memref_slice %arg7[%arg1, %add3A_149] : memref<16x320000xf32, #tpu.memory_space<hbm>> -> memref<1x8000xf32, #tpu.memory_space<hbm>>
    %dma_start3A_155 = tpu.memref_squeeze %dma_start3A_154 : memref<1x8000xf32, #tpu.memory_space<hbm>> -> memref<8000xf32, #tpu.memory_space<hbm>>
    %dma_start3A_156 = tpu.memref_slice %arg7[%arg1, %add3A_149] : memref<16x320000xf32, #tpu.memory_space<hbm>> -> memref<1x8000xf32, #tpu.memory_space<hbm>>
    %dma_start3A_157 = tpu.memref_squeeze %dma_start3A_156 : memref<1x8000xf32, #tpu.memory_space<hbm>> -> memref<8000xf32, #tpu.memory_space<hbm>>
    tpu.enqueue_dma source(%dma_start3A_157 : memref<8000xf32, #tpu.memory_space<hbm>>) target(%arg23 : memref<8000xf32, #tpu.memory_space<vmem>>) target_semaphore(%arg28 : memref<!tpu.dma_semaphore, #tpu.memory_space<semaphore_mem>>)
    %scan3A_158 = arith.constant 0 : i32
    %scan3A_159 = arith.constant 500 : i32
    %scan3A_160 = arith.addi %scan3A_158, %scan3A_159 : i32
    %scan3A_161 = arith.constant 1 : i32
    scf.for %scan3A_643 = %scan3A_158 to %scan3A_160 step %scan3A_161  : i32 {
      %mul3A_644 = arith.constant 16 : i32
      %mul3A_645 = arith.muli %scan3A_643, %mul3A_644 : i32
      %get3A = arith.index_cast %mul3A_645 : i32 to index
      %get3A_646 = tpu.vector_load %arg20[%get3A] {strides = array<i32>} : memref<8000xi32, #tpu.memory_space<vmem>>, vector<16xi32>,
      %get3A_647 = arith.index_cast %mul3A_645 : i32 to index
      %get3A_648 = tpu.vector_load %arg22[%get3A_647] {strides = array<i32>} : memref<8000xf32, #tpu.memory_space<vmem>>, vector<16xf32>,
      %get3A_649 = arith.index_cast %mul3A_645 : i32 to index
      %get3A_650 = tpu.vector_load %arg24[%get3A_649] {strides = array<i32>} : memref<8000xf32, #tpu.memory_space<vmem>>, vector<16xf32>,
      %mul3A_651 = arith.mulf %get3A_648, %get3A_650 : vector<16xf32>
      tpu.vector_store_idx %arg14[%get3A_646], %mul3A_651 {add = true} : memref<10240xf32, #tpu.memory_space<vmem>>[vector<16xi32>], vector<16xf32>,
    }
    %scan3A_162 = arith.constant 500 : i32
    %add3A_163 = arith.constant 16000 : i32
    %add3A_164 = arith.addi %mul3A_102, %add3A_163 : i32
    %dma_wait3A_165 = tpu.memref_slice %arg3[%add3A_164] : memref<320000xi32, #tpu.memory_space<hbm>> -> memref<8000xi32, #tpu.memory_space<hbm>>
    %dma_wait3A_166 = tpu.memref_slice %arg3[%add3A_164] : memref<320000xi32, #tpu.memory_space<hbm>> -> memref<8000xi32, #tpu.memory_space<hbm>>
    tpu.wait_dma2 semaphore(%arg28 : memref<!tpu.dma_semaphore, #tpu.memory_space<semaphore_mem>>) src(%dma_wait3A_166 : memref<8000xi32, #tpu.memory_space<hbm>>) dst(%arg19 : memref<8000xi32, #tpu.memory_space<vmem>>)
    %dma_wait3A_167 = tpu.memref_slice %arg10[%add3A_164] : memref<320000xf32, #tpu.memory_space<hbm>> -> memref<8000xf32, #tpu.memory_space<hbm>>
    %dma_wait3A_168 = tpu.memref_slice %arg10[%add3A_164] : memref<320000xf32, #tpu.memory_space<hbm>> -> memref<8000xf32, #tpu.memory_space<hbm>>
    tpu.wait_dma2 semaphore(%arg28 : memref<!tpu.dma_semaphore, #tpu.memory_space<semaphore_mem>>) src(%dma_wait3A_168 : memref<8000xf32, #tpu.memory_space<hbm>>) dst(%arg21 : memref<8000xf32, #tpu.memory_space<vmem>>)
    %dma_wait3A_169 = tpu.memref_slice %arg7[%arg1, %add3A_164] : memref<16x320000xf32, #tpu.memory_space<hbm>> -> memref<1x8000xf32, #tpu.memory_space<hbm>>
    %dma_wait3A_170 = tpu.memref_squeeze %dma_wait3A_169 : memref<1x8000xf32, #tpu.memory_space<hbm>> -> memref<8000xf32, #tpu.memory_space<hbm>>
    %dma_wait3A_171 = tpu.memref_slice %arg7[%arg1, %add3A_164] : memref<16x320000xf32, #tpu.memory_space<hbm>> -> memref<1x8000xf32, #tpu.memory_space<hbm>>
    %dma_wait3A_172 = tpu.memref_squeeze %dma_wait3A_171 : memref<1x8000xf32, #tpu.memory_space<hbm>> -> memref<8000xf32, #tpu.memory_space<hbm>>
    tpu.wait_dma2 semaphore(%arg28 : memref<!tpu.dma_semaphore, #tpu.memory_space<semaphore_mem>>) src(%dma_wait3A_172 : memref<8000xf32, #tpu.memory_space<hbm>>) dst(%arg23 : memref<8000xf32, #tpu.memory_space<vmem>>)
    %add3A_173 = arith.constant 24000 : i32
    %add3A_174 = arith.addi %mul3A_102, %add3A_173 : i32
    %dma_start3A_175 = tpu.memref_slice %arg3[%add3A_174] : memref<320000xi32, #tpu.memory_space<hbm>> -> memref<8000xi32, #tpu.memory_space<hbm>>
    %dma_start3A_176 = tpu.memref_slice %arg3[%add3A_174] : memref<320000xi32, #tpu.memory_space<hbm>> -> memref<8000xi32, #tpu.memory_space<hbm>>
    tpu.enqueue_dma source(%dma_start3A_176 : memref<8000xi32, #tpu.memory_space<hbm>>) target(%arg20 : memref<8000xi32, #tpu.memory_space<vmem>>) target_semaphore(%arg29 : memref<!tpu.dma_semaphore, #tpu.memory_space<semaphore_mem>>)
    %dma_start3A_177 = tpu.memref_slice %arg10[%add3A_174] : memref<320000xf32, #tpu.memory_space<hbm>> -> memref<8000xf32, #tpu.memory_space<hbm>>
    %dma_start3A_178 = tpu.memref_slice %arg10[%add3A_174] : memref<320000xf32, #tpu.memory_space<hbm>> -> memref<8000xf32, #tpu.memory_space<hbm>>
    tpu.enqueue_dma source(%dma_start3A_178 : memref<8000xf32, #tpu.memory_space<hbm>>) target(%arg22 : memref<8000xf32, #tpu.memory_space<vmem>>) target_semaphore(%arg29 : memref<!tpu.dma_semaphore, #tpu.memory_space<semaphore_mem>>)
    %dma_start3A_179 = tpu.memref_slice %arg7[%arg1, %add3A_174] : memref<16x320000xf32, #tpu.memory_space<hbm>> -> memref<1x8000xf32, #tpu.memory_space<hbm>>
    %dma_start3A_180 = tpu.memref_squeeze %dma_start3A_179 : memref<1x8000xf32, #tpu.memory_space<hbm>> -> memref<8000xf32, #tpu.memory_space<hbm>>
    %dma_start3A_181 = tpu.memref_slice %arg7[%arg1, %add3A_174] : memref<16x320000xf32, #tpu.memory_space<hbm>> -> memref<1x8000xf32, #tpu.memory_space<hbm>>
    %dma_start3A_182 = tpu.memref_squeeze %dma_start3A_181 : memref<1x8000xf32, #tpu.memory_space<hbm>> -> memref<8000xf32, #tpu.memory_space<hbm>>
    tpu.enqueue_dma source(%dma_start3A_182 : memref<8000xf32, #tpu.memory_space<hbm>>) target(%arg24 : memref<8000xf32, #tpu.memory_space<vmem>>) target_semaphore(%arg29 : memref<!tpu.dma_semaphore, #tpu.memory_space<semaphore_mem>>)
    %scan3A_183 = arith.constant 0 : i32
    %scan3A_184 = arith.constant 500 : i32
    %scan3A_185 = arith.addi %scan3A_183, %scan3A_184 : i32
    %scan3A_186 = arith.constant 1 : i32
    scf.for %scan3A_643 = %scan3A_183 to %scan3A_185 step %scan3A_186  : i32 {
      %mul3A_644 = arith.constant 16 : i32
      %mul3A_645 = arith.muli %scan3A_643, %mul3A_644 : i32
      %get3A = arith.index_cast %mul3A_645 : i32 to index
      %get3A_646 = tpu.vector_load %arg19[%get3A] {strides = array<i32>} : memref<8000xi32, #tpu.memory_space<vmem>>, vector<16xi32>,
      %get3A_647 = arith.index_cast %mul3A_645 : i32 to index
      %get3A_648 = tpu.vector_load %arg21[%get3A_647] {strides = array<i32>} : memref<8000xf32, #tpu.memory_space<vmem>>, vector<16xf32>,
      %get3A_649 = arith.index_cast %mul3A_645 : i32 to index
      %get3A_650 = tpu.vector_load %arg23[%get3A_649] {strides = array<i32>} : memref<8000xf32, #tpu.memory_space<vmem>>, vector<16xf32>,
      %mul3A_651 = arith.mulf %get3A_648, %get3A_650 : vector<16xf32>
      tpu.vector_store_idx %arg14[%get3A_646], %mul3A_651 {add = true} : memref<10240xf32, #tpu.memory_space<vmem>>[vector<16xi32>], vector<16xf32>,
    }
    %scan3A_187 = arith.constant 500 : i32
    %add3A_188 = arith.constant 24000 : i32
    %add3A_189 = arith.addi %mul3A_102, %add3A_188 : i32
    %dma_wait3A_190 = tpu.memref_slice %arg3[%add3A_189] : memref<320000xi32, #tpu.memory_space<hbm>> -> memref<8000xi32, #tpu.memory_space<hbm>>
    %dma_wait3A_191 = tpu.memref_slice %arg3[%add3A_189] : memref<320000xi32, #tpu.memory_space<hbm>> -> memref<8000xi32, #tpu.memory_space<hbm>>
    tpu.wait_dma2 semaphore(%arg29 : memref<!tpu.dma_semaphore, #tpu.memory_space<semaphore_mem>>) src(%dma_wait3A_191 : memref<8000xi32, #tpu.memory_space<hbm>>) dst(%arg20 : memref<8000xi32, #tpu.memory_space<vmem>>)
    %dma_wait3A_192 = tpu.memref_slice %arg10[%add3A_189] : memref<320000xf32, #tpu.memory_space<hbm>> -> memref<8000xf32, #tpu.memory_space<hbm>>
    %dma_wait3A_193 = tpu.memref_slice %arg10[%add3A_189] : memref<320000xf32, #tpu.memory_space<hbm>> -> memref<8000xf32, #tpu.memory_space<hbm>>
    tpu.wait_dma2 semaphore(%arg29 : memref<!tpu.dma_semaphore, #tpu.memory_space<semaphore_mem>>) src(%dma_wait3A_193 : memref<8000xf32, #tpu.memory_space<hbm>>) dst(%arg22 : memref<8000xf32, #tpu.memory_space<vmem>>)
    %dma_wait3A_194 = tpu.memref_slice %arg7[%arg1, %add3A_189] : memref<16x320000xf32, #tpu.memory_space<hbm>> -> memref<1x8000xf32, #tpu.memory_space<hbm>>
    %dma_wait3A_195 = tpu.memref_squeeze %dma_wait3A_194 : memref<1x8000xf32, #tpu.memory_space<hbm>> -> memref<8000xf32, #tpu.memory_space<hbm>>
    %dma_wait3A_196 = tpu.memref_slice %arg7[%arg1, %add3A_189] : memref<16x320000xf32, #tpu.memory_space<hbm>> -> memref<1x8000xf32, #tpu.memory_space<hbm>>
    %dma_wait3A_197 = tpu.memref_squeeze %dma_wait3A_196 : memref<1x8000xf32, #tpu.memory_space<hbm>> -> memref<8000xf32, #tpu.memory_space<hbm>>
    tpu.wait_dma2 semaphore(%arg29 : memref<!tpu.dma_semaphore, #tpu.memory_space<semaphore_mem>>) src(%dma_wait3A_197 : memref<8000xf32, #tpu.memory_space<hbm>>) dst(%arg24 : memref<8000xf32, #tpu.memory_space<vmem>>)
    %add3A_198 = arith.constant 32000 : i32
    %add3A_199 = arith.addi %mul3A_102, %add3A_198 : i32
    %dma_start3A_200 = tpu.memref_slice %arg3[%add3A_199] : memref<320000xi32, #tpu.memory_space<hbm>> -> memref<8000xi32, #tpu.memory_space<hbm>>
    %dma_start3A_201 = tpu.memref_slice %arg3[%add3A_199] : memref<320000xi32, #tpu.memory_space<hbm>> -> memref<8000xi32, #tpu.memory_space<hbm>>
    tpu.enqueue_dma source(%dma_start3A_201 : memref<8000xi32, #tpu.memory_space<hbm>>) target(%arg19 : memref<8000xi32, #tpu.memory_space<vmem>>) target_semaphore(%arg28 : memref<!tpu.dma_semaphore, #tpu.memory_space<semaphore_mem>>)
    %dma_start3A_202 = tpu.memref_slice %arg10[%add3A_199] : memref<320000xf32, #tpu.memory_space<hbm>> -> memref<8000xf32, #tpu.memory_space<hbm>>
    %dma_start3A_203 = tpu.memref_slice %arg10[%add3A_199] : memref<320000xf32, #tpu.memory_space<hbm>> -> memref<8000xf32, #tpu.memory_space<hbm>>
    tpu.enqueue_dma source(%dma_start3A_203 : memref<8000xf32, #tpu.memory_space<hbm>>) target(%arg21 : memref<8000xf32, #tpu.memory_space<vmem>>) target_semaphore(%arg28 : memref<!tpu.dma_semaphore, #tpu.memory_space<semaphore_mem>>)
    %dma_start3A_204 = tpu.memref_slice %arg7[%arg1, %add3A_199] : memref<16x320000xf32, #tpu.memory_space<hbm>> -> memref<1x8000xf32, #tpu.memory_space<hbm>>
    %dma_start3A_205 = tpu.memref_squeeze %dma_start3A_204 : memref<1x8000xf32, #tpu.memory_space<hbm>> -> memref<8000xf32, #tpu.memory_space<hbm>>
    %dma_start3A_206 = tpu.memref_slice %arg7[%arg1, %add3A_199] : memref<16x320000xf32, #tpu.memory_space<hbm>> -> memref<1x8000xf32, #tpu.memory_space<hbm>>
    %dma_start3A_207 = tpu.memref_squeeze %dma_start3A_206 : memref<1x8000xf32, #tpu.memory_space<hbm>> -> memref<8000xf32, #tpu.memory_space<hbm>>
    tpu.enqueue_dma source(%dma_start3A_207 : memref<8000xf32, #tpu.memory_space<hbm>>) target(%arg23 : memref<8000xf32, #tpu.memory_space<vmem>>) target_semaphore(%arg28 : memref<!tpu.dma_semaphore, #tpu.memory_space<semaphore_mem>>)
    %scan3A_208 = arith.constant 0 : i32
    %scan3A_209 = arith.constant 500 : i32
    %scan3A_210 = arith.addi %scan3A_208, %scan3A_209 : i32
    %scan3A_211 = arith.constant 1 : i32
    scf.for %scan3A_643 = %scan3A_208 to %scan3A_210 step %scan3A_211  : i32 {
      %mul3A_644 = arith.constant 16 : i32
      %mul3A_645 = arith.muli %scan3A_643, %mul3A_644 : i32
      %get3A = arith.index_cast %mul3A_645 : i32 to index
      %get3A_646 = tpu.vector_load %arg20[%get3A] {strides = array<i32>} : memref<8000xi32, #tpu.memory_space<vmem>>, vector<16xi32>,
      %get3A_647 = arith.index_cast %mul3A_645 : i32 to index
      %get3A_648 = tpu.vector_load %arg22[%get3A_647] {strides = array<i32>} : memref<8000xf32, #tpu.memory_space<vmem>>, vector<16xf32>,
      %get3A_649 = arith.index_cast %mul3A_645 : i32 to index
      %get3A_650 = tpu.vector_load %arg24[%get3A_649] {strides = array<i32>} : memref<8000xf32, #tpu.memory_space<vmem>>, vector<16xf32>,
      %mul3A_651 = arith.mulf %get3A_648, %get3A_650 : vector<16xf32>
      tpu.vector_store_idx %arg14[%get3A_646], %mul3A_651 {add = true} : memref<10240xf32, #tpu.memory_space<vmem>>[vector<16xi32>], vector<16xf32>,
    }
    %scan3A_212 = arith.constant 500 : i32
    %add3A_213 = arith.constant 32000 : i32
    %add3A_214 = arith.addi %mul3A_102, %add3A_213 : i32
    %dma_wait3A_215 = tpu.memref_slice %arg3[%add3A_214] : memref<320000xi32, #tpu.memory_space<hbm>> -> memref<8000xi32, #tpu.memory_space<hbm>>
    %dma_wait3A_216 = tpu.memref_slice %arg3[%add3A_214] : memref<320000xi32, #tpu.memory_space<hbm>> -> memref<8000xi32, #tpu.memory_space<hbm>>
    tpu.wait_dma2 semaphore(%arg28 : memref<!tpu.dma_semaphore, #tpu.memory_space<semaphore_mem>>) src(%dma_wait3A_216 : memref<8000xi32, #tpu.memory_space<hbm>>) dst(%arg19 : memref<8000xi32, #tpu.memory_space<vmem>>)
    %dma_wait3A_217 = tpu.memref_slice %arg10[%add3A_214] : memref<320000xf32, #tpu.memory_space<hbm>> -> memref<8000xf32, #tpu.memory_space<hbm>>
    %dma_wait3A_218 = tpu.memref_slice %arg10[%add3A_214] : memref<320000xf32, #tpu.memory_space<hbm>> -> memref<8000xf32, #tpu.memory_space<hbm>>
    tpu.wait_dma2 semaphore(%arg28 : memref<!tpu.dma_semaphore, #tpu.memory_space<semaphore_mem>>) src(%dma_wait3A_218 : memref<8000xf32, #tpu.memory_space<hbm>>) dst(%arg21 : memref<8000xf32, #tpu.memory_space<vmem>>)
    %dma_wait3A_219 = tpu.memref_slice %arg7[%arg1, %add3A_214] : memref<16x320000xf32, #tpu.memory_space<hbm>> -> memref<1x8000xf32, #tpu.memory_space<hbm>>
    %dma_wait3A_220 = tpu.memref_squeeze %dma_wait3A_219 : memref<1x8000xf32, #tpu.memory_space<hbm>> -> memref<8000xf32, #tpu.memory_space<hbm>>
    %dma_wait3A_221 = tpu.memref_slice %arg7[%arg1, %add3A_214] : memref<16x320000xf32, #tpu.memory_space<hbm>> -> memref<1x8000xf32, #tpu.memory_space<hbm>>
    %dma_wait3A_222 = tpu.memref_squeeze %dma_wait3A_221 : memref<1x8000xf32, #tpu.memory_space<hbm>> -> memref<8000xf32, #tpu.memory_space<hbm>>
    tpu.wait_dma2 semaphore(%arg28 : memref<!tpu.dma_semaphore, #tpu.memory_space<semaphore_mem>>) src(%dma_wait3A_222 : memref<8000xf32, #tpu.memory_space<hbm>>) dst(%arg23 : memref<8000xf32, #tpu.memory_space<vmem>>)
    %add3A_223 = arith.constant 40000 : i32
    %add3A_224 = arith.addi %mul3A_102, %add3A_223 : i32
    %dma_start3A_225 = tpu.memref_slice %arg3[%add3A_224] : memref<320000xi32, #tpu.memory_space<hbm>> -> memref<8000xi32, #tpu.memory_space<hbm>>
    %dma_start3A_226 = tpu.memref_slice %arg3[%add3A_224] : memref<320000xi32, #tpu.memory_space<hbm>> -> memref<8000xi32, #tpu.memory_space<hbm>>
    tpu.enqueue_dma source(%dma_start3A_226 : memref<8000xi32, #tpu.memory_space<hbm>>) target(%arg20 : memref<8000xi32, #tpu.memory_space<vmem>>) target_semaphore(%arg29 : memref<!tpu.dma_semaphore, #tpu.memory_space<semaphore_mem>>)
    %dma_start3A_227 = tpu.memref_slice %arg10[%add3A_224] : memref<320000xf32, #tpu.memory_space<hbm>> -> memref<8000xf32, #tpu.memory_space<hbm>>
    %dma_start3A_228 = tpu.memref_slice %arg10[%add3A_224] : memref<320000xf32, #tpu.memory_space<hbm>> -> memref<8000xf32, #tpu.memory_space<hbm>>
    tpu.enqueue_dma source(%dma_start3A_228 : memref<8000xf32, #tpu.memory_space<hbm>>) target(%arg22 : memref<8000xf32, #tpu.memory_space<vmem>>) target_semaphore(%arg29 : memref<!tpu.dma_semaphore, #tpu.memory_space<semaphore_mem>>)
    %dma_start3A_229 = tpu.memref_slice %arg7[%arg1, %add3A_224] : memref<16x320000xf32, #tpu.memory_space<hbm>> -> memref<1x8000xf32, #tpu.memory_space<hbm>>
    %dma_start3A_230 = tpu.memref_squeeze %dma_start3A_229 : memref<1x8000xf32, #tpu.memory_space<hbm>> -> memref<8000xf32, #tpu.memory_space<hbm>>
    %dma_start3A_231 = tpu.memref_slice %arg7[%arg1, %add3A_224] : memref<16x320000xf32, #tpu.memory_space<hbm>> -> memref<1x8000xf32, #tpu.memory_space<hbm>>
    %dma_start3A_232 = tpu.memref_squeeze %dma_start3A_231 : memref<1x8000xf32, #tpu.memory_space<hbm>> -> memref<8000xf32, #tpu.memory_space<hbm>>
    tpu.enqueue_dma source(%dma_start3A_232 : memref<8000xf32, #tpu.memory_space<hbm>>) target(%arg24 : memref<8000xf32, #tpu.memory_space<vmem>>) target_semaphore(%arg29 : memref<!tpu.dma_semaphore, #tpu.memory_space<semaphore_mem>>)
    %scan3A_233 = arith.constant 0 : i32
    %scan3A_234 = arith.constant 500 : i32
    %scan3A_235 = arith.addi %scan3A_233, %scan3A_234 : i32
    %scan3A_236 = arith.constant 1 : i32
    scf.for %scan3A_643 = %scan3A_233 to %scan3A_235 step %scan3A_236  : i32 {
      %mul3A_644 = arith.constant 16 : i32
      %mul3A_645 = arith.muli %scan3A_643, %mul3A_644 : i32
      %get3A = arith.index_cast %mul3A_645 : i32 to index
      %get3A_646 = tpu.vector_load %arg19[%get3A] {strides = array<i32>} : memref<8000xi32, #tpu.memory_space<vmem>>, vector<16xi32>,
      %get3A_647 = arith.index_cast %mul3A_645 : i32 to index
      %get3A_648 = tpu.vector_load %arg21[%get3A_647] {strides = array<i32>} : memref<8000xf32, #tpu.memory_space<vmem>>, vector<16xf32>,
      %get3A_649 = arith.index_cast %mul3A_645 : i32 to index
      %get3A_650 = tpu.vector_load %arg23[%get3A_649] {strides = array<i32>} : memref<8000xf32, #tpu.memory_space<vmem>>, vector<16xf32>,
      %mul3A_651 = arith.mulf %get3A_648, %get3A_650 : vector<16xf32>
      tpu.vector_store_idx %arg14[%get3A_646], %mul3A_651 {add = true} : memref<10240xf32, #tpu.memory_space<vmem>>[vector<16xi32>], vector<16xf32>,
    }
    %scan3A_237 = arith.constant 500 : i32
    %add3A_238 = arith.constant 40000 : i32
    %add3A_239 = arith.addi %mul3A_102, %add3A_238 : i32
    %dma_wait3A_240 = tpu.memref_slice %arg3[%add3A_239] : memref<320000xi32, #tpu.memory_space<hbm>> -> memref<8000xi32, #tpu.memory_space<hbm>>
    %dma_wait3A_241 = tpu.memref_slice %arg3[%add3A_239] : memref<320000xi32, #tpu.memory_space<hbm>> -> memref<8000xi32, #tpu.memory_space<hbm>>
    tpu.wait_dma2 semaphore(%arg29 : memref<!tpu.dma_semaphore, #tpu.memory_space<semaphore_mem>>) src(%dma_wait3A_241 : memref<8000xi32, #tpu.memory_space<hbm>>) dst(%arg20 : memref<8000xi32, #tpu.memory_space<vmem>>)
    %dma_wait3A_242 = tpu.memref_slice %arg10[%add3A_239] : memref<320000xf32, #tpu.memory_space<hbm>> -> memref<8000xf32, #tpu.memory_space<hbm>>
    %dma_wait3A_243 = tpu.memref_slice %arg10[%add3A_239] : memref<320000xf32, #tpu.memory_space<hbm>> -> memref<8000xf32, #tpu.memory_space<hbm>>
    tpu.wait_dma2 semaphore(%arg29 : memref<!tpu.dma_semaphore, #tpu.memory_space<semaphore_mem>>) src(%dma_wait3A_243 : memref<8000xf32, #tpu.memory_space<hbm>>) dst(%arg22 : memref<8000xf32, #tpu.memory_space<vmem>>)
    %dma_wait3A_244 = tpu.memref_slice %arg7[%arg1, %add3A_239] : memref<16x320000xf32, #tpu.memory_space<hbm>> -> memref<1x8000xf32, #tpu.memory_space<hbm>>
    %dma_wait3A_245 = tpu.memref_squeeze %dma_wait3A_244 : memref<1x8000xf32, #tpu.memory_space<hbm>> -> memref<8000xf32, #tpu.memory_space<hbm>>
    %dma_wait3A_246 = tpu.memref_slice %arg7[%arg1, %add3A_239] : memref<16x320000xf32, #tpu.memory_space<hbm>> -> memref<1x8000xf32, #tpu.memory_space<hbm>>
    %dma_wait3A_247 = tpu.memref_squeeze %dma_wait3A_246 : memref<1x8000xf32, #tpu.memory_space<hbm>> -> memref<8000xf32, #tpu.memory_space<hbm>>
    tpu.wait_dma2 semaphore(%arg29 : memref<!tpu.dma_semaphore, #tpu.memory_space<semaphore_mem>>) src(%dma_wait3A_247 : memref<8000xf32, #tpu.memory_space<hbm>>) dst(%arg24 : memref<8000xf32, #tpu.memory_space<vmem>>)
    %add3A_248 = arith.constant 48000 : i32
    %add3A_249 = arith.addi %mul3A_102, %add3A_248 : i32
    %dma_start3A_250 = tpu.memref_slice %arg3[%add3A_249] : memref<320000xi32, #tpu.memory_space<hbm>> -> memref<8000xi32, #tpu.memory_space<hbm>>
    %dma_start3A_251 = tpu.memref_slice %arg3[%add3A_249] : memref<320000xi32, #tpu.memory_space<hbm>> -> memref<8000xi32, #tpu.memory_space<hbm>>
    tpu.enqueue_dma source(%dma_start3A_251 : memref<8000xi32, #tpu.memory_space<hbm>>) target(%arg19 : memref<8000xi32, #tpu.memory_space<vmem>>) target_semaphore(%arg28 : memref<!tpu.dma_semaphore, #tpu.memory_space<semaphore_mem>>)
    %dma_start3A_252 = tpu.memref_slice %arg10[%add3A_249] : memref<320000xf32, #tpu.memory_space<hbm>> -> memref<8000xf32, #tpu.memory_space<hbm>>
    %dma_start3A_253 = tpu.memref_slice %arg10[%add3A_249] : memref<320000xf32, #tpu.memory_space<hbm>> -> memref<8000xf32, #tpu.memory_space<hbm>>
    tpu.enqueue_dma source(%dma_start3A_253 : memref<8000xf32, #tpu.memory_space<hbm>>) target(%arg21 : memref<8000xf32, #tpu.memory_space<vmem>>) target_semaphore(%arg28 : memref<!tpu.dma_semaphore, #tpu.memory_space<semaphore_mem>>)
    %dma_start3A_254 = tpu.memref_slice %arg7[%arg1, %add3A_249] : memref<16x320000xf32, #tpu.memory_space<hbm>> -> memref<1x8000xf32, #tpu.memory_space<hbm>>
    %dma_start3A_255 = tpu.memref_squeeze %dma_start3A_254 : memref<1x8000xf32, #tpu.memory_space<hbm>> -> memref<8000xf32, #tpu.memory_space<hbm>>
    %dma_start3A_256 = tpu.memref_slice %arg7[%arg1, %add3A_249] : memref<16x320000xf32, #tpu.memory_space<hbm>> -> memref<1x8000xf32, #tpu.memory_space<hbm>>
    %dma_start3A_257 = tpu.memref_squeeze %dma_start3A_256 : memref<1x8000xf32, #tpu.memory_space<hbm>> -> memref<8000xf32, #tpu.memory_space<hbm>>
    tpu.enqueue_dma source(%dma_start3A_257 : memref<8000xf32, #tpu.memory_space<hbm>>) target(%arg23 : memref<8000xf32, #tpu.memory_space<vmem>>) target_semaphore(%arg28 : memref<!tpu.dma_semaphore, #tpu.memory_space<semaphore_mem>>)
    %scan3A_258 = arith.constant 0 : i32
    %scan3A_259 = arith.constant 500 : i32
    %scan3A_260 = arith.addi %scan3A_258, %scan3A_259 : i32
    %scan3A_261 = arith.constant 1 : i32
    scf.for %scan3A_643 = %scan3A_258 to %scan3A_260 step %scan3A_261  : i32 {
      %mul3A_644 = arith.constant 16 : i32
      %mul3A_645 = arith.muli %scan3A_643, %mul3A_644 : i32
      %get3A = arith.index_cast %mul3A_645 : i32 to index
      %get3A_646 = tpu.vector_load %arg20[%get3A] {strides = array<i32>} : memref<8000xi32, #tpu.memory_space<vmem>>, vector<16xi32>,
      %get3A_647 = arith.index_cast %mul3A_645 : i32 to index
      %get3A_648 = tpu.vector_load %arg22[%get3A_647] {strides = array<i32>} : memref<8000xf32, #tpu.memory_space<vmem>>, vector<16xf32>,
      %get3A_649 = arith.index_cast %mul3A_645 : i32 to index
      %get3A_650 = tpu.vector_load %arg24[%get3A_649] {strides = array<i32>} : memref<8000xf32, #tpu.memory_space<vmem>>, vector<16xf32>,
      %mul3A_651 = arith.mulf %get3A_648, %get3A_650 : vector<16xf32>
      tpu.vector_store_idx %arg14[%get3A_646], %mul3A_651 {add = true} : memref<10240xf32, #tpu.memory_space<vmem>>[vector<16xi32>], vector<16xf32>,
    }
    %scan3A_262 = arith.constant 500 : i32
    %add3A_263 = arith.constant 48000 : i32
    %add3A_264 = arith.addi %mul3A_102, %add3A_263 : i32
    %dma_wait3A_265 = tpu.memref_slice %arg3[%add3A_264] : memref<320000xi32, #tpu.memory_space<hbm>> -> memref<8000xi32, #tpu.memory_space<hbm>>
    %dma_wait3A_266 = tpu.memref_slice %arg3[%add3A_264] : memref<320000xi32, #tpu.memory_space<hbm>> -> memref<8000xi32, #tpu.memory_space<hbm>>
    tpu.wait_dma2 semaphore(%arg28 : memref<!tpu.dma_semaphore, #tpu.memory_space<semaphore_mem>>) src(%dma_wait3A_266 : memref<8000xi32, #tpu.memory_space<hbm>>) dst(%arg19 : memref<8000xi32, #tpu.memory_space<vmem>>)
    %dma_wait3A_267 = tpu.memref_slice %arg10[%add3A_264] : memref<320000xf32, #tpu.memory_space<hbm>> -> memref<8000xf32, #tpu.memory_space<hbm>>
    %dma_wait3A_268 = tpu.memref_slice %arg10[%add3A_264] : memref<320000xf32, #tpu.memory_space<hbm>> -> memref<8000xf32, #tpu.memory_space<hbm>>
    tpu.wait_dma2 semaphore(%arg28 : memref<!tpu.dma_semaphore, #tpu.memory_space<semaphore_mem>>) src(%dma_wait3A_268 : memref<8000xf32, #tpu.memory_space<hbm>>) dst(%arg21 : memref<8000xf32, #tpu.memory_space<vmem>>)
    %dma_wait3A_269 = tpu.memref_slice %arg7[%arg1, %add3A_264] : memref<16x320000xf32, #tpu.memory_space<hbm>> -> memref<1x8000xf32, #tpu.memory_space<hbm>>
    %dma_wait3A_270 = tpu.memref_squeeze %dma_wait3A_269 : memref<1x8000xf32, #tpu.memory_space<hbm>> -> memref<8000xf32, #tpu.memory_space<hbm>>
    %dma_wait3A_271 = tpu.memref_slice %arg7[%arg1, %add3A_264] : memref<16x320000xf32, #tpu.memory_space<hbm>> -> memref<1x8000xf32, #tpu.memory_space<hbm>>
    %dma_wait3A_272 = tpu.memref_squeeze %dma_wait3A_271 : memref<1x8000xf32, #tpu.memory_space<hbm>> -> memref<8000xf32, #tpu.memory_space<hbm>>
    tpu.wait_dma2 semaphore(%arg28 : memref<!tpu.dma_semaphore, #tpu.memory_space<semaphore_mem>>) src(%dma_wait3A_272 : memref<8000xf32, #tpu.memory_space<hbm>>) dst(%arg23 : memref<8000xf32, #tpu.memory_space<vmem>>)
    %add3A_273 = arith.constant 56000 : i32
    %add3A_274 = arith.addi %mul3A_102, %add3A_273 : i32
    %dma_start3A_275 = tpu.memref_slice %arg3[%add3A_274] : memref<320000xi32, #tpu.memory_space<hbm>> -> memref<8000xi32, #tpu.memory_space<hbm>>
    %dma_start3A_276 = tpu.memref_slice %arg3[%add3A_274] : memref<320000xi32, #tpu.memory_space<hbm>> -> memref<8000xi32, #tpu.memory_space<hbm>>
    tpu.enqueue_dma source(%dma_start3A_276 : memref<8000xi32, #tpu.memory_space<hbm>>) target(%arg20 : memref<8000xi32, #tpu.memory_space<vmem>>) target_semaphore(%arg29 : memref<!tpu.dma_semaphore, #tpu.memory_space<semaphore_mem>>)
    %dma_start3A_277 = tpu.memref_slice %arg10[%add3A_274] : memref<320000xf32, #tpu.memory_space<hbm>> -> memref<8000xf32, #tpu.memory_space<hbm>>
    %dma_start3A_278 = tpu.memref_slice %arg10[%add3A_274] : memref<320000xf32, #tpu.memory_space<hbm>> -> memref<8000xf32, #tpu.memory_space<hbm>>
    tpu.enqueue_dma source(%dma_start3A_278 : memref<8000xf32, #tpu.memory_space<hbm>>) target(%arg22 : memref<8000xf32, #tpu.memory_space<vmem>>) target_semaphore(%arg29 : memref<!tpu.dma_semaphore, #tpu.memory_space<semaphore_mem>>)
    %dma_start3A_279 = tpu.memref_slice %arg7[%arg1, %add3A_274] : memref<16x320000xf32, #tpu.memory_space<hbm>> -> memref<1x8000xf32, #tpu.memory_space<hbm>>
    %dma_start3A_280 = tpu.memref_squeeze %dma_start3A_279 : memref<1x8000xf32, #tpu.memory_space<hbm>> -> memref<8000xf32, #tpu.memory_space<hbm>>
    %dma_start3A_281 = tpu.memref_slice %arg7[%arg1, %add3A_274] : memref<16x320000xf32, #tpu.memory_space<hbm>> -> memref<1x8000xf32, #tpu.memory_space<hbm>>
    %dma_start3A_282 = tpu.memref_squeeze %dma_start3A_281 : memref<1x8000xf32, #tpu.memory_space<hbm>> -> memref<8000xf32, #tpu.memory_space<hbm>>
    tpu.enqueue_dma source(%dma_start3A_282 : memref<8000xf32, #tpu.memory_space<hbm>>) target(%arg24 : memref<8000xf32, #tpu.memory_space<vmem>>) target_semaphore(%arg29 : memref<!tpu.dma_semaphore, #tpu.memory_space<semaphore_mem>>)
    %scan3A_283 = arith.constant 0 : i32
    %scan3A_284 = arith.constant 500 : i32
    %scan3A_285 = arith.addi %scan3A_283, %scan3A_284 : i32
    %scan3A_286 = arith.constant 1 : i32
    scf.for %scan3A_643 = %scan3A_283 to %scan3A_285 step %scan3A_286  : i32 {
      %mul3A_644 = arith.constant 16 : i32
      %mul3A_645 = arith.muli %scan3A_643, %mul3A_644 : i32
      %get3A = arith.index_cast %mul3A_645 : i32 to index
      %get3A_646 = tpu.vector_load %arg19[%get3A] {strides = array<i32>} : memref<8000xi32, #tpu.memory_space<vmem>>, vector<16xi32>,
      %get3A_647 = arith.index_cast %mul3A_645 : i32 to index
      %get3A_648 = tpu.vector_load %arg21[%get3A_647] {strides = array<i32>} : memref<8000xf32, #tpu.memory_space<vmem>>, vector<16xf32>,
      %get3A_649 = arith.index_cast %mul3A_645 : i32 to index
      %get3A_650 = tpu.vector_load %arg23[%get3A_649] {strides = array<i32>} : memref<8000xf32, #tpu.memory_space<vmem>>, vector<16xf32>,
      %mul3A_651 = arith.mulf %get3A_648, %get3A_650 : vector<16xf32>
      tpu.vector_store_idx %arg14[%get3A_646], %mul3A_651 {add = true} : memref<10240xf32, #tpu.memory_space<vmem>>[vector<16xi32>], vector<16xf32>,
    }
    %scan3A_287 = arith.constant 500 : i32
    %add3A_288 = arith.constant 56000 : i32
    %add3A_289 = arith.addi %mul3A_102, %add3A_288 : i32
    %dma_wait3A_290 = tpu.memref_slice %arg3[%add3A_289] : memref<320000xi32, #tpu.memory_space<hbm>> -> memref<8000xi32, #tpu.memory_space<hbm>>
    %dma_wait3A_291 = tpu.memref_slice %arg3[%add3A_289] : memref<320000xi32, #tpu.memory_space<hbm>> -> memref<8000xi32, #tpu.memory_space<hbm>>
    tpu.wait_dma2 semaphore(%arg29 : memref<!tpu.dma_semaphore, #tpu.memory_space<semaphore_mem>>) src(%dma_wait3A_291 : memref<8000xi32, #tpu.memory_space<hbm>>) dst(%arg20 : memref<8000xi32, #tpu.memory_space<vmem>>)
    %dma_wait3A_292 = tpu.memref_slice %arg10[%add3A_289] : memref<320000xf32, #tpu.memory_space<hbm>> -> memref<8000xf32, #tpu.memory_space<hbm>>
    %dma_wait3A_293 = tpu.memref_slice %arg10[%add3A_289] : memref<320000xf32, #tpu.memory_space<hbm>> -> memref<8000xf32, #tpu.memory_space<hbm>>
    tpu.wait_dma2 semaphore(%arg29 : memref<!tpu.dma_semaphore, #tpu.memory_space<semaphore_mem>>) src(%dma_wait3A_293 : memref<8000xf32, #tpu.memory_space<hbm>>) dst(%arg22 : memref<8000xf32, #tpu.memory_space<vmem>>)
    %dma_wait3A_294 = tpu.memref_slice %arg7[%arg1, %add3A_289] : memref<16x320000xf32, #tpu.memory_space<hbm>> -> memref<1x8000xf32, #tpu.memory_space<hbm>>
    %dma_wait3A_295 = tpu.memref_squeeze %dma_wait3A_294 : memref<1x8000xf32, #tpu.memory_space<hbm>> -> memref<8000xf32, #tpu.memory_space<hbm>>
    %dma_wait3A_296 = tpu.memref_slice %arg7[%arg1, %add3A_289] : memref<16x320000xf32, #tpu.memory_space<hbm>> -> memref<1x8000xf32, #tpu.memory_space<hbm>>
    %dma_wait3A_297 = tpu.memref_squeeze %dma_wait3A_296 : memref<1x8000xf32, #tpu.memory_space<hbm>> -> memref<8000xf32, #tpu.memory_space<hbm>>
    tpu.wait_dma2 semaphore(%arg29 : memref<!tpu.dma_semaphore, #tpu.memory_space<semaphore_mem>>) src(%dma_wait3A_297 : memref<8000xf32, #tpu.memory_space<hbm>>) dst(%arg24 : memref<8000xf32, #tpu.memory_space<vmem>>)
    %add3A_298 = arith.constant 64000 : i32
    %add3A_299 = arith.addi %mul3A_102, %add3A_298 : i32
    %dma_start3A_300 = tpu.memref_slice %arg3[%add3A_299] : memref<320000xi32, #tpu.memory_space<hbm>> -> memref<8000xi32, #tpu.memory_space<hbm>>
    %dma_start3A_301 = tpu.memref_slice %arg3[%add3A_299] : memref<320000xi32, #tpu.memory_space<hbm>> -> memref<8000xi32, #tpu.memory_space<hbm>>
    tpu.enqueue_dma source(%dma_start3A_301 : memref<8000xi32, #tpu.memory_space<hbm>>) target(%arg19 : memref<8000xi32, #tpu.memory_space<vmem>>) target_semaphore(%arg28 : memref<!tpu.dma_semaphore, #tpu.memory_space<semaphore_mem>>)
    %dma_start3A_302 = tpu.memref_slice %arg10[%add3A_299] : memref<320000xf32, #tpu.memory_space<hbm>> -> memref<8000xf32, #tpu.memory_space<hbm>>
    %dma_start3A_303 = tpu.memref_slice %arg10[%add3A_299] : memref<320000xf32, #tpu.memory_space<hbm>> -> memref<8000xf32, #tpu.memory_space<hbm>>
    tpu.enqueue_dma source(%dma_start3A_303 : memref<8000xf32, #tpu.memory_space<hbm>>) target(%arg21 : memref<8000xf32, #tpu.memory_space<vmem>>) target_semaphore(%arg28 : memref<!tpu.dma_semaphore, #tpu.memory_space<semaphore_mem>>)
    %dma_start3A_304 = tpu.memref_slice %arg7[%arg1, %add3A_299] : memref<16x320000xf32, #tpu.memory_space<hbm>> -> memref<1x8000xf32, #tpu.memory_space<hbm>>
    %dma_start3A_305 = tpu.memref_squeeze %dma_start3A_304 : memref<1x8000xf32, #tpu.memory_space<hbm>> -> memref<8000xf32, #tpu.memory_space<hbm>>
    %dma_start3A_306 = tpu.memref_slice %arg7[%arg1, %add3A_299] : memref<16x320000xf32, #tpu.memory_space<hbm>> -> memref<1x8000xf32, #tpu.memory_space<hbm>>
    %dma_start3A_307 = tpu.memref_squeeze %dma_start3A_306 : memref<1x8000xf32, #tpu.memory_space<hbm>> -> memref<8000xf32, #tpu.memory_space<hbm>>
    tpu.enqueue_dma source(%dma_start3A_307 : memref<8000xf32, #tpu.memory_space<hbm>>) target(%arg23 : memref<8000xf32, #tpu.memory_space<vmem>>) target_semaphore(%arg28 : memref<!tpu.dma_semaphore, #tpu.memory_space<semaphore_mem>>)
    %scan3A_308 = arith.constant 0 : i32
    %scan3A_309 = arith.constant 500 : i32
    %scan3A_310 = arith.addi %scan3A_308, %scan3A_309 : i32
    %scan3A_311 = arith.constant 1 : i32
    scf.for %scan3A_643 = %scan3A_308 to %scan3A_310 step %scan3A_311  : i32 {
      %mul3A_644 = arith.constant 16 : i32
      %mul3A_645 = arith.muli %scan3A_643, %mul3A_644 : i32
      %get3A = arith.index_cast %mul3A_645 : i32 to index
      %get3A_646 = tpu.vector_load %arg20[%get3A] {strides = array<i32>} : memref<8000xi32, #tpu.memory_space<vmem>>, vector<16xi32>,
      %get3A_647 = arith.index_cast %mul3A_645 : i32 to index
      %get3A_648 = tpu.vector_load %arg22[%get3A_647] {strides = array<i32>} : memref<8000xf32, #tpu.memory_space<vmem>>, vector<16xf32>,
      %get3A_649 = arith.index_cast %mul3A_645 : i32 to index
      %get3A_650 = tpu.vector_load %arg24[%get3A_649] {strides = array<i32>} : memref<8000xf32, #tpu.memory_space<vmem>>, vector<16xf32>,
      %mul3A_651 = arith.mulf %get3A_648, %get3A_650 : vector<16xf32>
      tpu.vector_store_idx %arg14[%get3A_646], %mul3A_651 {add = true} : memref<10240xf32, #tpu.memory_space<vmem>>[vector<16xi32>], vector<16xf32>,
    }
    %scan3A_312 = arith.constant 500 : i32
    %add3A_313 = arith.constant 64000 : i32
    %add3A_314 = arith.addi %mul3A_102, %add3A_313 : i32
    %dma_wait3A_315 = tpu.memref_slice %arg3[%add3A_314] : memref<320000xi32, #tpu.memory_space<hbm>> -> memref<8000xi32, #tpu.memory_space<hbm>>
    %dma_wait3A_316 = tpu.memref_slice %arg3[%add3A_314] : memref<320000xi32, #tpu.memory_space<hbm>> -> memref<8000xi32, #tpu.memory_space<hbm>>
    tpu.wait_dma2 semaphore(%arg28 : memref<!tpu.dma_semaphore, #tpu.memory_space<semaphore_mem>>) src(%dma_wait3A_316 : memref<8000xi32, #tpu.memory_space<hbm>>) dst(%arg19 : memref<8000xi32, #tpu.memory_space<vmem>>)
    %dma_wait3A_317 = tpu.memref_slice %arg10[%add3A_314] : memref<320000xf32, #tpu.memory_space<hbm>> -> memref<8000xf32, #tpu.memory_space<hbm>>
    %dma_wait3A_318 = tpu.memref_slice %arg10[%add3A_314] : memref<320000xf32, #tpu.memory_space<hbm>> -> memref<8000xf32, #tpu.memory_space<hbm>>
    tpu.wait_dma2 semaphore(%arg28 : memref<!tpu.dma_semaphore, #tpu.memory_space<semaphore_mem>>) src(%dma_wait3A_318 : memref<8000xf32, #tpu.memory_space<hbm>>) dst(%arg21 : memref<8000xf32, #tpu.memory_space<vmem>>)
    %dma_wait3A_319 = tpu.memref_slice %arg7[%arg1, %add3A_314] : memref<16x320000xf32, #tpu.memory_space<hbm>> -> memref<1x8000xf32, #tpu.memory_space<hbm>>
    %dma_wait3A_320 = tpu.memref_squeeze %dma_wait3A_319 : memref<1x8000xf32, #tpu.memory_space<hbm>> -> memref<8000xf32, #tpu.memory_space<hbm>>
    %dma_wait3A_321 = tpu.memref_slice %arg7[%arg1, %add3A_314] : memref<16x320000xf32, #tpu.memory_space<hbm>> -> memref<1x8000xf32, #tpu.memory_space<hbm>>
    %dma_wait3A_322 = tpu.memref_squeeze %dma_wait3A_321 : memref<1x8000xf32, #tpu.memory_space<hbm>> -> memref<8000xf32, #tpu.memory_space<hbm>>
    tpu.wait_dma2 semaphore(%arg28 : memref<!tpu.dma_semaphore, #tpu.memory_space<semaphore_mem>>) src(%dma_wait3A_322 : memref<8000xf32, #tpu.memory_space<hbm>>) dst(%arg23 : memref<8000xf32, #tpu.memory_space<vmem>>)
    %add3A_323 = arith.constant 72000 : i32
    %add3A_324 = arith.addi %mul3A_102, %add3A_323 : i32
    %dma_start3A_325 = tpu.memref_slice %arg3[%add3A_324] : memref<320000xi32, #tpu.memory_space<hbm>> -> memref<8000xi32, #tpu.memory_space<hbm>>
    %dma_start3A_326 = tpu.memref_slice %arg3[%add3A_324] : memref<320000xi32, #tpu.memory_space<hbm>> -> memref<8000xi32, #tpu.memory_space<hbm>>
    tpu.enqueue_dma source(%dma_start3A_326 : memref<8000xi32, #tpu.memory_space<hbm>>) target(%arg20 : memref<8000xi32, #tpu.memory_space<vmem>>) target_semaphore(%arg29 : memref<!tpu.dma_semaphore, #tpu.memory_space<semaphore_mem>>)
    %dma_start3A_327 = tpu.memref_slice %arg10[%add3A_324] : memref<320000xf32, #tpu.memory_space<hbm>> -> memref<8000xf32, #tpu.memory_space<hbm>>
    %dma_start3A_328 = tpu.memref_slice %arg10[%add3A_324] : memref<320000xf32, #tpu.memory_space<hbm>> -> memref<8000xf32, #tpu.memory_space<hbm>>
    tpu.enqueue_dma source(%dma_start3A_328 : memref<8000xf32, #tpu.memory_space<hbm>>) target(%arg22 : memref<8000xf32, #tpu.memory_space<vmem>>) target_semaphore(%arg29 : memref<!tpu.dma_semaphore, #tpu.memory_space<semaphore_mem>>)
    %dma_start3A_329 = tpu.memref_slice %arg7[%arg1, %add3A_324] : memref<16x320000xf32, #tpu.memory_space<hbm>> -> memref<1x8000xf32, #tpu.memory_space<hbm>>
    %dma_start3A_330 = tpu.memref_squeeze %dma_start3A_329 : memref<1x8000xf32, #tpu.memory_space<hbm>> -> memref<8000xf32, #tpu.memory_space<hbm>>
    %dma_start3A_331 = tpu.memref_slice %arg7[%arg1, %add3A_324] : memref<16x320000xf32, #tpu.memory_space<hbm>> -> memref<1x8000xf32, #tpu.memory_space<hbm>>
    %dma_start3A_332 = tpu.memref_squeeze %dma_start3A_331 : memref<1x8000xf32, #tpu.memory_space<hbm>> -> memref<8000xf32, #tpu.memory_space<hbm>>
    tpu.enqueue_dma source(%dma_start3A_332 : memref<8000xf32, #tpu.memory_space<hbm>>) target(%arg24 : memref<8000xf32, #tpu.memory_space<vmem>>) target_semaphore(%arg29 : memref<!tpu.dma_semaphore, #tpu.memory_space<semaphore_mem>>)
    %scan3A_333 = arith.constant 0 : i32
    %scan3A_334 = arith.constant 500 : i32
    %scan3A_335 = arith.addi %scan3A_333, %scan3A_334 : i32
    %scan3A_336 = arith.constant 1 : i32
    scf.for %scan3A_643 = %scan3A_333 to %scan3A_335 step %scan3A_336  : i32 {
      %mul3A_644 = arith.constant 16 : i32
      %mul3A_645 = arith.muli %scan3A_643, %mul3A_644 : i32
      %get3A = arith.index_cast %mul3A_645 : i32 to index
      %get3A_646 = tpu.vector_load %arg19[%get3A] {strides = array<i32>} : memref<8000xi32, #tpu.memory_space<vmem>>, vector<16xi32>,
      %get3A_647 = arith.index_cast %mul3A_645 : i32 to index
      %get3A_648 = tpu.vector_load %arg21[%get3A_647] {strides = array<i32>} : memref<8000xf32, #tpu.memory_space<vmem>>, vector<16xf32>,
      %get3A_649 = arith.index_cast %mul3A_645 : i32 to index
      %get3A_650 = tpu.vector_load %arg23[%get3A_649] {strides = array<i32>} : memref<8000xf32, #tpu.memory_space<vmem>>, vector<16xf32>,
      %mul3A_651 = arith.mulf %get3A_648, %get3A_650 : vector<16xf32>
      tpu.vector_store_idx %arg14[%get3A_646], %mul3A_651 {add = true} : memref<10240xf32, #tpu.memory_space<vmem>>[vector<16xi32>], vector<16xf32>,
    }
    %scan3A_337 = arith.constant 500 : i32
    %add3A_338 = arith.constant 72000 : i32
    %add3A_339 = arith.addi %mul3A_102, %add3A_338 : i32
    %dma_wait3A_340 = tpu.memref_slice %arg3[%add3A_339] : memref<320000xi32, #tpu.memory_space<hbm>> -> memref<8000xi32, #tpu.memory_space<hbm>>
    %dma_wait3A_341 = tpu.memref_slice %arg3[%add3A_339] : memref<320000xi32, #tpu.memory_space<hbm>> -> memref<8000xi32, #tpu.memory_space<hbm>>
    tpu.wait_dma2 semaphore(%arg29 : memref<!tpu.dma_semaphore, #tpu.memory_space<semaphore_mem>>) src(%dma_wait3A_341 : memref<8000xi32, #tpu.memory_space<hbm>>) dst(%arg20 : memref<8000xi32, #tpu.memory_space<vmem>>)
    %dma_wait3A_342 = tpu.memref_slice %arg10[%add3A_339] : memref<320000xf32, #tpu.memory_space<hbm>> -> memref<8000xf32, #tpu.memory_space<hbm>>
    %dma_wait3A_343 = tpu.memref_slice %arg10[%add3A_339] : memref<320000xf32, #tpu.memory_space<hbm>> -> memref<8000xf32, #tpu.memory_space<hbm>>
    tpu.wait_dma2 semaphore(%arg29 : memref<!tpu.dma_semaphore, #tpu.memory_space<semaphore_mem>>) src(%dma_wait3A_343 : memref<8000xf32, #tpu.memory_space<hbm>>) dst(%arg22 : memref<8000xf32, #tpu.memory_space<vmem>>)
    %dma_wait3A_344 = tpu.memref_slice %arg7[%arg1, %add3A_339] : memref<16x320000xf32, #tpu.memory_space<hbm>> -> memref<1x8000xf32, #tpu.memory_space<hbm>>
    %dma_wait3A_345 = tpu.memref_squeeze %dma_wait3A_344 : memref<1x8000xf32, #tpu.memory_space<hbm>> -> memref<8000xf32, #tpu.memory_space<hbm>>
    %dma_wait3A_346 = tpu.memref_slice %arg7[%arg1, %add3A_339] : memref<16x320000xf32, #tpu.memory_space<hbm>> -> memref<1x8000xf32, #tpu.memory_space<hbm>>
    %dma_wait3A_347 = tpu.memref_squeeze %dma_wait3A_346 : memref<1x8000xf32, #tpu.memory_space<hbm>> -> memref<8000xf32, #tpu.memory_space<hbm>>
    tpu.wait_dma2 semaphore(%arg29 : memref<!tpu.dma_semaphore, #tpu.memory_space<semaphore_mem>>) src(%dma_wait3A_347 : memref<8000xf32, #tpu.memory_space<hbm>>) dst(%arg24 : memref<8000xf32, #tpu.memory_space<vmem>>)
    %add3A_348 = arith.constant 80000 : i32
    %add3A_349 = arith.addi %mul3A_102, %add3A_348 : i32
    %dma_start3A_350 = tpu.memref_slice %arg3[%add3A_349] : memref<320000xi32, #tpu.memory_space<hbm>> -> memref<8000xi32, #tpu.memory_space<hbm>>
    %dma_start3A_351 = tpu.memref_slice %arg3[%add3A_349] : memref<320000xi32, #tpu.memory_space<hbm>> -> memref<8000xi32, #tpu.memory_space<hbm>>
    tpu.enqueue_dma source(%dma_start3A_351 : memref<8000xi32, #tpu.memory_space<hbm>>) target(%arg19 : memref<8000xi32, #tpu.memory_space<vmem>>) target_semaphore(%arg28 : memref<!tpu.dma_semaphore, #tpu.memory_space<semaphore_mem>>)
    %dma_start3A_352 = tpu.memref_slice %arg10[%add3A_349] : memref<320000xf32, #tpu.memory_space<hbm>> -> memref<8000xf32, #tpu.memory_space<hbm>>
    %dma_start3A_353 = tpu.memref_slice %arg10[%add3A_349] : memref<320000xf32, #tpu.memory_space<hbm>> -> memref<8000xf32, #tpu.memory_space<hbm>>
    tpu.enqueue_dma source(%dma_start3A_353 : memref<8000xf32, #tpu.memory_space<hbm>>) target(%arg21 : memref<8000xf32, #tpu.memory_space<vmem>>) target_semaphore(%arg28 : memref<!tpu.dma_semaphore, #tpu.memory_space<semaphore_mem>>)
    %dma_start3A_354 = tpu.memref_slice %arg7[%arg1, %add3A_349] : memref<16x320000xf32, #tpu.memory_space<hbm>> -> memref<1x8000xf32, #tpu.memory_space<hbm>>
    %dma_start3A_355 = tpu.memref_squeeze %dma_start3A_354 : memref<1x8000xf32, #tpu.memory_space<hbm>> -> memref<8000xf32, #tpu.memory_space<hbm>>
    %dma_start3A_356 = tpu.memref_slice %arg7[%arg1, %add3A_349] : memref<16x320000xf32, #tpu.memory_space<hbm>> -> memref<1x8000xf32, #tpu.memory_space<hbm>>
    %dma_start3A_357 = tpu.memref_squeeze %dma_start3A_356 : memref<1x8000xf32, #tpu.memory_space<hbm>> -> memref<8000xf32, #tpu.memory_space<hbm>>
    tpu.enqueue_dma source(%dma_start3A_357 : memref<8000xf32, #tpu.memory_space<hbm>>) target(%arg23 : memref<8000xf32, #tpu.memory_space<vmem>>) target_semaphore(%arg28 : memref<!tpu.dma_semaphore, #tpu.memory_space<semaphore_mem>>)
    %scan3A_358 = arith.constant 0 : i32
    %scan3A_359 = arith.constant 500 : i32
    %scan3A_360 = arith.addi %scan3A_358, %scan3A_359 : i32
    %scan3A_361 = arith.constant 1 : i32
    scf.for %scan3A_643 = %scan3A_358 to %scan3A_360 step %scan3A_361  : i32 {
      %mul3A_644 = arith.constant 16 : i32
      %mul3A_645 = arith.muli %scan3A_643, %mul3A_644 : i32
      %get3A = arith.index_cast %mul3A_645 : i32 to index
      %get3A_646 = tpu.vector_load %arg20[%get3A] {strides = array<i32>} : memref<8000xi32, #tpu.memory_space<vmem>>, vector<16xi32>,
      %get3A_647 = arith.index_cast %mul3A_645 : i32 to index
      %get3A_648 = tpu.vector_load %arg22[%get3A_647] {strides = array<i32>} : memref<8000xf32, #tpu.memory_space<vmem>>, vector<16xf32>,
      %get3A_649 = arith.index_cast %mul3A_645 : i32 to index
      %get3A_650 = tpu.vector_load %arg24[%get3A_649] {strides = array<i32>} : memref<8000xf32, #tpu.memory_space<vmem>>, vector<16xf32>,
      %mul3A_651 = arith.mulf %get3A_648, %get3A_650 : vector<16xf32>
      tpu.vector_store_idx %arg14[%get3A_646], %mul3A_651 {add = true} : memref<10240xf32, #tpu.memory_space<vmem>>[vector<16xi32>], vector<16xf32>,
    }
    %scan3A_362 = arith.constant 500 : i32
    %add3A_363 = arith.constant 80000 : i32
    %add3A_364 = arith.addi %mul3A_102, %add3A_363 : i32
    %dma_wait3A_365 = tpu.memref_slice %arg3[%add3A_364] : memref<320000xi32, #tpu.memory_space<hbm>> -> memref<8000xi32, #tpu.memory_space<hbm>>
    %dma_wait3A_366 = tpu.memref_slice %arg3[%add3A_364] : memref<320000xi32, #tpu.memory_space<hbm>> -> memref<8000xi32, #tpu.memory_space<hbm>>
    tpu.wait_dma2 semaphore(%arg28 : memref<!tpu.dma_semaphore, #tpu.memory_space<semaphore_mem>>) src(%dma_wait3A_366 : memref<8000xi32, #tpu.memory_space<hbm>>) dst(%arg19 : memref<8000xi32, #tpu.memory_space<vmem>>)
    %dma_wait3A_367 = tpu.memref_slice %arg10[%add3A_364] : memref<320000xf32, #tpu.memory_space<hbm>> -> memref<8000xf32, #tpu.memory_space<hbm>>
    %dma_wait3A_368 = tpu.memref_slice %arg10[%add3A_364] : memref<320000xf32, #tpu.memory_space<hbm>> -> memref<8000xf32, #tpu.memory_space<hbm>>
    tpu.wait_dma2 semaphore(%arg28 : memref<!tpu.dma_semaphore, #tpu.memory_space<semaphore_mem>>) src(%dma_wait3A_368 : memref<8000xf32, #tpu.memory_space<hbm>>) dst(%arg21 : memref<8000xf32, #tpu.memory_space<vmem>>)
    %dma_wait3A_369 = tpu.memref_slice %arg7[%arg1, %add3A_364] : memref<16x320000xf32, #tpu.memory_space<hbm>> -> memref<1x8000xf32, #tpu.memory_space<hbm>>
    %dma_wait3A_370 = tpu.memref_squeeze %dma_wait3A_369 : memref<1x8000xf32, #tpu.memory_space<hbm>> -> memref<8000xf32, #tpu.memory_space<hbm>>
    %dma_wait3A_371 = tpu.memref_slice %arg7[%arg1, %add3A_364] : memref<16x320000xf32, #tpu.memory_space<hbm>> -> memref<1x8000xf32, #tpu.memory_space<hbm>>
    %dma_wait3A_372 = tpu.memref_squeeze %dma_wait3A_371 : memref<1x8000xf32, #tpu.memory_space<hbm>> -> memref<8000xf32, #tpu.memory_space<hbm>>
    tpu.wait_dma2 semaphore(%arg28 : memref<!tpu.dma_semaphore, #tpu.memory_space<semaphore_mem>>) src(%dma_wait3A_372 : memref<8000xf32, #tpu.memory_space<hbm>>) dst(%arg23 : memref<8000xf32, #tpu.memory_space<vmem>>)
    %add3A_373 = arith.constant 88000 : i32
    %add3A_374 = arith.addi %mul3A_102, %add3A_373 : i32
    %dma_start3A_375 = tpu.memref_slice %arg3[%add3A_374] : memref<320000xi32, #tpu.memory_space<hbm>> -> memref<8000xi32, #tpu.memory_space<hbm>>
    %dma_start3A_376 = tpu.memref_slice %arg3[%add3A_374] : memref<320000xi32, #tpu.memory_space<hbm>> -> memref<8000xi32, #tpu.memory_space<hbm>>
    tpu.enqueue_dma source(%dma_start3A_376 : memref<8000xi32, #tpu.memory_space<hbm>>) target(%arg20 : memref<8000xi32, #tpu.memory_space<vmem>>) target_semaphore(%arg29 : memref<!tpu.dma_semaphore, #tpu.memory_space<semaphore_mem>>)
    %dma_start3A_377 = tpu.memref_slice %arg10[%add3A_374] : memref<320000xf32, #tpu.memory_space<hbm>> -> memref<8000xf32, #tpu.memory_space<hbm>>
    %dma_start3A_378 = tpu.memref_slice %arg10[%add3A_374] : memref<320000xf32, #tpu.memory_space<hbm>> -> memref<8000xf32, #tpu.memory_space<hbm>>
    tpu.enqueue_dma source(%dma_start3A_378 : memref<8000xf32, #tpu.memory_space<hbm>>) target(%arg22 : memref<8000xf32, #tpu.memory_space<vmem>>) target_semaphore(%arg29 : memref<!tpu.dma_semaphore, #tpu.memory_space<semaphore_mem>>)
    %dma_start3A_379 = tpu.memref_slice %arg7[%arg1, %add3A_374] : memref<16x320000xf32, #tpu.memory_space<hbm>> -> memref<1x8000xf32, #tpu.memory_space<hbm>>
    %dma_start3A_380 = tpu.memref_squeeze %dma_start3A_379 : memref<1x8000xf32, #tpu.memory_space<hbm>> -> memref<8000xf32, #tpu.memory_space<hbm>>
    %dma_start3A_381 = tpu.memref_slice %arg7[%arg1, %add3A_374] : memref<16x320000xf32, #tpu.memory_space<hbm>> -> memref<1x8000xf32, #tpu.memory_space<hbm>>
    %dma_start3A_382 = tpu.memref_squeeze %dma_start3A_381 : memref<1x8000xf32, #tpu.memory_space<hbm>> -> memref<8000xf32, #tpu.memory_space<hbm>>
    tpu.enqueue_dma source(%dma_start3A_382 : memref<8000xf32, #tpu.memory_space<hbm>>) target(%arg24 : memref<8000xf32, #tpu.memory_space<vmem>>) target_semaphore(%arg29 : memref<!tpu.dma_semaphore, #tpu.memory_space<semaphore_mem>>)
    %scan3A_383 = arith.constant 0 : i32
    %scan3A_384 = arith.constant 500 : i32
    %scan3A_385 = arith.addi %scan3A_383, %scan3A_384 : i32
    %scan3A_386 = arith.constant 1 : i32
    scf.for %scan3A_643 = %scan3A_383 to %scan3A_385 step %scan3A_386  : i32 {
      %mul3A_644 = arith.constant 16 : i32
      %mul3A_645 = arith.muli %scan3A_643, %mul3A_644 : i32
      %get3A = arith.index_cast %mul3A_645 : i32 to index
      %get3A_646 = tpu.vector_load %arg19[%get3A] {strides = array<i32>} : memref<8000xi32, #tpu.memory_space<vmem>>, vector<16xi32>,
      %get3A_647 = arith.index_cast %mul3A_645 : i32 to index
      %get3A_648 = tpu.vector_load %arg21[%get3A_647] {strides = array<i32>} : memref<8000xf32, #tpu.memory_space<vmem>>, vector<16xf32>,
      %get3A_649 = arith.index_cast %mul3A_645 : i32 to index
      %get3A_650 = tpu.vector_load %arg23[%get3A_649] {strides = array<i32>} : memref<8000xf32, #tpu.memory_space<vmem>>, vector<16xf32>,
      %mul3A_651 = arith.mulf %get3A_648, %get3A_650 : vector<16xf32>
      tpu.vector_store_idx %arg14[%get3A_646], %mul3A_651 {add = true} : memref<10240xf32, #tpu.memory_space<vmem>>[vector<16xi32>], vector<16xf32>,
    }
    %scan3A_387 = arith.constant 500 : i32
    %add3A_388 = arith.constant 88000 : i32
    %add3A_389 = arith.addi %mul3A_102, %add3A_388 : i32
    %dma_wait3A_390 = tpu.memref_slice %arg3[%add3A_389] : memref<320000xi32, #tpu.memory_space<hbm>> -> memref<8000xi32, #tpu.memory_space<hbm>>
    %dma_wait3A_391 = tpu.memref_slice %arg3[%add3A_389] : memref<320000xi32, #tpu.memory_space<hbm>> -> memref<8000xi32, #tpu.memory_space<hbm>>
    tpu.wait_dma2 semaphore(%arg29 : memref<!tpu.dma_semaphore, #tpu.memory_space<semaphore_mem>>) src(%dma_wait3A_391 : memref<8000xi32, #tpu.memory_space<hbm>>) dst(%arg20 : memref<8000xi32, #tpu.memory_space<vmem>>)
    %dma_wait3A_392 = tpu.memref_slice %arg10[%add3A_389] : memref<320000xf32, #tpu.memory_space<hbm>> -> memref<8000xf32, #tpu.memory_space<hbm>>
    %dma_wait3A_393 = tpu.memref_slice %arg10[%add3A_389] : memref<320000xf32, #tpu.memory_space<hbm>> -> memref<8000xf32, #tpu.memory_space<hbm>>
    tpu.wait_dma2 semaphore(%arg29 : memref<!tpu.dma_semaphore, #tpu.memory_space<semaphore_mem>>) src(%dma_wait3A_393 : memref<8000xf32, #tpu.memory_space<hbm>>) dst(%arg22 : memref<8000xf32, #tpu.memory_space<vmem>>)
    %dma_wait3A_394 = tpu.memref_slice %arg7[%arg1, %add3A_389] : memref<16x320000xf32, #tpu.memory_space<hbm>> -> memref<1x8000xf32, #tpu.memory_space<hbm>>
    %dma_wait3A_395 = tpu.memref_squeeze %dma_wait3A_394 : memref<1x8000xf32, #tpu.memory_space<hbm>> -> memref<8000xf32, #tpu.memory_space<hbm>>
    %dma_wait3A_396 = tpu.memref_slice %arg7[%arg1, %add3A_389] : memref<16x320000xf32, #tpu.memory_space<hbm>> -> memref<1x8000xf32, #tpu.memory_space<hbm>>
    %dma_wait3A_397 = tpu.memref_squeeze %dma_wait3A_396 : memref<1x8000xf32, #tpu.memory_space<hbm>> -> memref<8000xf32, #tpu.memory_space<hbm>>
    tpu.wait_dma2 semaphore(%arg29 : memref<!tpu.dma_semaphore, #tpu.memory_space<semaphore_mem>>) src(%dma_wait3A_397 : memref<8000xf32, #tpu.memory_space<hbm>>) dst(%arg24 : memref<8000xf32, #tpu.memory_space<vmem>>)
    %add3A_398 = arith.constant 96000 : i32
    %add3A_399 = arith.addi %mul3A_102, %add3A_398 : i32
    %dma_start3A_400 = tpu.memref_slice %arg3[%add3A_399] : memref<320000xi32, #tpu.memory_space<hbm>> -> memref<8000xi32, #tpu.memory_space<hbm>>
    %dma_start3A_401 = tpu.memref_slice %arg3[%add3A_399] : memref<320000xi32, #tpu.memory_space<hbm>> -> memref<8000xi32, #tpu.memory_space<hbm>>
    tpu.enqueue_dma source(%dma_start3A_401 : memref<8000xi32, #tpu.memory_space<hbm>>) target(%arg19 : memref<8000xi32, #tpu.memory_space<vmem>>) target_semaphore(%arg28 : memref<!tpu.dma_semaphore, #tpu.memory_space<semaphore_mem>>)
    %dma_start3A_402 = tpu.memref_slice %arg10[%add3A_399] : memref<320000xf32, #tpu.memory_space<hbm>> -> memref<8000xf32, #tpu.memory_space<hbm>>
    %dma_start3A_403 = tpu.memref_slice %arg10[%add3A_399] : memref<320000xf32, #tpu.memory_space<hbm>> -> memref<8000xf32, #tpu.memory_space<hbm>>
    tpu.enqueue_dma source(%dma_start3A_403 : memref<8000xf32, #tpu.memory_space<hbm>>) target(%arg21 : memref<8000xf32, #tpu.memory_space<vmem>>) target_semaphore(%arg28 : memref<!tpu.dma_semaphore, #tpu.memory_space<semaphore_mem>>)
    %dma_start3A_404 = tpu.memref_slice %arg7[%arg1, %add3A_399] : memref<16x320000xf32, #tpu.memory_space<hbm>> -> memref<1x8000xf32, #tpu.memory_space<hbm>>
    %dma_start3A_405 = tpu.memref_squeeze %dma_start3A_404 : memref<1x8000xf32, #tpu.memory_space<hbm>> -> memref<8000xf32, #tpu.memory_space<hbm>>
    %dma_start3A_406 = tpu.memref_slice %arg7[%arg1, %add3A_399] : memref<16x320000xf32, #tpu.memory_space<hbm>> -> memref<1x8000xf32, #tpu.memory_space<hbm>>
    %dma_start3A_407 = tpu.memref_squeeze %dma_start3A_406 : memref<1x8000xf32, #tpu.memory_space<hbm>> -> memref<8000xf32, #tpu.memory_space<hbm>>
    tpu.enqueue_dma source(%dma_start3A_407 : memref<8000xf32, #tpu.memory_space<hbm>>) target(%arg23 : memref<8000xf32, #tpu.memory_space<vmem>>) target_semaphore(%arg28 : memref<!tpu.dma_semaphore, #tpu.memory_space<semaphore_mem>>)
    %scan3A_408 = arith.constant 0 : i32
    %scan3A_409 = arith.constant 500 : i32
    %scan3A_410 = arith.addi %scan3A_408, %scan3A_409 : i32
    %scan3A_411 = arith.constant 1 : i32
    scf.for %scan3A_643 = %scan3A_408 to %scan3A_410 step %scan3A_411  : i32 {
      %mul3A_644 = arith.constant 16 : i32
      %mul3A_645 = arith.muli %scan3A_643, %mul3A_644 : i32
      %get3A = arith.index_cast %mul3A_645 : i32 to index
      %get3A_646 = tpu.vector_load %arg20[%get3A] {strides = array<i32>} : memref<8000xi32, #tpu.memory_space<vmem>>, vector<16xi32>,
      %get3A_647 = arith.index_cast %mul3A_645 : i32 to index
      %get3A_648 = tpu.vector_load %arg22[%get3A_647] {strides = array<i32>} : memref<8000xf32, #tpu.memory_space<vmem>>, vector<16xf32>,
      %get3A_649 = arith.index_cast %mul3A_645 : i32 to index
      %get3A_650 = tpu.vector_load %arg24[%get3A_649] {strides = array<i32>} : memref<8000xf32, #tpu.memory_space<vmem>>, vector<16xf32>,
      %mul3A_651 = arith.mulf %get3A_648, %get3A_650 : vector<16xf32>
      tpu.vector_store_idx %arg14[%get3A_646], %mul3A_651 {add = true} : memref<10240xf32, #tpu.memory_space<vmem>>[vector<16xi32>], vector<16xf32>,
    }
    %scan3A_412 = arith.constant 500 : i32
    %add3A_413 = arith.constant 96000 : i32
    %add3A_414 = arith.addi %mul3A_102, %add3A_413 : i32
    %dma_wait3A_415 = tpu.memref_slice %arg3[%add3A_414] : memref<320000xi32, #tpu.memory_space<hbm>> -> memref<8000xi32, #tpu.memory_space<hbm>>
    %dma_wait3A_416 = tpu.memref_slice %arg3[%add3A_414] : memref<320000xi32, #tpu.memory_space<hbm>> -> memref<8000xi32, #tpu.memory_space<hbm>>
    tpu.wait_dma2 semaphore(%arg28 : memref<!tpu.dma_semaphore, #tpu.memory_space<semaphore_mem>>) src(%dma_wait3A_416 : memref<8000xi32, #tpu.memory_space<hbm>>) dst(%arg19 : memref<8000xi32, #tpu.memory_space<vmem>>)
    %dma_wait3A_417 = tpu.memref_slice %arg10[%add3A_414] : memref<320000xf32, #tpu.memory_space<hbm>> -> memref<8000xf32, #tpu.memory_space<hbm>>
    %dma_wait3A_418 = tpu.memref_slice %arg10[%add3A_414] : memref<320000xf32, #tpu.memory_space<hbm>> -> memref<8000xf32, #tpu.memory_space<hbm>>
    tpu.wait_dma2 semaphore(%arg28 : memref<!tpu.dma_semaphore, #tpu.memory_space<semaphore_mem>>) src(%dma_wait3A_418 : memref<8000xf32, #tpu.memory_space<hbm>>) dst(%arg21 : memref<8000xf32, #tpu.memory_space<vmem>>)
    %dma_wait3A_419 = tpu.memref_slice %arg7[%arg1, %add3A_414] : memref<16x320000xf32, #tpu.memory_space<hbm>> -> memref<1x8000xf32, #tpu.memory_space<hbm>>
    %dma_wait3A_420 = tpu.memref_squeeze %dma_wait3A_419 : memref<1x8000xf32, #tpu.memory_space<hbm>> -> memref<8000xf32, #tpu.memory_space<hbm>>
    %dma_wait3A_421 = tpu.memref_slice %arg7[%arg1, %add3A_414] : memref<16x320000xf32, #tpu.memory_space<hbm>> -> memref<1x8000xf32, #tpu.memory_space<hbm>>
    %dma_wait3A_422 = tpu.memref_squeeze %dma_wait3A_421 : memref<1x8000xf32, #tpu.memory_space<hbm>> -> memref<8000xf32, #tpu.memory_space<hbm>>
    tpu.wait_dma2 semaphore(%arg28 : memref<!tpu.dma_semaphore, #tpu.memory_space<semaphore_mem>>) src(%dma_wait3A_422 : memref<8000xf32, #tpu.memory_space<hbm>>) dst(%arg23 : memref<8000xf32, #tpu.memory_space<vmem>>)
    %add3A_423 = arith.constant 104000 : i32
    %add3A_424 = arith.addi %mul3A_102, %add3A_423 : i32
    %dma_start3A_425 = tpu.memref_slice %arg3[%add3A_424] : memref<320000xi32, #tpu.memory_space<hbm>> -> memref<8000xi32, #tpu.memory_space<hbm>>
    %dma_start3A_426 = tpu.memref_slice %arg3[%add3A_424] : memref<320000xi32, #tpu.memory_space<hbm>> -> memref<8000xi32, #tpu.memory_space<hbm>>
    tpu.enqueue_dma source(%dma_start3A_426 : memref<8000xi32, #tpu.memory_space<hbm>>) target(%arg20 : memref<8000xi32, #tpu.memory_space<vmem>>) target_semaphore(%arg29 : memref<!tpu.dma_semaphore, #tpu.memory_space<semaphore_mem>>)
    %dma_start3A_427 = tpu.memref_slice %arg10[%add3A_424] : memref<320000xf32, #tpu.memory_space<hbm>> -> memref<8000xf32, #tpu.memory_space<hbm>>
    %dma_start3A_428 = tpu.memref_slice %arg10[%add3A_424] : memref<320000xf32, #tpu.memory_space<hbm>> -> memref<8000xf32, #tpu.memory_space<hbm>>
    tpu.enqueue_dma source(%dma_start3A_428 : memref<8000xf32, #tpu.memory_space<hbm>>) target(%arg22 : memref<8000xf32, #tpu.memory_space<vmem>>) target_semaphore(%arg29 : memref<!tpu.dma_semaphore, #tpu.memory_space<semaphore_mem>>)
    %dma_start3A_429 = tpu.memref_slice %arg7[%arg1, %add3A_424] : memref<16x320000xf32, #tpu.memory_space<hbm>> -> memref<1x8000xf32, #tpu.memory_space<hbm>>
    %dma_start3A_430 = tpu.memref_squeeze %dma_start3A_429 : memref<1x8000xf32, #tpu.memory_space<hbm>> -> memref<8000xf32, #tpu.memory_space<hbm>>
    %dma_start3A_431 = tpu.memref_slice %arg7[%arg1, %add3A_424] : memref<16x320000xf32, #tpu.memory_space<hbm>> -> memref<1x8000xf32, #tpu.memory_space<hbm>>
    %dma_start3A_432 = tpu.memref_squeeze %dma_start3A_431 : memref<1x8000xf32, #tpu.memory_space<hbm>> -> memref<8000xf32, #tpu.memory_space<hbm>>
    tpu.enqueue_dma source(%dma_start3A_432 : memref<8000xf32, #tpu.memory_space<hbm>>) target(%arg24 : memref<8000xf32, #tpu.memory_space<vmem>>) target_semaphore(%arg29 : memref<!tpu.dma_semaphore, #tpu.memory_space<semaphore_mem>>)
    %scan3A_433 = arith.constant 0 : i32
    %scan3A_434 = arith.constant 500 : i32
    %scan3A_435 = arith.addi %scan3A_433, %scan3A_434 : i32
    %scan3A_436 = arith.constant 1 : i32
    scf.for %scan3A_643 = %scan3A_433 to %scan3A_435 step %scan3A_436  : i32 {
      %mul3A_644 = arith.constant 16 : i32
      %mul3A_645 = arith.muli %scan3A_643, %mul3A_644 : i32
      %get3A = arith.index_cast %mul3A_645 : i32 to index
      %get3A_646 = tpu.vector_load %arg19[%get3A] {strides = array<i32>} : memref<8000xi32, #tpu.memory_space<vmem>>, vector<16xi32>,
      %get3A_647 = arith.index_cast %mul3A_645 : i32 to index
      %get3A_648 = tpu.vector_load %arg21[%get3A_647] {strides = array<i32>} : memref<8000xf32, #tpu.memory_space<vmem>>, vector<16xf32>,
      %get3A_649 = arith.index_cast %mul3A_645 : i32 to index
      %get3A_650 = tpu.vector_load %arg23[%get3A_649] {strides = array<i32>} : memref<8000xf32, #tpu.memory_space<vmem>>, vector<16xf32>,
      %mul3A_651 = arith.mulf %get3A_648, %get3A_650 : vector<16xf32>
      tpu.vector_store_idx %arg14[%get3A_646], %mul3A_651 {add = true} : memref<10240xf32, #tpu.memory_space<vmem>>[vector<16xi32>], vector<16xf32>,
    }
    %scan3A_437 = arith.constant 500 : i32
    %add3A_438 = arith.constant 104000 : i32
    %add3A_439 = arith.addi %mul3A_102, %add3A_438 : i32
    %dma_wait3A_440 = tpu.memref_slice %arg3[%add3A_439] : memref<320000xi32, #tpu.memory_space<hbm>> -> memref<8000xi32, #tpu.memory_space<hbm>>
    %dma_wait3A_441 = tpu.memref_slice %arg3[%add3A_439] : memref<320000xi32, #tpu.memory_space<hbm>> -> memref<8000xi32, #tpu.memory_space<hbm>>
    tpu.wait_dma2 semaphore(%arg29 : memref<!tpu.dma_semaphore, #tpu.memory_space<semaphore_mem>>) src(%dma_wait3A_441 : memref<8000xi32, #tpu.memory_space<hbm>>) dst(%arg20 : memref<8000xi32, #tpu.memory_space<vmem>>)
    %dma_wait3A_442 = tpu.memref_slice %arg10[%add3A_439] : memref<320000xf32, #tpu.memory_space<hbm>> -> memref<8000xf32, #tpu.memory_space<hbm>>
    %dma_wait3A_443 = tpu.memref_slice %arg10[%add3A_439] : memref<320000xf32, #tpu.memory_space<hbm>> -> memref<8000xf32, #tpu.memory_space<hbm>>
    tpu.wait_dma2 semaphore(%arg29 : memref<!tpu.dma_semaphore, #tpu.memory_space<semaphore_mem>>) src(%dma_wait3A_443 : memref<8000xf32, #tpu.memory_space<hbm>>) dst(%arg22 : memref<8000xf32, #tpu.memory_space<vmem>>)
    %dma_wait3A_444 = tpu.memref_slice %arg7[%arg1, %add3A_439] : memref<16x320000xf32, #tpu.memory_space<hbm>> -> memref<1x8000xf32, #tpu.memory_space<hbm>>
    %dma_wait3A_445 = tpu.memref_squeeze %dma_wait3A_444 : memref<1x8000xf32, #tpu.memory_space<hbm>> -> memref<8000xf32, #tpu.memory_space<hbm>>
    %dma_wait3A_446 = tpu.memref_slice %arg7[%arg1, %add3A_439] : memref<16x320000xf32, #tpu.memory_space<hbm>> -> memref<1x8000xf32, #tpu.memory_space<hbm>>
    %dma_wait3A_447 = tpu.memref_squeeze %dma_wait3A_446 : memref<1x8000xf32, #tpu.memory_space<hbm>> -> memref<8000xf32, #tpu.memory_space<hbm>>
    tpu.wait_dma2 semaphore(%arg29 : memref<!tpu.dma_semaphore, #tpu.memory_space<semaphore_mem>>) src(%dma_wait3A_447 : memref<8000xf32, #tpu.memory_space<hbm>>) dst(%arg24 : memref<8000xf32, #tpu.memory_space<vmem>>)
    %add3A_448 = arith.constant 112000 : i32
    %add3A_449 = arith.addi %mul3A_102, %add3A_448 : i32
    %dma_start3A_450 = tpu.memref_slice %arg3[%add3A_449] : memref<320000xi32, #tpu.memory_space<hbm>> -> memref<8000xi32, #tpu.memory_space<hbm>>
    %dma_start3A_451 = tpu.memref_slice %arg3[%add3A_449] : memref<320000xi32, #tpu.memory_space<hbm>> -> memref<8000xi32, #tpu.memory_space<hbm>>
    tpu.enqueue_dma source(%dma_start3A_451 : memref<8000xi32, #tpu.memory_space<hbm>>) target(%arg19 : memref<8000xi32, #tpu.memory_space<vmem>>) target_semaphore(%arg28 : memref<!tpu.dma_semaphore, #tpu.memory_space<semaphore_mem>>)
    %dma_start3A_452 = tpu.memref_slice %arg10[%add3A_449] : memref<320000xf32, #tpu.memory_space<hbm>> -> memref<8000xf32, #tpu.memory_space<hbm>>
    %dma_start3A_453 = tpu.memref_slice %arg10[%add3A_449] : memref<320000xf32, #tpu.memory_space<hbm>> -> memref<8000xf32, #tpu.memory_space<hbm>>
    tpu.enqueue_dma source(%dma_start3A_453 : memref<8000xf32, #tpu.memory_space<hbm>>) target(%arg21 : memref<8000xf32, #tpu.memory_space<vmem>>) target_semaphore(%arg28 : memref<!tpu.dma_semaphore, #tpu.memory_space<semaphore_mem>>)
    %dma_start3A_454 = tpu.memref_slice %arg7[%arg1, %add3A_449] : memref<16x320000xf32, #tpu.memory_space<hbm>> -> memref<1x8000xf32, #tpu.memory_space<hbm>>
    %dma_start3A_455 = tpu.memref_squeeze %dma_start3A_454 : memref<1x8000xf32, #tpu.memory_space<hbm>> -> memref<8000xf32, #tpu.memory_space<hbm>>
    %dma_start3A_456 = tpu.memref_slice %arg7[%arg1, %add3A_449] : memref<16x320000xf32, #tpu.memory_space<hbm>> -> memref<1x8000xf32, #tpu.memory_space<hbm>>
    %dma_start3A_457 = tpu.memref_squeeze %dma_start3A_456 : memref<1x8000xf32, #tpu.memory_space<hbm>> -> memref<8000xf32, #tpu.memory_space<hbm>>
    tpu.enqueue_dma source(%dma_start3A_457 : memref<8000xf32, #tpu.memory_space<hbm>>) target(%arg23 : memref<8000xf32, #tpu.memory_space<vmem>>) target_semaphore(%arg28 : memref<!tpu.dma_semaphore, #tpu.memory_space<semaphore_mem>>)
    %scan3A_458 = arith.constant 0 : i32
    %scan3A_459 = arith.constant 500 : i32
    %scan3A_460 = arith.addi %scan3A_458, %scan3A_459 : i32
    %scan3A_461 = arith.constant 1 : i32
    scf.for %scan3A_643 = %scan3A_458 to %scan3A_460 step %scan3A_461  : i32 {
      %mul3A_644 = arith.constant 16 : i32
      %mul3A_645 = arith.muli %scan3A_643, %mul3A_644 : i32
      %get3A = arith.index_cast %mul3A_645 : i32 to index
      %get3A_646 = tpu.vector_load %arg20[%get3A] {strides = array<i32>} : memref<8000xi32, #tpu.memory_space<vmem>>, vector<16xi32>,
      %get3A_647 = arith.index_cast %mul3A_645 : i32 to index
      %get3A_648 = tpu.vector_load %arg22[%get3A_647] {strides = array<i32>} : memref<8000xf32, #tpu.memory_space<vmem>>, vector<16xf32>,
      %get3A_649 = arith.index_cast %mul3A_645 : i32 to index
      %get3A_650 = tpu.vector_load %arg24[%get3A_649] {strides = array<i32>} : memref<8000xf32, #tpu.memory_space<vmem>>, vector<16xf32>,
      %mul3A_651 = arith.mulf %get3A_648, %get3A_650 : vector<16xf32>
      tpu.vector_store_idx %arg14[%get3A_646], %mul3A_651 {add = true} : memref<10240xf32, #tpu.memory_space<vmem>>[vector<16xi32>], vector<16xf32>,
    }
    %scan3A_462 = arith.constant 500 : i32
    %add3A_463 = arith.constant 112000 : i32
    %add3A_464 = arith.addi %mul3A_102, %add3A_463 : i32
    %dma_wait3A_465 = tpu.memref_slice %arg3[%add3A_464] : memref<320000xi32, #tpu.memory_space<hbm>> -> memref<8000xi32, #tpu.memory_space<hbm>>
    %dma_wait3A_466 = tpu.memref_slice %arg3[%add3A_464] : memref<320000xi32, #tpu.memory_space<hbm>> -> memref<8000xi32, #tpu.memory_space<hbm>>
    tpu.wait_dma2 semaphore(%arg28 : memref<!tpu.dma_semaphore, #tpu.memory_space<semaphore_mem>>) src(%dma_wait3A_466 : memref<8000xi32, #tpu.memory_space<hbm>>) dst(%arg19 : memref<8000xi32, #tpu.memory_space<vmem>>)
    %dma_wait3A_467 = tpu.memref_slice %arg10[%add3A_464] : memref<320000xf32, #tpu.memory_space<hbm>> -> memref<8000xf32, #tpu.memory_space<hbm>>
    %dma_wait3A_468 = tpu.memref_slice %arg10[%add3A_464] : memref<320000xf32, #tpu.memory_space<hbm>> -> memref<8000xf32, #tpu.memory_space<hbm>>
    tpu.wait_dma2 semaphore(%arg28 : memref<!tpu.dma_semaphore, #tpu.memory_space<semaphore_mem>>) src(%dma_wait3A_468 : memref<8000xf32, #tpu.memory_space<hbm>>) dst(%arg21 : memref<8000xf32, #tpu.memory_space<vmem>>)
    %dma_wait3A_469 = tpu.memref_slice %arg7[%arg1, %add3A_464] : memref<16x320000xf32, #tpu.memory_space<hbm>> -> memref<1x8000xf32, #tpu.memory_space<hbm>>
    %dma_wait3A_470 = tpu.memref_squeeze %dma_wait3A_469 : memref<1x8000xf32, #tpu.memory_space<hbm>> -> memref<8000xf32, #tpu.memory_space<hbm>>
    %dma_wait3A_471 = tpu.memref_slice %arg7[%arg1, %add3A_464] : memref<16x320000xf32, #tpu.memory_space<hbm>> -> memref<1x8000xf32, #tpu.memory_space<hbm>>
    %dma_wait3A_472 = tpu.memref_squeeze %dma_wait3A_471 : memref<1x8000xf32, #tpu.memory_space<hbm>> -> memref<8000xf32, #tpu.memory_space<hbm>>
    tpu.wait_dma2 semaphore(%arg28 : memref<!tpu.dma_semaphore, #tpu.memory_space<semaphore_mem>>) src(%dma_wait3A_472 : memref<8000xf32, #tpu.memory_space<hbm>>) dst(%arg23 : memref<8000xf32, #tpu.memory_space<vmem>>)
    %add3A_473 = arith.constant 120000 : i32
    %add3A_474 = arith.addi %mul3A_102, %add3A_473 : i32
    %dma_start3A_475 = tpu.memref_slice %arg3[%add3A_474] : memref<320000xi32, #tpu.memory_space<hbm>> -> memref<8000xi32, #tpu.memory_space<hbm>>
    %dma_start3A_476 = tpu.memref_slice %arg3[%add3A_474] : memref<320000xi32, #tpu.memory_space<hbm>> -> memref<8000xi32, #tpu.memory_space<hbm>>
    tpu.enqueue_dma source(%dma_start3A_476 : memref<8000xi32, #tpu.memory_space<hbm>>) target(%arg20 : memref<8000xi32, #tpu.memory_space<vmem>>) target_semaphore(%arg29 : memref<!tpu.dma_semaphore, #tpu.memory_space<semaphore_mem>>)
    %dma_start3A_477 = tpu.memref_slice %arg10[%add3A_474] : memref<320000xf32, #tpu.memory_space<hbm>> -> memref<8000xf32, #tpu.memory_space<hbm>>
    %dma_start3A_478 = tpu.memref_slice %arg10[%add3A_474] : memref<320000xf32, #tpu.memory_space<hbm>> -> memref<8000xf32, #tpu.memory_space<hbm>>
    tpu.enqueue_dma source(%dma_start3A_478 : memref<8000xf32, #tpu.memory_space<hbm>>) target(%arg22 : memref<8000xf32, #tpu.memory_space<vmem>>) target_semaphore(%arg29 : memref<!tpu.dma_semaphore, #tpu.memory_space<semaphore_mem>>)
    %dma_start3A_479 = tpu.memref_slice %arg7[%arg1, %add3A_474] : memref<16x320000xf32, #tpu.memory_space<hbm>> -> memref<1x8000xf32, #tpu.memory_space<hbm>>
    %dma_start3A_480 = tpu.memref_squeeze %dma_start3A_479 : memref<1x8000xf32, #tpu.memory_space<hbm>> -> memref<8000xf32, #tpu.memory_space<hbm>>
    %dma_start3A_481 = tpu.memref_slice %arg7[%arg1, %add3A_474] : memref<16x320000xf32, #tpu.memory_space<hbm>> -> memref<1x8000xf32, #tpu.memory_space<hbm>>
    %dma_start3A_482 = tpu.memref_squeeze %dma_start3A_481 : memref<1x8000xf32, #tpu.memory_space<hbm>> -> memref<8000xf32, #tpu.memory_space<hbm>>
    tpu.enqueue_dma source(%dma_start3A_482 : memref<8000xf32, #tpu.memory_space<hbm>>) target(%arg24 : memref<8000xf32, #tpu.memory_space<vmem>>) target_semaphore(%arg29 : memref<!tpu.dma_semaphore, #tpu.memory_space<semaphore_mem>>)
    %scan3A_483 = arith.constant 0 : i32
    %scan3A_484 = arith.constant 500 : i32
    %scan3A_485 = arith.addi %scan3A_483, %scan3A_484 : i32
    %scan3A_486 = arith.constant 1 : i32
    scf.for %scan3A_643 = %scan3A_483 to %scan3A_485 step %scan3A_486  : i32 {
      %mul3A_644 = arith.constant 16 : i32
      %mul3A_645 = arith.muli %scan3A_643, %mul3A_644 : i32
      %get3A = arith.index_cast %mul3A_645 : i32 to index
      %get3A_646 = tpu.vector_load %arg19[%get3A] {strides = array<i32>} : memref<8000xi32, #tpu.memory_space<vmem>>, vector<16xi32>,
      %get3A_647 = arith.index_cast %mul3A_645 : i32 to index
      %get3A_648 = tpu.vector_load %arg21[%get3A_647] {strides = array<i32>} : memref<8000xf32, #tpu.memory_space<vmem>>, vector<16xf32>,
      %get3A_649 = arith.index_cast %mul3A_645 : i32 to index
      %get3A_650 = tpu.vector_load %arg23[%get3A_649] {strides = array<i32>} : memref<8000xf32, #tpu.memory_space<vmem>>, vector<16xf32>,
      %mul3A_651 = arith.mulf %get3A_648, %get3A_650 : vector<16xf32>
      tpu.vector_store_idx %arg14[%get3A_646], %mul3A_651 {add = true} : memref<10240xf32, #tpu.memory_space<vmem>>[vector<16xi32>], vector<16xf32>,
    }
    %scan3A_487 = arith.constant 500 : i32
    %add3A_488 = arith.constant 120000 : i32
    %add3A_489 = arith.addi %mul3A_102, %add3A_488 : i32
    %dma_wait3A_490 = tpu.memref_slice %arg3[%add3A_489] : memref<320000xi32, #tpu.memory_space<hbm>> -> memref<8000xi32, #tpu.memory_space<hbm>>
    %dma_wait3A_491 = tpu.memref_slice %arg3[%add3A_489] : memref<320000xi32, #tpu.memory_space<hbm>> -> memref<8000xi32, #tpu.memory_space<hbm>>
    tpu.wait_dma2 semaphore(%arg29 : memref<!tpu.dma_semaphore, #tpu.memory_space<semaphore_mem>>) src(%dma_wait3A_491 : memref<8000xi32, #tpu.memory_space<hbm>>) dst(%arg20 : memref<8000xi32, #tpu.memory_space<vmem>>)
    %dma_wait3A_492 = tpu.memref_slice %arg10[%add3A_489] : memref<320000xf32, #tpu.memory_space<hbm>> -> memref<8000xf32, #tpu.memory_space<hbm>>
    %dma_wait3A_493 = tpu.memref_slice %arg10[%add3A_489] : memref<320000xf32, #tpu.memory_space<hbm>> -> memref<8000xf32, #tpu.memory_space<hbm>>
    tpu.wait_dma2 semaphore(%arg29 : memref<!tpu.dma_semaphore, #tpu.memory_space<semaphore_mem>>) src(%dma_wait3A_493 : memref<8000xf32, #tpu.memory_space<hbm>>) dst(%arg22 : memref<8000xf32, #tpu.memory_space<vmem>>)
    %dma_wait3A_494 = tpu.memref_slice %arg7[%arg1, %add3A_489] : memref<16x320000xf32, #tpu.memory_space<hbm>> -> memref<1x8000xf32, #tpu.memory_space<hbm>>
    %dma_wait3A_495 = tpu.memref_squeeze %dma_wait3A_494 : memref<1x8000xf32, #tpu.memory_space<hbm>> -> memref<8000xf32, #tpu.memory_space<hbm>>
    %dma_wait3A_496 = tpu.memref_slice %arg7[%arg1, %add3A_489] : memref<16x320000xf32, #tpu.memory_space<hbm>> -> memref<1x8000xf32, #tpu.memory_space<hbm>>
    %dma_wait3A_497 = tpu.memref_squeeze %dma_wait3A_496 : memref<1x8000xf32, #tpu.memory_space<hbm>> -> memref<8000xf32, #tpu.memory_space<hbm>>
    tpu.wait_dma2 semaphore(%arg29 : memref<!tpu.dma_semaphore, #tpu.memory_space<semaphore_mem>>) src(%dma_wait3A_497 : memref<8000xf32, #tpu.memory_space<hbm>>) dst(%arg24 : memref<8000xf32, #tpu.memory_space<vmem>>)
    %add3A_498 = arith.constant 128000 : i32
    %add3A_499 = arith.addi %mul3A_102, %add3A_498 : i32
    %dma_start3A_500 = tpu.memref_slice %arg3[%add3A_499] : memref<320000xi32, #tpu.memory_space<hbm>> -> memref<8000xi32, #tpu.memory_space<hbm>>
    %dma_start3A_501 = tpu.memref_slice %arg3[%add3A_499] : memref<320000xi32, #tpu.memory_space<hbm>> -> memref<8000xi32, #tpu.memory_space<hbm>>
    tpu.enqueue_dma source(%dma_start3A_501 : memref<8000xi32, #tpu.memory_space<hbm>>) target(%arg19 : memref<8000xi32, #tpu.memory_space<vmem>>) target_semaphore(%arg28 : memref<!tpu.dma_semaphore, #tpu.memory_space<semaphore_mem>>)
    %dma_start3A_502 = tpu.memref_slice %arg10[%add3A_499] : memref<320000xf32, #tpu.memory_space<hbm>> -> memref<8000xf32, #tpu.memory_space<hbm>>
    %dma_start3A_503 = tpu.memref_slice %arg10[%add3A_499] : memref<320000xf32, #tpu.memory_space<hbm>> -> memref<8000xf32, #tpu.memory_space<hbm>>
    tpu.enqueue_dma source(%dma_start3A_503 : memref<8000xf32, #tpu.memory_space<hbm>>) target(%arg21 : memref<8000xf32, #tpu.memory_space<vmem>>) target_semaphore(%arg28 : memref<!tpu.dma_semaphore, #tpu.memory_space<semaphore_mem>>)
    %dma_start3A_504 = tpu.memref_slice %arg7[%arg1, %add3A_499] : memref<16x320000xf32, #tpu.memory_space<hbm>> -> memref<1x8000xf32, #tpu.memory_space<hbm>>
    %dma_start3A_505 = tpu.memref_squeeze %dma_start3A_504 : memref<1x8000xf32, #tpu.memory_space<hbm>> -> memref<8000xf32, #tpu.memory_space<hbm>>
    %dma_start3A_506 = tpu.memref_slice %arg7[%arg1, %add3A_499] : memref<16x320000xf32, #tpu.memory_space<hbm>> -> memref<1x8000xf32, #tpu.memory_space<hbm>>
    %dma_start3A_507 = tpu.memref_squeeze %dma_start3A_506 : memref<1x8000xf32, #tpu.memory_space<hbm>> -> memref<8000xf32, #tpu.memory_space<hbm>>
    tpu.enqueue_dma source(%dma_start3A_507 : memref<8000xf32, #tpu.memory_space<hbm>>) target(%arg23 : memref<8000xf32, #tpu.memory_space<vmem>>) target_semaphore(%arg28 : memref<!tpu.dma_semaphore, #tpu.memory_space<semaphore_mem>>)
    %scan3A_508 = arith.constant 0 : i32
    %scan3A_509 = arith.constant 500 : i32
    %scan3A_510 = arith.addi %scan3A_508, %scan3A_509 : i32
    %scan3A_511 = arith.constant 1 : i32
    scf.for %scan3A_643 = %scan3A_508 to %scan3A_510 step %scan3A_511  : i32 {
      %mul3A_644 = arith.constant 16 : i32
      %mul3A_645 = arith.muli %scan3A_643, %mul3A_644 : i32
      %get3A = arith.index_cast %mul3A_645 : i32 to index
      %get3A_646 = tpu.vector_load %arg20[%get3A] {strides = array<i32>} : memref<8000xi32, #tpu.memory_space<vmem>>, vector<16xi32>,
      %get3A_647 = arith.index_cast %mul3A_645 : i32 to index
      %get3A_648 = tpu.vector_load %arg22[%get3A_647] {strides = array<i32>} : memref<8000xf32, #tpu.memory_space<vmem>>, vector<16xf32>,
      %get3A_649 = arith.index_cast %mul3A_645 : i32 to index
      %get3A_650 = tpu.vector_load %arg24[%get3A_649] {strides = array<i32>} : memref<8000xf32, #tpu.memory_space<vmem>>, vector<16xf32>,
      %mul3A_651 = arith.mulf %get3A_648, %get3A_650 : vector<16xf32>
      tpu.vector_store_idx %arg14[%get3A_646], %mul3A_651 {add = true} : memref<10240xf32, #tpu.memory_space<vmem>>[vector<16xi32>], vector<16xf32>,
    }
    %scan3A_512 = arith.constant 500 : i32
    %add3A_513 = arith.constant 128000 : i32
    %add3A_514 = arith.addi %mul3A_102, %add3A_513 : i32
    %dma_wait3A_515 = tpu.memref_slice %arg3[%add3A_514] : memref<320000xi32, #tpu.memory_space<hbm>> -> memref<8000xi32, #tpu.memory_space<hbm>>
    %dma_wait3A_516 = tpu.memref_slice %arg3[%add3A_514] : memref<320000xi32, #tpu.memory_space<hbm>> -> memref<8000xi32, #tpu.memory_space<hbm>>
    tpu.wait_dma2 semaphore(%arg28 : memref<!tpu.dma_semaphore, #tpu.memory_space<semaphore_mem>>) src(%dma_wait3A_516 : memref<8000xi32, #tpu.memory_space<hbm>>) dst(%arg19 : memref<8000xi32, #tpu.memory_space<vmem>>)
    %dma_wait3A_517 = tpu.memref_slice %arg10[%add3A_514] : memref<320000xf32, #tpu.memory_space<hbm>> -> memref<8000xf32, #tpu.memory_space<hbm>>
    %dma_wait3A_518 = tpu.memref_slice %arg10[%add3A_514] : memref<320000xf32, #tpu.memory_space<hbm>> -> memref<8000xf32, #tpu.memory_space<hbm>>
    tpu.wait_dma2 semaphore(%arg28 : memref<!tpu.dma_semaphore, #tpu.memory_space<semaphore_mem>>) src(%dma_wait3A_518 : memref<8000xf32, #tpu.memory_space<hbm>>) dst(%arg21 : memref<8000xf32, #tpu.memory_space<vmem>>)
    %dma_wait3A_519 = tpu.memref_slice %arg7[%arg1, %add3A_514] : memref<16x320000xf32, #tpu.memory_space<hbm>> -> memref<1x8000xf32, #tpu.memory_space<hbm>>
    %dma_wait3A_520 = tpu.memref_squeeze %dma_wait3A_519 : memref<1x8000xf32, #tpu.memory_space<hbm>> -> memref<8000xf32, #tpu.memory_space<hbm>>
    %dma_wait3A_521 = tpu.memref_slice %arg7[%arg1, %add3A_514] : memref<16x320000xf32, #tpu.memory_space<hbm>> -> memref<1x8000xf32, #tpu.memory_space<hbm>>
    %dma_wait3A_522 = tpu.memref_squeeze %dma_wait3A_521 : memref<1x8000xf32, #tpu.memory_space<hbm>> -> memref<8000xf32, #tpu.memory_space<hbm>>
    tpu.wait_dma2 semaphore(%arg28 : memref<!tpu.dma_semaphore, #tpu.memory_space<semaphore_mem>>) src(%dma_wait3A_522 : memref<8000xf32, #tpu.memory_space<hbm>>) dst(%arg23 : memref<8000xf32, #tpu.memory_space<vmem>>)
    %add3A_523 = arith.constant 136000 : i32
    %add3A_524 = arith.addi %mul3A_102, %add3A_523 : i32
    %dma_start3A_525 = tpu.memref_slice %arg3[%add3A_524] : memref<320000xi32, #tpu.memory_space<hbm>> -> memref<8000xi32, #tpu.memory_space<hbm>>
    %dma_start3A_526 = tpu.memref_slice %arg3[%add3A_524] : memref<320000xi32, #tpu.memory_space<hbm>> -> memref<8000xi32, #tpu.memory_space<hbm>>
    tpu.enqueue_dma source(%dma_start3A_526 : memref<8000xi32, #tpu.memory_space<hbm>>) target(%arg20 : memref<8000xi32, #tpu.memory_space<vmem>>) target_semaphore(%arg29 : memref<!tpu.dma_semaphore, #tpu.memory_space<semaphore_mem>>)
    %dma_start3A_527 = tpu.memref_slice %arg10[%add3A_524] : memref<320000xf32, #tpu.memory_space<hbm>> -> memref<8000xf32, #tpu.memory_space<hbm>>
    %dma_start3A_528 = tpu.memref_slice %arg10[%add3A_524] : memref<320000xf32, #tpu.memory_space<hbm>> -> memref<8000xf32, #tpu.memory_space<hbm>>
    tpu.enqueue_dma source(%dma_start3A_528 : memref<8000xf32, #tpu.memory_space<hbm>>) target(%arg22 : memref<8000xf32, #tpu.memory_space<vmem>>) target_semaphore(%arg29 : memref<!tpu.dma_semaphore, #tpu.memory_space<semaphore_mem>>)
    %dma_start3A_529 = tpu.memref_slice %arg7[%arg1, %add3A_524] : memref<16x320000xf32, #tpu.memory_space<hbm>> -> memref<1x8000xf32, #tpu.memory_space<hbm>>
    %dma_start3A_530 = tpu.memref_squeeze %dma_start3A_529 : memref<1x8000xf32, #tpu.memory_space<hbm>> -> memref<8000xf32, #tpu.memory_space<hbm>>
    %dma_start3A_531 = tpu.memref_slice %arg7[%arg1, %add3A_524] : memref<16x320000xf32, #tpu.memory_space<hbm>> -> memref<1x8000xf32, #tpu.memory_space<hbm>>
    %dma_start3A_532 = tpu.memref_squeeze %dma_start3A_531 : memref<1x8000xf32, #tpu.memory_space<hbm>> -> memref<8000xf32, #tpu.memory_space<hbm>>
    tpu.enqueue_dma source(%dma_start3A_532 : memref<8000xf32, #tpu.memory_space<hbm>>) target(%arg24 : memref<8000xf32, #tpu.memory_space<vmem>>) target_semaphore(%arg29 : memref<!tpu.dma_semaphore, #tpu.memory_space<semaphore_mem>>)
    %scan3A_533 = arith.constant 0 : i32
    %scan3A_534 = arith.constant 500 : i32
    %scan3A_535 = arith.addi %scan3A_533, %scan3A_534 : i32
    %scan3A_536 = arith.constant 1 : i32
    scf.for %scan3A_643 = %scan3A_533 to %scan3A_535 step %scan3A_536  : i32 {
      %mul3A_644 = arith.constant 16 : i32
      %mul3A_645 = arith.muli %scan3A_643, %mul3A_644 : i32
      %get3A = arith.index_cast %mul3A_645 : i32 to index
      %get3A_646 = tpu.vector_load %arg19[%get3A] {strides = array<i32>} : memref<8000xi32, #tpu.memory_space<vmem>>, vector<16xi32>,
      %get3A_647 = arith.index_cast %mul3A_645 : i32 to index
      %get3A_648 = tpu.vector_load %arg21[%get3A_647] {strides = array<i32>} : memref<8000xf32, #tpu.memory_space<vmem>>, vector<16xf32>,
      %get3A_649 = arith.index_cast %mul3A_645 : i32 to index
      %get3A_650 = tpu.vector_load %arg23[%get3A_649] {strides = array<i32>} : memref<8000xf32, #tpu.memory_space<vmem>>, vector<16xf32>,
      %mul3A_651 = arith.mulf %get3A_648, %get3A_650 : vector<16xf32>
      tpu.vector_store_idx %arg14[%get3A_646], %mul3A_651 {add = true} : memref<10240xf32, #tpu.memory_space<vmem>>[vector<16xi32>], vector<16xf32>,
    }
    %scan3A_537 = arith.constant 500 : i32
    %add3A_538 = arith.constant 136000 : i32
    %add3A_539 = arith.addi %mul3A_102, %add3A_538 : i32
    %dma_wait3A_540 = tpu.memref_slice %arg3[%add3A_539] : memref<320000xi32, #tpu.memory_space<hbm>> -> memref<8000xi32, #tpu.memory_space<hbm>>
    %dma_wait3A_541 = tpu.memref_slice %arg3[%add3A_539] : memref<320000xi32, #tpu.memory_space<hbm>> -> memref<8000xi32, #tpu.memory_space<hbm>>
    tpu.wait_dma2 semaphore(%arg29 : memref<!tpu.dma_semaphore, #tpu.memory_space<semaphore_mem>>) src(%dma_wait3A_541 : memref<8000xi32, #tpu.memory_space<hbm>>) dst(%arg20 : memref<8000xi32, #tpu.memory_space<vmem>>)
    %dma_wait3A_542 = tpu.memref_slice %arg10[%add3A_539] : memref<320000xf32, #tpu.memory_space<hbm>> -> memref<8000xf32, #tpu.memory_space<hbm>>
    %dma_wait3A_543 = tpu.memref_slice %arg10[%add3A_539] : memref<320000xf32, #tpu.memory_space<hbm>> -> memref<8000xf32, #tpu.memory_space<hbm>>
    tpu.wait_dma2 semaphore(%arg29 : memref<!tpu.dma_semaphore, #tpu.memory_space<semaphore_mem>>) src(%dma_wait3A_543 : memref<8000xf32, #tpu.memory_space<hbm>>) dst(%arg22 : memref<8000xf32, #tpu.memory_space<vmem>>)
    %dma_wait3A_544 = tpu.memref_slice %arg7[%arg1, %add3A_539] : memref<16x320000xf32, #tpu.memory_space<hbm>> -> memref<1x8000xf32, #tpu.memory_space<hbm>>
    %dma_wait3A_545 = tpu.memref_squeeze %dma_wait3A_544 : memref<1x8000xf32, #tpu.memory_space<hbm>> -> memref<8000xf32, #tpu.memory_space<hbm>>
    %dma_wait3A_546 = tpu.memref_slice %arg7[%arg1, %add3A_539] : memref<16x320000xf32, #tpu.memory_space<hbm>> -> memref<1x8000xf32, #tpu.memory_space<hbm>>
    %dma_wait3A_547 = tpu.memref_squeeze %dma_wait3A_546 : memref<1x8000xf32, #tpu.memory_space<hbm>> -> memref<8000xf32, #tpu.memory_space<hbm>>
    tpu.wait_dma2 semaphore(%arg29 : memref<!tpu.dma_semaphore, #tpu.memory_space<semaphore_mem>>) src(%dma_wait3A_547 : memref<8000xf32, #tpu.memory_space<hbm>>) dst(%arg24 : memref<8000xf32, #tpu.memory_space<vmem>>)
    %add3A_548 = arith.constant 144000 : i32
    %add3A_549 = arith.addi %mul3A_102, %add3A_548 : i32
    %dma_start3A_550 = tpu.memref_slice %arg3[%add3A_549] : memref<320000xi32, #tpu.memory_space<hbm>> -> memref<8000xi32, #tpu.memory_space<hbm>>
    %dma_start3A_551 = tpu.memref_slice %arg3[%add3A_549] : memref<320000xi32, #tpu.memory_space<hbm>> -> memref<8000xi32, #tpu.memory_space<hbm>>
    tpu.enqueue_dma source(%dma_start3A_551 : memref<8000xi32, #tpu.memory_space<hbm>>) target(%arg19 : memref<8000xi32, #tpu.memory_space<vmem>>) target_semaphore(%arg28 : memref<!tpu.dma_semaphore, #tpu.memory_space<semaphore_mem>>)
    %dma_start3A_552 = tpu.memref_slice %arg10[%add3A_549] : memref<320000xf32, #tpu.memory_space<hbm>> -> memref<8000xf32, #tpu.memory_space<hbm>>
    %dma_start3A_553 = tpu.memref_slice %arg10[%add3A_549] : memref<320000xf32, #tpu.memory_space<hbm>> -> memref<8000xf32, #tpu.memory_space<hbm>>
    tpu.enqueue_dma source(%dma_start3A_553 : memref<8000xf32, #tpu.memory_space<hbm>>) target(%arg21 : memref<8000xf32, #tpu.memory_space<vmem>>) target_semaphore(%arg28 : memref<!tpu.dma_semaphore, #tpu.memory_space<semaphore_mem>>)
    %dma_start3A_554 = tpu.memref_slice %arg7[%arg1, %add3A_549] : memref<16x320000xf32, #tpu.memory_space<hbm>> -> memref<1x8000xf32, #tpu.memory_space<hbm>>
    %dma_start3A_555 = tpu.memref_squeeze %dma_start3A_554 : memref<1x8000xf32, #tpu.memory_space<hbm>> -> memref<8000xf32, #tpu.memory_space<hbm>>
    %dma_start3A_556 = tpu.memref_slice %arg7[%arg1, %add3A_549] : memref<16x320000xf32, #tpu.memory_space<hbm>> -> memref<1x8000xf32, #tpu.memory_space<hbm>>
    %dma_start3A_557 = tpu.memref_squeeze %dma_start3A_556 : memref<1x8000xf32, #tpu.memory_space<hbm>> -> memref<8000xf32, #tpu.memory_space<hbm>>
    tpu.enqueue_dma source(%dma_start3A_557 : memref<8000xf32, #tpu.memory_space<hbm>>) target(%arg23 : memref<8000xf32, #tpu.memory_space<vmem>>) target_semaphore(%arg28 : memref<!tpu.dma_semaphore, #tpu.memory_space<semaphore_mem>>)
    %scan3A_558 = arith.constant 0 : i32
    %scan3A_559 = arith.constant 500 : i32
    %scan3A_560 = arith.addi %scan3A_558, %scan3A_559 : i32
    %scan3A_561 = arith.constant 1 : i32
    scf.for %scan3A_643 = %scan3A_558 to %scan3A_560 step %scan3A_561  : i32 {
      %mul3A_644 = arith.constant 16 : i32
      %mul3A_645 = arith.muli %scan3A_643, %mul3A_644 : i32
      %get3A = arith.index_cast %mul3A_645 : i32 to index
      %get3A_646 = tpu.vector_load %arg20[%get3A] {strides = array<i32>} : memref<8000xi32, #tpu.memory_space<vmem>>, vector<16xi32>,
      %get3A_647 = arith.index_cast %mul3A_645 : i32 to index
      %get3A_648 = tpu.vector_load %arg22[%get3A_647] {strides = array<i32>} : memref<8000xf32, #tpu.memory_space<vmem>>, vector<16xf32>,
      %get3A_649 = arith.index_cast %mul3A_645 : i32 to index
      %get3A_650 = tpu.vector_load %arg24[%get3A_649] {strides = array<i32>} : memref<8000xf32, #tpu.memory_space<vmem>>, vector<16xf32>,
      %mul3A_651 = arith.mulf %get3A_648, %get3A_650 : vector<16xf32>
      tpu.vector_store_idx %arg14[%get3A_646], %mul3A_651 {add = true} : memref<10240xf32, #tpu.memory_space<vmem>>[vector<16xi32>], vector<16xf32>,
    }
    %scan3A_562 = arith.constant 500 : i32
    %add3A_563 = arith.constant 144000 : i32
    %add3A_564 = arith.addi %mul3A_102, %add3A_563 : i32
    %dma_wait3A_565 = tpu.memref_slice %arg3[%add3A_564] : memref<320000xi32, #tpu.memory_space<hbm>> -> memref<8000xi32, #tpu.memory_space<hbm>>
    %dma_wait3A_566 = tpu.memref_slice %arg3[%add3A_564] : memref<320000xi32, #tpu.memory_space<hbm>> -> memref<8000xi32, #tpu.memory_space<hbm>>
    tpu.wait_dma2 semaphore(%arg28 : memref<!tpu.dma_semaphore, #tpu.memory_space<semaphore_mem>>) src(%dma_wait3A_566 : memref<8000xi32, #tpu.memory_space<hbm>>) dst(%arg19 : memref<8000xi32, #tpu.memory_space<vmem>>)
    %dma_wait3A_567 = tpu.memref_slice %arg10[%add3A_564] : memref<320000xf32, #tpu.memory_space<hbm>> -> memref<8000xf32, #tpu.memory_space<hbm>>
    %dma_wait3A_568 = tpu.memref_slice %arg10[%add3A_564] : memref<320000xf32, #tpu.memory_space<hbm>> -> memref<8000xf32, #tpu.memory_space<hbm>>
    tpu.wait_dma2 semaphore(%arg28 : memref<!tpu.dma_semaphore, #tpu.memory_space<semaphore_mem>>) src(%dma_wait3A_568 : memref<8000xf32, #tpu.memory_space<hbm>>) dst(%arg21 : memref<8000xf32, #tpu.memory_space<vmem>>)
    %dma_wait3A_569 = tpu.memref_slice %arg7[%arg1, %add3A_564] : memref<16x320000xf32, #tpu.memory_space<hbm>> -> memref<1x8000xf32, #tpu.memory_space<hbm>>
    %dma_wait3A_570 = tpu.memref_squeeze %dma_wait3A_569 : memref<1x8000xf32, #tpu.memory_space<hbm>> -> memref<8000xf32, #tpu.memory_space<hbm>>
    %dma_wait3A_571 = tpu.memref_slice %arg7[%arg1, %add3A_564] : memref<16x320000xf32, #tpu.memory_space<hbm>> -> memref<1x8000xf32, #tpu.memory_space<hbm>>
    %dma_wait3A_572 = tpu.memref_squeeze %dma_wait3A_571 : memref<1x8000xf32, #tpu.memory_space<hbm>> -> memref<8000xf32, #tpu.memory_space<hbm>>
    tpu.wait_dma2 semaphore(%arg28 : memref<!tpu.dma_semaphore, #tpu.memory_space<semaphore_mem>>) src(%dma_wait3A_572 : memref<8000xf32, #tpu.memory_space<hbm>>) dst(%arg23 : memref<8000xf32, #tpu.memory_space<vmem>>)
    %add3A_573 = arith.constant 152000 : i32
    %add3A_574 = arith.addi %mul3A_102, %add3A_573 : i32
    %dma_start3A_575 = tpu.memref_slice %arg3[%add3A_574] : memref<320000xi32, #tpu.memory_space<hbm>> -> memref<8000xi32, #tpu.memory_space<hbm>>
    %dma_start3A_576 = tpu.memref_slice %arg3[%add3A_574] : memref<320000xi32, #tpu.memory_space<hbm>> -> memref<8000xi32, #tpu.memory_space<hbm>>
    tpu.enqueue_dma source(%dma_start3A_576 : memref<8000xi32, #tpu.memory_space<hbm>>) target(%arg20 : memref<8000xi32, #tpu.memory_space<vmem>>) target_semaphore(%arg29 : memref<!tpu.dma_semaphore, #tpu.memory_space<semaphore_mem>>)
    %dma_start3A_577 = tpu.memref_slice %arg10[%add3A_574] : memref<320000xf32, #tpu.memory_space<hbm>> -> memref<8000xf32, #tpu.memory_space<hbm>>
    %dma_start3A_578 = tpu.memref_slice %arg10[%add3A_574] : memref<320000xf32, #tpu.memory_space<hbm>> -> memref<8000xf32, #tpu.memory_space<hbm>>
    tpu.enqueue_dma source(%dma_start3A_578 : memref<8000xf32, #tpu.memory_space<hbm>>) target(%arg22 : memref<8000xf32, #tpu.memory_space<vmem>>) target_semaphore(%arg29 : memref<!tpu.dma_semaphore, #tpu.memory_space<semaphore_mem>>)
    %dma_start3A_579 = tpu.memref_slice %arg7[%arg1, %add3A_574] : memref<16x320000xf32, #tpu.memory_space<hbm>> -> memref<1x8000xf32, #tpu.memory_space<hbm>>
    %dma_start3A_580 = tpu.memref_squeeze %dma_start3A_579 : memref<1x8000xf32, #tpu.memory_space<hbm>> -> memref<8000xf32, #tpu.memory_space<hbm>>
    %dma_start3A_581 = tpu.memref_slice %arg7[%arg1, %add3A_574] : memref<16x320000xf32, #tpu.memory_space<hbm>> -> memref<1x8000xf32, #tpu.memory_space<hbm>>
    %dma_start3A_582 = tpu.memref_squeeze %dma_start3A_581 : memref<1x8000xf32, #tpu.memory_space<hbm>> -> memref<8000xf32, #tpu.memory_space<hbm>>
    tpu.enqueue_dma source(%dma_start3A_582 : memref<8000xf32, #tpu.memory_space<hbm>>) target(%arg24 : memref<8000xf32, #tpu.memory_space<vmem>>) target_semaphore(%arg29 : memref<!tpu.dma_semaphore, #tpu.memory_space<semaphore_mem>>)
    %scan3A_583 = arith.constant 0 : i32
    %scan3A_584 = arith.constant 500 : i32
    %scan3A_585 = arith.addi %scan3A_583, %scan3A_584 : i32
    %scan3A_586 = arith.constant 1 : i32
    scf.for %scan3A_643 = %scan3A_583 to %scan3A_585 step %scan3A_586  : i32 {
      %mul3A_644 = arith.constant 16 : i32
      %mul3A_645 = arith.muli %scan3A_643, %mul3A_644 : i32
      %get3A = arith.index_cast %mul3A_645 : i32 to index
      %get3A_646 = tpu.vector_load %arg19[%get3A] {strides = array<i32>} : memref<8000xi32, #tpu.memory_space<vmem>>, vector<16xi32>,
      %get3A_647 = arith.index_cast %mul3A_645 : i32 to index
      %get3A_648 = tpu.vector_load %arg21[%get3A_647] {strides = array<i32>} : memref<8000xf32, #tpu.memory_space<vmem>>, vector<16xf32>,
      %get3A_649 = arith.index_cast %mul3A_645 : i32 to index
      %get3A_650 = tpu.vector_load %arg23[%get3A_649] {strides = array<i32>} : memref<8000xf32, #tpu.memory_space<vmem>>, vector<16xf32>,
      %mul3A_651 = arith.mulf %get3A_648, %get3A_650 : vector<16xf32>
      tpu.vector_store_idx %arg14[%get3A_646], %mul3A_651 {add = true} : memref<10240xf32, #tpu.memory_space<vmem>>[vector<16xi32>], vector<16xf32>,
    }
    %scan3A_587 = arith.constant 500 : i32
    %add3A_588 = arith.constant 152000 : i32
    %add3A_589 = arith.addi %mul3A_102, %add3A_588 : i32
    %dma_wait3A_590 = tpu.memref_slice %arg3[%add3A_589] : memref<320000xi32, #tpu.memory_space<hbm>> -> memref<8000xi32, #tpu.memory_space<hbm>>
    %dma_wait3A_591 = tpu.memref_slice %arg3[%add3A_589] : memref<320000xi32, #tpu.memory_space<hbm>> -> memref<8000xi32, #tpu.memory_space<hbm>>
    tpu.wait_dma2 semaphore(%arg29 : memref<!tpu.dma_semaphore, #tpu.memory_space<semaphore_mem>>) src(%dma_wait3A_591 : memref<8000xi32, #tpu.memory_space<hbm>>) dst(%arg20 : memref<8000xi32, #tpu.memory_space<vmem>>)
    %dma_wait3A_592 = tpu.memref_slice %arg10[%add3A_589] : memref<320000xf32, #tpu.memory_space<hbm>> -> memref<8000xf32, #tpu.memory_space<hbm>>
    %dma_wait3A_593 = tpu.memref_slice %arg10[%add3A_589] : memref<320000xf32, #tpu.memory_space<hbm>> -> memref<8000xf32, #tpu.memory_space<hbm>>
    tpu.wait_dma2 semaphore(%arg29 : memref<!tpu.dma_semaphore, #tpu.memory_space<semaphore_mem>>) src(%dma_wait3A_593 : memref<8000xf32, #tpu.memory_space<hbm>>) dst(%arg22 : memref<8000xf32, #tpu.memory_space<vmem>>)
    %dma_wait3A_594 = tpu.memref_slice %arg7[%arg1, %add3A_589] : memref<16x320000xf32, #tpu.memory_space<hbm>> -> memref<1x8000xf32, #tpu.memory_space<hbm>>
    %dma_wait3A_595 = tpu.memref_squeeze %dma_wait3A_594 : memref<1x8000xf32, #tpu.memory_space<hbm>> -> memref<8000xf32, #tpu.memory_space<hbm>>
    %dma_wait3A_596 = tpu.memref_slice %arg7[%arg1, %add3A_589] : memref<16x320000xf32, #tpu.memory_space<hbm>> -> memref<1x8000xf32, #tpu.memory_space<hbm>>
    %dma_wait3A_597 = tpu.memref_squeeze %dma_wait3A_596 : memref<1x8000xf32, #tpu.memory_space<hbm>> -> memref<8000xf32, #tpu.memory_space<hbm>>
    tpu.wait_dma2 semaphore(%arg29 : memref<!tpu.dma_semaphore, #tpu.memory_space<semaphore_mem>>) src(%dma_wait3A_597 : memref<8000xf32, #tpu.memory_space<hbm>>) dst(%arg24 : memref<8000xf32, #tpu.memory_space<vmem>>)
    %scan3A_598 = arith.constant 0 : i32
    %scan3A_599 = arith.constant 500 : i32
    %scan3A_600 = arith.addi %scan3A_598, %scan3A_599 : i32
    %scan3A_601 = arith.constant 1 : i32
    scf.for %scan3A_643 = %scan3A_598 to %scan3A_600 step %scan3A_601  : i32 {
      %mul3A_644 = arith.constant 16 : i32
      %mul3A_645 = arith.muli %scan3A_643, %mul3A_644 : i32
      %get3A = arith.index_cast %mul3A_645 : i32 to index
      %get3A_646 = tpu.vector_load %arg20[%get3A] {strides = array<i32>} : memref<8000xi32, #tpu.memory_space<vmem>>, vector<16xi32>,
      %get3A_647 = arith.index_cast %mul3A_645 : i32 to index
      %get3A_648 = tpu.vector_load %arg22[%get3A_647] {strides = array<i32>} : memref<8000xf32, #tpu.memory_space<vmem>>, vector<16xf32>,
      %get3A_649 = arith.index_cast %mul3A_645 : i32 to index
      %get3A_650 = tpu.vector_load %arg24[%get3A_649] {strides = array<i32>} : memref<8000xf32, #tpu.memory_space<vmem>>, vector<16xf32>,
      %mul3A_651 = arith.mulf %get3A_648, %get3A_650 : vector<16xf32>
      tpu.vector_store_idx %arg14[%get3A_646], %mul3A_651 {add = true} : memref<10240xf32, #tpu.memory_space<vmem>>[vector<16xi32>], vector<16xf32>,
    }
    %scan3A_602 = arith.constant 500 : i32
    "tpu.region"() ({
      %run_scoped3A_643 = tpu.sem_alloc : memref<!tpu.dma_semaphore, #tpu.memory_space<semaphore_mem>>
      %dma_start3A_644 = arith.constant 0 : i32
      %dma_start3A_645 = tpu.memref_slice %arg8[%arg0, %arg1, %dma_start3A_644] : memref<2x16x10240xf32, #tpu.memory_space<hbm>> -> memref<1x1x10240xf32, #tpu.memory_space<hbm>>
      %dma_start3A_646 = tpu.memref_squeeze %dma_start3A_645 : memref<1x1x10240xf32, #tpu.memory_space<hbm>> -> memref<10240xf32, #tpu.memory_space<hbm>>
      %dma_start3A_647 = arith.constant 0 : i32
      %dma_start3A_648 = tpu.memref_slice %arg8[%arg0, %arg1, %dma_start3A_647] : memref<2x16x10240xf32, #tpu.memory_space<hbm>> -> memref<1x1x10240xf32, #tpu.memory_space<hbm>>
      %dma_start3A_649 = tpu.memref_squeeze %dma_start3A_648 : memref<1x1x10240xf32, #tpu.memory_space<hbm>> -> memref<10240xf32, #tpu.memory_space<hbm>>
      tpu.enqueue_dma source(%arg14 : memref<10240xf32, #tpu.memory_space<vmem>>) target(%dma_start3A_649 : memref<10240xf32, #tpu.memory_space<hbm>>) target_semaphore(%run_scoped3A_643 : memref<!tpu.dma_semaphore, #tpu.memory_space<semaphore_mem>>)
      %dma_wait3A_650 = arith.constant 0 : i32
      %dma_wait3A_651 = tpu.memref_slice %arg8[%arg0, %arg1, %dma_wait3A_650] : memref<2x16x10240xf32, #tpu.memory_space<hbm>> -> memref<1x1x10240xf32, #tpu.memory_space<hbm>>
      %dma_wait3A_652 = tpu.memref_squeeze %dma_wait3A_651 : memref<1x1x10240xf32, #tpu.memory_space<hbm>> -> memref<10240xf32, #tpu.memory_space<hbm>>
      %dma_wait3A_653 = arith.constant 0 : i32
      %dma_wait3A_654 = tpu.memref_slice %arg8[%arg0, %arg1, %dma_wait3A_653] : memref<2x16x10240xf32, #tpu.memory_space<hbm>> -> memref<1x1x10240xf32, #tpu.memory_space<hbm>>
      %dma_wait3A_655 = tpu.memref_squeeze %dma_wait3A_654 : memref<1x1x10240xf32, #tpu.memory_space<hbm>> -> memref<10240xf32, #tpu.memory_space<hbm>>
      tpu.wait_dma2 semaphore(%run_scoped3A_643 : memref<!tpu.dma_semaphore, #tpu.memory_space<semaphore_mem>>) src(%arg14 : memref<10240xf32, #tpu.memory_space<vmem>>) dst(%dma_wait3A_655 : memref<10240xf32, #tpu.memory_space<hbm>>)
      tpu.yield
    }) : () -> ()
    "tpu.region"() ({
      %run_scoped3A_643 = tpu.sem_alloc : memref<!tpu.dma_semaphore, #tpu.memory_space<semaphore_mem>>
      %dma_start3A_644 = arith.constant 0 : i32
      %dma_start3A_645 = tpu.memref_slice %arg26[%arg1, %dma_start3A_644] : memref<16x10240xf32, #tpu.memory_space<vmem_shared>> -> memref<1x10240xf32, #tpu.memory_space<vmem_shared>>
      %dma_start3A_646 = tpu.memref_squeeze %dma_start3A_645 : memref<1x10240xf32, #tpu.memory_space<vmem_shared>> -> memref<10240xf32, #tpu.memory_space<vmem_shared>>
      %dma_start3A_647 = arith.constant 0 : i32
      %dma_start3A_648 = tpu.memref_slice %arg26[%arg1, %dma_start3A_647] : memref<16x10240xf32, #tpu.memory_space<vmem_shared>> -> memref<1x10240xf32, #tpu.memory_space<vmem_shared>>
      %dma_start3A_649 = tpu.memref_squeeze %dma_start3A_648 : memref<1x10240xf32, #tpu.memory_space<vmem_shared>> -> memref<10240xf32, #tpu.memory_space<vmem_shared>>
      tpu.enqueue_dma source(%arg13 : memref<10240xf32, #tpu.memory_space<vmem>>) target(%dma_start3A_649 : memref<10240xf32, #tpu.memory_space<vmem_shared>>) target_semaphore(%run_scoped3A_643 : memref<!tpu.dma_semaphore, #tpu.memory_space<semaphore_mem>>)
      %dma_wait3A_650 = arith.constant 0 : i32
      %dma_wait3A_651 = tpu.memref_slice %arg26[%arg1, %dma_wait3A_650] : memref<16x10240xf32, #tpu.memory_space<vmem_shared>> -> memref<1x10240xf32, #tpu.memory_space<vmem_shared>>
      %dma_wait3A_652 = tpu.memref_squeeze %dma_wait3A_651 : memref<1x10240xf32, #tpu.memory_space<vmem_shared>> -> memref<10240xf32, #tpu.memory_space<vmem_shared>>
      %dma_wait3A_653 = arith.constant 0 : i32
      %dma_wait3A_654 = tpu.memref_slice %arg26[%arg1, %dma_wait3A_653] : memref<16x10240xf32, #tpu.memory_space<vmem_shared>> -> memref<1x10240xf32, #tpu.memory_space<vmem_shared>>
      %dma_wait3A_655 = tpu.memref_squeeze %dma_wait3A_654 : memref<1x10240xf32, #tpu.memory_space<vmem_shared>> -> memref<10240xf32, #tpu.memory_space<vmem_shared>>
      tpu.wait_dma2 semaphore(%run_scoped3A_643 : memref<!tpu.dma_semaphore, #tpu.memory_space<semaphore_mem>>) src(%arg13 : memref<10240xf32, #tpu.memory_space<vmem>>) dst(%dma_wait3A_655 : memref<10240xf32, #tpu.memory_space<vmem_shared>>)
      tpu.yield
    }) : () -> ()
    %barrier3A_603 = arith.constant 0 : index
    tpu.barrier barrier_id(%barrier3A_603)
    %mul3A_604 = arith.constant 640 : i32
    %mul3A_605 = arith.muli %arg1, %mul3A_604 : i32
    %run_scoped3A = arith.constant 0 : i32
    %run_scoped3A_606 = arith.constant 0 : i32
    "tpu.region"() ({
      %run_scoped3A_643 = tpu.sem_alloc : memref<!tpu.dma_semaphore, #tpu.memory_space<semaphore_mem>>
      %dma_start3A_644 = arith.constant 0 : i32
      %dma_start3A_645 = tpu.memref_slice %arg25[%run_scoped3A_606, %dma_start3A_644] : memref<16x640xf32, #tpu.memory_space<vmem>> -> memref<1x640xf32, #tpu.memory_space<vmem>>
      %dma_start3A_646 = tpu.memref_squeeze %dma_start3A_645 : memref<1x640xf32, #tpu.memory_space<vmem>> -> memref<640xf32, #tpu.memory_space<vmem>>
      %dma_start3A_647 = tpu.memref_slice %arg26[%run_scoped3A, %mul3A_605] : memref<16x10240xf32, #tpu.memory_space<vmem_shared>> -> memref<1x640xf32, #tpu.memory_space<vmem_shared>>
      %dma_start3A_648 = tpu.memref_squeeze %dma_start3A_647 : memref<1x640xf32, #tpu.memory_space<vmem_shared>> -> memref<640xf32, #tpu.memory_space<vmem_shared>>
      %dma_start3A_649 = arith.constant 0 : i32
      %dma_start3A_650 = tpu.memref_slice %arg25[%run_scoped3A_606, %dma_start3A_649] : memref<16x640xf32, #tpu.memory_space<vmem>> -> memref<1x640xf32, #tpu.memory_space<vmem>>
      %dma_start3A_651 = tpu.memref_squeeze %dma_start3A_650 : memref<1x640xf32, #tpu.memory_space<vmem>> -> memref<640xf32, #tpu.memory_space<vmem>>
      %dma_start3A_652 = tpu.memref_slice %arg26[%run_scoped3A, %mul3A_605] : memref<16x10240xf32, #tpu.memory_space<vmem_shared>> -> memref<1x640xf32, #tpu.memory_space<vmem_shared>>
      %dma_start3A_653 = tpu.memref_squeeze %dma_start3A_652 : memref<1x640xf32, #tpu.memory_space<vmem_shared>> -> memref<640xf32, #tpu.memory_space<vmem_shared>>
      tpu.enqueue_dma source(%dma_start3A_653 : memref<640xf32, #tpu.memory_space<vmem_shared>>) target(%dma_start3A_651 : memref<640xf32, #tpu.memory_space<vmem>>) target_semaphore(%run_scoped3A_643 : memref<!tpu.dma_semaphore, #tpu.memory_space<semaphore_mem>>)
      %dma_wait3A_654 = arith.constant 0 : i32
      %dma_wait3A_655 = tpu.memref_slice %arg25[%run_scoped3A_606, %dma_wait3A_654] : memref<16x640xf32, #tpu.memory_space<vmem>> -> memref<1x640xf32, #tpu.memory_space<vmem>>
      %dma_wait3A_656 = tpu.memref_squeeze %dma_wait3A_655 : memref<1x640xf32, #tpu.memory_space<vmem>> -> memref<640xf32, #tpu.memory_space<vmem>>
      %dma_wait3A_657 = tpu.memref_slice %arg26[%run_scoped3A, %mul3A_605] : memref<16x10240xf32, #tpu.memory_space<vmem_shared>> -> memref<1x640xf32, #tpu.memory_space<vmem_shared>>
      %dma_wait3A_658 = tpu.memref_squeeze %dma_wait3A_657 : memref<1x640xf32, #tpu.memory_space<vmem_shared>> -> memref<640xf32, #tpu.memory_space<vmem_shared>>
      %dma_wait3A_659 = arith.constant 0 : i32
      %dma_wait3A_660 = tpu.memref_slice %arg25[%run_scoped3A_606, %dma_wait3A_659] : memref<16x640xf32, #tpu.memory_space<vmem>> -> memref<1x640xf32, #tpu.memory_space<vmem>>
      %dma_wait3A_661 = tpu.memref_squeeze %dma_wait3A_660 : memref<1x640xf32, #tpu.memory_space<vmem>> -> memref<640xf32, #tpu.memory_space<vmem>>
      %dma_wait3A_662 = tpu.memref_slice %arg26[%run_scoped3A, %mul3A_605] : memref<16x10240xf32, #tpu.memory_space<vmem_shared>> -> memref<1x640xf32, #tpu.memory_space<vmem_shared>>
      %dma_wait3A_663 = tpu.memref_squeeze %dma_wait3A_662 : memref<1x640xf32, #tpu.memory_space<vmem_shared>> -> memref<640xf32, #tpu.memory_space<vmem_shared>>
      tpu.wait_dma2 semaphore(%run_scoped3A_643 : memref<!tpu.dma_semaphore, #tpu.memory_space<semaphore_mem>>) src(%dma_wait3A_663 : memref<640xf32, #tpu.memory_space<vmem_shared>>) dst(%dma_wait3A_661 : memref<640xf32, #tpu.memory_space<vmem>>)
      tpu.yield
    }) : () -> ()
    %run_scoped3A_607 = arith.constant 1 : i32
    %run_scoped3A_608 = arith.constant 1 : i32
    "tpu.region"() ({
      %run_scoped3A_643 = tpu.sem_alloc : memref<!tpu.dma_semaphore, #tpu.memory_space<semaphore_mem>>
      %dma_start3A_644 = arith.constant 0 : i32
      %dma_start3A_645 = tpu.memref_slice %arg25[%run_scoped3A_608, %dma_start3A_644] : memref<16x640xf32, #tpu.memory_space<vmem>> -> memref<1x640xf32, #tpu.memory_space<vmem>>
      %dma_start3A_646 = tpu.memref_squeeze %dma_start3A_645 : memref<1x640xf32, #tpu.memory_space<vmem>> -> memref<640xf32, #tpu.memory_space<vmem>>
      %dma_start3A_647 = tpu.memref_slice %arg26[%run_scoped3A_607, %mul3A_605] : memref<16x10240xf32, #tpu.memory_space<vmem_shared>> -> memref<1x640xf32, #tpu.memory_space<vmem_shared>>
      %dma_start3A_648 = tpu.memref_squeeze %dma_start3A_647 : memref<1x640xf32, #tpu.memory_space<vmem_shared>> -> memref<640xf32, #tpu.memory_space<vmem_shared>>
      %dma_start3A_649 = arith.constant 0 : i32
      %dma_start3A_650 = tpu.memref_slice %arg25[%run_scoped3A_608, %dma_start3A_649] : memref<16x640xf32, #tpu.memory_space<vmem>> -> memref<1x640xf32, #tpu.memory_space<vmem>>
      %dma_start3A_651 = tpu.memref_squeeze %dma_start3A_650 : memref<1x640xf32, #tpu.memory_space<vmem>> -> memref<640xf32, #tpu.memory_space<vmem>>
      %dma_start3A_652 = tpu.memref_slice %arg26[%run_scoped3A_607, %mul3A_605] : memref<16x10240xf32, #tpu.memory_space<vmem_shared>> -> memref<1x640xf32, #tpu.memory_space<vmem_shared>>
      %dma_start3A_653 = tpu.memref_squeeze %dma_start3A_652 : memref<1x640xf32, #tpu.memory_space<vmem_shared>> -> memref<640xf32, #tpu.memory_space<vmem_shared>>
      tpu.enqueue_dma source(%dma_start3A_653 : memref<640xf32, #tpu.memory_space<vmem_shared>>) target(%dma_start3A_651 : memref<640xf32, #tpu.memory_space<vmem>>) target_semaphore(%run_scoped3A_643 : memref<!tpu.dma_semaphore, #tpu.memory_space<semaphore_mem>>)
      %dma_wait3A_654 = arith.constant 0 : i32
      %dma_wait3A_655 = tpu.memref_slice %arg25[%run_scoped3A_608, %dma_wait3A_654] : memref<16x640xf32, #tpu.memory_space<vmem>> -> memref<1x640xf32, #tpu.memory_space<vmem>>
      %dma_wait3A_656 = tpu.memref_squeeze %dma_wait3A_655 : memref<1x640xf32, #tpu.memory_space<vmem>> -> memref<640xf32, #tpu.memory_space<vmem>>
      %dma_wait3A_657 = tpu.memref_slice %arg26[%run_scoped3A_607, %mul3A_605] : memref<16x10240xf32, #tpu.memory_space<vmem_shared>> -> memref<1x640xf32, #tpu.memory_space<vmem_shared>>
      %dma_wait3A_658 = tpu.memref_squeeze %dma_wait3A_657 : memref<1x640xf32, #tpu.memory_space<vmem_shared>> -> memref<640xf32, #tpu.memory_space<vmem_shared>>
      %dma_wait3A_659 = arith.constant 0 : i32
      %dma_wait3A_660 = tpu.memref_slice %arg25[%run_scoped3A_608, %dma_wait3A_659] : memref<16x640xf32, #tpu.memory_space<vmem>> -> memref<1x640xf32, #tpu.memory_space<vmem>>
      %dma_wait3A_661 = tpu.memref_squeeze %dma_wait3A_660 : memref<1x640xf32, #tpu.memory_space<vmem>> -> memref<640xf32, #tpu.memory_space<vmem>>
      %dma_wait3A_662 = tpu.memref_slice %arg26[%run_scoped3A_607, %mul3A_605] : memref<16x10240xf32, #tpu.memory_space<vmem_shared>> -> memref<1x640xf32, #tpu.memory_space<vmem_shared>>
      %dma_wait3A_663 = tpu.memref_squeeze %dma_wait3A_662 : memref<1x640xf32, #tpu.memory_space<vmem_shared>> -> memref<640xf32, #tpu.memory_space<vmem_shared>>
      tpu.wait_dma2 semaphore(%run_scoped3A_643 : memref<!tpu.dma_semaphore, #tpu.memory_space<semaphore_mem>>) src(%dma_wait3A_663 : memref<640xf32, #tpu.memory_space<vmem_shared>>) dst(%dma_wait3A_661 : memref<640xf32, #tpu.memory_space<vmem>>)
      tpu.yield
    }) : () -> ()
    %run_scoped3A_609 = arith.constant 2 : i32
    %run_scoped3A_610 = arith.constant 2 : i32
    "tpu.region"() ({
      %run_scoped3A_643 = tpu.sem_alloc : memref<!tpu.dma_semaphore, #tpu.memory_space<semaphore_mem>>
      %dma_start3A_644 = arith.constant 0 : i32
      %dma_start3A_645 = tpu.memref_slice %arg25[%run_scoped3A_610, %dma_start3A_644] : memref<16x640xf32, #tpu.memory_space<vmem>> -> memref<1x640xf32, #tpu.memory_space<vmem>>
      %dma_start3A_646 = tpu.memref_squeeze %dma_start3A_645 : memref<1x640xf32, #tpu.memory_space<vmem>> -> memref<640xf32, #tpu.memory_space<vmem>>
      %dma_start3A_647 = tpu.memref_slice %arg26[%run_scoped3A_609, %mul3A_605] : memref<16x10240xf32, #tpu.memory_space<vmem_shared>> -> memref<1x640xf32, #tpu.memory_space<vmem_shared>>
      %dma_start3A_648 = tpu.memref_squeeze %dma_start3A_647 : memref<1x640xf32, #tpu.memory_space<vmem_shared>> -> memref<640xf32, #tpu.memory_space<vmem_shared>>
      %dma_start3A_649 = arith.constant 0 : i32
      %dma_start3A_650 = tpu.memref_slice %arg25[%run_scoped3A_610, %dma_start3A_649] : memref<16x640xf32, #tpu.memory_space<vmem>> -> memref<1x640xf32, #tpu.memory_space<vmem>>
      %dma_start3A_651 = tpu.memref_squeeze %dma_start3A_650 : memref<1x640xf32, #tpu.memory_space<vmem>> -> memref<640xf32, #tpu.memory_space<vmem>>
      %dma_start3A_652 = tpu.memref_slice %arg26[%run_scoped3A_609, %mul3A_605] : memref<16x10240xf32, #tpu.memory_space<vmem_shared>> -> memref<1x640xf32, #tpu.memory_space<vmem_shared>>
      %dma_start3A_653 = tpu.memref_squeeze %dma_start3A_652 : memref<1x640xf32, #tpu.memory_space<vmem_shared>> -> memref<640xf32, #tpu.memory_space<vmem_shared>>
      tpu.enqueue_dma source(%dma_start3A_653 : memref<640xf32, #tpu.memory_space<vmem_shared>>) target(%dma_start3A_651 : memref<640xf32, #tpu.memory_space<vmem>>) target_semaphore(%run_scoped3A_643 : memref<!tpu.dma_semaphore, #tpu.memory_space<semaphore_mem>>)
      %dma_wait3A_654 = arith.constant 0 : i32
      %dma_wait3A_655 = tpu.memref_slice %arg25[%run_scoped3A_610, %dma_wait3A_654] : memref<16x640xf32, #tpu.memory_space<vmem>> -> memref<1x640xf32, #tpu.memory_space<vmem>>
      %dma_wait3A_656 = tpu.memref_squeeze %dma_wait3A_655 : memref<1x640xf32, #tpu.memory_space<vmem>> -> memref<640xf32, #tpu.memory_space<vmem>>
      %dma_wait3A_657 = tpu.memref_slice %arg26[%run_scoped3A_609, %mul3A_605] : memref<16x10240xf32, #tpu.memory_space<vmem_shared>> -> memref<1x640xf32, #tpu.memory_space<vmem_shared>>
      %dma_wait3A_658 = tpu.memref_squeeze %dma_wait3A_657 : memref<1x640xf32, #tpu.memory_space<vmem_shared>> -> memref<640xf32, #tpu.memory_space<vmem_shared>>
      %dma_wait3A_659 = arith.constant 0 : i32
      %dma_wait3A_660 = tpu.memref_slice %arg25[%run_scoped3A_610, %dma_wait3A_659] : memref<16x640xf32, #tpu.memory_space<vmem>> -> memref<1x640xf32, #tpu.memory_space<vmem>>
      %dma_wait3A_661 = tpu.memref_squeeze %dma_wait3A_660 : memref<1x640xf32, #tpu.memory_space<vmem>> -> memref<640xf32, #tpu.memory_space<vmem>>
      %dma_wait3A_662 = tpu.memref_slice %arg26[%run_scoped3A_609, %mul3A_605] : memref<16x10240xf32, #tpu.memory_space<vmem_shared>> -> memref<1x640xf32, #tpu.memory_space<vmem_shared>>
      %dma_wait3A_663 = tpu.memref_squeeze %dma_wait3A_662 : memref<1x640xf32, #tpu.memory_space<vmem_shared>> -> memref<640xf32, #tpu.memory_space<vmem_shared>>
      tpu.wait_dma2 semaphore(%run_scoped3A_643 : memref<!tpu.dma_semaphore, #tpu.memory_space<semaphore_mem>>) src(%dma_wait3A_663 : memref<640xf32, #tpu.memory_space<vmem_shared>>) dst(%dma_wait3A_661 : memref<640xf32, #tpu.memory_space<vmem>>)
      tpu.yield
    }) : () -> ()
    %run_scoped3A_611 = arith.constant 3 : i32
    %run_scoped3A_612 = arith.constant 3 : i32
    "tpu.region"() ({
      %run_scoped3A_643 = tpu.sem_alloc : memref<!tpu.dma_semaphore, #tpu.memory_space<semaphore_mem>>
      %dma_start3A_644 = arith.constant 0 : i32
      %dma_start3A_645 = tpu.memref_slice %arg25[%run_scoped3A_612, %dma_start3A_644] : memref<16x640xf32, #tpu.memory_space<vmem>> -> memref<1x640xf32, #tpu.memory_space<vmem>>
      %dma_start3A_646 = tpu.memref_squeeze %dma_start3A_645 : memref<1x640xf32, #tpu.memory_space<vmem>> -> memref<640xf32, #tpu.memory_space<vmem>>
      %dma_start3A_647 = tpu.memref_slice %arg26[%run_scoped3A_611, %mul3A_605] : memref<16x10240xf32, #tpu.memory_space<vmem_shared>> -> memref<1x640xf32, #tpu.memory_space<vmem_shared>>
      %dma_start3A_648 = tpu.memref_squeeze %dma_start3A_647 : memref<1x640xf32, #tpu.memory_space<vmem_shared>> -> memref<640xf32, #tpu.memory_space<vmem_shared>>
      %dma_start3A_649 = arith.constant 0 : i32
      %dma_start3A_650 = tpu.memref_slice %arg25[%run_scoped3A_612, %dma_start3A_649] : memref<16x640xf32, #tpu.memory_space<vmem>> -> memref<1x640xf32, #tpu.memory_space<vmem>>
      %dma_start3A_651 = tpu.memref_squeeze %dma_start3A_650 : memref<1x640xf32, #tpu.memory_space<vmem>> -> memref<640xf32, #tpu.memory_space<vmem>>
      %dma_start3A_652 = tpu.memref_slice %arg26[%run_scoped3A_611, %mul3A_605] : memref<16x10240xf32, #tpu.memory_space<vmem_shared>> -> memref<1x640xf32, #tpu.memory_space<vmem_shared>>
      %dma_start3A_653 = tpu.memref_squeeze %dma_start3A_652 : memref<1x640xf32, #tpu.memory_space<vmem_shared>> -> memref<640xf32, #tpu.memory_space<vmem_shared>>
      tpu.enqueue_dma source(%dma_start3A_653 : memref<640xf32, #tpu.memory_space<vmem_shared>>) target(%dma_start3A_651 : memref<640xf32, #tpu.memory_space<vmem>>) target_semaphore(%run_scoped3A_643 : memref<!tpu.dma_semaphore, #tpu.memory_space<semaphore_mem>>)
      %dma_wait3A_654 = arith.constant 0 : i32
      %dma_wait3A_655 = tpu.memref_slice %arg25[%run_scoped3A_612, %dma_wait3A_654] : memref<16x640xf32, #tpu.memory_space<vmem>> -> memref<1x640xf32, #tpu.memory_space<vmem>>
      %dma_wait3A_656 = tpu.memref_squeeze %dma_wait3A_655 : memref<1x640xf32, #tpu.memory_space<vmem>> -> memref<640xf32, #tpu.memory_space<vmem>>
      %dma_wait3A_657 = tpu.memref_slice %arg26[%run_scoped3A_611, %mul3A_605] : memref<16x10240xf32, #tpu.memory_space<vmem_shared>> -> memref<1x640xf32, #tpu.memory_space<vmem_shared>>
      %dma_wait3A_658 = tpu.memref_squeeze %dma_wait3A_657 : memref<1x640xf32, #tpu.memory_space<vmem_shared>> -> memref<640xf32, #tpu.memory_space<vmem_shared>>
      %dma_wait3A_659 = arith.constant 0 : i32
      %dma_wait3A_660 = tpu.memref_slice %arg25[%run_scoped3A_612, %dma_wait3A_659] : memref<16x640xf32, #tpu.memory_space<vmem>> -> memref<1x640xf32, #tpu.memory_space<vmem>>
      %dma_wait3A_661 = tpu.memref_squeeze %dma_wait3A_660 : memref<1x640xf32, #tpu.memory_space<vmem>> -> memref<640xf32, #tpu.memory_space<vmem>>
      %dma_wait3A_662 = tpu.memref_slice %arg26[%run_scoped3A_611, %mul3A_605] : memref<16x10240xf32, #tpu.memory_space<vmem_shared>> -> memref<1x640xf32, #tpu.memory_space<vmem_shared>>
      %dma_wait3A_663 = tpu.memref_squeeze %dma_wait3A_662 : memref<1x640xf32, #tpu.memory_space<vmem_shared>> -> memref<640xf32, #tpu.memory_space<vmem_shared>>
      tpu.wait_dma2 semaphore(%run_scoped3A_643 : memref<!tpu.dma_semaphore, #tpu.memory_space<semaphore_mem>>) src(%dma_wait3A_663 : memref<640xf32, #tpu.memory_space<vmem_shared>>) dst(%dma_wait3A_661 : memref<640xf32, #tpu.memory_space<vmem>>)
      tpu.yield
    }) : () -> ()
    %run_scoped3A_613 = arith.constant 4 : i32
    %run_scoped3A_614 = arith.constant 4 : i32
    "tpu.region"() ({
      %run_scoped3A_643 = tpu.sem_alloc : memref<!tpu.dma_semaphore, #tpu.memory_space<semaphore_mem>>
      %dma_start3A_644 = arith.constant 0 : i32
      %dma_start3A_645 = tpu.memref_slice %arg25[%run_scoped3A_614, %dma_start3A_644] : memref<16x640xf32, #tpu.memory_space<vmem>> -> memref<1x640xf32, #tpu.memory_space<vmem>>
      %dma_start3A_646 = tpu.memref_squeeze %dma_start3A_645 : memref<1x640xf32, #tpu.memory_space<vmem>> -> memref<640xf32, #tpu.memory_space<vmem>>
      %dma_start3A_647 = tpu.memref_slice %arg26[%run_scoped3A_613, %mul3A_605] : memref<16x10240xf32, #tpu.memory_space<vmem_shared>> -> memref<1x640xf32, #tpu.memory_space<vmem_shared>>
      %dma_start3A_648 = tpu.memref_squeeze %dma_start3A_647 : memref<1x640xf32, #tpu.memory_space<vmem_shared>> -> memref<640xf32, #tpu.memory_space<vmem_shared>>
      %dma_start3A_649 = arith.constant 0 : i32
      %dma_start3A_650 = tpu.memref_slice %arg25[%run_scoped3A_614, %dma_start3A_649] : memref<16x640xf32, #tpu.memory_space<vmem>> -> memref<1x640xf32, #tpu.memory_space<vmem>>
      %dma_start3A_651 = tpu.memref_squeeze %dma_start3A_650 : memref<1x640xf32, #tpu.memory_space<vmem>> -> memref<640xf32, #tpu.memory_space<vmem>>
      %dma_start3A_652 = tpu.memref_slice %arg26[%run_scoped3A_613, %mul3A_605] : memref<16x10240xf32, #tpu.memory_space<vmem_shared>> -> memref<1x640xf32, #tpu.memory_space<vmem_shared>>
      %dma_start3A_653 = tpu.memref_squeeze %dma_start3A_652 : memref<1x640xf32, #tpu.memory_space<vmem_shared>> -> memref<640xf32, #tpu.memory_space<vmem_shared>>
      tpu.enqueue_dma source(%dma_start3A_653 : memref<640xf32, #tpu.memory_space<vmem_shared>>) target(%dma_start3A_651 : memref<640xf32, #tpu.memory_space<vmem>>) target_semaphore(%run_scoped3A_643 : memref<!tpu.dma_semaphore, #tpu.memory_space<semaphore_mem>>)
      %dma_wait3A_654 = arith.constant 0 : i32
      %dma_wait3A_655 = tpu.memref_slice %arg25[%run_scoped3A_614, %dma_wait3A_654] : memref<16x640xf32, #tpu.memory_space<vmem>> -> memref<1x640xf32, #tpu.memory_space<vmem>>
      %dma_wait3A_656 = tpu.memref_squeeze %dma_wait3A_655 : memref<1x640xf32, #tpu.memory_space<vmem>> -> memref<640xf32, #tpu.memory_space<vmem>>
      %dma_wait3A_657 = tpu.memref_slice %arg26[%run_scoped3A_613, %mul3A_605] : memref<16x10240xf32, #tpu.memory_space<vmem_shared>> -> memref<1x640xf32, #tpu.memory_space<vmem_shared>>
      %dma_wait3A_658 = tpu.memref_squeeze %dma_wait3A_657 : memref<1x640xf32, #tpu.memory_space<vmem_shared>> -> memref<640xf32, #tpu.memory_space<vmem_shared>>
      %dma_wait3A_659 = arith.constant 0 : i32
      %dma_wait3A_660 = tpu.memref_slice %arg25[%run_scoped3A_614, %dma_wait3A_659] : memref<16x640xf32, #tpu.memory_space<vmem>> -> memref<1x640xf32, #tpu.memory_space<vmem>>
      %dma_wait3A_661 = tpu.memref_squeeze %dma_wait3A_660 : memref<1x640xf32, #tpu.memory_space<vmem>> -> memref<640xf32, #tpu.memory_space<vmem>>
      %dma_wait3A_662 = tpu.memref_slice %arg26[%run_scoped3A_613, %mul3A_605] : memref<16x10240xf32, #tpu.memory_space<vmem_shared>> -> memref<1x640xf32, #tpu.memory_space<vmem_shared>>
      %dma_wait3A_663 = tpu.memref_squeeze %dma_wait3A_662 : memref<1x640xf32, #tpu.memory_space<vmem_shared>> -> memref<640xf32, #tpu.memory_space<vmem_shared>>
      tpu.wait_dma2 semaphore(%run_scoped3A_643 : memref<!tpu.dma_semaphore, #tpu.memory_space<semaphore_mem>>) src(%dma_wait3A_663 : memref<640xf32, #tpu.memory_space<vmem_shared>>) dst(%dma_wait3A_661 : memref<640xf32, #tpu.memory_space<vmem>>)
      tpu.yield
    }) : () -> ()
    %run_scoped3A_615 = arith.constant 5 : i32
    %run_scoped3A_616 = arith.constant 5 : i32
    "tpu.region"() ({
      %run_scoped3A_643 = tpu.sem_alloc : memref<!tpu.dma_semaphore, #tpu.memory_space<semaphore_mem>>
      %dma_start3A_644 = arith.constant 0 : i32
      %dma_start3A_645 = tpu.memref_slice %arg25[%run_scoped3A_616, %dma_start3A_644] : memref<16x640xf32, #tpu.memory_space<vmem>> -> memref<1x640xf32, #tpu.memory_space<vmem>>
      %dma_start3A_646 = tpu.memref_squeeze %dma_start3A_645 : memref<1x640xf32, #tpu.memory_space<vmem>> -> memref<640xf32, #tpu.memory_space<vmem>>
      %dma_start3A_647 = tpu.memref_slice %arg26[%run_scoped3A_615, %mul3A_605] : memref<16x10240xf32, #tpu.memory_space<vmem_shared>> -> memref<1x640xf32, #tpu.memory_space<vmem_shared>>
      %dma_start3A_648 = tpu.memref_squeeze %dma_start3A_647 : memref<1x640xf32, #tpu.memory_space<vmem_shared>> -> memref<640xf32, #tpu.memory_space<vmem_shared>>
      %dma_start3A_649 = arith.constant 0 : i32
      %dma_start3A_650 = tpu.memref_slice %arg25[%run_scoped3A_616, %dma_start3A_649] : memref<16x640xf32, #tpu.memory_space<vmem>> -> memref<1x640xf32, #tpu.memory_space<vmem>>
      %dma_start3A_651 = tpu.memref_squeeze %dma_start3A_650 : memref<1x640xf32, #tpu.memory_space<vmem>> -> memref<640xf32, #tpu.memory_space<vmem>>
      %dma_start3A_652 = tpu.memref_slice %arg26[%run_scoped3A_615, %mul3A_605] : memref<16x10240xf32, #tpu.memory_space<vmem_shared>> -> memref<1x640xf32, #tpu.memory_space<vmem_shared>>
      %dma_start3A_653 = tpu.memref_squeeze %dma_start3A_652 : memref<1x640xf32, #tpu.memory_space<vmem_shared>> -> memref<640xf32, #tpu.memory_space<vmem_shared>>
      tpu.enqueue_dma source(%dma_start3A_653 : memref<640xf32, #tpu.memory_space<vmem_shared>>) target(%dma_start3A_651 : memref<640xf32, #tpu.memory_space<vmem>>) target_semaphore(%run_scoped3A_643 : memref<!tpu.dma_semaphore, #tpu.memory_space<semaphore_mem>>)
      %dma_wait3A_654 = arith.constant 0 : i32
      %dma_wait3A_655 = tpu.memref_slice %arg25[%run_scoped3A_616, %dma_wait3A_654] : memref<16x640xf32, #tpu.memory_space<vmem>> -> memref<1x640xf32, #tpu.memory_space<vmem>>
      %dma_wait3A_656 = tpu.memref_squeeze %dma_wait3A_655 : memref<1x640xf32, #tpu.memory_space<vmem>> -> memref<640xf32, #tpu.memory_space<vmem>>
      %dma_wait3A_657 = tpu.memref_slice %arg26[%run_scoped3A_615, %mul3A_605] : memref<16x10240xf32, #tpu.memory_space<vmem_shared>> -> memref<1x640xf32, #tpu.memory_space<vmem_shared>>
      %dma_wait3A_658 = tpu.memref_squeeze %dma_wait3A_657 : memref<1x640xf32, #tpu.memory_space<vmem_shared>> -> memref<640xf32, #tpu.memory_space<vmem_shared>>
      %dma_wait3A_659 = arith.constant 0 : i32
      %dma_wait3A_660 = tpu.memref_slice %arg25[%run_scoped3A_616, %dma_wait3A_659] : memref<16x640xf32, #tpu.memory_space<vmem>> -> memref<1x640xf32, #tpu.memory_space<vmem>>
      %dma_wait3A_661 = tpu.memref_squeeze %dma_wait3A_660 : memref<1x640xf32, #tpu.memory_space<vmem>> -> memref<640xf32, #tpu.memory_space<vmem>>
      %dma_wait3A_662 = tpu.memref_slice %arg26[%run_scoped3A_615, %mul3A_605] : memref<16x10240xf32, #tpu.memory_space<vmem_shared>> -> memref<1x640xf32, #tpu.memory_space<vmem_shared>>
      %dma_wait3A_663 = tpu.memref_squeeze %dma_wait3A_662 : memref<1x640xf32, #tpu.memory_space<vmem_shared>> -> memref<640xf32, #tpu.memory_space<vmem_shared>>
      tpu.wait_dma2 semaphore(%run_scoped3A_643 : memref<!tpu.dma_semaphore, #tpu.memory_space<semaphore_mem>>) src(%dma_wait3A_663 : memref<640xf32, #tpu.memory_space<vmem_shared>>) dst(%dma_wait3A_661 : memref<640xf32, #tpu.memory_space<vmem>>)
      tpu.yield
    }) : () -> ()
    %run_scoped3A_617 = arith.constant 6 : i32
    %run_scoped3A_618 = arith.constant 6 : i32
    "tpu.region"() ({
      %run_scoped3A_643 = tpu.sem_alloc : memref<!tpu.dma_semaphore, #tpu.memory_space<semaphore_mem>>
      %dma_start3A_644 = arith.constant 0 : i32
      %dma_start3A_645 = tpu.memref_slice %arg25[%run_scoped3A_618, %dma_start3A_644] : memref<16x640xf32, #tpu.memory_space<vmem>> -> memref<1x640xf32, #tpu.memory_space<vmem>>
      %dma_start3A_646 = tpu.memref_squeeze %dma_start3A_645 : memref<1x640xf32, #tpu.memory_space<vmem>> -> memref<640xf32, #tpu.memory_space<vmem>>
      %dma_start3A_647 = tpu.memref_slice %arg26[%run_scoped3A_617, %mul3A_605] : memref<16x10240xf32, #tpu.memory_space<vmem_shared>> -> memref<1x640xf32, #tpu.memory_space<vmem_shared>>
      %dma_start3A_648 = tpu.memref_squeeze %dma_start3A_647 : memref<1x640xf32, #tpu.memory_space<vmem_shared>> -> memref<640xf32, #tpu.memory_space<vmem_shared>>
      %dma_start3A_649 = arith.constant 0 : i32
      %dma_start3A_650 = tpu.memref_slice %arg25[%run_scoped3A_618, %dma_start3A_649] : memref<16x640xf32, #tpu.memory_space<vmem>> -> memref<1x640xf32, #tpu.memory_space<vmem>>
      %dma_start3A_651 = tpu.memref_squeeze %dma_start3A_650 : memref<1x640xf32, #tpu.memory_space<vmem>> -> memref<640xf32, #tpu.memory_space<vmem>>
      %dma_start3A_652 = tpu.memref_slice %arg26[%run_scoped3A_617, %mul3A_605] : memref<16x10240xf32, #tpu.memory_space<vmem_shared>> -> memref<1x640xf32, #tpu.memory_space<vmem_shared>>
      %dma_start3A_653 = tpu.memref_squeeze %dma_start3A_652 : memref<1x640xf32, #tpu.memory_space<vmem_shared>> -> memref<640xf32, #tpu.memory_space<vmem_shared>>
      tpu.enqueue_dma source(%dma_start3A_653 : memref<640xf32, #tpu.memory_space<vmem_shared>>) target(%dma_start3A_651 : memref<640xf32, #tpu.memory_space<vmem>>) target_semaphore(%run_scoped3A_643 : memref<!tpu.dma_semaphore, #tpu.memory_space<semaphore_mem>>)
      %dma_wait3A_654 = arith.constant 0 : i32
      %dma_wait3A_655 = tpu.memref_slice %arg25[%run_scoped3A_618, %dma_wait3A_654] : memref<16x640xf32, #tpu.memory_space<vmem>> -> memref<1x640xf32, #tpu.memory_space<vmem>>
      %dma_wait3A_656 = tpu.memref_squeeze %dma_wait3A_655 : memref<1x640xf32, #tpu.memory_space<vmem>> -> memref<640xf32, #tpu.memory_space<vmem>>
      %dma_wait3A_657 = tpu.memref_slice %arg26[%run_scoped3A_617, %mul3A_605] : memref<16x10240xf32, #tpu.memory_space<vmem_shared>> -> memref<1x640xf32, #tpu.memory_space<vmem_shared>>
      %dma_wait3A_658 = tpu.memref_squeeze %dma_wait3A_657 : memref<1x640xf32, #tpu.memory_space<vmem_shared>> -> memref<640xf32, #tpu.memory_space<vmem_shared>>
      %dma_wait3A_659 = arith.constant 0 : i32
      %dma_wait3A_660 = tpu.memref_slice %arg25[%run_scoped3A_618, %dma_wait3A_659] : memref<16x640xf32, #tpu.memory_space<vmem>> -> memref<1x640xf32, #tpu.memory_space<vmem>>
      %dma_wait3A_661 = tpu.memref_squeeze %dma_wait3A_660 : memref<1x640xf32, #tpu.memory_space<vmem>> -> memref<640xf32, #tpu.memory_space<vmem>>
      %dma_wait3A_662 = tpu.memref_slice %arg26[%run_scoped3A_617, %mul3A_605] : memref<16x10240xf32, #tpu.memory_space<vmem_shared>> -> memref<1x640xf32, #tpu.memory_space<vmem_shared>>
      %dma_wait3A_663 = tpu.memref_squeeze %dma_wait3A_662 : memref<1x640xf32, #tpu.memory_space<vmem_shared>> -> memref<640xf32, #tpu.memory_space<vmem_shared>>
      tpu.wait_dma2 semaphore(%run_scoped3A_643 : memref<!tpu.dma_semaphore, #tpu.memory_space<semaphore_mem>>) src(%dma_wait3A_663 : memref<640xf32, #tpu.memory_space<vmem_shared>>) dst(%dma_wait3A_661 : memref<640xf32, #tpu.memory_space<vmem>>)
      tpu.yield
    }) : () -> ()
    %run_scoped3A_619 = arith.constant 7 : i32
    %run_scoped3A_620 = arith.constant 7 : i32
    "tpu.region"() ({
      %run_scoped3A_643 = tpu.sem_alloc : memref<!tpu.dma_semaphore, #tpu.memory_space<semaphore_mem>>
      %dma_start3A_644 = arith.constant 0 : i32
      %dma_start3A_645 = tpu.memref_slice %arg25[%run_scoped3A_620, %dma_start3A_644] : memref<16x640xf32, #tpu.memory_space<vmem>> -> memref<1x640xf32, #tpu.memory_space<vmem>>
      %dma_start3A_646 = tpu.memref_squeeze %dma_start3A_645 : memref<1x640xf32, #tpu.memory_space<vmem>> -> memref<640xf32, #tpu.memory_space<vmem>>
      %dma_start3A_647 = tpu.memref_slice %arg26[%run_scoped3A_619, %mul3A_605] : memref<16x10240xf32, #tpu.memory_space<vmem_shared>> -> memref<1x640xf32, #tpu.memory_space<vmem_shared>>
      %dma_start3A_648 = tpu.memref_squeeze %dma_start3A_647 : memref<1x640xf32, #tpu.memory_space<vmem_shared>> -> memref<640xf32, #tpu.memory_space<vmem_shared>>
      %dma_start3A_649 = arith.constant 0 : i32
      %dma_start3A_650 = tpu.memref_slice %arg25[%run_scoped3A_620, %dma_start3A_649] : memref<16x640xf32, #tpu.memory_space<vmem>> -> memref<1x640xf32, #tpu.memory_space<vmem>>
      %dma_start3A_651 = tpu.memref_squeeze %dma_start3A_650 : memref<1x640xf32, #tpu.memory_space<vmem>> -> memref<640xf32, #tpu.memory_space<vmem>>
      %dma_start3A_652 = tpu.memref_slice %arg26[%run_scoped3A_619, %mul3A_605] : memref<16x10240xf32, #tpu.memory_space<vmem_shared>> -> memref<1x640xf32, #tpu.memory_space<vmem_shared>>
      %dma_start3A_653 = tpu.memref_squeeze %dma_start3A_652 : memref<1x640xf32, #tpu.memory_space<vmem_shared>> -> memref<640xf32, #tpu.memory_space<vmem_shared>>
      tpu.enqueue_dma source(%dma_start3A_653 : memref<640xf32, #tpu.memory_space<vmem_shared>>) target(%dma_start3A_651 : memref<640xf32, #tpu.memory_space<vmem>>) target_semaphore(%run_scoped3A_643 : memref<!tpu.dma_semaphore, #tpu.memory_space<semaphore_mem>>)
      %dma_wait3A_654 = arith.constant 0 : i32
      %dma_wait3A_655 = tpu.memref_slice %arg25[%run_scoped3A_620, %dma_wait3A_654] : memref<16x640xf32, #tpu.memory_space<vmem>> -> memref<1x640xf32, #tpu.memory_space<vmem>>
      %dma_wait3A_656 = tpu.memref_squeeze %dma_wait3A_655 : memref<1x640xf32, #tpu.memory_space<vmem>> -> memref<640xf32, #tpu.memory_space<vmem>>
      %dma_wait3A_657 = tpu.memref_slice %arg26[%run_scoped3A_619, %mul3A_605] : memref<16x10240xf32, #tpu.memory_space<vmem_shared>> -> memref<1x640xf32, #tpu.memory_space<vmem_shared>>
      %dma_wait3A_658 = tpu.memref_squeeze %dma_wait3A_657 : memref<1x640xf32, #tpu.memory_space<vmem_shared>> -> memref<640xf32, #tpu.memory_space<vmem_shared>>
      %dma_wait3A_659 = arith.constant 0 : i32
      %dma_wait3A_660 = tpu.memref_slice %arg25[%run_scoped3A_620, %dma_wait3A_659] : memref<16x640xf32, #tpu.memory_space<vmem>> -> memref<1x640xf32, #tpu.memory_space<vmem>>
      %dma_wait3A_661 = tpu.memref_squeeze %dma_wait3A_660 : memref<1x640xf32, #tpu.memory_space<vmem>> -> memref<640xf32, #tpu.memory_space<vmem>>
      %dma_wait3A_662 = tpu.memref_slice %arg26[%run_scoped3A_619, %mul3A_605] : memref<16x10240xf32, #tpu.memory_space<vmem_shared>> -> memref<1x640xf32, #tpu.memory_space<vmem_shared>>
      %dma_wait3A_663 = tpu.memref_squeeze %dma_wait3A_662 : memref<1x640xf32, #tpu.memory_space<vmem_shared>> -> memref<640xf32, #tpu.memory_space<vmem_shared>>
      tpu.wait_dma2 semaphore(%run_scoped3A_643 : memref<!tpu.dma_semaphore, #tpu.memory_space<semaphore_mem>>) src(%dma_wait3A_663 : memref<640xf32, #tpu.memory_space<vmem_shared>>) dst(%dma_wait3A_661 : memref<640xf32, #tpu.memory_space<vmem>>)
      tpu.yield
    }) : () -> ()
    %run_scoped3A_621 = arith.constant 8 : i32
    %run_scoped3A_622 = arith.constant 8 : i32
    "tpu.region"() ({
      %run_scoped3A_643 = tpu.sem_alloc : memref<!tpu.dma_semaphore, #tpu.memory_space<semaphore_mem>>
      %dma_start3A_644 = arith.constant 0 : i32
      %dma_start3A_645 = tpu.memref_slice %arg25[%run_scoped3A_622, %dma_start3A_644] : memref<16x640xf32, #tpu.memory_space<vmem>> -> memref<1x640xf32, #tpu.memory_space<vmem>>
      %dma_start3A_646 = tpu.memref_squeeze %dma_start3A_645 : memref<1x640xf32, #tpu.memory_space<vmem>> -> memref<640xf32, #tpu.memory_space<vmem>>
      %dma_start3A_647 = tpu.memref_slice %arg26[%run_scoped3A_621, %mul3A_605] : memref<16x10240xf32, #tpu.memory_space<vmem_shared>> -> memref<1x640xf32, #tpu.memory_space<vmem_shared>>
      %dma_start3A_648 = tpu.memref_squeeze %dma_start3A_647 : memref<1x640xf32, #tpu.memory_space<vmem_shared>> -> memref<640xf32, #tpu.memory_space<vmem_shared>>
      %dma_start3A_649 = arith.constant 0 : i32
      %dma_start3A_650 = tpu.memref_slice %arg25[%run_scoped3A_622, %dma_start3A_649] : memref<16x640xf32, #tpu.memory_space<vmem>> -> memref<1x640xf32, #tpu.memory_space<vmem>>
      %dma_start3A_651 = tpu.memref_squeeze %dma_start3A_650 : memref<1x640xf32, #tpu.memory_space<vmem>> -> memref<640xf32, #tpu.memory_space<vmem>>
      %dma_start3A_652 = tpu.memref_slice %arg26[%run_scoped3A_621, %mul3A_605] : memref<16x10240xf32, #tpu.memory_space<vmem_shared>> -> memref<1x640xf32, #tpu.memory_space<vmem_shared>>
      %dma_start3A_653 = tpu.memref_squeeze %dma_start3A_652 : memref<1x640xf32, #tpu.memory_space<vmem_shared>> -> memref<640xf32, #tpu.memory_space<vmem_shared>>
      tpu.enqueue_dma source(%dma_start3A_653 : memref<640xf32, #tpu.memory_space<vmem_shared>>) target(%dma_start3A_651 : memref<640xf32, #tpu.memory_space<vmem>>) target_semaphore(%run_scoped3A_643 : memref<!tpu.dma_semaphore, #tpu.memory_space<semaphore_mem>>)
      %dma_wait3A_654 = arith.constant 0 : i32
      %dma_wait3A_655 = tpu.memref_slice %arg25[%run_scoped3A_622, %dma_wait3A_654] : memref<16x640xf32, #tpu.memory_space<vmem>> -> memref<1x640xf32, #tpu.memory_space<vmem>>
      %dma_wait3A_656 = tpu.memref_squeeze %dma_wait3A_655 : memref<1x640xf32, #tpu.memory_space<vmem>> -> memref<640xf32, #tpu.memory_space<vmem>>
      %dma_wait3A_657 = tpu.memref_slice %arg26[%run_scoped3A_621, %mul3A_605] : memref<16x10240xf32, #tpu.memory_space<vmem_shared>> -> memref<1x640xf32, #tpu.memory_space<vmem_shared>>
      %dma_wait3A_658 = tpu.memref_squeeze %dma_wait3A_657 : memref<1x640xf32, #tpu.memory_space<vmem_shared>> -> memref<640xf32, #tpu.memory_space<vmem_shared>>
      %dma_wait3A_659 = arith.constant 0 : i32
      %dma_wait3A_660 = tpu.memref_slice %arg25[%run_scoped3A_622, %dma_wait3A_659] : memref<16x640xf32, #tpu.memory_space<vmem>> -> memref<1x640xf32, #tpu.memory_space<vmem>>
      %dma_wait3A_661 = tpu.memref_squeeze %dma_wait3A_660 : memref<1x640xf32, #tpu.memory_space<vmem>> -> memref<640xf32, #tpu.memory_space<vmem>>
      %dma_wait3A_662 = tpu.memref_slice %arg26[%run_scoped3A_621, %mul3A_605] : memref<16x10240xf32, #tpu.memory_space<vmem_shared>> -> memref<1x640xf32, #tpu.memory_space<vmem_shared>>
      %dma_wait3A_663 = tpu.memref_squeeze %dma_wait3A_662 : memref<1x640xf32, #tpu.memory_space<vmem_shared>> -> memref<640xf32, #tpu.memory_space<vmem_shared>>
      tpu.wait_dma2 semaphore(%run_scoped3A_643 : memref<!tpu.dma_semaphore, #tpu.memory_space<semaphore_mem>>) src(%dma_wait3A_663 : memref<640xf32, #tpu.memory_space<vmem_shared>>) dst(%dma_wait3A_661 : memref<640xf32, #tpu.memory_space<vmem>>)
      tpu.yield
    }) : () -> ()
    %run_scoped3A_623 = arith.constant 9 : i32
    %run_scoped3A_624 = arith.constant 9 : i32
    "tpu.region"() ({
      %run_scoped3A_643 = tpu.sem_alloc : memref<!tpu.dma_semaphore, #tpu.memory_space<semaphore_mem>>
      %dma_start3A_644 = arith.constant 0 : i32
      %dma_start3A_645 = tpu.memref_slice %arg25[%run_scoped3A_624, %dma_start3A_644] : memref<16x640xf32, #tpu.memory_space<vmem>> -> memref<1x640xf32, #tpu.memory_space<vmem>>
      %dma_start3A_646 = tpu.memref_squeeze %dma_start3A_645 : memref<1x640xf32, #tpu.memory_space<vmem>> -> memref<640xf32, #tpu.memory_space<vmem>>
      %dma_start3A_647 = tpu.memref_slice %arg26[%run_scoped3A_623, %mul3A_605] : memref<16x10240xf32, #tpu.memory_space<vmem_shared>> -> memref<1x640xf32, #tpu.memory_space<vmem_shared>>
      %dma_start3A_648 = tpu.memref_squeeze %dma_start3A_647 : memref<1x640xf32, #tpu.memory_space<vmem_shared>> -> memref<640xf32, #tpu.memory_space<vmem_shared>>
      %dma_start3A_649 = arith.constant 0 : i32
      %dma_start3A_650 = tpu.memref_slice %arg25[%run_scoped3A_624, %dma_start3A_649] : memref<16x640xf32, #tpu.memory_space<vmem>> -> memref<1x640xf32, #tpu.memory_space<vmem>>
      %dma_start3A_651 = tpu.memref_squeeze %dma_start3A_650 : memref<1x640xf32, #tpu.memory_space<vmem>> -> memref<640xf32, #tpu.memory_space<vmem>>
      %dma_start3A_652 = tpu.memref_slice %arg26[%run_scoped3A_623, %mul3A_605] : memref<16x10240xf32, #tpu.memory_space<vmem_shared>> -> memref<1x640xf32, #tpu.memory_space<vmem_shared>>
      %dma_start3A_653 = tpu.memref_squeeze %dma_start3A_652 : memref<1x640xf32, #tpu.memory_space<vmem_shared>> -> memref<640xf32, #tpu.memory_space<vmem_shared>>
      tpu.enqueue_dma source(%dma_start3A_653 : memref<640xf32, #tpu.memory_space<vmem_shared>>) target(%dma_start3A_651 : memref<640xf32, #tpu.memory_space<vmem>>) target_semaphore(%run_scoped3A_643 : memref<!tpu.dma_semaphore, #tpu.memory_space<semaphore_mem>>)
      %dma_wait3A_654 = arith.constant 0 : i32
      %dma_wait3A_655 = tpu.memref_slice %arg25[%run_scoped3A_624, %dma_wait3A_654] : memref<16x640xf32, #tpu.memory_space<vmem>> -> memref<1x640xf32, #tpu.memory_space<vmem>>
      %dma_wait3A_656 = tpu.memref_squeeze %dma_wait3A_655 : memref<1x640xf32, #tpu.memory_space<vmem>> -> memref<640xf32, #tpu.memory_space<vmem>>
      %dma_wait3A_657 = tpu.memref_slice %arg26[%run_scoped3A_623, %mul3A_605] : memref<16x10240xf32, #tpu.memory_space<vmem_shared>> -> memref<1x640xf32, #tpu.memory_space<vmem_shared>>
      %dma_wait3A_658 = tpu.memref_squeeze %dma_wait3A_657 : memref<1x640xf32, #tpu.memory_space<vmem_shared>> -> memref<640xf32, #tpu.memory_space<vmem_shared>>
      %dma_wait3A_659 = arith.constant 0 : i32
      %dma_wait3A_660 = tpu.memref_slice %arg25[%run_scoped3A_624, %dma_wait3A_659] : memref<16x640xf32, #tpu.memory_space<vmem>> -> memref<1x640xf32, #tpu.memory_space<vmem>>
      %dma_wait3A_661 = tpu.memref_squeeze %dma_wait3A_660 : memref<1x640xf32, #tpu.memory_space<vmem>> -> memref<640xf32, #tpu.memory_space<vmem>>
      %dma_wait3A_662 = tpu.memref_slice %arg26[%run_scoped3A_623, %mul3A_605] : memref<16x10240xf32, #tpu.memory_space<vmem_shared>> -> memref<1x640xf32, #tpu.memory_space<vmem_shared>>
      %dma_wait3A_663 = tpu.memref_squeeze %dma_wait3A_662 : memref<1x640xf32, #tpu.memory_space<vmem_shared>> -> memref<640xf32, #tpu.memory_space<vmem_shared>>
      tpu.wait_dma2 semaphore(%run_scoped3A_643 : memref<!tpu.dma_semaphore, #tpu.memory_space<semaphore_mem>>) src(%dma_wait3A_663 : memref<640xf32, #tpu.memory_space<vmem_shared>>) dst(%dma_wait3A_661 : memref<640xf32, #tpu.memory_space<vmem>>)
      tpu.yield
    }) : () -> ()
    %run_scoped3A_625 = arith.constant 10 : i32
    %run_scoped3A_626 = arith.constant 10 : i32
    "tpu.region"() ({
      %run_scoped3A_643 = tpu.sem_alloc : memref<!tpu.dma_semaphore, #tpu.memory_space<semaphore_mem>>
      %dma_start3A_644 = arith.constant 0 : i32
      %dma_start3A_645 = tpu.memref_slice %arg25[%run_scoped3A_626, %dma_start3A_644] : memref<16x640xf32, #tpu.memory_space<vmem>> -> memref<1x640xf32, #tpu.memory_space<vmem>>
      %dma_start3A_646 = tpu.memref_squeeze %dma_start3A_645 : memref<1x640xf32, #tpu.memory_space<vmem>> -> memref<640xf32, #tpu.memory_space<vmem>>
      %dma_start3A_647 = tpu.memref_slice %arg26[%run_scoped3A_625, %mul3A_605] : memref<16x10240xf32, #tpu.memory_space<vmem_shared>> -> memref<1x640xf32, #tpu.memory_space<vmem_shared>>
      %dma_start3A_648 = tpu.memref_squeeze %dma_start3A_647 : memref<1x640xf32, #tpu.memory_space<vmem_shared>> -> memref<640xf32, #tpu.memory_space<vmem_shared>>
      %dma_start3A_649 = arith.constant 0 : i32
      %dma_start3A_650 = tpu.memref_slice %arg25[%run_scoped3A_626, %dma_start3A_649] : memref<16x640xf32, #tpu.memory_space<vmem>> -> memref<1x640xf32, #tpu.memory_space<vmem>>
      %dma_start3A_651 = tpu.memref_squeeze %dma_start3A_650 : memref<1x640xf32, #tpu.memory_space<vmem>> -> memref<640xf32, #tpu.memory_space<vmem>>
      %dma_start3A_652 = tpu.memref_slice %arg26[%run_scoped3A_625, %mul3A_605] : memref<16x10240xf32, #tpu.memory_space<vmem_shared>> -> memref<1x640xf32, #tpu.memory_space<vmem_shared>>
      %dma_start3A_653 = tpu.memref_squeeze %dma_start3A_652 : memref<1x640xf32, #tpu.memory_space<vmem_shared>> -> memref<640xf32, #tpu.memory_space<vmem_shared>>
      tpu.enqueue_dma source(%dma_start3A_653 : memref<640xf32, #tpu.memory_space<vmem_shared>>) target(%dma_start3A_651 : memref<640xf32, #tpu.memory_space<vmem>>) target_semaphore(%run_scoped3A_643 : memref<!tpu.dma_semaphore, #tpu.memory_space<semaphore_mem>>)
      %dma_wait3A_654 = arith.constant 0 : i32
      %dma_wait3A_655 = tpu.memref_slice %arg25[%run_scoped3A_626, %dma_wait3A_654] : memref<16x640xf32, #tpu.memory_space<vmem>> -> memref<1x640xf32, #tpu.memory_space<vmem>>
      %dma_wait3A_656 = tpu.memref_squeeze %dma_wait3A_655 : memref<1x640xf32, #tpu.memory_space<vmem>> -> memref<640xf32, #tpu.memory_space<vmem>>
      %dma_wait3A_657 = tpu.memref_slice %arg26[%run_scoped3A_625, %mul3A_605] : memref<16x10240xf32, #tpu.memory_space<vmem_shared>> -> memref<1x640xf32, #tpu.memory_space<vmem_shared>>
      %dma_wait3A_658 = tpu.memref_squeeze %dma_wait3A_657 : memref<1x640xf32, #tpu.memory_space<vmem_shared>> -> memref<640xf32, #tpu.memory_space<vmem_shared>>
      %dma_wait3A_659 = arith.constant 0 : i32
      %dma_wait3A_660 = tpu.memref_slice %arg25[%run_scoped3A_626, %dma_wait3A_659] : memref<16x640xf32, #tpu.memory_space<vmem>> -> memref<1x640xf32, #tpu.memory_space<vmem>>
      %dma_wait3A_661 = tpu.memref_squeeze %dma_wait3A_660 : memref<1x640xf32, #tpu.memory_space<vmem>> -> memref<640xf32, #tpu.memory_space<vmem>>
      %dma_wait3A_662 = tpu.memref_slice %arg26[%run_scoped3A_625, %mul3A_605] : memref<16x10240xf32, #tpu.memory_space<vmem_shared>> -> memref<1x640xf32, #tpu.memory_space<vmem_shared>>
      %dma_wait3A_663 = tpu.memref_squeeze %dma_wait3A_662 : memref<1x640xf32, #tpu.memory_space<vmem_shared>> -> memref<640xf32, #tpu.memory_space<vmem_shared>>
      tpu.wait_dma2 semaphore(%run_scoped3A_643 : memref<!tpu.dma_semaphore, #tpu.memory_space<semaphore_mem>>) src(%dma_wait3A_663 : memref<640xf32, #tpu.memory_space<vmem_shared>>) dst(%dma_wait3A_661 : memref<640xf32, #tpu.memory_space<vmem>>)
      tpu.yield
    }) : () -> ()
    %run_scoped3A_627 = arith.constant 11 : i32
    %run_scoped3A_628 = arith.constant 11 : i32
    "tpu.region"() ({
      %run_scoped3A_643 = tpu.sem_alloc : memref<!tpu.dma_semaphore, #tpu.memory_space<semaphore_mem>>
      %dma_start3A_644 = arith.constant 0 : i32
      %dma_start3A_645 = tpu.memref_slice %arg25[%run_scoped3A_628, %dma_start3A_644] : memref<16x640xf32, #tpu.memory_space<vmem>> -> memref<1x640xf32, #tpu.memory_space<vmem>>
      %dma_start3A_646 = tpu.memref_squeeze %dma_start3A_645 : memref<1x640xf32, #tpu.memory_space<vmem>> -> memref<640xf32, #tpu.memory_space<vmem>>
      %dma_start3A_647 = tpu.memref_slice %arg26[%run_scoped3A_627, %mul3A_605] : memref<16x10240xf32, #tpu.memory_space<vmem_shared>> -> memref<1x640xf32, #tpu.memory_space<vmem_shared>>
      %dma_start3A_648 = tpu.memref_squeeze %dma_start3A_647 : memref<1x640xf32, #tpu.memory_space<vmem_shared>> -> memref<640xf32, #tpu.memory_space<vmem_shared>>
      %dma_start3A_649 = arith.constant 0 : i32
      %dma_start3A_650 = tpu.memref_slice %arg25[%run_scoped3A_628, %dma_start3A_649] : memref<16x640xf32, #tpu.memory_space<vmem>> -> memref<1x640xf32, #tpu.memory_space<vmem>>
      %dma_start3A_651 = tpu.memref_squeeze %dma_start3A_650 : memref<1x640xf32, #tpu.memory_space<vmem>> -> memref<640xf32, #tpu.memory_space<vmem>>
      %dma_start3A_652 = tpu.memref_slice %arg26[%run_scoped3A_627, %mul3A_605] : memref<16x10240xf32, #tpu.memory_space<vmem_shared>> -> memref<1x640xf32, #tpu.memory_space<vmem_shared>>
      %dma_start3A_653 = tpu.memref_squeeze %dma_start3A_652 : memref<1x640xf32, #tpu.memory_space<vmem_shared>> -> memref<640xf32, #tpu.memory_space<vmem_shared>>
      tpu.enqueue_dma source(%dma_start3A_653 : memref<640xf32, #tpu.memory_space<vmem_shared>>) target(%dma_start3A_651 : memref<640xf32, #tpu.memory_space<vmem>>) target_semaphore(%run_scoped3A_643 : memref<!tpu.dma_semaphore, #tpu.memory_space<semaphore_mem>>)
      %dma_wait3A_654 = arith.constant 0 : i32
      %dma_wait3A_655 = tpu.memref_slice %arg25[%run_scoped3A_628, %dma_wait3A_654] : memref<16x640xf32, #tpu.memory_space<vmem>> -> memref<1x640xf32, #tpu.memory_space<vmem>>
      %dma_wait3A_656 = tpu.memref_squeeze %dma_wait3A_655 : memref<1x640xf32, #tpu.memory_space<vmem>> -> memref<640xf32, #tpu.memory_space<vmem>>
      %dma_wait3A_657 = tpu.memref_slice %arg26[%run_scoped3A_627, %mul3A_605] : memref<16x10240xf32, #tpu.memory_space<vmem_shared>> -> memref<1x640xf32, #tpu.memory_space<vmem_shared>>
      %dma_wait3A_658 = tpu.memref_squeeze %dma_wait3A_657 : memref<1x640xf32, #tpu.memory_space<vmem_shared>> -> memref<640xf32, #tpu.memory_space<vmem_shared>>
      %dma_wait3A_659 = arith.constant 0 : i32
      %dma_wait3A_660 = tpu.memref_slice %arg25[%run_scoped3A_628, %dma_wait3A_659] : memref<16x640xf32, #tpu.memory_space<vmem>> -> memref<1x640xf32, #tpu.memory_space<vmem>>
      %dma_wait3A_661 = tpu.memref_squeeze %dma_wait3A_660 : memref<1x640xf32, #tpu.memory_space<vmem>> -> memref<640xf32, #tpu.memory_space<vmem>>
      %dma_wait3A_662 = tpu.memref_slice %arg26[%run_scoped3A_627, %mul3A_605] : memref<16x10240xf32, #tpu.memory_space<vmem_shared>> -> memref<1x640xf32, #tpu.memory_space<vmem_shared>>
      %dma_wait3A_663 = tpu.memref_squeeze %dma_wait3A_662 : memref<1x640xf32, #tpu.memory_space<vmem_shared>> -> memref<640xf32, #tpu.memory_space<vmem_shared>>
      tpu.wait_dma2 semaphore(%run_scoped3A_643 : memref<!tpu.dma_semaphore, #tpu.memory_space<semaphore_mem>>) src(%dma_wait3A_663 : memref<640xf32, #tpu.memory_space<vmem_shared>>) dst(%dma_wait3A_661 : memref<640xf32, #tpu.memory_space<vmem>>)
      tpu.yield
    }) : () -> ()
    %run_scoped3A_629 = arith.constant 12 : i32
    %run_scoped3A_630 = arith.constant 12 : i32
    "tpu.region"() ({
      %run_scoped3A_643 = tpu.sem_alloc : memref<!tpu.dma_semaphore, #tpu.memory_space<semaphore_mem>>
      %dma_start3A_644 = arith.constant 0 : i32
      %dma_start3A_645 = tpu.memref_slice %arg25[%run_scoped3A_630, %dma_start3A_644] : memref<16x640xf32, #tpu.memory_space<vmem>> -> memref<1x640xf32, #tpu.memory_space<vmem>>
      %dma_start3A_646 = tpu.memref_squeeze %dma_start3A_645 : memref<1x640xf32, #tpu.memory_space<vmem>> -> memref<640xf32, #tpu.memory_space<vmem>>
      %dma_start3A_647 = tpu.memref_slice %arg26[%run_scoped3A_629, %mul3A_605] : memref<16x10240xf32, #tpu.memory_space<vmem_shared>> -> memref<1x640xf32, #tpu.memory_space<vmem_shared>>
      %dma_start3A_648 = tpu.memref_squeeze %dma_start3A_647 : memref<1x640xf32, #tpu.memory_space<vmem_shared>> -> memref<640xf32, #tpu.memory_space<vmem_shared>>
      %dma_start3A_649 = arith.constant 0 : i32
      %dma_start3A_650 = tpu.memref_slice %arg25[%run_scoped3A_630, %dma_start3A_649] : memref<16x640xf32, #tpu.memory_space<vmem>> -> memref<1x640xf32, #tpu.memory_space<vmem>>
      %dma_start3A_651 = tpu.memref_squeeze %dma_start3A_650 : memref<1x640xf32, #tpu.memory_space<vmem>> -> memref<640xf32, #tpu.memory_space<vmem>>
      %dma_start3A_652 = tpu.memref_slice %arg26[%run_scoped3A_629, %mul3A_605] : memref<16x10240xf32, #tpu.memory_space<vmem_shared>> -> memref<1x640xf32, #tpu.memory_space<vmem_shared>>
      %dma_start3A_653 = tpu.memref_squeeze %dma_start3A_652 : memref<1x640xf32, #tpu.memory_space<vmem_shared>> -> memref<640xf32, #tpu.memory_space<vmem_shared>>
      tpu.enqueue_dma source(%dma_start3A_653 : memref<640xf32, #tpu.memory_space<vmem_shared>>) target(%dma_start3A_651 : memref<640xf32, #tpu.memory_space<vmem>>) target_semaphore(%run_scoped3A_643 : memref<!tpu.dma_semaphore, #tpu.memory_space<semaphore_mem>>)
      %dma_wait3A_654 = arith.constant 0 : i32
      %dma_wait3A_655 = tpu.memref_slice %arg25[%run_scoped3A_630, %dma_wait3A_654] : memref<16x640xf32, #tpu.memory_space<vmem>> -> memref<1x640xf32, #tpu.memory_space<vmem>>
      %dma_wait3A_656 = tpu.memref_squeeze %dma_wait3A_655 : memref<1x640xf32, #tpu.memory_space<vmem>> -> memref<640xf32, #tpu.memory_space<vmem>>
      %dma_wait3A_657 = tpu.memref_slice %arg26[%run_scoped3A_629, %mul3A_605] : memref<16x10240xf32, #tpu.memory_space<vmem_shared>> -> memref<1x640xf32, #tpu.memory_space<vmem_shared>>
      %dma_wait3A_658 = tpu.memref_squeeze %dma_wait3A_657 : memref<1x640xf32, #tpu.memory_space<vmem_shared>> -> memref<640xf32, #tpu.memory_space<vmem_shared>>
      %dma_wait3A_659 = arith.constant 0 : i32
      %dma_wait3A_660 = tpu.memref_slice %arg25[%run_scoped3A_630, %dma_wait3A_659] : memref<16x640xf32, #tpu.memory_space<vmem>> -> memref<1x640xf32, #tpu.memory_space<vmem>>
      %dma_wait3A_661 = tpu.memref_squeeze %dma_wait3A_660 : memref<1x640xf32, #tpu.memory_space<vmem>> -> memref<640xf32, #tpu.memory_space<vmem>>
      %dma_wait3A_662 = tpu.memref_slice %arg26[%run_scoped3A_629, %mul3A_605] : memref<16x10240xf32, #tpu.memory_space<vmem_shared>> -> memref<1x640xf32, #tpu.memory_space<vmem_shared>>
      %dma_wait3A_663 = tpu.memref_squeeze %dma_wait3A_662 : memref<1x640xf32, #tpu.memory_space<vmem_shared>> -> memref<640xf32, #tpu.memory_space<vmem_shared>>
      tpu.wait_dma2 semaphore(%run_scoped3A_643 : memref<!tpu.dma_semaphore, #tpu.memory_space<semaphore_mem>>) src(%dma_wait3A_663 : memref<640xf32, #tpu.memory_space<vmem_shared>>) dst(%dma_wait3A_661 : memref<640xf32, #tpu.memory_space<vmem>>)
      tpu.yield
    }) : () -> ()
    %run_scoped3A_631 = arith.constant 13 : i32
    %run_scoped3A_632 = arith.constant 13 : i32
    "tpu.region"() ({
      %run_scoped3A_643 = tpu.sem_alloc : memref<!tpu.dma_semaphore, #tpu.memory_space<semaphore_mem>>
      %dma_start3A_644 = arith.constant 0 : i32
      %dma_start3A_645 = tpu.memref_slice %arg25[%run_scoped3A_632, %dma_start3A_644] : memref<16x640xf32, #tpu.memory_space<vmem>> -> memref<1x640xf32, #tpu.memory_space<vmem>>
      %dma_start3A_646 = tpu.memref_squeeze %dma_start3A_645 : memref<1x640xf32, #tpu.memory_space<vmem>> -> memref<640xf32, #tpu.memory_space<vmem>>
      %dma_start3A_647 = tpu.memref_slice %arg26[%run_scoped3A_631, %mul3A_605] : memref<16x10240xf32, #tpu.memory_space<vmem_shared>> -> memref<1x640xf32, #tpu.memory_space<vmem_shared>>
      %dma_start3A_648 = tpu.memref_squeeze %dma_start3A_647 : memref<1x640xf32, #tpu.memory_space<vmem_shared>> -> memref<640xf32, #tpu.memory_space<vmem_shared>>
      %dma_start3A_649 = arith.constant 0 : i32
      %dma_start3A_650 = tpu.memref_slice %arg25[%run_scoped3A_632, %dma_start3A_649] : memref<16x640xf32, #tpu.memory_space<vmem>> -> memref<1x640xf32, #tpu.memory_space<vmem>>
      %dma_start3A_651 = tpu.memref_squeeze %dma_start3A_650 : memref<1x640xf32, #tpu.memory_space<vmem>> -> memref<640xf32, #tpu.memory_space<vmem>>
      %dma_start3A_652 = tpu.memref_slice %arg26[%run_scoped3A_631, %mul3A_605] : memref<16x10240xf32, #tpu.memory_space<vmem_shared>> -> memref<1x640xf32, #tpu.memory_space<vmem_shared>>
      %dma_start3A_653 = tpu.memref_squeeze %dma_start3A_652 : memref<1x640xf32, #tpu.memory_space<vmem_shared>> -> memref<640xf32, #tpu.memory_space<vmem_shared>>
      tpu.enqueue_dma source(%dma_start3A_653 : memref<640xf32, #tpu.memory_space<vmem_shared>>) target(%dma_start3A_651 : memref<640xf32, #tpu.memory_space<vmem>>) target_semaphore(%run_scoped3A_643 : memref<!tpu.dma_semaphore, #tpu.memory_space<semaphore_mem>>)
      %dma_wait3A_654 = arith.constant 0 : i32
      %dma_wait3A_655 = tpu.memref_slice %arg25[%run_scoped3A_632, %dma_wait3A_654] : memref<16x640xf32, #tpu.memory_space<vmem>> -> memref<1x640xf32, #tpu.memory_space<vmem>>
      %dma_wait3A_656 = tpu.memref_squeeze %dma_wait3A_655 : memref<1x640xf32, #tpu.memory_space<vmem>> -> memref<640xf32, #tpu.memory_space<vmem>>
      %dma_wait3A_657 = tpu.memref_slice %arg26[%run_scoped3A_631, %mul3A_605] : memref<16x10240xf32, #tpu.memory_space<vmem_shared>> -> memref<1x640xf32, #tpu.memory_space<vmem_shared>>
      %dma_wait3A_658 = tpu.memref_squeeze %dma_wait3A_657 : memref<1x640xf32, #tpu.memory_space<vmem_shared>> -> memref<640xf32, #tpu.memory_space<vmem_shared>>
      %dma_wait3A_659 = arith.constant 0 : i32
      %dma_wait3A_660 = tpu.memref_slice %arg25[%run_scoped3A_632, %dma_wait3A_659] : memref<16x640xf32, #tpu.memory_space<vmem>> -> memref<1x640xf32, #tpu.memory_space<vmem>>
      %dma_wait3A_661 = tpu.memref_squeeze %dma_wait3A_660 : memref<1x640xf32, #tpu.memory_space<vmem>> -> memref<640xf32, #tpu.memory_space<vmem>>
      %dma_wait3A_662 = tpu.memref_slice %arg26[%run_scoped3A_631, %mul3A_605] : memref<16x10240xf32, #tpu.memory_space<vmem_shared>> -> memref<1x640xf32, #tpu.memory_space<vmem_shared>>
      %dma_wait3A_663 = tpu.memref_squeeze %dma_wait3A_662 : memref<1x640xf32, #tpu.memory_space<vmem_shared>> -> memref<640xf32, #tpu.memory_space<vmem_shared>>
      tpu.wait_dma2 semaphore(%run_scoped3A_643 : memref<!tpu.dma_semaphore, #tpu.memory_space<semaphore_mem>>) src(%dma_wait3A_663 : memref<640xf32, #tpu.memory_space<vmem_shared>>) dst(%dma_wait3A_661 : memref<640xf32, #tpu.memory_space<vmem>>)
      tpu.yield
    }) : () -> ()
    %run_scoped3A_633 = arith.constant 14 : i32
    %run_scoped3A_634 = arith.constant 14 : i32
    "tpu.region"() ({
      %run_scoped3A_643 = tpu.sem_alloc : memref<!tpu.dma_semaphore, #tpu.memory_space<semaphore_mem>>
      %dma_start3A_644 = arith.constant 0 : i32
      %dma_start3A_645 = tpu.memref_slice %arg25[%run_scoped3A_634, %dma_start3A_644] : memref<16x640xf32, #tpu.memory_space<vmem>> -> memref<1x640xf32, #tpu.memory_space<vmem>>
      %dma_start3A_646 = tpu.memref_squeeze %dma_start3A_645 : memref<1x640xf32, #tpu.memory_space<vmem>> -> memref<640xf32, #tpu.memory_space<vmem>>
      %dma_start3A_647 = tpu.memref_slice %arg26[%run_scoped3A_633, %mul3A_605] : memref<16x10240xf32, #tpu.memory_space<vmem_shared>> -> memref<1x640xf32, #tpu.memory_space<vmem_shared>>
      %dma_start3A_648 = tpu.memref_squeeze %dma_start3A_647 : memref<1x640xf32, #tpu.memory_space<vmem_shared>> -> memref<640xf32, #tpu.memory_space<vmem_shared>>
      %dma_start3A_649 = arith.constant 0 : i32
      %dma_start3A_650 = tpu.memref_slice %arg25[%run_scoped3A_634, %dma_start3A_649] : memref<16x640xf32, #tpu.memory_space<vmem>> -> memref<1x640xf32, #tpu.memory_space<vmem>>
      %dma_start3A_651 = tpu.memref_squeeze %dma_start3A_650 : memref<1x640xf32, #tpu.memory_space<vmem>> -> memref<640xf32, #tpu.memory_space<vmem>>
      %dma_start3A_652 = tpu.memref_slice %arg26[%run_scoped3A_633, %mul3A_605] : memref<16x10240xf32, #tpu.memory_space<vmem_shared>> -> memref<1x640xf32, #tpu.memory_space<vmem_shared>>
      %dma_start3A_653 = tpu.memref_squeeze %dma_start3A_652 : memref<1x640xf32, #tpu.memory_space<vmem_shared>> -> memref<640xf32, #tpu.memory_space<vmem_shared>>
      tpu.enqueue_dma source(%dma_start3A_653 : memref<640xf32, #tpu.memory_space<vmem_shared>>) target(%dma_start3A_651 : memref<640xf32, #tpu.memory_space<vmem>>) target_semaphore(%run_scoped3A_643 : memref<!tpu.dma_semaphore, #tpu.memory_space<semaphore_mem>>)
      %dma_wait3A_654 = arith.constant 0 : i32
      %dma_wait3A_655 = tpu.memref_slice %arg25[%run_scoped3A_634, %dma_wait3A_654] : memref<16x640xf32, #tpu.memory_space<vmem>> -> memref<1x640xf32, #tpu.memory_space<vmem>>
      %dma_wait3A_656 = tpu.memref_squeeze %dma_wait3A_655 : memref<1x640xf32, #tpu.memory_space<vmem>> -> memref<640xf32, #tpu.memory_space<vmem>>
      %dma_wait3A_657 = tpu.memref_slice %arg26[%run_scoped3A_633, %mul3A_605] : memref<16x10240xf32, #tpu.memory_space<vmem_shared>> -> memref<1x640xf32, #tpu.memory_space<vmem_shared>>
      %dma_wait3A_658 = tpu.memref_squeeze %dma_wait3A_657 : memref<1x640xf32, #tpu.memory_space<vmem_shared>> -> memref<640xf32, #tpu.memory_space<vmem_shared>>
      %dma_wait3A_659 = arith.constant 0 : i32
      %dma_wait3A_660 = tpu.memref_slice %arg25[%run_scoped3A_634, %dma_wait3A_659] : memref<16x640xf32, #tpu.memory_space<vmem>> -> memref<1x640xf32, #tpu.memory_space<vmem>>
      %dma_wait3A_661 = tpu.memref_squeeze %dma_wait3A_660 : memref<1x640xf32, #tpu.memory_space<vmem>> -> memref<640xf32, #tpu.memory_space<vmem>>
      %dma_wait3A_662 = tpu.memref_slice %arg26[%run_scoped3A_633, %mul3A_605] : memref<16x10240xf32, #tpu.memory_space<vmem_shared>> -> memref<1x640xf32, #tpu.memory_space<vmem_shared>>
      %dma_wait3A_663 = tpu.memref_squeeze %dma_wait3A_662 : memref<1x640xf32, #tpu.memory_space<vmem_shared>> -> memref<640xf32, #tpu.memory_space<vmem_shared>>
      tpu.wait_dma2 semaphore(%run_scoped3A_643 : memref<!tpu.dma_semaphore, #tpu.memory_space<semaphore_mem>>) src(%dma_wait3A_663 : memref<640xf32, #tpu.memory_space<vmem_shared>>) dst(%dma_wait3A_661 : memref<640xf32, #tpu.memory_space<vmem>>)
      tpu.yield
    }) : () -> ()
    %run_scoped3A_635 = arith.constant 15 : i32
    %run_scoped3A_636 = arith.constant 15 : i32
    "tpu.region"() ({
      %run_scoped3A_643 = tpu.sem_alloc : memref<!tpu.dma_semaphore, #tpu.memory_space<semaphore_mem>>
      %dma_start3A_644 = arith.constant 0 : i32
      %dma_start3A_645 = tpu.memref_slice %arg25[%run_scoped3A_636, %dma_start3A_644] : memref<16x640xf32, #tpu.memory_space<vmem>> -> memref<1x640xf32, #tpu.memory_space<vmem>>
      %dma_start3A_646 = tpu.memref_squeeze %dma_start3A_645 : memref<1x640xf32, #tpu.memory_space<vmem>> -> memref<640xf32, #tpu.memory_space<vmem>>
      %dma_start3A_647 = tpu.memref_slice %arg26[%run_scoped3A_635, %mul3A_605] : memref<16x10240xf32, #tpu.memory_space<vmem_shared>> -> memref<1x640xf32, #tpu.memory_space<vmem_shared>>
      %dma_start3A_648 = tpu.memref_squeeze %dma_start3A_647 : memref<1x640xf32, #tpu.memory_space<vmem_shared>> -> memref<640xf32, #tpu.memory_space<vmem_shared>>
      %dma_start3A_649 = arith.constant 0 : i32
      %dma_start3A_650 = tpu.memref_slice %arg25[%run_scoped3A_636, %dma_start3A_649] : memref<16x640xf32, #tpu.memory_space<vmem>> -> memref<1x640xf32, #tpu.memory_space<vmem>>
      %dma_start3A_651 = tpu.memref_squeeze %dma_start3A_650 : memref<1x640xf32, #tpu.memory_space<vmem>> -> memref<640xf32, #tpu.memory_space<vmem>>
      %dma_start3A_652 = tpu.memref_slice %arg26[%run_scoped3A_635, %mul3A_605] : memref<16x10240xf32, #tpu.memory_space<vmem_shared>> -> memref<1x640xf32, #tpu.memory_space<vmem_shared>>
      %dma_start3A_653 = tpu.memref_squeeze %dma_start3A_652 : memref<1x640xf32, #tpu.memory_space<vmem_shared>> -> memref<640xf32, #tpu.memory_space<vmem_shared>>
      tpu.enqueue_dma source(%dma_start3A_653 : memref<640xf32, #tpu.memory_space<vmem_shared>>) target(%dma_start3A_651 : memref<640xf32, #tpu.memory_space<vmem>>) target_semaphore(%run_scoped3A_643 : memref<!tpu.dma_semaphore, #tpu.memory_space<semaphore_mem>>)
      %dma_wait3A_654 = arith.constant 0 : i32
      %dma_wait3A_655 = tpu.memref_slice %arg25[%run_scoped3A_636, %dma_wait3A_654] : memref<16x640xf32, #tpu.memory_space<vmem>> -> memref<1x640xf32, #tpu.memory_space<vmem>>
      %dma_wait3A_656 = tpu.memref_squeeze %dma_wait3A_655 : memref<1x640xf32, #tpu.memory_space<vmem>> -> memref<640xf32, #tpu.memory_space<vmem>>
      %dma_wait3A_657 = tpu.memref_slice %arg26[%run_scoped3A_635, %mul3A_605] : memref<16x10240xf32, #tpu.memory_space<vmem_shared>> -> memref<1x640xf32, #tpu.memory_space<vmem_shared>>
      %dma_wait3A_658 = tpu.memref_squeeze %dma_wait3A_657 : memref<1x640xf32, #tpu.memory_space<vmem_shared>> -> memref<640xf32, #tpu.memory_space<vmem_shared>>
      %dma_wait3A_659 = arith.constant 0 : i32
      %dma_wait3A_660 = tpu.memref_slice %arg25[%run_scoped3A_636, %dma_wait3A_659] : memref<16x640xf32, #tpu.memory_space<vmem>> -> memref<1x640xf32, #tpu.memory_space<vmem>>
      %dma_wait3A_661 = tpu.memref_squeeze %dma_wait3A_660 : memref<1x640xf32, #tpu.memory_space<vmem>> -> memref<640xf32, #tpu.memory_space<vmem>>
      %dma_wait3A_662 = tpu.memref_slice %arg26[%run_scoped3A_635, %mul3A_605] : memref<16x10240xf32, #tpu.memory_space<vmem_shared>> -> memref<1x640xf32, #tpu.memory_space<vmem_shared>>
      %dma_wait3A_663 = tpu.memref_squeeze %dma_wait3A_662 : memref<1x640xf32, #tpu.memory_space<vmem_shared>> -> memref<640xf32, #tpu.memory_space<vmem_shared>>
      tpu.wait_dma2 semaphore(%run_scoped3A_643 : memref<!tpu.dma_semaphore, #tpu.memory_space<semaphore_mem>>) src(%dma_wait3A_663 : memref<640xf32, #tpu.memory_space<vmem_shared>>) dst(%dma_wait3A_661 : memref<640xf32, #tpu.memory_space<vmem>>)
      tpu.yield
    }) : () -> ()
    %scan3A_637 = arith.constant 0 : i32
    %scan3A_638 = arith.constant 40 : i32
    %scan3A_639 = arith.addi %scan3A_637, %scan3A_638 : i32
    %scan3A_640 = arith.constant 1 : i32
    scf.for %scan3A_643 = %scan3A_637 to %scan3A_639 step %scan3A_640  : i32 {
      %mul3A_644 = arith.constant 16 : i32
      %mul3A_645 = arith.muli %scan3A_643, %mul3A_644 : i32
      %get3A = arith.constant 0 : i32
      %get3A_646 = arith.index_cast %get3A : i32 to index
      %get3A_647 = arith.index_cast %mul3A_645 : i32 to index
      %get3A_648 = tpu.vector_load %arg25[%get3A_646, %get3A_647] {strides = array<i32>} : memref<16x640xf32, #tpu.memory_space<vmem>>, vector<16xf32>,
      %get3A_649 = arith.constant 1 : i32
      %get3A_650 = arith.index_cast %get3A_649 : i32 to index
      %get3A_651 = arith.index_cast %mul3A_645 : i32 to index
      %get3A_652 = tpu.vector_load %arg25[%get3A_650, %get3A_651] {strides = array<i32>} : memref<16x640xf32, #tpu.memory_space<vmem>>, vector<16xf32>,
      %add3A_653 = arith.addf %get3A_648, %get3A_652 : vector<16xf32>
      %get3A_654 = arith.constant 2 : i32
      %get3A_655 = arith.index_cast %get3A_654 : i32 to index
      %get3A_656 = arith.index_cast %mul3A_645 : i32 to index
      %get3A_657 = tpu.vector_load %arg25[%get3A_655, %get3A_656] {strides = array<i32>} : memref<16x640xf32, #tpu.memory_space<vmem>>, vector<16xf32>,
      %add3A_658 = arith.addf %add3A_653, %get3A_657 : vector<16xf32>
      %get3A_659 = arith.constant 3 : i32
      %get3A_660 = arith.index_cast %get3A_659 : i32 to index
      %get3A_661 = arith.index_cast %mul3A_645 : i32 to index
      %get3A_662 = tpu.vector_load %arg25[%get3A_660, %get3A_661] {strides = array<i32>} : memref<16x640xf32, #tpu.memory_space<vmem>>, vector<16xf32>,
      %add3A_663 = arith.addf %add3A_658, %get3A_662 : vector<16xf32>
      %get3A_664 = arith.constant 4 : i32
      %get3A_665 = arith.index_cast %get3A_664 : i32 to index
      %get3A_666 = arith.index_cast %mul3A_645 : i32 to index
      %get3A_667 = tpu.vector_load %arg25[%get3A_665, %get3A_666] {strides = array<i32>} : memref<16x640xf32, #tpu.memory_space<vmem>>, vector<16xf32>,
      %add3A_668 = arith.addf %add3A_663, %get3A_667 : vector<16xf32>
      %get3A_669 = arith.constant 5 : i32
      %get3A_670 = arith.index_cast %get3A_669 : i32 to index
      %get3A_671 = arith.index_cast %mul3A_645 : i32 to index
      %get3A_672 = tpu.vector_load %arg25[%get3A_670, %get3A_671] {strides = array<i32>} : memref<16x640xf32, #tpu.memory_space<vmem>>, vector<16xf32>,
      %add3A_673 = arith.addf %add3A_668, %get3A_672 : vector<16xf32>
      %get3A_674 = arith.constant 6 : i32
      %get3A_675 = arith.index_cast %get3A_674 : i32 to index
      %get3A_676 = arith.index_cast %mul3A_645 : i32 to index
      %get3A_677 = tpu.vector_load %arg25[%get3A_675, %get3A_676] {strides = array<i32>} : memref<16x640xf32, #tpu.memory_space<vmem>>, vector<16xf32>,
      %add3A_678 = arith.addf %add3A_673, %get3A_677 : vector<16xf32>
      %get3A_679 = arith.constant 7 : i32
      %get3A_680 = arith.index_cast %get3A_679 : i32 to index
      %get3A_681 = arith.index_cast %mul3A_645 : i32 to index
      %get3A_682 = tpu.vector_load %arg25[%get3A_680, %get3A_681] {strides = array<i32>} : memref<16x640xf32, #tpu.memory_space<vmem>>, vector<16xf32>,
      %add3A_683 = arith.addf %add3A_678, %get3A_682 : vector<16xf32>
      %get3A_684 = arith.constant 8 : i32
      %get3A_685 = arith.index_cast %get3A_684 : i32 to index
      %get3A_686 = arith.index_cast %mul3A_645 : i32 to index
      %get3A_687 = tpu.vector_load %arg25[%get3A_685, %get3A_686] {strides = array<i32>} : memref<16x640xf32, #tpu.memory_space<vmem>>, vector<16xf32>,
      %add3A_688 = arith.addf %add3A_683, %get3A_687 : vector<16xf32>
      %get3A_689 = arith.constant 9 : i32
      %get3A_690 = arith.index_cast %get3A_689 : i32 to index
      %get3A_691 = arith.index_cast %mul3A_645 : i32 to index
      %get3A_692 = tpu.vector_load %arg25[%get3A_690, %get3A_691] {strides = array<i32>} : memref<16x640xf32, #tpu.memory_space<vmem>>, vector<16xf32>,
      %add3A_693 = arith.addf %add3A_688, %get3A_692 : vector<16xf32>
      %get3A_694 = arith.constant 10 : i32
      %get3A_695 = arith.index_cast %get3A_694 : i32 to index
      %get3A_696 = arith.index_cast %mul3A_645 : i32 to index
      %get3A_697 = tpu.vector_load %arg25[%get3A_695, %get3A_696] {strides = array<i32>} : memref<16x640xf32, #tpu.memory_space<vmem>>, vector<16xf32>,
      %add3A_698 = arith.addf %add3A_693, %get3A_697 : vector<16xf32>
      %get3A_699 = arith.constant 11 : i32
      %get3A_700 = arith.index_cast %get3A_699 : i32 to index
      %get3A_701 = arith.index_cast %mul3A_645 : i32 to index
      %get3A_702 = tpu.vector_load %arg25[%get3A_700, %get3A_701] {strides = array<i32>} : memref<16x640xf32, #tpu.memory_space<vmem>>, vector<16xf32>,
      %add3A_703 = arith.addf %add3A_698, %get3A_702 : vector<16xf32>
      %get3A_704 = arith.constant 12 : i32
      %get3A_705 = arith.index_cast %get3A_704 : i32 to index
      %get3A_706 = arith.index_cast %mul3A_645 : i32 to index
      %get3A_707 = tpu.vector_load %arg25[%get3A_705, %get3A_706] {strides = array<i32>} : memref<16x640xf32, #tpu.memory_space<vmem>>, vector<16xf32>,
      %add3A_708 = arith.addf %add3A_703, %get3A_707 : vector<16xf32>
      %get3A_709 = arith.constant 13 : i32
      %get3A_710 = arith.index_cast %get3A_709 : i32 to index
      %get3A_711 = arith.index_cast %mul3A_645 : i32 to index
      %get3A_712 = tpu.vector_load %arg25[%get3A_710, %get3A_711] {strides = array<i32>} : memref<16x640xf32, #tpu.memory_space<vmem>>, vector<16xf32>,
      %add3A_713 = arith.addf %add3A_708, %get3A_712 : vector<16xf32>
      %get3A_714 = arith.constant 14 : i32
      %get3A_715 = arith.index_cast %get3A_714 : i32 to index
      %get3A_716 = arith.index_cast %mul3A_645 : i32 to index
      %get3A_717 = tpu.vector_load %arg25[%get3A_715, %get3A_716] {strides = array<i32>} : memref<16x640xf32, #tpu.memory_space<vmem>>, vector<16xf32>,
      %add3A_718 = arith.addf %add3A_713, %get3A_717 : vector<16xf32>
      %get3A_719 = arith.constant 15 : i32
      %get3A_720 = arith.index_cast %get3A_719 : i32 to index
      %get3A_721 = arith.index_cast %mul3A_645 : i32 to index
      %get3A_722 = tpu.vector_load %arg25[%get3A_720, %get3A_721] {strides = array<i32>} : memref<16x640xf32, #tpu.memory_space<vmem>>, vector<16xf32>,
      %add3A_723 = arith.addf %add3A_718, %get3A_722 : vector<16xf32>
      %swap3A = arith.constant 0 : i32
      %swap3A_724 = arith.index_cast %swap3A : i32 to index
      %swap3A_725 = arith.index_cast %mul3A_645 : i32 to index
      %swap3A_726 = tpu.vector_load %arg25[%swap3A_724, %swap3A_725] {strides = array<i32>} : memref<16x640xf32, #tpu.memory_space<vmem>>, vector<16xf32>,
      tpu.vector_store %arg25[%swap3A_724, %swap3A_725], %add3A_723 {strides = array<i32>} : memref<16x640xf32, #tpu.memory_space<vmem>>, vector<16xf32>,
    }
    %scan3A_641 = arith.constant 40 : i32
    %run_scoped3A_642 = arith.constant 0 : i32
    "tpu.region"() ({
      %run_scoped3A_643 = tpu.sem_alloc : memref<!tpu.dma_semaphore, #tpu.memory_space<semaphore_mem>>
      %dma_start3A_644 = arith.constant 0 : i32
      %dma_start3A_645 = tpu.memref_slice %arg25[%run_scoped3A_642, %dma_start3A_644] : memref<16x640xf32, #tpu.memory_space<vmem>> -> memref<1x640xf32, #tpu.memory_space<vmem>>
      %dma_start3A_646 = tpu.memref_squeeze %dma_start3A_645 : memref<1x640xf32, #tpu.memory_space<vmem>> -> memref<640xf32, #tpu.memory_space<vmem>>
      %dma_start3A_647 = tpu.memref_slice %arg9[%arg0, %mul3A_605] : memref<2x10240xf32, #tpu.memory_space<hbm>> -> memref<1x640xf32, #tpu.memory_space<hbm>>
      %dma_start3A_648 = tpu.memref_squeeze %dma_start3A_647 : memref<1x640xf32, #tpu.memory_space<hbm>> -> memref<640xf32, #tpu.memory_space<hbm>>
      %dma_start3A_649 = tpu.memref_slice %arg9[%arg0, %mul3A_605] : memref<2x10240xf32, #tpu.memory_space<hbm>> -> memref<1x640xf32, #tpu.memory_space<hbm>>
      %dma_start3A_650 = tpu.memref_squeeze %dma_start3A_649 : memref<1x640xf32, #tpu.memory_space<hbm>> -> memref<640xf32, #tpu.memory_space<hbm>>
      %dma_start3A_651 = arith.constant 0 : i32
      %dma_start3A_652 = tpu.memref_slice %arg25[%run_scoped3A_642, %dma_start3A_651] : memref<16x640xf32, #tpu.memory_space<vmem>> -> memref<1x640xf32, #tpu.memory_space<vmem>>
      %dma_start3A_653 = tpu.memref_squeeze %dma_start3A_652 : memref<1x640xf32, #tpu.memory_space<vmem>> -> memref<640xf32, #tpu.memory_space<vmem>>
      tpu.enqueue_dma source(%dma_start3A_653 : memref<640xf32, #tpu.memory_space<vmem>>) target(%dma_start3A_650 : memref<640xf32, #tpu.memory_space<hbm>>) target_semaphore(%run_scoped3A_643 : memref<!tpu.dma_semaphore, #tpu.memory_space<semaphore_mem>>)
      %dma_wait3A_654 = arith.constant 0 : i32
      %dma_wait3A_655 = tpu.memref_slice %arg25[%run_scoped3A_642, %dma_wait3A_654] : memref<16x640xf32, #tpu.memory_space<vmem>> -> memref<1x640xf32, #tpu.memory_space<vmem>>
      %dma_wait3A_656 = tpu.memref_squeeze %dma_wait3A_655 : memref<1x640xf32, #tpu.memory_space<vmem>> -> memref<640xf32, #tpu.memory_space<vmem>>
      %dma_wait3A_657 = tpu.memref_slice %arg9[%arg0, %mul3A_605] : memref<2x10240xf32, #tpu.memory_space<hbm>> -> memref<1x640xf32, #tpu.memory_space<hbm>>
      %dma_wait3A_658 = tpu.memref_squeeze %dma_wait3A_657 : memref<1x640xf32, #tpu.memory_space<hbm>> -> memref<640xf32, #tpu.memory_space<hbm>>
      %dma_wait3A_659 = tpu.memref_slice %arg9[%arg0, %mul3A_605] : memref<2x10240xf32, #tpu.memory_space<hbm>> -> memref<1x640xf32, #tpu.memory_space<hbm>>
      %dma_wait3A_660 = tpu.memref_squeeze %dma_wait3A_659 : memref<1x640xf32, #tpu.memory_space<hbm>> -> memref<640xf32, #tpu.memory_space<hbm>>
      %dma_wait3A_661 = arith.constant 0 : i32
      %dma_wait3A_662 = tpu.memref_slice %arg25[%run_scoped3A_642, %dma_wait3A_661] : memref<16x640xf32, #tpu.memory_space<vmem>> -> memref<1x640xf32, #tpu.memory_space<vmem>>
      %dma_wait3A_663 = tpu.memref_squeeze %dma_wait3A_662 : memref<1x640xf32, #tpu.memory_space<vmem>> -> memref<640xf32, #tpu.memory_space<vmem>>
      tpu.wait_dma2 semaphore(%run_scoped3A_643 : memref<!tpu.dma_semaphore, #tpu.memory_space<semaphore_mem>>) src(%dma_wait3A_663 : memref<640xf32, #tpu.memory_space<vmem>>) dst(%dma_wait3A_660 : memref<640xf32, #tpu.memory_space<hbm>>)
      tpu.yield
    }) : () -> ()
    return
  }
}

module attributes {stable_mosaic.version = 14 : i64} {
  func.func @_node_alpha_body(%arg0: memref<10000x128xf32, #tpu.memory_space<vmem>>, %arg1: memref<1x272xf32, #tpu.memory_space<vmem>>, %arg2: memref<10000xf32, #tpu.memory_space<vmem>>, %arg3: memref<10000xf32, #tpu.memory_space<vmem>>) attributes {dimension_semantics = [], scalar_prefetch = 0 : i64, scratch_operands = 0 : i64, tpu.core_type = #tpu.core_type<tc>} {
    %get3A = arith.constant 0 : index
    %get3A_0 = arith.constant 0 : index
    %get3A_1 = vector.load %arg0[%get3A, %get3A_0] : memref<10000x128xf32, #tpu.memory_space<vmem>>, vector<10000x128xf32>
    %get3A_2 = arith.constant 0 : index
    %get3A_3 = arith.constant 0 : index
    %get3A_4 = vector.load %arg1[%get3A_2, %get3A_3] : memref<1x272xf32, #tpu.memory_space<vmem>>, vector<1x128xf32>
    %get3A_5 = vector.shape_cast %get3A_4 : vector<1x128xf32> to vector<128xf32>
    %get3A_6 = arith.constant 0 : index
    %get3A_7 = arith.constant 128 : index
    %get3A_8 = vector.load %arg1[%get3A_6, %get3A_7] : memref<1x272xf32, #tpu.memory_space<vmem>>, vector<1x128xf32>
    %get3A_9 = vector.shape_cast %get3A_8 : vector<1x128xf32> to vector<128xf32>
    %dot_general3A = arith.constant dense<0.000000e+00> : vector<10000xf32>
    %dot_general3A_10 = tpu.matmul %get3A_1, %get3A_5, %dot_general3A {dimension_numbers = #tpu.dot_dimension_numbers<[1], [0], [0], [], [0, 0], [], []>, transpose_lhs_hint = false} : vector<10000x128xf32>, vector<128xf32>, vector<10000xf32> -> vector<10000xf32>
    %swap3A = arith.constant 0 : index
    %swap3A_11 = vector.load %arg2[%swap3A] : memref<10000xf32, #tpu.memory_space<vmem>>, vector<10000xf32>
    tpu.vector_store %arg2[%swap3A], %dot_general3A_10 {strides = array<i32>} : memref<10000xf32, #tpu.memory_space<vmem>>, vector<10000xf32>,
    %dot_general3A_12 = arith.constant dense<0.000000e+00> : vector<10000xf32>
    %dot_general3A_13 = tpu.matmul %get3A_1, %get3A_9, %dot_general3A_12 {dimension_numbers = #tpu.dot_dimension_numbers<[1], [0], [0], [], [0, 0], [], []>, transpose_lhs_hint = false} : vector<10000x128xf32>, vector<128xf32>, vector<10000xf32> -> vector<10000xf32>
    %swap3A_14 = arith.constant 0 : index
    %swap3A_15 = vector.load %arg3[%swap3A_14] : memref<10000xf32, #tpu.memory_space<vmem>>, vector<10000xf32>
    tpu.vector_store %arg3[%swap3A_14], %dot_general3A_13 {strides = array<i32>} : memref<10000xf32, #tpu.memory_space<vmem>>, vector<10000xf32>,
    return
  }
}

module attributes {stable_mosaic.version = 14 : i64} {
  func.func @_split_body(%arg0: i32, %arg1: memref<2x16000xi32, #tpu.memory_space<vmem>>, %arg2: memref<320000xi32, #tpu.memory_space<vmem>>, %arg3: memref<320000xi32, #tpu.memory_space<vmem>>) attributes {dimension_semantics = [#tpu.dimension_semantics<arbitrary>], iteration_bounds = array<i64: 20>, scalar_prefetch = 0 : i64, scratch_operands = 0 : i64, tpu.core_type = #tpu.core_type<tc>, window_params = [{transform_indices = @transform_0, window_bounds = array<i64: 2, 16000>}, {pipeline_mode = #tpu.pipeline_mode<synchronous>, transform_indices = @transform_1, window_bounds = array<i64: 320000>}, {pipeline_mode = #tpu.pipeline_mode<synchronous>, transform_indices = @transform_2, window_bounds = array<i64: 320000>}]} {
    %mul3A = arith.constant 16000 : i32
    %mul3A_0 = arith.muli %arg0, %mul3A : i32
    %get3A = arith.constant 0 : index
    %get3A_1 = arith.constant 0 : index
    %get3A_2 = vector.load %arg1[%get3A, %get3A_1] : memref<2x16000xi32, #tpu.memory_space<vmem>>, vector<1x16000xi32>
    %get3A_3 = vector.shape_cast %get3A_2 : vector<1x16000xi32> to vector<16000xi32>
    %swap3A = arith.index_cast %mul3A_0 : i32 to index
    %swap3A_4 = vector.load %arg2[%swap3A] : memref<320000xi32, #tpu.memory_space<vmem>>, vector<16000xi32>
    tpu.vector_store %arg2[%swap3A], %get3A_3 {strides = array<i32>} : memref<320000xi32, #tpu.memory_space<vmem>>, vector<16000xi32>,
    %get3A_5 = arith.constant 1 : index
    %get3A_6 = arith.constant 0 : index
    %get3A_7 = vector.load %arg1[%get3A_5, %get3A_6] : memref<2x16000xi32, #tpu.memory_space<vmem>>, vector<1x16000xi32>
    %get3A_8 = vector.shape_cast %get3A_7 : vector<1x16000xi32> to vector<16000xi32>
    %swap3A_9 = arith.index_cast %mul3A_0 : i32 to index
    %swap3A_10 = vector.load %arg3[%swap3A_9] : memref<320000xi32, #tpu.memory_space<vmem>>, vector<16000xi32>
    tpu.vector_store %arg3[%swap3A_9], %get3A_8 {strides = array<i32>} : memref<320000xi32, #tpu.memory_space<vmem>>, vector<16000xi32>,
    return
  }
  func.func @transform_0(%arg0: i32) -> (i32, i32) {
    %c0_i32 = arith.constant 0 : i32
    %c0_i32_0 = arith.constant 0 : i32
    return %c0_i32, %arg0 : i32, i32
  }
  func.func @transform_1(%arg0: i32) -> i32 {
    %c0_i32 = arith.constant 0 : i32
    %c0_i32_0 = arith.constant 0 : i32
    return %c0_i32 : i32
  }
  func.func @transform_2(%arg0: i32) -> i32 {
    %c0_i32 = arith.constant 0 : i32
    %c0_i32_0 = arith.constant 0 : i32
    return %c0_i32 : i32
  }
}

module attributes {stable_mosaic.version = 14 : i64} {
  func.func @_beta_body(%arg0: i32, %arg1: memref<16x16000xf32, #tpu.memory_space<vmem>>, %arg2: memref<16x16xf32, #tpu.memory_space<vmem>>, %arg3: memref<1x272xf32, #tpu.memory_space<vmem>>, %arg4: memref<320000xf32, #tpu.memory_space<vmem>>) attributes {dimension_semantics = [#tpu.dimension_semantics<arbitrary>], iteration_bounds = array<i64: 20>, scalar_prefetch = 0 : i64, scratch_operands = 0 : i64, tpu.core_type = #tpu.core_type<tc>, window_params = [{transform_indices = @transform_0, window_bounds = array<i64: 16, 16000>}, {pipeline_mode = #tpu.pipeline_mode<synchronous>, transform_indices = @transform_1, window_bounds = array<i64: 16, 16>}, {pipeline_mode = #tpu.pipeline_mode<synchronous>, transform_indices = @transform_2, window_bounds = array<i64: 1, 272>}, {pipeline_mode = #tpu.pipeline_mode<synchronous>, transform_indices = @transform_3, window_bounds = array<i64: 320000>}]} {
    %get3A = arith.constant 0 : index
    %get3A_0 = arith.constant 256 : index
    %get3A_1 = vector.load %arg3[%get3A, %get3A_0] : memref<1x272xf32, #tpu.memory_space<vmem>>, vector<1x16xf32>
    %get3A_2 = vector.shape_cast %get3A_1 : vector<1x16xf32> to vector<16xf32>
    %get3A_3 = arith.constant 0 : index
    %get3A_4 = arith.constant 0 : index
    %get3A_5 = vector.load %arg2[%get3A_3, %get3A_4] : memref<16x16xf32, #tpu.memory_space<vmem>>, vector<16x16xf32>
    %dot_general3A = arith.constant dense<0.000000e+00> : vector<16xf32>
    %dot_general3A_6 = tpu.matmul %get3A_2, %get3A_5, %dot_general3A {dimension_numbers = #tpu.dot_dimension_numbers<[0], [0], [], [1], [1, 1], [], []>, transpose_lhs_hint = false} : vector<16xf32>, vector<16x16xf32>, vector<16xf32> -> vector<16xf32>
    %get3A_7 = arith.constant 0 : index
    %get3A_8 = arith.constant 0 : index
    %get3A_9 = vector.load %arg1[%get3A_7, %get3A_8] : memref<16x16000xf32, #tpu.memory_space<vmem>>, vector<16x16000xf32>
    %dot_general3A_10 = arith.constant dense<0.000000e+00> : vector<16000xf32>
    %dot_general3A_11 = tpu.matmul %dot_general3A_6, %get3A_9, %dot_general3A_10 {dimension_numbers = #tpu.dot_dimension_numbers<[0], [0], [], [1], [1, 1], [], []>, transpose_lhs_hint = false} : vector<16xf32>, vector<16x16000xf32>, vector<16000xf32> -> vector<16000xf32>
    %mul3A = arith.constant 16000 : i32
    %mul3A_12 = arith.muli %arg0, %mul3A : i32
    %swap3A = arith.index_cast %mul3A_12 : i32 to index
    %swap3A_13 = vector.load %arg4[%swap3A] : memref<320000xf32, #tpu.memory_space<vmem>>, vector<16000xf32>
    tpu.vector_store %arg4[%swap3A], %dot_general3A_11 {strides = array<i32>} : memref<320000xf32, #tpu.memory_space<vmem>>, vector<16000xf32>,
    return
  }
  func.func @transform_0(%arg0: i32) -> (i32, i32) {
    %c0_i32 = arith.constant 0 : i32
    %c0_i32_0 = arith.constant 0 : i32
    return %c0_i32, %arg0 : i32, i32
  }
  func.func @transform_1(%arg0: i32) -> (i32, i32) {
    %c0_i32 = arith.constant 0 : i32
    %c0_i32_0 = arith.constant 0 : i32
    %c0_i32_1 = arith.constant 0 : i32
    return %c0_i32, %c0_i32_0 : i32, i32
  }
  func.func @transform_2(%arg0: i32) -> (i32, i32) {
    %c0_i32 = arith.constant 0 : i32
    %c0_i32_0 = arith.constant 0 : i32
    %c0_i32_1 = arith.constant 0 : i32
    return %c0_i32, %c0_i32_0 : i32, i32
  }
  func.func @transform_3(%arg0: i32) -> i32 {
    %c0_i32 = arith.constant 0 : i32
    %c0_i32_0 = arith.constant 0 : i32
    return %c0_i32 : i32
  }
}

module attributes {stable_mosaic.version = 14 : i64} {
  func.func @_finish_body(%arg0: i32, %arg1: memref<2x16x1024xf32, #tpu.memory_space<vmem>>, %arg2: memref<2x1024xf32, #tpu.memory_space<vmem>>, %arg3: memref<16x16xf32, #tpu.memory_space<vmem>>, %arg4: memref<128x16xf32, #tpu.memory_space<vmem>>, %arg5: memref<1024x128xf32, #tpu.memory_space<vmem>>) attributes {dimension_semantics = [#tpu.dimension_semantics<arbitrary>], iteration_bounds = array<i64: 10>, scalar_prefetch = 0 : i64, scratch_operands = 0 : i64, tpu.core_type = #tpu.core_type<tc>, window_params = [{transform_indices = @transform_0, window_bounds = array<i64: 2, 16, 1024>}, {transform_indices = @transform_1, window_bounds = array<i64: 2, 1024>}, {pipeline_mode = #tpu.pipeline_mode<synchronous>, transform_indices = @transform_2, window_bounds = array<i64: 16, 16>}, {pipeline_mode = #tpu.pipeline_mode<synchronous>, transform_indices = @transform_3, window_bounds = array<i64: 128, 16>}, {transform_indices = @transform_4, window_bounds = array<i64: 1024, 128>}]} {
    %get3A = arith.constant 0 : index
    %get3A_0 = arith.constant 0 : index
    %get3A_1 = arith.constant 0 : index
    %get3A_2 = vector.load %arg1[%get3A, %get3A_0, %get3A_1] : memref<2x16x1024xf32, #tpu.memory_space<vmem>>, vector<1x16x1024xf32>
    %get3A_3 = vector.shape_cast %get3A_2 : vector<1x16x1024xf32> to vector<16x1024xf32>
    %get3A_4 = arith.constant 1 : index
    %get3A_5 = arith.constant 0 : index
    %get3A_6 = arith.constant 0 : index
    %get3A_7 = vector.load %arg1[%get3A_4, %get3A_5, %get3A_6] : memref<2x16x1024xf32, #tpu.memory_space<vmem>>, vector<1x16x1024xf32>
    %get3A_8 = vector.shape_cast %get3A_7 : vector<1x16x1024xf32> to vector<16x1024xf32>
    %add3A = arith.addf %get3A_3, %get3A_8 : vector<16x1024xf32>
    %get3A_9 = arith.constant 0 : index
    %get3A_10 = arith.constant 0 : index
    %get3A_11 = vector.load %arg2[%get3A_9, %get3A_10] : memref<2x1024xf32, #tpu.memory_space<vmem>>, vector<1x1024xf32>
    %get3A_12 = vector.shape_cast %get3A_11 : vector<1x1024xf32> to vector<1024xf32>
    %get3A_13 = arith.constant 1 : index
    %get3A_14 = arith.constant 0 : index
    %get3A_15 = vector.load %arg2[%get3A_13, %get3A_14] : memref<2x1024xf32, #tpu.memory_space<vmem>>, vector<1x1024xf32>
    %get3A_16 = vector.shape_cast %get3A_15 : vector<1x1024xf32> to vector<1024xf32>
    %add3A_17 = arith.addf %get3A_12, %get3A_16 : vector<1024xf32>
    %eq3A = arith.constant 0.000000e+00 : f32
    %eq3A_18 = vector.broadcast %eq3A : f32 to vector<1024xf32>
    %eq3A_19 = arith.cmpf oeq, %add3A_17, %eq3A_18 : vector<1024xf32>
    %jit3A = arith.constant 1.000000e+00 : f32
    %broadcast_in_dim3A = vector.broadcast %jit3A : f32 to vector<1024xf32>
    %select_n3A = arith.select %eq3A_19, %broadcast_in_dim3A, %add3A_17 : vector<1024xi1>, vector<1024xf32>
    %broadcast_in_dim3A_20 = vector.shape_cast %select_n3A : vector<1024xf32> to vector<1x1024xf32>
    %div3A = vector.broadcast %broadcast_in_dim3A_20 : vector<1x1024xf32> to vector<16x1024xf32>
    %div3A_21 = arith.divf %add3A, %div3A : vector<16x1024xf32>
    %get3A_22 = arith.constant 0 : index
    %get3A_23 = arith.constant 0 : index
    %get3A_24 = vector.load %arg3[%get3A_22, %get3A_23] : memref<16x16xf32, #tpu.memory_space<vmem>>, vector<16x16xf32>
    %dot_general3A = arith.constant dense<0.000000e+00> : vector<16x1024xf32>
    %dot_general3A_25 = tpu.matmul %get3A_24, %div3A_21, %dot_general3A {dimension_numbers = #tpu.dot_dimension_numbers<[1], [0], [0], [1], [0, 0, 1, 1], [], []>, transpose_lhs_hint = false} : vector<16x16xf32>, vector<16x1024xf32>, vector<16x1024xf32> -> vector<16x1024xf32>
    %get3A_26 = arith.constant 0 : index
    %get3A_27 = arith.constant 0 : index
    %get3A_28 = vector.load %arg4[%get3A_26, %get3A_27] : memref<128x16xf32, #tpu.memory_space<vmem>>, vector<128x16xf32>
    %dot_general3A_29 = arith.constant dense<0.000000e+00> : vector<1024x128xf32>
    %dot_general3A_30 = tpu.matmul %dot_general3A_25, %get3A_28, %dot_general3A_29 {dimension_numbers = #tpu.dot_dimension_numbers<[0], [1], [1], [0], [0, 1, 1, 0], [], []>, transpose_lhs_hint = false} : vector<16x1024xf32>, vector<128x16xf32>, vector<1024x128xf32> -> vector<1024x128xf32>
    %swap3A = arith.constant 0 : index
    %swap3A_31 = arith.constant 0 : index
    %swap3A_32 = vector.load %arg5[%swap3A, %swap3A_31] : memref<1024x128xf32, #tpu.memory_space<vmem>>, vector<1024x128xf32>
    tpu.vector_store %arg5[%swap3A, %swap3A_31], %dot_general3A_30 {strides = array<i32>} : memref<1024x128xf32, #tpu.memory_space<vmem>>, vector<1024x128xf32>,
    return
  }
  func.func @transform_0(%arg0: i32) -> (i32, i32, i32) {
    %c0_i32 = arith.constant 0 : i32
    %c0_i32_0 = arith.constant 0 : i32
    %c0_i32_1 = arith.constant 0 : i32
    return %c0_i32, %c0_i32_0, %arg0 : i32, i32, i32
  }
  func.func @transform_1(%arg0: i32) -> (i32, i32) {
    %c0_i32 = arith.constant 0 : i32
    %c0_i32_0 = arith.constant 0 : i32
    return %c0_i32, %arg0 : i32, i32
  }
  func.func @transform_2(%arg0: i32) -> (i32, i32) {
    %c0_i32 = arith.constant 0 : i32
    %c0_i32_0 = arith.constant 0 : i32
    %c0_i32_1 = arith.constant 0 : i32
    return %c0_i32, %c0_i32_0 : i32, i32
  }
  func.func @transform_3(%arg0: i32) -> (i32, i32) {
    %c0_i32 = arith.constant 0 : i32
    %c0_i32_0 = arith.constant 0 : i32
    %c0_i32_1 = arith.constant 0 : i32
    return %c0_i32, %c0_i32_0 : i32, i32
  }
  func.func @transform_4(%arg0: i32) -> (i32, i32) {
    %c0_i32 = arith.constant 0 : i32
    %c0_i32_0 = arith.constant 0 : i32
    return %arg0, %c0_i32 : i32, i32
  }
}

</mosaic_0001>

<sc_bundles>
// kernel: kernel.7.cloned.1.call-start
scs
__scs_entry_jumppad:
0x0: {  	(pc) =	sbr.rel $0x88, $3  }
0x1: {  	(tag) =	ssettag $0x0;
	lr =	simm.s32 $0x1  }
0x2: {  	[smem:$0x3F9B] =	sst lr;
	_ =	strace $0xD0000000  }
0x3: {  	_ = 	snop  }
0x4: {  	_ = 	snop  }
0x5: {  	_ = 	snop  }
0x6: {  	_ = 	snop  }
0x7: {  	_ = 	snop  }
__scs_overlays_trampoline_lowered:
0x8: {  	[smem:$0x3FAA] =	sst s0  }
0x9: {  	[smem:$0x3FAB] =	sst s1  }
0xa: {  	[smem:$0x3FAC] =	sst s2  }
0xb: {  	[smem:$0x3FAD] =	sst s3  }
0xc: {  	[smem:$0x3FAE] =	sst s4  }
0xd: {  	[smem:$0x3FAF] =	sst s5  }
0xe: {  	[smem:$0x3FB0] =	sst s6  }
0xf: {  	[smem:$0x3FB1] =	sst s7  }
0x10: {  	[smem:$0x3FB2] =	sst s8  }
0x11: {  	[smem:$0x3FB3] =	sst s9;
	s0 =	simm.s32 @!p0 $0x0  }
0x12: {  	s1 =	sld [smem:$0x3F99];
	s0 =	simm.s32 @p0 $0x1  }
0x13: {  	[smem:$0x3FB4] =	sst s0;
	s0 =	simm.s32 @!p1 $0x0  }
0x14: {  	s2 =	sld [smem:$0x3F98];
	s0 =	simm.s32 @p1 $0x1  }
0x15: {  	[smem:$0x3FB5] =	sst s0;
	s0 =	simm.s32 @!p2 $0x0  }
0x16: {  	s3 =	sld [smem:$0x3FDB];
	s0 =	simm.s32 @p2 $0x1  }
0x17: {  	s4 =	simm.s32 $0x1BF5;
	[smem:$0x3FB7] =	sst s0  }
0x18: {  	s0 =	sld [smem:$0x3F9A];
	_ =	swait.ge [sflag:s4], $0x0  }
0x19: {  	s7 =	sld [smem:$0x3F9B]  }
0x1a: {  	s8 =	sadd.s32 $0xFFFFE003, lr  }
0x1b: {  	s9 =	sadd.s32 $0xFFFFFEF7, lr;
	s5 =	simm.s32 $0xFFFFFFFF;
	p2 =	slt.u32 s8, $0xFFFFF086  }
0x1c: {  	p1 =	slt.u32 s9, $0xF7A;
	s5 =	simm.s32 @!p2 $0x0  }
0x1d: {  	s5 =	simm.s32 @p1 $0x1;
	p0 =	seq.s32 s7, s2  }
0x1e: {  	s7 =	smul.u32 @!p0 $0xF7A, s2;
	p2 =	seq.s32 @!p0 s5, $0x0  }
0x1f: {  	s9 =	smul.u32 $0xF7A, s1;
	s8 =	simm.s32 @!p0 $0x1BF5;
	p2 =	por !p2, p0  }
0x20: {  	[sflag:s8] =	ssyncset.s32 @!p0 $0xFFFFF086;
	s6 =	sadd.s32 @!p0 s3, s7;
	s7 =	simm.s32 @!p0 $0x108  }
0x21: {  	s3 =	sadd.s32 s3, s9;
	s6 =	sadd.s32 @!p0 $0x88, s6;
	s7 =	simm.s32 @p2 $0x1082  }
0x22: {  	[simem:s7], [sflag:s8] =	dma.local @!p0 [hbm:s6], $0xF7A  }
0x23: {  	s9 =	sor.u32 $0xD0000000, s2;
	s6 =	simm.s32 $0x108;
	_ =	swait.ge @!p0 [sflag:s8], $0x0  }
0x24: {  	s3 =	sadd.s32 $0x88, s3;
	s6 =	simm.s32 @!p1 $0x1082;
	[sflag:s4] =	ssyncset.s32 $0xFFFFF086  }
0x25: {  	[simem:s6], [sflag:s4] =	dma.local [hbm:s3], $0xF7A  }
0x26: {  	[smem:$0x3F9B] =	sst s1;
	(tag) =	ssettag s2;
	_ =	strace s9  }
0x27: {  	s1 =	sld [smem:$0x3FAB]  }
0x28: {  	s2 =	sld [smem:$0x3FAC]  }
0x29: {  	s4 =	sld [smem:$0x3FAE]  }
0x2a: {  	p0 =	seq.s32 s5, $0x0;
	s5 =	sld [smem:$0x3FAF]  }
0x2b: {  	s6 =	sld [smem:$0x3FB0]  }
0x2c: {  	s7 =	sld [smem:$0x3FB1]  }
0x2d: {  	s3 =	simm.s32 $0x108;
	s8 =	sld [smem:$0x3FB2]  }
0x2e: {  	s3 =	simm.s32 @!p0 $0x1082;
	s9 =	sld [smem:$0x3FB3]  }
0x2f: {  	lr =	sadd.s32 s0, s3;
	s0 =	sld [smem:$0x3FAA]  }
0x30: {  	s3 =	sld [smem:$0x3FAD]  }
0x31: {  	[smem:$0x3FB6] =	sst s10  }
0x32: {  	s10 =	sld [smem:$0x3FB4];
	_ =	sdelay $0x3  }
0x33: {  	p0 =	seq.s32 s10, $0x1;
	s10 =	sld [smem:$0x3FB6];
	_ =	sdelay $0x3  }
0x34: {  	[smem:$0x3FB6] =	sst s10  }
0x35: {  	s10 =	sld [smem:$0x3FB5];
	_ =	sdelay $0x3  }
0x36: {  	p1 =	seq.s32 s10, $0x1;
	s10 =	sld [smem:$0x3FB6];
	_ =	sdelay $0x3  }
0x37: {  	[smem:$0x3FB6] =	sst s10  }
0x38: {  	s10 =	sld [smem:$0x3FB7]  }
0x39: {  	_ = 	snop;
	(pc) =	sbr.ind lr, $3  }
0x3a: {  	_ = 	snop  }
0x3b: {  	_ = 	snop  }
0x3c: {  	p2 =	seq.s32 s10, $0x1;
	s10 =	sld [smem:$0x3FB6]  }
0x3d: {  	_ =	shalt  }
0x3e: {  	_ =	shalt  }
0x3f: {  	_ =	shalt  }
0x40: {  	_ =	shalt  }
0x41: {  	_ =	shalt  }
0x42: {  	_ =	shalt  }
0x43: {  	_ =	shalt  }
0x44: {  	_ =	shalt  }
0x45: {  	_ =	shalt  }
0x46: {  	_ =	shalt  }
0x47: {  	_ =	shalt  }
0x48: {  	_ =	shalt  }
0x49: {  	_ =	shalt  }
0x4a: {  	_ =	shalt  }
0x4b: {  	_ =	shalt  }
0x4c: {  	_ =	shalt  }
0x4d: {  	_ =	shalt  }
0x4e: {  	_ =	shalt  }
0x4f: {  	_ =	shalt  }
0x50: {  	_ =	shalt  }
0x51: {  	_ =	shalt  }
0x52: {  	_ =	shalt  }
0x53: {  	_ =	shalt  }
0x54: {  	_ =	shalt  }
0x55: {  	_ =	shalt  }
0x56: {  	_ =	shalt  }
0x57: {  	_ =	shalt  }
0x58: {  	_ =	shalt  }
0x59: {  	_ =	shalt  }
0x5a: {  	_ =	shalt  }
0x5b: {  	_ =	shalt  }
0x5c: {  	_ =	shalt  }
0x5d: {  	_ =	shalt  }
0x5e: {  	_ =	shalt  }
0x5f: {  	_ =	shalt  }
0x60: {  	_ =	shalt  }
0x61: {  	_ =	shalt  }
0x62: {  	_ =	shalt  }
0x63: {  	_ =	shalt  }
0x64: {  	_ =	shalt  }
0x65: {  	_ =	shalt  }
0x66: {  	_ =	shalt  }
0x67: {  	_ =	shalt  }
0x68: {  	_ =	shalt  }
0x69: {  	_ =	shalt  }
0x6a: {  	_ =	shalt  }
0x6b: {  	_ =	shalt  }
0x6c: {  	_ =	shalt  }
0x6d: {  	_ =	shalt  }
0x6e: {  	_ =	shalt  }
0x6f: {  	_ =	shalt  }
0x70: {  	_ =	shalt  }
0x71: {  	_ =	shalt  }
0x72: {  	_ =	shalt  }
0x73: {  	_ =	shalt  }
0x74: {  	_ =	shalt  }
0x75: {  	_ =	shalt  }
0x76: {  	_ =	shalt  }
0x77: {  	_ =	shalt  }
0x78: {  	_ =	shalt  }
0x79: {  	_ =	shalt  }
0x7a: {  	_ =	shalt  }
0x7b: {  	_ =	shalt  }
0x7c: {  	_ =	shalt  }
0x7d: {  	_ =	shalt  }
0x7e: {  	_ =	shalt  }
0x7f: {  	_ =	shalt  }
0x80: {  	_ =	shalt  }
0x81: {  	_ =	shalt  }
0x82: {  	_ =	shalt  }
0x83: {  	_ =	shalt  }
0x84: {  	_ =	shalt  }
0x85: {  	_ =	shalt  }
0x86: {  	_ =	shalt  }
0x87: {  	_ =	shalt  }
.Lfunc_end0:
.L_simem_size_0:
called_computation_lowered:
.L_overlay_start_0:
0x88: {  	s2 =	sld [smem:$0x3FD9]  }
0x89: {  	s3 =	sld [smem:$0x3FFE];
	_ =	sdelay $0x1  }
0x8a: {  	s1 =	srdreg.scid  }
0x8b: {  	s0 =	sand.u32 $0x1, s1  }
0x8c: {  	s17 =	sshll.u32 s0, $0xA;
	s2 =	sadd.s32 s3, s2  }
0x8d: {  	s2 =	sadd.s32 s2, s17  }
0x8e: {  	[smem:$0x3FC2] =	sst s2  }
0x8f: {  	_ = 	snop  }
0x90: {  	s2 =	sld [smem:$0x3FD0];
	(tm) =	ssettm $0x1  }
0x91: {  	s18 =	sld [smem:$0x3FFB];
	_ =	sdelay $0x3  }
0x92: {  	_ =	strace s18  }
0x93: {  	s3 =	sld [smem:$0x3FFC];
	_ =	sdelay $0x3  }
0x94: {  	_ =	strace s3  }
0x95: {  	s3 =	sld [smem:$0x3FFD];
	_ =	sdelay $0x3  }
0x96: {  	_ =	strace s3  }
0x97: {  	_ =	strace $0x8FFFFFFF  }
0x98: {  	s19 =	sld [smem:$0x3FDB];
	_ =	sdelay $0x1  }
0x99: {  	s4 =	simm.s32 $_scs_section_size  }
0x9a: {  	s5 =	simm.s32 $_size__tile_overlayer_lowered;
	s6 =	simm.s32 $_tile_overlayer_lowered  }
0x9b: {  	s22 =	simm.s32 $0x1BFF;
	s21 =	sshll.u32 s6, $0x1;
	s3 =	sadd.s32 s4, s19  }
0x9c: {  	s7 =	simm.s32 $0x0;
	s20 =	sshll.u32 s5, $0x1;
	s5 =	sadd.s32 s21, s3  }
0x9d: {  	[timem:s7], [sflag:s22] =	dma.local [hbm:s5], s20  }
0x9e: {  	_ =	swait.ge [sflag:s22], s20  }
0x9f: {  	s4 =	ssub.s32 $0x0, s20;
	[sflag:s22] =	ssyncset.done $0x0  }
0xa0: {  	[sflag:s22] =	ssyncadd.s32 s4;
	_ =	sdelay $0x1  }
0xa1: {  	s23 =	simm.s32 $0x1B8B  }
0xa2: {  	_ =	swait.ge [sflag:s23], $0x1  }
0xa3: {  	[sflag:s23] =	ssyncset.done $0x0  }
0xa4: {  	s25 =	simm.s32 $0x1B8E;
	s24 =	sld [smem:$0x3FFE];
	[sflag:s23] =	ssyncadd.s32 $0xFFFFFFFF  }
0xa5: {  	s26 =	simm.s32 $execute0_lowered;
	[smem:$0x3FD2] =	sst s25  }
0xa6: {  	s5 =	sshll.u32 s26, $0x1;
	_ =	strace $0x80000046;
	[dreg:$0x1] =	wrdreg $0xFFFFFFFF  }
0xa7: {  	s28 =	simm.s32 $_size_execute0_lowered;
	s3 =	sadd.s32 s3, s5;
	[dreg:$0x0] =	wrdreg $0x0  }
0xa8: {  	s5 =	sshll.u32 s28, $0x1;
	[dreg:$0x2] =	wrdreg s3  }
0xa9: {  	[dreg:$0x3] =	wrdreg s5  }
0xaa: {  	[dreg:$0x4] =	wrdreg $0xC0  }
0xab: {  	_ =	task [dreg:s7], $0x5FFFF  }
0xac: {  	[dreg:$0x1] =	wrdreg $0xFFFFFFFF  }
0xad: {  	[dreg:$0x0] =	wrdreg $0x60  }
0xae: {  	[dreg:$0x2] =	wrdreg s24  }
0xaf: {  	[dreg:$0x3] =	wrdreg s2  }
0xb0: {  	[dreg:$0x4] =	wrdreg $0x1A0E00  }
0xb1: {  	[dreg:$0x5] =	wrdreg $0x9  }
0xb2: {  	_ =	task.clear_ibuf [dreg:s7], $0x6FFFF;
	_ =	strace $0x90000046  }
0xb3: {  	s29 =	simm.s32 $0x9;
	_ =	strace $0x80000048  }
0xb4: {  	_ =	swait.ge [sflag:s29], $0x1  }
0xb5: {  	[sflag:s29] =	ssyncadd.s32 $0xFFFFFFFF  }
0xb6: {  	_ =	strace $0x90000048  }
0xb7: {  	_ =	sfence  }
0xb8: {  	s30 =	sld [smem:$0x0];
	_ =	sdelay $0x2  }
0xb9: {  	s31 =	sshll.u32 s1, $0xD;
	s1 =	sshrl.u32 s1, $0x2  }
0xba: {  	s3 =	sand.u32 $0x4000, s31;
	s1 =	sadd.s32 s1, s30  }
0xbb: {  	s0 =	sor.u32 s3, s0;
	s1 =	sshll.u32 s1, $0x11  }
0xbc: {  	s0 =	sor.u32 s1, s0  }
0xbd: {  	s0 =	sadd.s32 $0x8F2B, s0  }
0xbe: {  	[sflag:s0] =	ssyncadd.remote.s32 $0x1  }
0xbf: {  	_ =	sfence.sel $0xFFFF  }
0xc0: {  	[dreg:$0x0] =	wrdreg $0xFFFFFFFF;
	(pc) =	sbr.abs _section_cstart, $3  }
0xc1: {  	[dreg:$0x1] =	wrdreg $0xFFFFFFFF  }
0xc2: {  	_ =	task.clear_ibuf [dreg:s7], $0x2FFFF;
	_ =	strace $0x9FFFFFFF  }
0xc3: {  	(tm) =	ssettm $0x7FFFFFFF  }
tec
execute0_lowered:
.L_overlay_start_1:
0x0: {  	(tag) =	ssettag $0x1  }
0x1: {  	s0 =	srdreg.scid  }
0x2: {  	s2 =	sand.u32 $0x1, s0  }
0x3: {  	s29 =	stileid.u32;
	s1 =	sshll.u32 s2, $0x4  }
0x4: {  	s1 =	sor.u32 s29, s1  }
0x5: {  	s7 =	smul.u32 $0x2710, s1  }
0x6: {  	s0 =	rddreg [dreg:$0x0]  }
0x7: {  	s31 =	simm.s32 $0x0;
	s6 =	sadd.s32 $0x9E800, s0;
	s11 =	sshrl.u32 s7, $0x3  }
0x8: {  	[smem:$0x7FF] =	sst s31;
	s3 =	sadd.s32 $0xA8600, s0;
	s7 =	sadd.s32 s6, s11  }
0x9: {  	s8 =	sadd.s32 $0xB2400, s0;
	s12 =	sadd.s32 s3, s11;
	[dreg:$0x4] =	wrdreg s7  }
0xa: {  	s4 =	sadd.s32 $0xBCE00, s0;
	s9 =	sadd.s32 s8, s11;
	[dreg:$0x5] =	wrdreg s12  }
0xb: {  	s13 =	sadd.s32 $0xFA, s11;
	s14 =	sadd.s32 s4, s11;
	[dreg:$0x6] =	wrdreg s9  }
0xc: {  	[dreg:$0x7] =	wrdreg s14;
	s15 =	sadd.s32 s6, s13  }
0xd: {  	s16 =	sadd.s32 s3, s13;
	[dreg:$0x8] =	wrdreg s15  }
0xe: {  	s17 =	sadd.s32 s8, s13;
	[dreg:$0x9] =	wrdreg s16  }
0xf: {  	s18 =	sadd.s32 $0x1F4, s11;
	s7 =	sadd.s32 s4, s13;
	[dreg:$0xa] =	wrdreg s17  }
0x10: {  	s19 =	sadd.s32 s6, s18;
	[dreg:$0xb] =	wrdreg s7  }
0x11: {  	s20 =	sadd.s32 s3, s18;
	[dreg:$0xc] =	wrdreg s19  }
0x12: {  	s5 =	ssub.s32 $0x2, s2;
	s21 =	sadd.s32 s8, s18;
	[dreg:$0xd] =	wrdreg s20  }
0x13: {  	s23 =	sadd.s32 $0x2EE, s11;
	s22 =	sadd.s32 s4, s18;
	[dreg:$0xe] =	wrdreg s21  }
0x14: {  	s10 =	sshrl.u32 s5, $0x1;
	s24 =	sadd.s32 s6, s23;
	[dreg:$0xf] =	wrdreg s22  }
0x15: {  	s1 =	ssub.s32 s5, s10;
	s25 =	sadd.s32 s3, s23;
	[dreg:$0x10] =	wrdreg s24  }
0x16: {  	s10 =	sadd.s32 $0x3E8, s11;
	s26 =	sadd.s32 s8, s23;
	[dreg:$0x11] =	wrdreg s25  }
0x17: {  	s6 =	sadd.s32 s6, s10;
	[dreg:$0x12] =	wrdreg s26  }
0x18: {  	s5 =	smul.u32 $0x27100, s2;
	s11 =	sadd.s32 s8, s10;
	[dreg:$0x14] =	wrdreg s6  }
0x19: {  	s12 =	sadd.s32 s3, s10;
	[dreg:$0x15] =	wrdreg s11  }
0x1a: {  	s13 =	sadd.s32 s4, s10;
	s14 =	sshrl.u32 s5, $0x3;
	[dreg:$0x16] =	wrdreg s12  }
0x1b: {  	s9 =	sadd.s32 $0x7D00, s5;
	s7 =	sadd.s32 s4, s23;
	[dreg:$0x17] =	wrdreg s13  }
0x1c: {  	s6 =	sadd.s32 $0x1F40, s5;
	s15 =	sadd.s32 s3, s14;
	[dreg:$0x13] =	wrdreg s7  }
0x1d: {  	s8 =	sadd.s32 s4, s14;
	s12 =	sshrl.u32 s9, $0x3;
	[dreg:$0x18] =	wrdreg s15  }
0x1e: {  	s16 =	sshrl.u32 s6, $0x3;
	[dreg:$0x19] =	wrdreg s8;
	s22 =	sadd.s32 s3, s12  }
0x1f: {  	s7 =	sadd.s32 $0x3E80, s5;
	s23 =	sadd.s32 s4, s12;
	[smem:$0x7BC] =	sst s22  }
0x20: {  	s8 =	sadd.s32 $0x5DC0, s5;
	s17 =	sadd.s32 s3, s16;
	[smem:$0x7BD] =	sst s23  }
0x21: {  	s10 =	sshrl.u32 s7, $0x3;
	s18 =	sadd.s32 s4, s16;
	[dreg:$0x1a] =	wrdreg s17  }
0x22: {  	s15 =	sadd.s32 $0xFA00, s5;
	[dreg:$0x1b] =	wrdreg s18;
	s19 =	sadd.s32 s3, s10  }
0x23: {  	s11 =	sshrl.u32 s8, $0x3;
	s20 =	sadd.s32 s4, s10;
	[dreg:$0x1c] =	wrdreg s19  }
0x24: {  	s21 =	sadd.s32 s3, s11;
	s10 =	sadd.s32 $0x9C40, s5;
	[dreg:$0x1d] =	wrdreg s20  }
0x25: {  	s11 =	sadd.s32 s4, s11;
	s18 =	sshrl.u32 s15, $0x3;
	[dreg:$0x1e] =	wrdreg s21  }
0x26: {  	[dreg:$0x1f] =	wrdreg s11;
	s13 =	sshrl.u32 s10, $0x3;
	s19 =	sadd.s32 s3, s18  }
0x27: {  	s11 =	sadd.s32 $0xBB80, s5;
	s24 =	sadd.s32 s3, s13;
	[smem:$0x7C4] =	sst s19  }
0x28: {  	s25 =	sadd.s32 s4, s13;
	s26 =	sshrl.u32 s11, $0x3;
	[smem:$0x7BE] =	sst s24  }
0x29: {  	[smem:$0x7BF] =	sst s25;
	s14 =	sadd.s32 s3, s26  }
0x2a: {  	s13 =	sadd.s32 $0xDAC0, s5;
	s12 =	sadd.s32 s4, s26;
	[smem:$0x7C0] =	sst s14  }
0x2b: {  	s16 =	sshrl.u32 s13, $0x3;
	[smem:$0x7C1] =	sst s12  }
0x2c: {  	s17 =	sadd.s32 s3, s16;
	s14 =	sadd.s32 s4, s16;
	s12 =	sadd.s32 s4, s18  }
0x2d: {  	s16 =	sadd.s32 $0x13880, s5;
	s18 =	sadd.s32 $0x157C0, s5;
	[smem:$0x7C2] =	sst s17  }
0x2e: {  	[smem:$0x7C3] =	sst s14;
	s14 =	sadd.s32 $0x11940, s5;
	s21 =	sshrl.u32 s16, $0x3  }
0x2f: {  	[smem:$0x7C5] =	sst s12;
	s23 =	sshrl.u32 s18, $0x3;
	s22 =	sadd.s32 s3, s21  }
0x30: {  	s20 =	sshrl.u32 s14, $0x3;
	s24 =	sadd.s32 s3, s23;
	[smem:$0x7C8] =	sst s22  }
0x31: {  	s19 =	sadd.s32 $0x19640, s5;
	s17 =	sadd.s32 s3, s20;
	[smem:$0x7CA] =	sst s24  }
0x32: {  	s26 =	sshrl.u32 s19, $0x3;
	s12 =	sadd.s32 s4, s20;
	[smem:$0x7C6] =	sst s17  }
0x33: {  	s22 =	sadd.s32 s3, s26;
	[smem:$0x7C7] =	sst s12;
	s17 =	sadd.s32 s4, s21  }
0x34: {  	s12 =	sadd.s32 s4, s23;
	s21 =	sadd.s32 $0x1B580, s5;
	[smem:$0x7CE] =	sst s22  }
0x35: {  	[smem:$0x7C9] =	sst s17;
	s17 =	sadd.s32 $0x17700, s5;
	s23 =	sshrl.u32 s21, $0x3  }
0x36: {  	[smem:$0x7CB] =	sst s12;
	s25 =	sshrl.u32 s17, $0x3;
	s24 =	sadd.s32 s3, s23  }
0x37: {  	s20 =	sadd.s32 s3, s25;
	[smem:$0x7D0] =	sst s24  }
0x38: {  	s22 =	sadd.s32 $0x1F400, s5;
	[smem:$0x7CC] =	sst s20;
	s20 =	sadd.s32 s4, s26  }
0x39: {  	s12 =	sadd.s32 s4, s25;
	[smem:$0x7CF] =	sst s20;
	s20 =	sadd.s32 $0x1D4C0, s5  }
0x3a: {  	[smem:$0x7CD] =	sst s12;
	s12 =	sadd.s32 s4, s23;
	s25 =	sshrl.u32 s20, $0x3  }
0x3b: {  	s24 =	sadd.s32 $0x21340, s5;
	[smem:$0x7D1] =	sst s12;
	s23 =	sadd.s32 s3, s25  }
0x3c: {  	s12 =	sadd.s32 s4, s25;
	s25 =	sshrl.u32 s24, $0x3;
	[smem:$0x7D2] =	sst s23  }
0x3d: {  	s23 =	sshrl.u32 s22, $0x3;
	[smem:$0x7D3] =	sst s12;
	s12 =	sadd.s32 s4, s25  }
0x3e: {  	s26 =	sadd.s32 s3, s23;
	[smem:$0x7D7] =	sst s12  }
0x3f: {  	s23 =	sadd.s32 s4, s23;
	[smem:$0x7D4] =	sst s26  }
0x40: {  	[smem:$0x7D5] =	sst s23;
	s23 =	sadd.s32 $0x23280, s5  }
0x41: {  	s26 =	sadd.s32 s3, s25;
	s25 =	sadd.s32 $0x251C0, s5;
	s12 =	sshrl.u32 s23, $0x3  }
0x42: {  	[smem:$0x7D6] =	sst s26;
	s26 =	smul.u32 $0x4E200, s29;
	s28 =	sadd.s32 s3, s12  }
0x43: {  	s12 =	sadd.s32 s4, s12;
	[smem:$0x7D8] =	sst s28;
	s28 =	sshrl.u32 s25, $0x3  }
0x44: {  	s30 =	simm.s32 $0x3;
	[smem:$0x7D9] =	sst s12;
	s3 =	sadd.s32 s3, s28  }
0x45: {  	s12 =	sadd.s32 s4, s28;
	s4 =	sadd.s32 s26, s6;
	s6 =	sadd.s32 s26, s8  }
0x46: {  	s8 =	sadd.s32 s26, s10;
	s10 =	sadd.s32 s26, s13;
	s13 =	sadd.s32 s26, s16  }
0x47: {  	s16 =	sadd.s32 s26, s19;
	s19 =	sadd.s32 s26, s22;
	[smem:$0x7DA] =	sst s3  }
0x48: {  	s22 =	sadd.s32 s26, s25;
	s28 =	simm.s32 $0x159A0;
	[smem:$0x7DB] =	sst s12  }
0x49: {  	s3 =	sadd.s32 s5, s26;
	s5 =	sadd.s32 s26, s7;
	s7 =	sadd.s32 s26, s9  }
0x4a: {  	s9 =	sadd.s32 s26, s11;
	s11 =	sadd.s32 s26, s15;
	s12 =	sadd.s32 s26, s14  }
0x4b: {  	s14 =	sadd.s32 s26, s18;
	s15 =	sadd.s32 s26, s17;
	s17 =	sadd.s32 s26, s21  }
0x4c: {  	s18 =	sadd.s32 s26, s20;
	s20 =	sadd.s32 s26, s24;
	s21 =	sadd.s32 s26, s23  }
0x4d: {  	s4 =	sshrl.u32 s4, $0x3;
	s23 =	sadd.s32 $0x2400, s0;
	s25 =	sshrl.u32 s6, $0x3  }
0x4e: {  	s3 =	sshrl.u32 s3, $0x3;
	s4 =	sadd.s32 s23, s4;
	s24 =	sshrl.u32 s5, $0x3  }
0x4f: {  	s26 =	sshrl.u32 s7, $0x3;
	s6 =	sadd.s32 s23, s25;
	[smem:$0x7DD] =	sst s4  }
0x50: {  	s25 =	sshrl.u32 s10, $0x3;
	s3 =	sadd.s32 s23, s3;
	[smem:$0x7DF] =	sst s6  }
0x51: {  	s5 =	sshrl.u32 s11, $0x3;
	s7 =	sadd.s32 s23, s26;
	[smem:$0x7DC] =	sst s3  }
0x52: {  	s10 =	sshrl.u32 s14, $0x3;
	s4 =	sadd.s32 s23, s25;
	[smem:$0x7E0] =	sst s7  }
0x53: {  	s11 =	sshrl.u32 s15, $0x3;
	s3 =	sadd.s32 s23, s24;
	[smem:$0x7E3] =	sst s4  }
0x54: {  	s7 =	sshrl.u32 s13, $0x3;
	s13 =	sadd.s32 s23, s11;
	s11 =	rddreg [dreg:$0x2]  }
0x55: {  	s6 =	sshrl.u32 s12, $0x3;
	s12 =	sshrl.u32 s16, $0x3;
	[smem:$0x7DE] =	sst s3  }
0x56: {  	s16 =	sshrl.u32 s18, $0x3;
	s14 =	sadd.s32 s23, s12;
	[smem:$0x7E8] =	sst s13  }
0x57: {  	s25 =	sshrl.u32 s20, $0x3;
	s18 =	sadd.s32 s23, s16;
	[smem:$0x7E9] =	sst s14  }
0x58: {  	s8 =	sshrl.u32 s8, $0x3;
	s4 =	sadd.s32 s23, s25;
	[smem:$0x7EB] =	sst s18  }
0x59: {  	s24 =	sshrl.u32 s9, $0x3;
	s3 =	sadd.s32 s23, s8;
	[smem:$0x7ED] =	sst s4  }
0x5a: {  	s15 =	sshrl.u32 s17, $0x3;
	s26 =	sadd.s32 s23, s24;
	[smem:$0x7E1] =	sst s3  }
0x5b: {  	s17 =	smul.u32 $0x2800, s2;
	s8 =	sadd.s32 s23, s6;
	[smem:$0x7E2] =	sst s26  }
0x5c: {  	s2 =	smul.u32 $0x28000, s2;
	s9 =	sadd.s32 s23, s7;
	[smem:$0x7E5] =	sst s8  }
0x5d: {  	s24 =	sshrl.u32 s19, $0x3;
	s7 =	sshrl.u32 s21, $0x3;
	[smem:$0x7E6] =	sst s9  }
0x5e: {  	s3 =	sadd.s32 s23, s5;
	s26 =	smul.u32 $0x2800, s29;
	s9 =	rddreg [dreg:$0x1]  }
0x5f: {  	s8 =	sshrl.u32 s22, $0x3;
	[smem:$0x7E4] =	sst s3;
	s3 =	sadd.s32 s23, s10  }
0x60: {  	s10 =	smul.u32 $0x280, s29;
	[smem:$0x7E7] =	sst s3;
	s3 =	sadd.s32 s23, s15  }
0x61: {  	s29 =	simm.s32 $0x7620;
	s13 =	sadd.s32 s26, s11;
	[smem:$0x7EA] =	sst s3  }
0x62: {  	s2 =	sadd.s32 s26, s2;
	s3 =	sadd.s32 s23, s24;
	[smem:$0x7F1] =	sst s13  }
0x63: {  	s2 =	sshrl.u32 s2, $0x3;
	[smem:$0x7EC] =	sst s3;
	s3 =	sadd.s32 s23, s7  }
0x64: {  	s12 =	sadd.s32 s10, s17;
	s2 =	sadd.s32 s9, s2;
	[smem:$0x7EE] =	sst s3  }
0x65: {  	s14 =	sshrl.u32 s12, $0x3;
	s3 =	sadd.s32 s23, s8;
	[smem:$0x7F0] =	sst s2  }
0x66: {  	s15 =	sadd.s32 $0xBC200, s0;
	s2 =	sadd.s32 s14, s0;
	[smem:$0x7EF] =	sst s3  }
0x67: {  	s0 =	sadd.s32 $0xBC800, s0;
	_ =	strace $0x80000047;
	[smem:$0x7F2] =	sst s15  }
0x68: {  	s22 =	sadd.s32 s10, s11;
	s16 =	sadd.s32 $0xC6C00, s2;
	[smem:$0x7F3] =	sst s0  }
0x69: {  	s17 =	smax.u32 s1, $0x1;
	s13 =	simm.s32 $0x1;
	[smem:$0x7F4] =	sst s16  }
0x6a: {  	s1 =	simm.s32 $0x0;
	s18 =	sadd.s32 $0x2800, s22;
	[smem:$0x7F5] =	sst s17  }
0x6b: {  	s19 =	sadd.s32 $0x5000, s22;
	s20 =	sadd.s32 $0x7800, s22;
	[smem:$0x7F6] =	sst s18  }
0x6c: {  	s21 =	sadd.s32 $0xA000, s22;
	s24 =	sadd.s32 $0xF000, s22;
	[smem:$0x7F7] =	sst s19  }
0x6d: {  	s25 =	sadd.s32 $0x11800, s22;
	s26 =	sadd.s32 $0x14000, s22;
	[smem:$0x7F8] =	sst s20  }
0x6e: {  	s5 =	sadd.s32 $0x16800, s22;
	s23 =	sadd.s32 $0xC800, s22;
	[smem:$0x7F9] =	sst s21  }
0x6f: {  	s6 =	sadd.s32 $0x19000, s22;
	s7 =	sadd.s32 $0x1B800, s22;
	[smem:$0x7FA] =	sst s23  }
0x70: {  	s9 =	sadd.s32 $0x20800, s22;
	s10 =	sadd.s32 $0x23000, s22;
	[smem:$0x7FB] =	sst s24  }
0x71: {  	s11 =	sadd.s32 $0x25800, s22;
	s12 =	simm.s32 $0x2710;
	[smem:$0x7FC] =	sst s25  }
0x72: {  	s8 =	sadd.s32 $0x1E000, s22;
	s14 =	simm.s32 $0x9E20;
	[smem:$0x7FD] =	sst s26  }
0x73: {  	s15 =	simm.s32 $0xA5F0;
	s16 =	simm.s32 $0xADC0;
	s17 =	simm.s32 $0x4E20  }
0x74: {  	s18 =	simm.s32 $0xB590;
	s19 =	simm.s32 $0x4;
	s20 =	simm.s32 $0xBD60  }
0x75: {  	s21 =	simm.s32 $0xFBE0;
	s23 =	simm.s32 $0x13A60;
	s24 =	simm.s32 $0x2  }
0x76: {  	v0 =	vimm.f32 $0.0e+00;
	s25 =	simm.s32 $0xDCA0;
	s26 =	simm.s32 $0x11B20;
	s0 =	simm.s32 $0x178E0  }
.LBB2_1:
0x77: {  	s2 =	sld [smem:$0x7F2];
	_ =	sdelay $0x1  }
0x78: {  	s4 =	sld [smem:$0x7F3]  }
0x79: {  	[tilespmem:s31], [sflag:$0x1] =	stream.linear.gather [hbm4b:s2+s31], $0x2710, $0x38;
	[tilespmem:$0x1C8E0] =	vst v63  }
0x7a: {  	_ = 	snop  }
0x7b: {  	[tilespmem:s12], [sflag:$0x1] =	stream.linear.gather [hbm4b:s4+s31], $0x2710, $0x38;
	[tilespmem:$0x1C8E0] =	vst v63  }
0x7c: {  	_ =	swait.ge [sflag:s13], $0x2710  }
0x7d: {  	[sflag:s13] =	ssyncset.done $0x0  }
0x7e: {  	[sflag:s13] =	ssyncadd.s32 $0xFFFFD8F0  }
0x7f: {  	_ =	swait.ge [sflag:s13], $0x2710  }
0x80: {  	[sflag:s13] =	ssyncset.done $0x0  }
0x81: {  	s3 =	simm.s32 $0x0;
	s2 =	simm.s32 $0x40;
	[sflag:s13] =	ssyncadd.s32 $0xFFFFD8F0  }
.LBB2_2:
0x82: {  	p0 =	sne.s32 s2, $0x9FC0;
	[tilespmem:s3+$0x4E20] =	vst v0;
	s4 =	smov.u32 s2;
	s2 =	sadd.s32 $0x40, s2  }
.Ltmp0:
0x83: {  	[tilespmem:s3+$0x7620] =	vst v0;
	(pc) =	sbr.rel @p0 .LBB2_2-.Ltmp0, $2  }
0x84: {  	_ =	sdelay $0x2  }
0x85: {  	s3 =	sshra.s32 s4, $0x2  }
0x86: {  	[tilespmem:s3+$0x4E20] =	vst v0  }
0x87: {  	[tilespmem:s3+$0x7620] =	vst v0;
	s2 =	simm.s32 $0x0;
	s4 =	rddreg [dreg:$0x4]  }
0x88: {  	[tilespmem:s14], [sflag:$0x1] =	stream.linear.gather [hbm4b:s4+s2], $0x7D0, $0x38;
	[tilespmem:$0x1C8E0] =	vst v63  }
0x89: {  	s4 =	rddreg [dreg:$0x5]  }
0x8a: {  	[tilespmem:s15], [sflag:$0x1] =	stream.linear.gather [hbm4b:s4+s2], $0x7D0, $0x38;
	[tilespmem:$0x1C8E0] =	vst v63  }
0x8b: {  	s4 =	rddreg [dreg:$0x6]  }
0x8c: {  	[tilespmem:s16], [sflag:$0x1] =	stream.linear.gather [hbm4b:s4+s2], $0x7D0, $0x38;
	[tilespmem:$0x1C8E0] =	vst v63  }
0x8d: {  	_ =	swait.ge [sflag:s13], $0x7D0  }
0x8e: {  	[sflag:s13] =	ssyncset.done $0x0  }
0x8f: {  	[sflag:s13] =	ssyncadd.s32 $0xFFFFF830  }
0x90: {  	_ =	swait.ge [sflag:s13], $0x7D0  }
0x91: {  	[sflag:s13] =	ssyncset.done $0x0  }
0x92: {  	[sflag:s13] =	ssyncadd.s32 $0xFFFFF830  }
0x93: {  	_ =	swait.ge [sflag:s13], $0x7D0  }
0x94: {  	[sflag:s13] =	ssyncset.done $0x0  }
0x95: {  	s2 =	simm.s32 $0x0;
	[sflag:s13] =	ssyncadd.s32 $0xFFFFF830  }
0x96: {  	s3 =	simm.s32 $0x40;
	v1 =	vld [tilespmem:s2+$0x9E20]  }
.LBB2_4:
0x97: {  	p0 =	sne.s32 s3, $0x1F00;
	v2 =	vld [tilespmem:s2+$0xA5F0];
	_ =	sdelay $0x6  }
0x98: {  	v1 =	vld.idx.msk [tilespmem:v1+s31+$0x0], $0xffff  }
0x99: {  	v3 =	vld.idx.msk [tilespmem:v2+s12+$0x0], $0xffff;
	_ =	sdelay $0x2  }
0x9a: {  	v4 =	vld [tilespmem:s2+$0xADC0];
	_ =	sdelay $0x2  }
0x9b: {  	v1 =	vadd.f32 v3, v1;
	_ =	sdelay $0x1  }
0x9c: {  	v1 =	vadd.f32 v4, v1;
	_ =	sdelay $0x1  }
0x9d: {  	v3 =	vmul.f32 $9.999999770e-03, v1;
	_ =	sdelay $0x1  }
0x9e: {  	v1 =	vmax.f32 v1, v3  }
0x9f: {  	v1 =	vmul.f32 $1.442695020e+00, v1;
	_ =	sdelay $0x1  }
0xa0: {  	(erf) = vpow2.f32 v1;
	_ =	sdelay $0x6  }
.Ltmp1:
0xa1: {  	(pc) =	sbr.rel @p0 .LBB2_4-.Ltmp1, $4  }
0xa2: {  	_ = 	snop  }
0xa3: {  	v3 =	vpop (erf)  }
0xa4: {  	s4 =	sshra.s32 s3, $0x2;
	[tilespmem:v2+s17+$0x0] =	vst.idx.add.f32.msk $0xffff, v3  }
0xa5: {  	s3 =	sadd.s32 $0x40, s3;
	v1 =	vld [tilespmem:s4+$0x9E20];
	[tilespmem:s2+$0xB590] =	vst v3;
	s2 =	smov.u32 s4  }
0xa6: {  	_ = 	snop  }
0xa7: {  	v2 =	vld [tilespmem:s2+$0xA5F0];
	_ =	sdelay $0x6  }
0xa8: {  	v1 =	vld.idx.msk [tilespmem:v1+s31+$0x0], $0xffff  }
0xa9: {  	v3 =	vld.idx.msk [tilespmem:v2+s12+$0x0], $0xffff;
	_ =	sdelay $0x1  }
0xaa: {  	v4 =	vld [tilespmem:s2+$0xADC0];
	_ =	sdelay $0x2  }
0xab: {  	v1 =	vadd.f32 v3, v1;
	_ =	sdelay $0x1  }
0xac: {  	v1 =	vadd.f32 v4, v1;
	_ =	sdelay $0x1  }
0xad: {  	v3 =	vmul.f32 $9.999999770e-03, v1;
	_ =	sdelay $0x1  }
0xae: {  	v1 =	vmax.f32 v1, v3  }
0xaf: {  	v1 =	vmul.f32 $1.442695020e+00, v1;
	_ =	sdelay $0x1  }
0xb0: {  	(erf) = vpow2.f32 v1;
	_ =	sdelay $0x8  }
0xb1: {  	v1 =	vpop (erf)  }
0xb2: {  	[tilespmem:v2+s17+$0x0] =	vst.idx.add.f32.msk $0xffff, v1  }
0xb3: {  	s3 =	rddreg [dreg:$0x7];
	[tilespmem:s2+$0xB590] =	vst v1;
	s2 =	simm.s32 $0x0  }
0xb4: {  	[hbm4b:s3+s2] =	stream.linear.scatter [tilespmem:s18], [sflag:$0x4], $0x7D0, $0x38;
	[tilespmem:$0x1C8E0] =	vst v63  }
0xb5: {  	_ =	swait.ge [sflag:s19], $0x7D0  }
0xb6: {  	[sflag:s19] =	ssyncset.done $0x0  }
0xb7: {  	s4 =	rddreg [dreg:$0x8];
	[sflag:s19] =	ssyncadd.s32 $0xFFFFF830  }
0xb8: {  	[tilespmem:s14], [sflag:$0x1] =	stream.linear.gather [hbm4b:s4+s2], $0x7D0, $0x38;
	[tilespmem:$0x1C8E0] =	vst v63  }
0xb9: {  	s4 =	rddreg [dreg:$0x9]  }
0xba: {  	[tilespmem:s15], [sflag:$0x1] =	stream.linear.gather [hbm4b:s4+s2], $0x7D0, $0x38;
	[tilespmem:$0x1C8E0] =	vst v63  }
0xbb: {  	s4 =	rddreg [dreg:$0xa]  }
0xbc: {  	[tilespmem:s16], [sflag:$0x1] =	stream.linear.gather [hbm4b:s4+s2], $0x7D0, $0x38;
	[tilespmem:$0x1C8E0] =	vst v63  }
0xbd: {  	_ =	swait.ge [sflag:s13], $0x7D0  }
0xbe: {  	[sflag:s13] =	ssyncset.done $0x0  }
0xbf: {  	[sflag:s13] =	ssyncadd.s32 $0xFFFFF830  }
0xc0: {  	_ =	swait.ge [sflag:s13], $0x7D0  }
0xc1: {  	[sflag:s13] =	ssyncset.done $0x0  }
0xc2: {  	[sflag:s13] =	ssyncadd.s32 $0xFFFFF830  }
0xc3: {  	_ =	swait.ge [sflag:s13], $0x7D0  }
0xc4: {  	[sflag:s13] =	ssyncset.done $0x0  }
0xc5: {  	s2 =	simm.s32 $0x0;
	[sflag:s13] =	ssyncadd.s32 $0xFFFFF830  }
0xc6: {  	s3 =	simm.s32 $0x40;
	v1 =	vld [tilespmem:s2+$0x9E20]  }
.LBB2_6:
0xc7: {  	p0 =	sne.s32 s3, $0x1F00;
	v2 =	vld [tilespmem:s2+$0xA5F0];
	_ =	sdelay $0x6  }
0xc8: {  	v1 =	vld.idx.msk [tilespmem:v1+s31+$0x0], $0xffff  }
0xc9: {  	v3 =	vld.idx.msk [tilespmem:v2+s12+$0x0], $0xffff;
	_ =	sdelay $0x2  }
0xca: {  	v4 =	vld [tilespmem:s2+$0xADC0];
	_ =	sdelay $0x2  }
0xcb: {  	v1 =	vadd.f32 v3, v1;
	_ =	sdelay $0x1  }
0xcc: {  	v1 =	vadd.f32 v4, v1;
	_ =	sdelay $0x1  }
0xcd: {  	v3 =	vmul.f32 $9.999999770e-03, v1;
	_ =	sdelay $0x1  }
0xce: {  	v1 =	vmax.f32 v1, v3  }
0xcf: {  	v1 =	vmul.f32 $1.442695020e+00, v1;
	_ =	sdelay $0x1  }
0xd0: {  	(erf) = vpow2.f32 v1;
	_ =	sdelay $0x6  }
.Ltmp2:
0xd1: {  	(pc) =	sbr.rel @p0 .LBB2_6-.Ltmp2, $4  }
0xd2: {  	_ = 	snop  }
0xd3: {  	v3 =	vpop (erf)  }
0xd4: {  	s4 =	sshra.s32 s3, $0x2;
	[tilespmem:v2+s17+$0x0] =	vst.idx.add.f32.msk $0xffff, v3  }
0xd5: {  	s3 =	sadd.s32 $0x40, s3;
	v1 =	vld [tilespmem:s4+$0x9E20];
	[tilespmem:s2+$0xB590] =	vst v3;
	s2 =	smov.u32 s4  }
0xd6: {  	_ = 	snop  }
0xd7: {  	v2 =	vld [tilespmem:s2+$0xA5F0];
	_ =	sdelay $0x6  }
0xd8: {  	v1 =	vld.idx.msk [tilespmem:v1+s31+$0x0], $0xffff  }
0xd9: {  	v3 =	vld.idx.msk [tilespmem:v2+s12+$0x0], $0xffff;
	_ =	sdelay $0x1  }
0xda: {  	v4 =	vld [tilespmem:s2+$0xADC0];
	_ =	sdelay $0x2  }
0xdb: {  	v1 =	vadd.f32 v3, v1;
	_ =	sdelay $0x1  }
0xdc: {  	v1 =	vadd.f32 v4, v1;
	_ =	sdelay $0x1  }
0xdd: {  	v3 =	vmul.f32 $9.999999770e-03, v1;
	_ =	sdelay $0x1  }
0xde: {  	v1 =	vmax.f32 v1, v3  }
0xdf: {  	v1 =	vmul.f32 $1.442695020e+00, v1;
	_ =	sdelay $0x1  }
0xe0: {  	(erf) = vpow2.f32 v1;
	_ =	sdelay $0x8  }
0xe1: {  	v1 =	vpop (erf)  }
0xe2: {  	[tilespmem:v2+s17+$0x0] =	vst.idx.add.f32.msk $0xffff, v1  }
0xe3: {  	s3 =	rddreg [dreg:$0xb];
	[tilespmem:s2+$0xB590] =	vst v1;
	s2 =	simm.s32 $0x0  }
0xe4: {  	[hbm4b:s3+s2] =	stream.linear.scatter [tilespmem:s18], [sflag:$0x4], $0x7D0, $0x38;
	[tilespmem:$0x1C8E0] =	vst v63  }
0xe5: {  	_ =	swait.ge [sflag:s19], $0x7D0  }
0xe6: {  	[sflag:s19] =	ssyncset.done $0x0  }
0xe7: {  	s4 =	rddreg [dreg:$0xc];
	[sflag:s19] =	ssyncadd.s32 $0xFFFFF830  }
0xe8: {  	[tilespmem:s14], [sflag:$0x1] =	stream.linear.gather [hbm4b:s4+s2], $0x7D0, $0x38;
	[tilespmem:$0x1C8E0] =	vst v63  }
0xe9: {  	s4 =	rddreg [dreg:$0xd]  }
0xea: {  	[tilespmem:s15], [sflag:$0x1] =	stream.linear.gather [hbm4b:s4+s2], $0x7D0, $0x38;
	[tilespmem:$0x1C8E0] =	vst v63  }
0xeb: {  	s4 =	rddreg [dreg:$0xe]  }
0xec: {  	[tilespmem:s16], [sflag:$0x1] =	stream.linear.gather [hbm4b:s4+s2], $0x7D0, $0x38;
	[tilespmem:$0x1C8E0] =	vst v63  }
0xed: {  	_ =	swait.ge [sflag:s13], $0x7D0  }
0xee: {  	[sflag:s13] =	ssyncset.done $0x0  }
0xef: {  	[sflag:s13] =	ssyncadd.s32 $0xFFFFF830  }
0xf0: {  	_ =	swait.ge [sflag:s13], $0x7D0  }
0xf1: {  	[sflag:s13] =	ssyncset.done $0x0  }
0xf2: {  	[sflag:s13] =	ssyncadd.s32 $0xFFFFF830  }
0xf3: {  	_ =	swait.ge [sflag:s13], $0x7D0  }
0xf4: {  	[sflag:s13] =	ssyncset.done $0x0  }
0xf5: {  	s2 =	simm.s32 $0x0;
	[sflag:s13] =	ssyncadd.s32 $0xFFFFF830  }
0xf6: {  	s3 =	simm.s32 $0x40;
	v1 =	vld [tilespmem:s2+$0x9E20]  }
.LBB2_8:
0xf7: {  	p0 =	sne.s32 s3, $0x1F00;
	v2 =	vld [tilespmem:s2+$0xA5F0];
	_ =	sdelay $0x6  }
0xf8: {  	v1 =	vld.idx.msk [tilespmem:v1+s31+$0x0], $0xffff  }
0xf9: {  	v3 =	vld.idx.msk [tilespmem:v2+s12+$0x0], $0xffff;
	_ =	sdelay $0x2  }
0xfa: {  	v4 =	vld [tilespmem:s2+$0xADC0];
	_ =	sdelay $0x2  }
0xfb: {  	v1 =	vadd.f32 v3, v1;
	_ =	sdelay $0x1  }
0xfc: {  	v1 =	vadd.f32 v4, v1;
	_ =	sdelay $0x1  }
0xfd: {  	v3 =	vmul.f32 $9.999999770e-03, v1;
	_ =	sdelay $0x1  }
0xfe: {  	v1 =	vmax.f32 v1, v3  }
0xff: {  	v1 =	vmul.f32 $1.442695020e+00, v1;
	_ =	sdelay $0x1  }
0x100: {  	(erf) = vpow2.f32 v1;
	_ =	sdelay $0x6  }
.Ltmp3:
0x101: {  	(pc) =	sbr.rel @p0 .LBB2_8-.Ltmp3, $4  }
0x102: {  	_ = 	snop  }
0x103: {  	v3 =	vpop (erf)  }
0x104: {  	s4 =	sshra.s32 s3, $0x2;
	[tilespmem:v2+s17+$0x0] =	vst.idx.add.f32.msk $0xffff, v3  }
0x105: {  	s3 =	sadd.s32 $0x40, s3;
	v1 =	vld [tilespmem:s4+$0x9E20];
	[tilespmem:s2+$0xB590] =	vst v3;
	s2 =	smov.u32 s4  }
0x106: {  	_ = 	snop  }
0x107: {  	v2 =	vld [tilespmem:s2+$0xA5F0];
	_ =	sdelay $0x6  }
0x108: {  	v1 =	vld.idx.msk [tilespmem:v1+s31+$0x0], $0xffff  }
0x109: {  	v3 =	vld.idx.msk [tilespmem:v2+s12+$0x0], $0xffff;
	_ =	sdelay $0x1  }
0x10a: {  	v4 =	vld [tilespmem:s2+$0xADC0];
	_ =	sdelay $0x2  }
0x10b: {  	v1 =	vadd.f32 v3, v1;
	_ =	sdelay $0x1  }
0x10c: {  	v1 =	vadd.f32 v4, v1;
	_ =	sdelay $0x1  }
0x10d: {  	v3 =	vmul.f32 $9.999999770e-03, v1;
	_ =	sdelay $0x1  }
0x10e: {  	v1 =	vmax.f32 v1, v3  }
0x10f: {  	v1 =	vmul.f32 $1.442695020e+00, v1;
	_ =	sdelay $0x1  }
0x110: {  	(erf) = vpow2.f32 v1;
	_ =	sdelay $0x8  }
0x111: {  	v1 =	vpop (erf)  }
0x112: {  	[tilespmem:v2+s17+$0x0] =	vst.idx.add.f32.msk $0xffff, v1  }
0x113: {  	s3 =	rddreg [dreg:$0xf];
	[tilespmem:s2+$0xB590] =	vst v1;
	s2 =	simm.s32 $0x0  }
0x114: {  	[hbm4b:s3+s2] =	stream.linear.scatter [tilespmem:s18], [sflag:$0x4], $0x7D0, $0x38;
	[tilespmem:$0x1C8E0] =	vst v63  }
0x115: {  	_ =	swait.ge [sflag:s19], $0x7D0  }
0x116: {  	[sflag:s19] =	ssyncset.done $0x0  }
0x117: {  	s4 =	rddreg [dreg:$0x10];
	[sflag:s19] =	ssyncadd.s32 $0xFFFFF830  }
0x118: {  	[tilespmem:s14], [sflag:$0x1] =	stream.linear.gather [hbm4b:s4+s2], $0x7D0, $0x38;
	[tilespmem:$0x1C8E0] =	vst v63  }
0x119: {  	s4 =	rddreg [dreg:$0x11]  }
0x11a: {  	[tilespmem:s15], [sflag:$0x1] =	stream.linear.gather [hbm4b:s4+s2], $0x7D0, $0x38;
	[tilespmem:$0x1C8E0] =	vst v63  }
0x11b: {  	s4 =	rddreg [dreg:$0x12]  }
0x11c: {  	[tilespmem:s16], [sflag:$0x1] =	stream.linear.gather [hbm4b:s4+s2], $0x7D0, $0x38;
	[tilespmem:$0x1C8E0] =	vst v63  }
0x11d: {  	_ =	swait.ge [sflag:s13], $0x7D0  }
0x11e: {  	[sflag:s13] =	ssyncset.done $0x0  }
0x11f: {  	[sflag:s13] =	ssyncadd.s32 $0xFFFFF830  }
0x120: {  	_ =	swait.ge [sflag:s13], $0x7D0  }
0x121: {  	[sflag:s13] =	ssyncset.done $0x0  }
0x122: {  	[sflag:s13] =	ssyncadd.s32 $0xFFFFF830  }
0x123: {  	_ =	swait.ge [sflag:s13], $0x7D0  }
0x124: {  	[sflag:s13] =	ssyncset.done $0x0  }
0x125: {  	s2 =	simm.s32 $0x0;
	[sflag:s13] =	ssyncadd.s32 $0xFFFFF830  }
0x126: {  	s3 =	simm.s32 $0x40;
	v1 =	vld [tilespmem:s2+$0x9E20]  }
.LBB2_10:
0x127: {  	p0 =	sne.s32 s3, $0x1F00;
	v2 =	vld [tilespmem:s2+$0xA5F0];
	_ =	sdelay $0x6  }
0x128: {  	v1 =	vld.idx.msk [tilespmem:v1+s31+$0x0], $0xffff  }
0x129: {  	v3 =	vld.idx.msk [tilespmem:v2+s12+$0x0], $0xffff;
	_ =	sdelay $0x2  }
0x12a: {  	v4 =	vld [tilespmem:s2+$0xADC0];
	_ =	sdelay $0x2  }
0x12b: {  	v1 =	vadd.f32 v3, v1;
	_ =	sdelay $0x1  }
0x12c: {  	v1 =	vadd.f32 v4, v1;
	_ =	sdelay $0x1  }
0x12d: {  	v3 =	vmul.f32 $9.999999770e-03, v1;
	_ =	sdelay $0x1  }
0x12e: {  	v1 =	vmax.f32 v1, v3  }
0x12f: {  	v1 =	vmul.f32 $1.442695020e+00, v1;
	_ =	sdelay $0x1  }
0x130: {  	(erf) = vpow2.f32 v1;
	_ =	sdelay $0x6  }
.Ltmp4:
0x131: {  	(pc) =	sbr.rel @p0 .LBB2_10-.Ltmp4, $4  }
0x132: {  	_ = 	snop  }
0x133: {  	v3 =	vpop (erf)  }
0x134: {  	s4 =	sshra.s32 s3, $0x2;
	[tilespmem:v2+s17+$0x0] =	vst.idx.add.f32.msk $0xffff, v3  }
0x135: {  	s3 =	sadd.s32 $0x40, s3;
	v1 =	vld [tilespmem:s4+$0x9E20];
	[tilespmem:s2+$0xB590] =	vst v3;
	s2 =	smov.u32 s4  }
0x136: {  	_ = 	snop  }
0x137: {  	v2 =	vld [tilespmem:s2+$0xA5F0];
	_ =	sdelay $0x6  }
0x138: {  	v1 =	vld.idx.msk [tilespmem:v1+s31+$0x0], $0xffff  }
0x139: {  	v3 =	vld.idx.msk [tilespmem:v2+s12+$0x0], $0xffff;
	_ =	sdelay $0x1  }
0x13a: {  	v4 =	vld [tilespmem:s2+$0xADC0];
	_ =	sdelay $0x2  }
0x13b: {  	v1 =	vadd.f32 v3, v1;
	_ =	sdelay $0x1  }
0x13c: {  	v1 =	vadd.f32 v4, v1;
	_ =	sdelay $0x1  }
0x13d: {  	v3 =	vmul.f32 $9.999999770e-03, v1;
	_ =	sdelay $0x1  }
0x13e: {  	v1 =	vmax.f32 v1, v3  }
0x13f: {  	v1 =	vmul.f32 $1.442695020e+00, v1;
	_ =	sdelay $0x1  }
0x140: {  	(erf) = vpow2.f32 v1;
	_ =	sdelay $0x8  }
0x141: {  	v1 =	vpop (erf)  }
0x142: {  	[tilespmem:v2+s17+$0x0] =	vst.idx.add.f32.msk $0xffff, v1  }
0x143: {  	s3 =	rddreg [dreg:$0x13];
	[tilespmem:s2+$0xB590] =	vst v1;
	s2 =	simm.s32 $0x0  }
0x144: {  	[hbm4b:s3+s2] =	stream.linear.scatter [tilespmem:s18], [sflag:$0x4], $0x7D0, $0x38;
	[tilespmem:$0x1C8E0] =	vst v63  }
0x145: {  	_ =	swait.ge [sflag:s19], $0x7D0  }
0x146: {  	[sflag:s19] =	ssyncset.done $0x0  }
0x147: {  	s4 =	rddreg [dreg:$0x14];
	[sflag:s19] =	ssyncadd.s32 $0xFFFFF830  }
0x148: {  	[tilespmem:s14], [sflag:$0x1] =	stream.linear.gather [hbm4b:s4+s2], $0x7D0, $0x38;
	[tilespmem:$0x1C8E0] =	vst v63  }
0x149: {  	s4 =	rddreg [dreg:$0x16]  }
0x14a: {  	[tilespmem:s15], [sflag:$0x1] =	stream.linear.gather [hbm4b:s4+s2], $0x7D0, $0x38;
	[tilespmem:$0x1C8E0] =	vst v63  }
0x14b: {  	s4 =	rddreg [dreg:$0x15]  }
0x14c: {  	[tilespmem:s16], [sflag:$0x1] =	stream.linear.gather [hbm4b:s4+s2], $0x7D0, $0x38;
	[tilespmem:$0x1C8E0] =	vst v63  }
0x14d: {  	_ =	swait.ge [sflag:s13], $0x7D0  }
0x14e: {  	[sflag:s13] =	ssyncset.done $0x0  }
0x14f: {  	[sflag:s13] =	ssyncadd.s32 $0xFFFFF830  }
0x150: {  	_ =	swait.ge [sflag:s13], $0x7D0  }
0x151: {  	[sflag:s13] =	ssyncset.done $0x0  }
0x152: {  	[sflag:s13] =	ssyncadd.s32 $0xFFFFF830  }
0x153: {  	_ =	swait.ge [sflag:s13], $0x7D0  }
0x154: {  	[sflag:s13] =	ssyncset.done $0x0  }
0x155: {  	s2 =	simm.s32 $0x0;
	[sflag:s13] =	ssyncadd.s32 $0xFFFFF830  }
0x156: {  	s3 =	simm.s32 $0x40;
	v1 =	vld [tilespmem:s2+$0x9E20]  }
.LBB2_12:
0x157: {  	p0 =	sne.s32 s3, $0x1F00;
	v2 =	vld [tilespmem:s2+$0xA5F0];
	_ =	sdelay $0x6  }
0x158: {  	v1 =	vld.idx.msk [tilespmem:v1+s31+$0x0], $0xffff  }
0x159: {  	v3 =	vld.idx.msk [tilespmem:v2+s12+$0x0], $0xffff;
	_ =	sdelay $0x2  }
0x15a: {  	v4 =	vld [tilespmem:s2+$0xADC0];
	_ =	sdelay $0x2  }
0x15b: {  	v1 =	vadd.f32 v3, v1;
	_ =	sdelay $0x1  }
0x15c: {  	v1 =	vadd.f32 v4, v1;
	_ =	sdelay $0x1  }
0x15d: {  	v3 =	vmul.f32 $9.999999770e-03, v1;
	_ =	sdelay $0x1  }
0x15e: {  	v1 =	vmax.f32 v1, v3  }
0x15f: {  	v1 =	vmul.f32 $1.442695020e+00, v1;
	_ =	sdelay $0x1  }
0x160: {  	(erf) = vpow2.f32 v1;
	_ =	sdelay $0x6  }
.Ltmp5:
0x161: {  	(pc) =	sbr.rel @p0 .LBB2_12-.Ltmp5, $4  }
0x162: {  	_ = 	snop  }
0x163: {  	v3 =	vpop (erf)  }
0x164: {  	s4 =	sshra.s32 s3, $0x2;
	[tilespmem:v2+s17+$0x0] =	vst.idx.add.f32.msk $0xffff, v3  }
0x165: {  	s3 =	sadd.s32 $0x40, s3;
	v1 =	vld [tilespmem:s4+$0x9E20];
	[tilespmem:s2+$0xB590] =	vst v3;
	s2 =	smov.u32 s4  }
0x166: {  	_ = 	snop  }
0x167: {  	v2 =	vld [tilespmem:s2+$0xA5F0];
	_ =	sdelay $0x6  }
0x168: {  	v1 =	vld.idx.msk [tilespmem:v1+s31+$0x0], $0xffff  }
0x169: {  	v3 =	vld.idx.msk [tilespmem:v2+s12+$0x0], $0xffff;
	_ =	sdelay $0x1  }
0x16a: {  	v4 =	vld [tilespmem:s2+$0xADC0];
	_ =	sdelay $0x2  }
0x16b: {  	v1 =	vadd.f32 v3, v1;
	_ =	sdelay $0x1  }
0x16c: {  	v1 =	vadd.f32 v4, v1;
	_ =	sdelay $0x1  }
0x16d: {  	v3 =	vmul.f32 $9.999999770e-03, v1;
	_ =	sdelay $0x1  }
0x16e: {  	v1 =	vmax.f32 v1, v3  }
0x16f: {  	v1 =	vmul.f32 $1.442695020e+00, v1;
	_ =	sdelay $0x1  }
0x170: {  	(erf) = vpow2.f32 v1;
	_ =	sdelay $0x8  }
0x171: {  	v1 =	vpop (erf)  }
0x172: {  	[tilespmem:v2+s17+$0x0] =	vst.idx.add.f32.msk $0xffff, v1  }
0x173: {  	s3 =	rddreg [dreg:$0x17];
	[tilespmem:s2+$0xB590] =	vst v1;
	s2 =	simm.s32 $0x0  }
0x174: {  	[hbm4b:s3+s2] =	stream.linear.scatter [tilespmem:s18], [sflag:$0x4], $0x7D0, $0x38;
	[tilespmem:$0x1C8E0] =	vst v63  }
0x175: {  	_ =	swait.ge [sflag:s19], $0x7D0  }
0x176: {  	[sflag:s19] =	ssyncset.done $0x0  }
0x177: {  	[sflag:s19] =	ssyncadd.s32 $0xFFFFF830  }
0x178: {  	[bflag:$0x0] =	sbarrier.arrive $0xFFFF  }
0x179: {  	s4 =	rddreg [dreg:$0x18]  }
0x17a: {  	[tilespmem:s20], [sflag:$0x2] =	stream.linear.gather [hbm4b:s4+s2], $0x1F40, $0x38;
	[tilespmem:$0x1C8E0] =	vst v63  }
0x17b: {  	s4 =	rddreg [dreg:$0x19]  }
0x17c: {  	[tilespmem:s21], [sflag:$0x2] =	stream.linear.gather [hbm4b:s4+s2], $0x1F40, $0x38;
	[tilespmem:$0x1C8E0] =	vst v63  }
0x17d: {  	s4 =	sld [smem:$0x7DC];
	_ =	sdelay $0x2  }
0x17e: {  	[tilespmem:s23], [sflag:$0x2] =	stream.linear.gather [hbm4b:s4+s2], $0x1F40, $0x38;
	[tilespmem:$0x1C8E0] =	vst v63  }
0x17f: {  	_ =	swait.ge [sflag:s24], $0x1F40  }
0x180: {  	[sflag:s24] =	ssyncset.done $0x0  }
0x181: {  	[sflag:s24] =	ssyncadd.s32 $0xFFFFE0C0  }
0x182: {  	_ =	swait.ge [sflag:s24], $0x1F40  }
0x183: {  	[sflag:s24] =	ssyncset.done $0x0  }
0x184: {  	[sflag:s24] =	ssyncadd.s32 $0xFFFFE0C0  }
0x185: {  	_ =	swait.ge [sflag:s24], $0x1F40  }
0x186: {  	[sflag:s24] =	ssyncset.done $0x0  }
0x187: {  	s4 =	rddreg [dreg:$0x1a];
	[sflag:s24] =	ssyncadd.s32 $0xFFFFE0C0  }
0x188: {  	[tilespmem:s25], [sflag:$0x3] =	stream.linear.gather [hbm4b:s4+s2], $0x1F40, $0x38;
	[tilespmem:$0x1C8E0] =	vst v63  }
0x189: {  	s4 =	rddreg [dreg:$0x1b]  }
0x18a: {  	[tilespmem:s26], [sflag:$0x3] =	stream.linear.gather [hbm4b:s4+s2], $0x1F40, $0x38;
	[tilespmem:$0x1C8E0] =	vst v63  }
0x18b: {  	s4 =	sld [smem:$0x7DD];
	_ =	sdelay $0x1  }
0x18c: {  	s3 =	simm.s32 $0x0  }
0x18d: {  	[tilespmem:s28], [sflag:$0x3] =	stream.linear.gather [hbm4b:s4+s2], $0x1F40, $0x38;
	[tilespmem:$0x1C8E0] =	vst v63  }
0x18e: {  	s2 =	simm.s32 $0x40;
	v1 =	vld [tilespmem:s3+$0xBD60]  }
.LBB2_14:
0x18f: {  	p0 =	sne.s32 s2, $0x7CC0;
	v2 =	vld [tilespmem:s3+$0xFBE0]  }
0x190: {  	v3 =	vld [tilespmem:s3+$0x13A60];
	_ =	sdelay $0x3  }
.Ltmp6:
0x191: {  	(pc) =	sbr.rel @p0 .LBB2_14-.Ltmp6, $3  }
0x192: {  	v2 =	vmul.f32 v3, v2;
	_ =	sdelay $0x1  }
0x193: {  	s3 =	sshra.s32 s2, $0x2;
	[tilespmem:v1+s29+$0x0] =	vst.idx.add.f32.msk $0xffff, v2  }
0x194: {  	s2 =	sadd.s32 $0x40, s2;
	v1 =	vld [tilespmem:s3+$0xBD60]  }
0x195: {  	v2 =	vld [tilespmem:s3+$0xFBE0]  }
0x196: {  	v3 =	vld [tilespmem:s3+$0x13A60];
	_ =	sdelay $0x4  }
0x197: {  	v2 =	vmul.f32 v3, v2;
	_ =	sdelay $0x1  }
0x198: {  	[tilespmem:v1+s29+$0x0] =	vst.idx.add.f32.msk $0xffff, v2  }
0x199: {  	_ =	swait.ge [sflag:s30], $0x1F40  }
0x19a: {  	[sflag:s30] =	ssyncset.done $0x0  }
0x19b: {  	[sflag:s30] =	ssyncadd.s32 $0xFFFFE0C0  }
0x19c: {  	_ =	swait.ge [sflag:s30], $0x1F40  }
0x19d: {  	[sflag:s30] =	ssyncset.done $0x0  }
0x19e: {  	[sflag:s30] =	ssyncadd.s32 $0xFFFFE0C0  }
0x19f: {  	_ =	swait.ge [sflag:s30], $0x1F40  }
0x1a0: {  	[sflag:s30] =	ssyncset.done $0x0  }
0x1a1: {  	s2 =	simm.s32 $0x0;
	s4 =	rddreg [dreg:$0x1c];
	[sflag:s30] =	ssyncadd.s32 $0xFFFFE0C0  }
0x1a2: {  	[tilespmem:s20], [sflag:$0x2] =	stream.linear.gather [hbm4b:s4+s2], $0x1F40, $0x38;
	[tilespmem:$0x1C8E0] =	vst v63  }
0x1a3: {  	s4 =	rddreg [dreg:$0x1d]  }
0x1a4: {  	[tilespmem:s21], [sflag:$0x2] =	stream.linear.gather [hbm4b:s4+s2], $0x1F40, $0x38;
	[tilespmem:$0x1C8E0] =	vst v63  }
0x1a5: {  	s4 =	sld [smem:$0x7DE];
	_ =	sdelay $0x1  }
0x1a6: {  	s3 =	simm.s32 $0x0  }
0x1a7: {  	[tilespmem:s23], [sflag:$0x2] =	stream.linear.gather [hbm4b:s4+s2], $0x1F40, $0x38;
	[tilespmem:$0x1C8E0] =	vst v63  }
0x1a8: {  	s2 =	simm.s32 $0x40;
	v1 =	vld [tilespmem:s3+$0xDCA0]  }
.LBB2_16:
0x1a9: {  	p0 =	sne.s32 s2, $0x7CC0;
	v2 =	vld [tilespmem:s3+$0x11B20]  }
0x1aa: {  	v3 =	vld [tilespmem:s3+$0x159A0];
	_ =	sdelay $0x3  }
.Ltmp7:
0x1ab: {  	(pc) =	sbr.rel @p0 .LBB2_16-.Ltmp7, $3  }
0x1ac: {  	v2 =	vmul.f32 v3, v2;
	_ =	sdelay $0x1  }
0x1ad: {  	s3 =	sshra.s32 s2, $0x2;
	[tilespmem:v1+s29+$0x0] =	vst.idx.add.f32.msk $0xffff, v2  }
0x1ae: {  	s2 =	sadd.s32 $0x40, s2;
	v1 =	vld [tilespmem:s3+$0xDCA0]  }
0x1af: {  	v2 =	vld [tilespmem:s3+$0x11B20]  }
0x1b0: {  	v3 =	vld [tilespmem:s3+$0x159A0];
	_ =	sdelay $0x4  }
0x1b1: {  	v2 =	vmul.f32 v3, v2;
	_ =	sdelay $0x1  }
0x1b2: {  	[tilespmem:v1+s29+$0x0] =	vst.idx.add.f32.msk $0xffff, v2  }
0x1b3: {  	_ =	swait.ge [sflag:s24], $0x1F40  }
0x1b4: {  	[sflag:s24] =	ssyncset.done $0x0  }
0x1b5: {  	[sflag:s24] =	ssyncadd.s32 $0xFFFFE0C0  }
0x1b6: {  	_ =	swait.ge [sflag:s24], $0x1F40  }
0x1b7: {  	[sflag:s24] =	ssyncset.done $0x0  }
0x1b8: {  	[sflag:s24] =	ssyncadd.s32 $0xFFFFE0C0  }
0x1b9: {  	_ =	swait.ge [sflag:s24], $0x1F40  }
0x1ba: {  	[sflag:s24] =	ssyncset.done $0x0  }
0x1bb: {  	s2 =	simm.s32 $0x0;
	s4 =	rddreg [dreg:$0x1e];
	[sflag:s24] =	ssyncadd.s32 $0xFFFFE0C0  }
0x1bc: {  	[tilespmem:s25], [sflag:$0x3] =	stream.linear.gather [hbm4b:s4+s2], $0x1F40, $0x38;
	[tilespmem:$0x1C8E0] =	vst v63  }
0x1bd: {  	s4 =	rddreg [dreg:$0x1f]  }
0x1be: {  	[tilespmem:s26], [sflag:$0x3] =	stream.linear.gather [hbm4b:s4+s2], $0x1F40, $0x38;
	[tilespmem:$0x1C8E0] =	vst v63  }
0x1bf: {  	s4 =	sld [smem:$0x7DF];
	_ =	sdelay $0x1  }
0x1c0: {  	s3 =	simm.s32 $0x0  }
0x1c1: {  	[tilespmem:s28], [sflag:$0x3] =	stream.linear.gather [hbm4b:s4+s2], $0x1F40, $0x38;
	[tilespmem:$0x1C8E0] =	vst v63  }
0x1c2: {  	s2 =	simm.s32 $0x40;
	v1 =	vld [tilespmem:s3+$0xBD60]  }
.LBB2_18:
0x1c3: {  	p0 =	sne.s32 s2, $0x7CC0;
	v2 =	vld [tilespmem:s3+$0xFBE0]  }
0x1c4: {  	v3 =	vld [tilespmem:s3+$0x13A60];
	_ =	sdelay $0x3  }
.Ltmp8:
0x1c5: {  	(pc) =	sbr.rel @p0 .LBB2_18-.Ltmp8, $3  }
0x1c6: {  	v2 =	vmul.f32 v3, v2;
	_ =	sdelay $0x1  }
0x1c7: {  	s3 =	sshra.s32 s2, $0x2;
	[tilespmem:v1+s29+$0x0] =	vst.idx.add.f32.msk $0xffff, v2  }
0x1c8: {  	s2 =	sadd.s32 $0x40, s2;
	v1 =	vld [tilespmem:s3+$0xBD60]  }
0x1c9: {  	v2 =	vld [tilespmem:s3+$0xFBE0]  }
0x1ca: {  	v3 =	vld [tilespmem:s3+$0x13A60];
	_ =	sdelay $0x4  }
0x1cb: {  	v2 =	vmul.f32 v3, v2;
	_ =	sdelay $0x1  }
0x1cc: {  	[tilespmem:v1+s29+$0x0] =	vst.idx.add.f32.msk $0xffff, v2  }
0x1cd: {  	_ =	swait.ge [sflag:s30], $0x1F40  }
0x1ce: {  	[sflag:s30] =	ssyncset.done $0x0  }
0x1cf: {  	[sflag:s30] =	ssyncadd.s32 $0xFFFFE0C0  }
0x1d0: {  	_ =	swait.ge [sflag:s30], $0x1F40  }
0x1d1: {  	[sflag:s30] =	ssyncset.done $0x0  }
0x1d2: {  	[sflag:s30] =	ssyncadd.s32 $0xFFFFE0C0  }
0x1d3: {  	_ =	swait.ge [sflag:s30], $0x1F40  }
0x1d4: {  	s4 =	sld [smem:$0x7BC]  }
0x1d5: {  	[sflag:s30] =	ssyncset.done $0x0  }
0x1d6: {  	s2 =	simm.s32 $0x0;
	[sflag:s30] =	ssyncadd.s32 $0xFFFFE0C0  }
0x1d7: {  	[tilespmem:s20], [sflag:$0x2] =	stream.linear.gather [hbm4b:s4+s2], $0x1F40, $0x38;
	[tilespmem:$0x1C8E0] =	vst v63  }
0x1d8: {  	s4 =	sld [smem:$0x7BD];
	_ =	sdelay $0x2  }
0x1d9: {  	[tilespmem:s21], [sflag:$0x2] =	stream.linear.gather [hbm4b:s4+s2], $0x1F40, $0x38;
	[tilespmem:$0x1C8E0] =	vst v63  }
0x1da: {  	s4 =	sld [smem:$0x7E0];
	_ =	sdelay $0x1  }
0x1db: {  	s3 =	simm.s32 $0x0  }
0x1dc: {  	[tilespmem:s23], [sflag:$0x2] =	stream.linear.gather [hbm4b:s4+s2], $0x1F40, $0x38;
	[tilespmem:$0x1C8E0] =	vst v63  }
0x1dd: {  	s2 =	simm.s32 $0x40;
	v1 =	vld [tilespmem:s3+$0xDCA0]  }
.LBB2_20:
0x1de: {  	p0 =	sne.s32 s2, $0x7CC0;
	v2 =	vld [tilespmem:s3+$0x11B20]  }
0x1df: {  	v3 =	vld [tilespmem:s3+$0x159A0];
	_ =	sdelay $0x3  }
.Ltmp9:
0x1e0: {  	(pc) =	sbr.rel @p0 .LBB2_20-.Ltmp9, $3  }
0x1e1: {  	v2 =	vmul.f32 v3, v2;
	_ =	sdelay $0x1  }
0x1e2: {  	s3 =	sshra.s32 s2, $0x2;
	[tilespmem:v1+s29+$0x0] =	vst.idx.add.f32.msk $0xffff, v2  }
0x1e3: {  	s2 =	sadd.s32 $0x40, s2;
	v1 =	vld [tilespmem:s3+$0xDCA0]  }
0x1e4: {  	v2 =	vld [tilespmem:s3+$0x11B20]  }
0x1e5: {  	v3 =	vld [tilespmem:s3+$0x159A0];
	_ =	sdelay $0x4  }
0x1e6: {  	v2 =	vmul.f32 v3, v2;
	_ =	sdelay $0x1  }
0x1e7: {  	[tilespmem:v1+s29+$0x0] =	vst.idx.add.f32.msk $0xffff, v2  }
0x1e8: {  	_ =	swait.ge [sflag:s24], $0x1F40  }
0x1e9: {  	[sflag:s24] =	ssyncset.done $0x0  }
0x1ea: {  	[sflag:s24] =	ssyncadd.s32 $0xFFFFE0C0  }
0x1eb: {  	_ =	swait.ge [sflag:s24], $0x1F40  }
0x1ec: {  	[sflag:s24] =	ssyncset.done $0x0  }
0x1ed: {  	[sflag:s24] =	ssyncadd.s32 $0xFFFFE0C0  }
0x1ee: {  	_ =	swait.ge [sflag:s24], $0x1F40  }
0x1ef: {  	s4 =	sld [smem:$0x7BE]  }
0x1f0: {  	[sflag:s24] =	ssyncset.done $0x0  }
0x1f1: {  	s2 =	simm.s32 $0x0;
	[sflag:s24] =	ssyncadd.s32 $0xFFFFE0C0  }
0x1f2: {  	[tilespmem:s25], [sflag:$0x3] =	stream.linear.gather [hbm4b:s4+s2], $0x1F40, $0x38;
	[tilespmem:$0x1C8E0] =	vst v63  }
0x1f3: {  	s4 =	sld [smem:$0x7BF];
	_ =	sdelay $0x2  }
0x1f4: {  	[tilespmem:s26], [sflag:$0x3] =	stream.linear.gather [hbm4b:s4+s2], $0x1F40, $0x38;
	[tilespmem:$0x1C8E0] =	vst v63  }
0x1f5: {  	s4 =	sld [smem:$0x7E1];
	_ =	sdelay $0x1  }
0x1f6: {  	s3 =	simm.s32 $0x0  }
0x1f7: {  	[tilespmem:s28], [sflag:$0x3] =	stream.linear.gather [hbm4b:s4+s2], $0x1F40, $0x38;
	[tilespmem:$0x1C8E0] =	vst v63  }
0x1f8: {  	s2 =	simm.s32 $0x40;
	v1 =	vld [tilespmem:s3+$0xBD60]  }
.LBB2_22:
0x1f9: {  	p0 =	sne.s32 s2, $0x7CC0;
	v2 =	vld [tilespmem:s3+$0xFBE0]  }
0x1fa: {  	v3 =	vld [tilespmem:s3+$0x13A60];
	_ =	sdelay $0x3  }
.Ltmp10:
0x1fb: {  	(pc) =	sbr.rel @p0 .LBB2_22-.Ltmp10, $3  }
0x1fc: {  	v2 =	vmul.f32 v3, v2;
	_ =	sdelay $0x1  }
0x1fd: {  	s3 =	sshra.s32 s2, $0x2;
	[tilespmem:v1+s29+$0x0] =	vst.idx.add.f32.msk $0xffff, v2  }
0x1fe: {  	s2 =	sadd.s32 $0x40, s2;
	v1 =	vld [tilespmem:s3+$0xBD60]  }
0x1ff: {  	v2 =	vld [tilespmem:s3+$0xFBE0]  }
0x200: {  	v3 =	vld [tilespmem:s3+$0x13A60];
	_ =	sdelay $0x4  }
0x201: {  	v2 =	vmul.f32 v3, v2;
	_ =	sdelay $0x1  }
0x202: {  	[tilespmem:v1+s29+$0x0] =	vst.idx.add.f32.msk $0xffff, v2  }
0x203: {  	_ =	swait.ge [sflag:s30], $0x1F40  }
0x204: {  	[sflag:s30] =	ssyncset.done $0x0  }
0x205: {  	[sflag:s30] =	ssyncadd.s32 $0xFFFFE0C0  }
0x206: {  	_ =	swait.ge [sflag:s30], $0x1F40  }
0x207: {  	[sflag:s30] =	ssyncset.done $0x0  }
0x208: {  	[sflag:s30] =	ssyncadd.s32 $0xFFFFE0C0  }
0x209: {  	_ =	swait.ge [sflag:s30], $0x1F40  }
0x20a: {  	s4 =	sld [smem:$0x7C0]  }
0x20b: {  	[sflag:s30] =	ssyncset.done $0x0  }
0x20c: {  	s2 =	simm.s32 $0x0;
	[sflag:s30] =	ssyncadd.s32 $0xFFFFE0C0  }
0x20d: {  	[tilespmem:s20], [sflag:$0x2] =	stream.linear.gather [hbm4b:s4+s2], $0x1F40, $0x38;
	[tilespmem:$0x1C8E0] =	vst v63  }
0x20e: {  	s4 =	sld [smem:$0x7C1];
	_ =	sdelay $0x2  }
0x20f: {  	[tilespmem:s21], [sflag:$0x2] =	stream.linear.gather [hbm4b:s4+s2], $0x1F40, $0x38;
	[tilespmem:$0x1C8E0] =	vst v63  }
0x210: {  	s4 =	sld [smem:$0x7E2];
	_ =	sdelay $0x1  }
0x211: {  	s3 =	simm.s32 $0x0  }
0x212: {  	[tilespmem:s23], [sflag:$0x2] =	stream.linear.gather [hbm4b:s4+s2], $0x1F40, $0x38;
	[tilespmem:$0x1C8E0] =	vst v63  }
0x213: {  	s2 =	simm.s32 $0x40;
	v1 =	vld [tilespmem:s3+$0xDCA0]  }
.LBB2_24:
0x214: {  	p0 =	sne.s32 s2, $0x7CC0;
	v2 =	vld [tilespmem:s3+$0x11B20]  }
0x215: {  	v3 =	vld [tilespmem:s3+$0x159A0];
	_ =	sdelay $0x3  }
.Ltmp11:
0x216: {  	(pc) =	sbr.rel @p0 .LBB2_24-.Ltmp11, $3  }
0x217: {  	v2 =	vmul.f32 v3, v2;
	_ =	sdelay $0x1  }
0x218: {  	s3 =	sshra.s32 s2, $0x2;
	[tilespmem:v1+s29+$0x0] =	vst.idx.add.f32.msk $0xffff, v2  }
0x219: {  	s2 =	sadd.s32 $0x40, s2;
	v1 =	vld [tilespmem:s3+$0xDCA0]  }
0x21a: {  	v2 =	vld [tilespmem:s3+$0x11B20]  }
0x21b: {  	v3 =	vld [tilespmem:s3+$0x159A0];
	_ =	sdelay $0x4  }
0x21c: {  	v2 =	vmul.f32 v3, v2;
	_ =	sdelay $0x1  }
0x21d: {  	[tilespmem:v1+s29+$0x0] =	vst.idx.add.f32.msk $0xffff, v2  }
0x21e: {  	_ =	swait.ge [sflag:s24], $0x1F40  }
0x21f: {  	[sflag:s24] =	ssyncset.done $0x0  }
0x220: {  	[sflag:s24] =	ssyncadd.s32 $0xFFFFE0C0  }
0x221: {  	_ =	swait.ge [sflag:s24], $0x1F40  }
0x222: {  	[sflag:s24] =	ssyncset.done $0x0  }
0x223: {  	[sflag:s24] =	ssyncadd.s32 $0xFFFFE0C0  }
0x224: {  	_ =	swait.ge [sflag:s24], $0x1F40  }
0x225: {  	s4 =	sld [smem:$0x7C2]  }
0x226: {  	[sflag:s24] =	ssyncset.done $0x0  }
0x227: {  	s2 =	simm.s32 $0x0;
	[sflag:s24] =	ssyncadd.s32 $0xFFFFE0C0  }
0x228: {  	[tilespmem:s25], [sflag:$0x3] =	stream.linear.gather [hbm4b:s4+s2], $0x1F40, $0x38;
	[tilespmem:$0x1C8E0] =	vst v63  }
0x229: {  	s4 =	sld [smem:$0x7C3];
	_ =	sdelay $0x2  }
0x22a: {  	[tilespmem:s26], [sflag:$0x3] =	stream.linear.gather [hbm4b:s4+s2], $0x1F40, $0x38;
	[tilespmem:$0x1C8E0] =	vst v63  }
0x22b: {  	s4 =	sld [smem:$0x7E3];
	_ =	sdelay $0x1  }
0x22c: {  	s3 =	simm.s32 $0x0  }
0x22d: {  	[tilespmem:s28], [sflag:$0x3] =	stream.linear.gather [hbm4b:s4+s2], $0x1F40, $0x38;
	[tilespmem:$0x1C8E0] =	vst v63  }
0x22e: {  	s2 =	simm.s32 $0x40;
	v1 =	vld [tilespmem:s3+$0xBD60]  }
.LBB2_26:
0x22f: {  	p0 =	sne.s32 s2, $0x7CC0;
	v2 =	vld [tilespmem:s3+$0xFBE0]  }
0x230: {  	v3 =	vld [tilespmem:s3+$0x13A60];
	_ =	sdelay $0x3  }
.Ltmp12:
0x231: {  	(pc) =	sbr.rel @p0 .LBB2_26-.Ltmp12, $3  }
0x232: {  	v2 =	vmul.f32 v3, v2;
	_ =	sdelay $0x1  }
0x233: {  	s3 =	sshra.s32 s2, $0x2;
	[tilespmem:v1+s29+$0x0] =	vst.idx.add.f32.msk $0xffff, v2  }
0x234: {  	s2 =	sadd.s32 $0x40, s2;
	v1 =	vld [tilespmem:s3+$0xBD60]  }
0x235: {  	v2 =	vld [tilespmem:s3+$0xFBE0]  }
0x236: {  	v3 =	vld [tilespmem:s3+$0x13A60];
	_ =	sdelay $0x4  }
0x237: {  	v2 =	vmul.f32 v3, v2;
	_ =	sdelay $0x1  }
0x238: {  	[tilespmem:v1+s29+$0x0] =	vst.idx.add.f32.msk $0xffff, v2  }
0x239: {  	_ =	swait.ge [sflag:s30], $0x1F40  }
0x23a: {  	[sflag:s30] =	ssyncset.done $0x0  }
0x23b: {  	[sflag:s30] =	ssyncadd.s32 $0xFFFFE0C0  }
0x23c: {  	_ =	swait.ge [sflag:s30], $0x1F40  }
0x23d: {  	[sflag:s30] =	ssyncset.done $0x0  }
0x23e: {  	[sflag:s30] =	ssyncadd.s32 $0xFFFFE0C0  }
0x23f: {  	_ =	swait.ge [sflag:s30], $0x1F40  }
0x240: {  	s4 =	sld [smem:$0x7C4]  }
0x241: {  	[sflag:s30] =	ssyncset.done $0x0  }
0x242: {  	s2 =	simm.s32 $0x0;
	[sflag:s30] =	ssyncadd.s32 $0xFFFFE0C0  }
0x243: {  	[tilespmem:s20], [sflag:$0x2] =	stream.linear.gather [hbm4b:s4+s2], $0x1F40, $0x38;
	[tilespmem:$0x1C8E0] =	vst v63  }
0x244: {  	s4 =	sld [smem:$0x7C5];
	_ =	sdelay $0x2  }
0x245: {  	[tilespmem:s21], [sflag:$0x2] =	stream.linear.gather [hbm4b:s4+s2], $0x1F40, $0x38;
	[tilespmem:$0x1C8E0] =	vst v63  }
0x246: {  	s4 =	sld [smem:$0x7E4];
	_ =	sdelay $0x1  }
0x247: {  	s3 =	simm.s32 $0x0  }
0x248: {  	[tilespmem:s23], [sflag:$0x2] =	stream.linear.gather [hbm4b:s4+s2], $0x1F40, $0x38;
	[tilespmem:$0x1C8E0] =	vst v63  }
0x249: {  	s2 =	simm.s32 $0x40;
	v1 =	vld [tilespmem:s3+$0xDCA0]  }
.LBB2_28:
0x24a: {  	p0 =	sne.s32 s2, $0x7CC0;
	v2 =	vld [tilespmem:s3+$0x11B20]  }
0x24b: {  	v3 =	vld [tilespmem:s3+$0x159A0];
	_ =	sdelay $0x3  }
.Ltmp13:
0x24c: {  	(pc) =	sbr.rel @p0 .LBB2_28-.Ltmp13, $3  }
0x24d: {  	v2 =	vmul.f32 v3, v2;
	_ =	sdelay $0x1  }
0x24e: {  	s3 =	sshra.s32 s2, $0x2;
	[tilespmem:v1+s29+$0x0] =	vst.idx.add.f32.msk $0xffff, v2  }
0x24f: {  	s2 =	sadd.s32 $0x40, s2;
	v1 =	vld [tilespmem:s3+$0xDCA0]  }
0x250: {  	v2 =	vld [tilespmem:s3+$0x11B20]  }
0x251: {  	v3 =	vld [tilespmem:s3+$0x159A0];
	_ =	sdelay $0x4  }
0x252: {  	v2 =	vmul.f32 v3, v2;
	_ =	sdelay $0x1  }
0x253: {  	[tilespmem:v1+s29+$0x0] =	vst.idx.add.f32.msk $0xffff, v2  }
0x254: {  	_ =	swait.ge [sflag:s24], $0x1F40  }
0x255: {  	[sflag:s24] =	ssyncset.done $0x0  }
0x256: {  	[sflag:s24] =	ssyncadd.s32 $0xFFFFE0C0  }
0x257: {  	_ =	swait.ge [sflag:s24], $0x1F40  }
0x258: {  	[sflag:s24] =	ssyncset.done $0x0  }
0x259: {  	[sflag:s24] =	ssyncadd.s32 $0xFFFFE0C0  }
0x25a: {  	_ =	swait.ge [sflag:s24], $0x1F40  }
0x25b: {  	s4 =	sld [smem:$0x7C6]  }
0x25c: {  	[sflag:s24] =	ssyncset.done $0x0  }
0x25d: {  	s2 =	simm.s32 $0x0;
	[sflag:s24] =	ssyncadd.s32 $0xFFFFE0C0  }
0x25e: {  	[tilespmem:s25], [sflag:$0x3] =	stream.linear.gather [hbm4b:s4+s2], $0x1F40, $0x38;
	[tilespmem:$0x1C8E0] =	vst v63  }
0x25f: {  	s4 =	sld [smem:$0x7C7];
	_ =	sdelay $0x2  }
0x260: {  	[tilespmem:s26], [sflag:$0x3] =	stream.linear.gather [hbm4b:s4+s2], $0x1F40, $0x38;
	[tilespmem:$0x1C8E0] =	vst v63  }
0x261: {  	s4 =	sld [smem:$0x7E5];
	_ =	sdelay $0x1  }
0x262: {  	s3 =	simm.s32 $0x0  }
0x263: {  	[tilespmem:s28], [sflag:$0x3] =	stream.linear.gather [hbm4b:s4+s2], $0x1F40, $0x38;
	[tilespmem:$0x1C8E0] =	vst v63  }
0x264: {  	s2 =	simm.s32 $0x40;
	v1 =	vld [tilespmem:s3+$0xBD60]  }
.LBB2_30:
0x265: {  	p0 =	sne.s32 s2, $0x7CC0;
	v2 =	vld [tilespmem:s3+$0xFBE0]  }
0x266: {  	v3 =	vld [tilespmem:s3+$0x13A60];
	_ =	sdelay $0x3  }
.Ltmp14:
0x267: {  	(pc) =	sbr.rel @p0 .LBB2_30-.Ltmp14, $3  }
0x268: {  	v2 =	vmul.f32 v3, v2;
	_ =	sdelay $0x1  }
0x269: {  	s3 =	sshra.s32 s2, $0x2;
	[tilespmem:v1+s29+$0x0] =	vst.idx.add.f32.msk $0xffff, v2  }
0x26a: {  	s2 =	sadd.s32 $0x40, s2;
	v1 =	vld [tilespmem:s3+$0xBD60]  }
0x26b: {  	v2 =	vld [tilespmem:s3+$0xFBE0]  }
0x26c: {  	v3 =	vld [tilespmem:s3+$0x13A60];
	_ =	sdelay $0x4  }
0x26d: {  	v2 =	vmul.f32 v3, v2;
	_ =	sdelay $0x1  }
0x26e: {  	[tilespmem:v1+s29+$0x0] =	vst.idx.add.f32.msk $0xffff, v2  }
0x26f: {  	_ =	swait.ge [sflag:s30], $0x1F40  }
0x270: {  	[sflag:s30] =	ssyncset.done $0x0  }
0x271: {  	[sflag:s30] =	ssyncadd.s32 $0xFFFFE0C0  }
0x272: {  	_ =	swait.ge [sflag:s30], $0x1F40  }
0x273: {  	[sflag:s30] =	ssyncset.done $0x0  }
0x274: {  	[sflag:s30] =	ssyncadd.s32 $0xFFFFE0C0  }
0x275: {  	_ =	swait.ge [sflag:s30], $0x1F40  }
0x276: {  	s4 =	sld [smem:$0x7C8]  }
0x277: {  	[sflag:s30] =	ssyncset.done $0x0  }
0x278: {  	s2 =	simm.s32 $0x0;
	[sflag:s30] =	ssyncadd.s32 $0xFFFFE0C0  }
0x279: {  	[tilespmem:s20], [sflag:$0x2] =	stream.linear.gather [hbm4b:s4+s2], $0x1F40, $0x38;
	[tilespmem:$0x1C8E0] =	vst v63  }
0x27a: {  	s4 =	sld [smem:$0x7C9];
	_ =	sdelay $0x2  }
0x27b: {  	[tilespmem:s21], [sflag:$0x2] =	stream.linear.gather [hbm4b:s4+s2], $0x1F40, $0x38;
	[tilespmem:$0x1C8E0] =	vst v63  }
0x27c: {  	s4 =	sld [smem:$0x7E6];
	_ =	sdelay $0x1  }
0x27d: {  	s3 =	simm.s32 $0x0  }
0x27e: {  	[tilespmem:s23], [sflag:$0x2] =	stream.linear.gather [hbm4b:s4+s2], $0x1F40, $0x38;
	[tilespmem:$0x1C8E0] =	vst v63  }
0x27f: {  	s2 =	simm.s32 $0x40;
	v1 =	vld [tilespmem:s3+$0xDCA0]  }
.LBB2_32:
0x280: {  	p0 =	sne.s32 s2, $0x7CC0;
	v2 =	vld [tilespmem:s3+$0x11B20]  }
0x281: {  	v3 =	vld [tilespmem:s3+$0x159A0];
	_ =	sdelay $0x3  }
.Ltmp15:
0x282: {  	(pc) =	sbr.rel @p0 .LBB2_32-.Ltmp15, $3  }
0x283: {  	v2 =	vmul.f32 v3, v2;
	_ =	sdelay $0x1  }
0x284: {  	s3 =	sshra.s32 s2, $0x2;
	[tilespmem:v1+s29+$0x0] =	vst.idx.add.f32.msk $0xffff, v2  }
0x285: {  	s2 =	sadd.s32 $0x40, s2;
	v1 =	vld [tilespmem:s3+$0xDCA0]  }
0x286: {  	v2 =	vld [tilespmem:s3+$0x11B20]  }
0x287: {  	v3 =	vld [tilespmem:s3+$0x159A0];
	_ =	sdelay $0x4  }
0x288: {  	v2 =	vmul.f32 v3, v2;
	_ =	sdelay $0x1  }
0x289: {  	[tilespmem:v1+s29+$0x0] =	vst.idx.add.f32.msk $0xffff, v2  }
0x28a: {  	_ =	swait.ge [sflag:s24], $0x1F40  }
0x28b: {  	[sflag:s24] =	ssyncset.done $0x0  }
0x28c: {  	[sflag:s24] =	ssyncadd.s32 $0xFFFFE0C0  }
0x28d: {  	_ =	swait.ge [sflag:s24], $0x1F40  }
0x28e: {  	[sflag:s24] =	ssyncset.done $0x0  }
0x28f: {  	[sflag:s24] =	ssyncadd.s32 $0xFFFFE0C0  }
0x290: {  	_ =	swait.ge [sflag:s24], $0x1F40  }
0x291: {  	s4 =	sld [smem:$0x7CA]  }
0x292: {  	[sflag:s24] =	ssyncset.done $0x0  }
0x293: {  	s2 =	simm.s32 $0x0;
	[sflag:s24] =	ssyncadd.s32 $0xFFFFE0C0  }
0x294: {  	[tilespmem:s25], [sflag:$0x3] =	stream.linear.gather [hbm4b:s4+s2], $0x1F40, $0x38;
	[tilespmem:$0x1C8E0] =	vst v63  }
0x295: {  	s4 =	sld [smem:$0x7CB];
	_ =	sdelay $0x2  }
0x296: {  	[tilespmem:s26], [sflag:$0x3] =	stream.linear.gather [hbm4b:s4+s2], $0x1F40, $0x38;
	[tilespmem:$0x1C8E0] =	vst v63  }
0x297: {  	s4 =	sld [smem:$0x7E7];
	_ =	sdelay $0x1  }
0x298: {  	s3 =	simm.s32 $0x0  }
0x299: {  	[tilespmem:s28], [sflag:$0x3] =	stream.linear.gather [hbm4b:s4+s2], $0x1F40, $0x38;
	[tilespmem:$0x1C8E0] =	vst v63  }
0x29a: {  	s2 =	simm.s32 $0x40;
	v1 =	vld [tilespmem:s3+$0xBD60]  }
.LBB2_34:
0x29b: {  	p0 =	sne.s32 s2, $0x7CC0;
	v2 =	vld [tilespmem:s3+$0xFBE0]  }
0x29c: {  	v3 =	vld [tilespmem:s3+$0x13A60];
	_ =	sdelay $0x3  }
.Ltmp16:
0x29d: {  	(pc) =	sbr.rel @p0 .LBB2_34-.Ltmp16, $3  }
0x29e: {  	v2 =	vmul.f32 v3, v2;
	_ =	sdelay $0x1  }
0x29f: {  	s3 =	sshra.s32 s2, $0x2;
	[tilespmem:v1+s29+$0x0] =	vst.idx.add.f32.msk $0xffff, v2  }
0x2a0: {  	s2 =	sadd.s32 $0x40, s2;
	v1 =	vld [tilespmem:s3+$0xBD60]  }
0x2a1: {  	v2 =	vld [tilespmem:s3+$0xFBE0]  }
0x2a2: {  	v3 =	vld [tilespmem:s3+$0x13A60];
	_ =	sdelay $0x4  }
0x2a3: {  	v2 =	vmul.f32 v3, v2;
	_ =	sdelay $0x1  }
0x2a4: {  	[tilespmem:v1+s29+$0x0] =	vst.idx.add.f32.msk $0xffff, v2  }
0x2a5: {  	_ =	swait.ge [sflag:s30], $0x1F40  }
0x2a6: {  	[sflag:s30] =	ssyncset.done $0x0  }
0x2a7: {  	[sflag:s30] =	ssyncadd.s32 $0xFFFFE0C0  }
0x2a8: {  	_ =	swait.ge [sflag:s30], $0x1F40  }
0x2a9: {  	[sflag:s30] =	ssyncset.done $0x0  }
0x2aa: {  	[sflag:s30] =	ssyncadd.s32 $0xFFFFE0C0  }
0x2ab: {  	_ =	swait.ge [sflag:s30], $0x1F40  }
0x2ac: {  	s4 =	sld [smem:$0x7CC]  }
0x2ad: {  	[sflag:s30] =	ssyncset.done $0x0  }
0x2ae: {  	s2 =	simm.s32 $0x0;
	[sflag:s30] =	ssyncadd.s32 $0xFFFFE0C0  }
0x2af: {  	[tilespmem:s20], [sflag:$0x2] =	stream.linear.gather [hbm4b:s4+s2], $0x1F40, $0x38;
	[tilespmem:$0x1C8E0] =	vst v63  }
0x2b0: {  	s4 =	sld [smem:$0x7CD];
	_ =	sdelay $0x2  }
0x2b1: {  	[tilespmem:s21], [sflag:$0x2] =	stream.linear.gather [hbm4b:s4+s2], $0x1F40, $0x38;
	[tilespmem:$0x1C8E0] =	vst v63  }
0x2b2: {  	s4 =	sld [smem:$0x7E8];
	_ =	sdelay $0x1  }
0x2b3: {  	s3 =	simm.s32 $0x0  }
0x2b4: {  	[tilespmem:s23], [sflag:$0x2] =	stream.linear.gather [hbm4b:s4+s2], $0x1F40, $0x38;
	[tilespmem:$0x1C8E0] =	vst v63  }
0x2b5: {  	s2 =	simm.s32 $0x40;
	v1 =	vld [tilespmem:s3+$0xDCA0]  }
.LBB2_36:
0x2b6: {  	p0 =	sne.s32 s2, $0x7CC0;
	v2 =	vld [tilespmem:s3+$0x11B20]  }
0x2b7: {  	v3 =	vld [tilespmem:s3+$0x159A0];
	_ =	sdelay $0x3  }
.Ltmp17:
0x2b8: {  	(pc) =	sbr.rel @p0 .LBB2_36-.Ltmp17, $3  }
0x2b9: {  	v2 =	vmul.f32 v3, v2;
	_ =	sdelay $0x1  }
0x2ba: {  	s3 =	sshra.s32 s2, $0x2;
	[tilespmem:v1+s29+$0x0] =	vst.idx.add.f32.msk $0xffff, v2  }
0x2bb: {  	s2 =	sadd.s32 $0x40, s2;
	v1 =	vld [tilespmem:s3+$0xDCA0]  }
0x2bc: {  	v2 =	vld [tilespmem:s3+$0x11B20]  }
0x2bd: {  	v3 =	vld [tilespmem:s3+$0x159A0];
	_ =	sdelay $0x4  }
0x2be: {  	v2 =	vmul.f32 v3, v2;
	_ =	sdelay $0x1  }
0x2bf: {  	[tilespmem:v1+s29+$0x0] =	vst.idx.add.f32.msk $0xffff, v2  }
0x2c0: {  	_ =	swait.ge [sflag:s24], $0x1F40  }
0x2c1: {  	[sflag:s24] =	ssyncset.done $0x0  }
0x2c2: {  	[sflag:s24] =	ssyncadd.s32 $0xFFFFE0C0  }
0x2c3: {  	_ =	swait.ge [sflag:s24], $0x1F40  }
0x2c4: {  	[sflag:s24] =	ssyncset.done $0x0  }
0x2c5: {  	[sflag:s24] =	ssyncadd.s32 $0xFFFFE0C0  }
0x2c6: {  	_ =	swait.ge [sflag:s24], $0x1F40  }
0x2c7: {  	s4 =	sld [smem:$0x7CE]  }
0x2c8: {  	[sflag:s24] =	ssyncset.done $0x0  }
0x2c9: {  	s2 =	simm.s32 $0x0;
	[sflag:s24] =	ssyncadd.s32 $0xFFFFE0C0  }
0x2ca: {  	[tilespmem:s25], [sflag:$0x3] =	stream.linear.gather [hbm4b:s4+s2], $0x1F40, $0x38;
	[tilespmem:$0x1C8E0] =	vst v63  }
0x2cb: {  	s4 =	sld [smem:$0x7CF];
	_ =	sdelay $0x2  }
0x2cc: {  	[tilespmem:s26], [sflag:$0x3] =	stream.linear.gather [hbm4b:s4+s2], $0x1F40, $0x38;
	[tilespmem:$0x1C8E0] =	vst v63  }
0x2cd: {  	s4 =	sld [smem:$0x7E9];
	_ =	sdelay $0x1  }
0x2ce: {  	s3 =	simm.s32 $0x0  }
0x2cf: {  	[tilespmem:s28], [sflag:$0x3] =	stream.linear.gather [hbm4b:s4+s2], $0x1F40, $0x38;
	[tilespmem:$0x1C8E0] =	vst v63  }
0x2d0: {  	s2 =	simm.s32 $0x40;
	v1 =	vld [tilespmem:s3+$0xBD60]  }
.LBB2_38:
0x2d1: {  	p0 =	sne.s32 s2, $0x7CC0;
	v2 =	vld [tilespmem:s3+$0xFBE0]  }
0x2d2: {  	v3 =	vld [tilespmem:s3+$0x13A60];
	_ =	sdelay $0x3  }
.Ltmp18:
0x2d3: {  	(pc) =	sbr.rel @p0 .LBB2_38-.Ltmp18, $3  }
0x2d4: {  	v2 =	vmul.f32 v3, v2;
	_ =	sdelay $0x1  }
0x2d5: {  	s3 =	sshra.s32 s2, $0x2;
	[tilespmem:v1+s29+$0x0] =	vst.idx.add.f32.msk $0xffff, v2  }
0x2d6: {  	s2 =	sadd.s32 $0x40, s2;
	v1 =	vld [tilespmem:s3+$0xBD60]  }
0x2d7: {  	v2 =	vld [tilespmem:s3+$0xFBE0]  }
0x2d8: {  	v3 =	vld [tilespmem:s3+$0x13A60];
	_ =	sdelay $0x4  }
0x2d9: {  	v2 =	vmul.f32 v3, v2;
	_ =	sdelay $0x1  }
0x2da: {  	[tilespmem:v1+s29+$0x0] =	vst.idx.add.f32.msk $0xffff, v2  }
0x2db: {  	_ =	swait.ge [sflag:s30], $0x1F40  }
0x2dc: {  	[sflag:s30] =	ssyncset.done $0x0  }
0x2dd: {  	[sflag:s30] =	ssyncadd.s32 $0xFFFFE0C0  }
0x2de: {  	_ =	swait.ge [sflag:s30], $0x1F40  }
0x2df: {  	[sflag:s30] =	ssyncset.done $0x0  }
0x2e0: {  	[sflag:s30] =	ssyncadd.s32 $0xFFFFE0C0  }
0x2e1: {  	_ =	swait.ge [sflag:s30], $0x1F40  }
0x2e2: {  	s4 =	sld [smem:$0x7D0]  }
0x2e3: {  	[sflag:s30] =	ssyncset.done $0x0  }
0x2e4: {  	s2 =	simm.s32 $0x0;
	[sflag:s30] =	ssyncadd.s32 $0xFFFFE0C0  }
0x2e5: {  	[tilespmem:s20], [sflag:$0x2] =	stream.linear.gather [hbm4b:s4+s2], $0x1F40, $0x38;
	[tilespmem:$0x1C8E0] =	vst v63  }
0x2e6: {  	s4 =	sld [smem:$0x7D1];
	_ =	sdelay $0x2  }
0x2e7: {  	[tilespmem:s21], [sflag:$0x2] =	stream.linear.gather [hbm4b:s4+s2], $0x1F40, $0x38;
	[tilespmem:$0x1C8E0] =	vst v63  }
0x2e8: {  	s4 =	sld [smem:$0x7EA];
	_ =	sdelay $0x1  }
0x2e9: {  	s3 =	simm.s32 $0x0  }
0x2ea: {  	[tilespmem:s23], [sflag:$0x2] =	stream.linear.gather [hbm4b:s4+s2], $0x1F40, $0x38;
	[tilespmem:$0x1C8E0] =	vst v63  }
0x2eb: {  	s2 =	simm.s32 $0x40;
	v1 =	vld [tilespmem:s3+$0xDCA0]  }
.LBB2_40:
0x2ec: {  	p0 =	sne.s32 s2, $0x7CC0;
	v2 =	vld [tilespmem:s3+$0x11B20]  }
0x2ed: {  	v3 =	vld [tilespmem:s3+$0x159A0];
	_ =	sdelay $0x3  }
.Ltmp19:
0x2ee: {  	(pc) =	sbr.rel @p0 .LBB2_40-.Ltmp19, $3  }
0x2ef: {  	v2 =	vmul.f32 v3, v2;
	_ =	sdelay $0x1  }
0x2f0: {  	s3 =	sshra.s32 s2, $0x2;
	[tilespmem:v1+s29+$0x0] =	vst.idx.add.f32.msk $0xffff, v2  }
0x2f1: {  	s2 =	sadd.s32 $0x40, s2;
	v1 =	vld [tilespmem:s3+$0xDCA0]  }
0x2f2: {  	v2 =	vld [tilespmem:s3+$0x11B20]  }
0x2f3: {  	v3 =	vld [tilespmem:s3+$0x159A0];
	_ =	sdelay $0x4  }
0x2f4: {  	v2 =	vmul.f32 v3, v2;
	_ =	sdelay $0x1  }
0x2f5: {  	[tilespmem:v1+s29+$0x0] =	vst.idx.add.f32.msk $0xffff, v2  }
0x2f6: {  	_ =	swait.ge [sflag:s24], $0x1F40  }
0x2f7: {  	[sflag:s24] =	ssyncset.done $0x0  }
0x2f8: {  	[sflag:s24] =	ssyncadd.s32 $0xFFFFE0C0  }
0x2f9: {  	_ =	swait.ge [sflag:s24], $0x1F40  }
0x2fa: {  	[sflag:s24] =	ssyncset.done $0x0  }
0x2fb: {  	[sflag:s24] =	ssyncadd.s32 $0xFFFFE0C0  }
0x2fc: {  	_ =	swait.ge [sflag:s24], $0x1F40  }
0x2fd: {  	s4 =	sld [smem:$0x7D2]  }
0x2fe: {  	[sflag:s24] =	ssyncset.done $0x0  }
0x2ff: {  	s2 =	simm.s32 $0x0;
	[sflag:s24] =	ssyncadd.s32 $0xFFFFE0C0  }
0x300: {  	[tilespmem:s25], [sflag:$0x3] =	stream.linear.gather [hbm4b:s4+s2], $0x1F40, $0x38;
	[tilespmem:$0x1C8E0] =	vst v63  }
0x301: {  	s4 =	sld [smem:$0x7D3];
	_ =	sdelay $0x2  }
0x302: {  	[tilespmem:s26], [sflag:$0x3] =	stream.linear.gather [hbm4b:s4+s2], $0x1F40, $0x38;
	[tilespmem:$0x1C8E0] =	vst v63  }
0x303: {  	s4 =	sld [smem:$0x7EB];
	_ =	sdelay $0x1  }
0x304: {  	s3 =	simm.s32 $0x0  }
0x305: {  	[tilespmem:s28], [sflag:$0x3] =	stream.linear.gather [hbm4b:s4+s2], $0x1F40, $0x38;
	[tilespmem:$0x1C8E0] =	vst v63  }
0x306: {  	s2 =	simm.s32 $0x40;
	v1 =	vld [tilespmem:s3+$0xBD60]  }
.LBB2_42:
0x307: {  	p0 =	sne.s32 s2, $0x7CC0;
	v2 =	vld [tilespmem:s3+$0xFBE0]  }
0x308: {  	v3 =	vld [tilespmem:s3+$0x13A60];
	_ =	sdelay $0x3  }
.Ltmp20:
0x309: {  	(pc) =	sbr.rel @p0 .LBB2_42-.Ltmp20, $3  }
0x30a: {  	v2 =	vmul.f32 v3, v2;
	_ =	sdelay $0x1  }
0x30b: {  	s3 =	sshra.s32 s2, $0x2;
	[tilespmem:v1+s29+$0x0] =	vst.idx.add.f32.msk $0xffff, v2  }
0x30c: {  	s2 =	sadd.s32 $0x40, s2;
	v1 =	vld [tilespmem:s3+$0xBD60]  }
0x30d: {  	v2 =	vld [tilespmem:s3+$0xFBE0]  }
0x30e: {  	v3 =	vld [tilespmem:s3+$0x13A60];
	_ =	sdelay $0x4  }
0x30f: {  	v2 =	vmul.f32 v3, v2;
	_ =	sdelay $0x1  }
0x310: {  	[tilespmem:v1+s29+$0x0] =	vst.idx.add.f32.msk $0xffff, v2  }
0x311: {  	_ =	swait.ge [sflag:s30], $0x1F40  }
0x312: {  	[sflag:s30] =	ssyncset.done $0x0  }
0x313: {  	[sflag:s30] =	ssyncadd.s32 $0xFFFFE0C0  }
0x314: {  	_ =	swait.ge [sflag:s30], $0x1F40  }
0x315: {  	[sflag:s30] =	ssyncset.done $0x0  }
0x316: {  	[sflag:s30] =	ssyncadd.s32 $0xFFFFE0C0  }
0x317: {  	_ =	swait.ge [sflag:s30], $0x1F40  }
0x318: {  	s4 =	sld [smem:$0x7D4]  }
0x319: {  	[sflag:s30] =	ssyncset.done $0x0  }
0x31a: {  	s2 =	simm.s32 $0x0;
	[sflag:s30] =	ssyncadd.s32 $0xFFFFE0C0  }
0x31b: {  	[tilespmem:s20], [sflag:$0x2] =	stream.linear.gather [hbm4b:s4+s2], $0x1F40, $0x38;
	[tilespmem:$0x1C8E0] =	vst v63  }
0x31c: {  	s4 =	sld [smem:$0x7D5];
	_ =	sdelay $0x2  }
0x31d: {  	[tilespmem:s21], [sflag:$0x2] =	stream.linear.gather [hbm4b:s4+s2], $0x1F40, $0x38;
	[tilespmem:$0x1C8E0] =	vst v63  }
0x31e: {  	s4 =	sld [smem:$0x7EC];
	_ =	sdelay $0x1  }
0x31f: {  	s3 =	simm.s32 $0x0  }
0x320: {  	[tilespmem:s23], [sflag:$0x2] =	stream.linear.gather [hbm4b:s4+s2], $0x1F40, $0x38;
	[tilespmem:$0x1C8E0] =	vst v63  }
0x321: {  	s2 =	simm.s32 $0x40;
	v1 =	vld [tilespmem:s3+$0xDCA0]  }
.LBB2_44:
0x322: {  	p0 =	sne.s32 s2, $0x7CC0;
	v2 =	vld [tilespmem:s3+$0x11B20]  }
0x323: {  	v3 =	vld [tilespmem:s3+$0x159A0];
	_ =	sdelay $0x3  }
.Ltmp21:
0x324: {  	(pc) =	sbr.rel @p0 .LBB2_44-.Ltmp21, $3  }
0x325: {  	v2 =	vmul.f32 v3, v2;
	_ =	sdelay $0x1  }
0x326: {  	s3 =	sshra.s32 s2, $0x2;
	[tilespmem:v1+s29+$0x0] =	vst.idx.add.f32.msk $0xffff, v2  }
0x327: {  	s2 =	sadd.s32 $0x40, s2;
	v1 =	vld [tilespmem:s3+$0xDCA0]  }
0x328: {  	v2 =	vld [tilespmem:s3+$0x11B20]  }
0x329: {  	v3 =	vld [tilespmem:s3+$0x159A0];
	_ =	sdelay $0x4  }
0x32a: {  	v2 =	vmul.f32 v3, v2;
	_ =	sdelay $0x1  }
0x32b: {  	[tilespmem:v1+s29+$0x0] =	vst.idx.add.f32.msk $0xffff, v2  }
0x32c: {  	_ =	swait.ge [sflag:s24], $0x1F40  }
0x32d: {  	[sflag:s24] =	ssyncset.done $0x0  }
0x32e: {  	[sflag:s24] =	ssyncadd.s32 $0xFFFFE0C0  }
0x32f: {  	_ =	swait.ge [sflag:s24], $0x1F40  }
0x330: {  	[sflag:s24] =	ssyncset.done $0x0  }
0x331: {  	[sflag:s24] =	ssyncadd.s32 $0xFFFFE0C0  }
0x332: {  	_ =	swait.ge [sflag:s24], $0x1F40  }
0x333: {  	s4 =	sld [smem:$0x7D6]  }
0x334: {  	[sflag:s24] =	ssyncset.done $0x0  }
0x335: {  	s2 =	simm.s32 $0x0;
	[sflag:s24] =	ssyncadd.s32 $0xFFFFE0C0  }
0x336: {  	[tilespmem:s25], [sflag:$0x3] =	stream.linear.gather [hbm4b:s4+s2], $0x1F40, $0x38;
	[tilespmem:$0x1C8E0] =	vst v63  }
0x337: {  	s4 =	sld [smem:$0x7D7];
	_ =	sdelay $0x2  }
0x338: {  	[tilespmem:s26], [sflag:$0x3] =	stream.linear.gather [hbm4b:s4+s2], $0x1F40, $0x38;
	[tilespmem:$0x1C8E0] =	vst v63  }
0x339: {  	s4 =	sld [smem:$0x7ED];
	_ =	sdelay $0x1  }
0x33a: {  	s3 =	simm.s32 $0x0  }
0x33b: {  	[tilespmem:s28], [sflag:$0x3] =	stream.linear.gather [hbm4b:s4+s2], $0x1F40, $0x38;
	[tilespmem:$0x1C8E0] =	vst v63  }
0x33c: {  	s2 =	simm.s32 $0x40;
	v1 =	vld [tilespmem:s3+$0xBD60]  }
.LBB2_46:
0x33d: {  	p0 =	sne.s32 s2, $0x7CC0;
	v2 =	vld [tilespmem:s3+$0xFBE0]  }
0x33e: {  	v3 =	vld [tilespmem:s3+$0x13A60];
	_ =	sdelay $0x3  }
.Ltmp22:
0x33f: {  	(pc) =	sbr.rel @p0 .LBB2_46-.Ltmp22, $3  }
0x340: {  	v2 =	vmul.f32 v3, v2;
	_ =	sdelay $0x1  }
0x341: {  	s3 =	sshra.s32 s2, $0x2;
	[tilespmem:v1+s29+$0x0] =	vst.idx.add.f32.msk $0xffff, v2  }
0x342: {  	s2 =	sadd.s32 $0x40, s2;
	v1 =	vld [tilespmem:s3+$0xBD60]  }
0x343: {  	v2 =	vld [tilespmem:s3+$0xFBE0]  }
0x344: {  	v3 =	vld [tilespmem:s3+$0x13A60];
	_ =	sdelay $0x4  }
0x345: {  	v2 =	vmul.f32 v3, v2;
	_ =	sdelay $0x1  }
0x346: {  	[tilespmem:v1+s29+$0x0] =	vst.idx.add.f32.msk $0xffff, v2  }
0x347: {  	_ =	swait.ge [sflag:s30], $0x1F40  }
0x348: {  	[sflag:s30] =	ssyncset.done $0x0  }
0x349: {  	[sflag:s30] =	ssyncadd.s32 $0xFFFFE0C0  }
0x34a: {  	_ =	swait.ge [sflag:s30], $0x1F40  }
0x34b: {  	[sflag:s30] =	ssyncset.done $0x0  }
0x34c: {  	[sflag:s30] =	ssyncadd.s32 $0xFFFFE0C0  }
0x34d: {  	_ =	swait.ge [sflag:s30], $0x1F40  }
0x34e: {  	s4 =	sld [smem:$0x7D8]  }
0x34f: {  	[sflag:s30] =	ssyncset.done $0x0  }
0x350: {  	s2 =	simm.s32 $0x0;
	[sflag:s30] =	ssyncadd.s32 $0xFFFFE0C0  }
0x351: {  	[tilespmem:s20], [sflag:$0x2] =	stream.linear.gather [hbm4b:s4+s2], $0x1F40, $0x38;
	[tilespmem:$0x1C8E0] =	vst v63  }
0x352: {  	s4 =	sld [smem:$0x7D9];
	_ =	sdelay $0x2  }
0x353: {  	[tilespmem:s21], [sflag:$0x2] =	stream.linear.gather [hbm4b:s4+s2], $0x1F40, $0x38;
	[tilespmem:$0x1C8E0] =	vst v63  }
0x354: {  	s4 =	sld [smem:$0x7EE];
	_ =	sdelay $0x1  }
0x355: {  	s3 =	simm.s32 $0x0  }
0x356: {  	[tilespmem:s23], [sflag:$0x2] =	stream.linear.gather [hbm4b:s4+s2], $0x1F40, $0x38;
	[tilespmem:$0x1C8E0] =	vst v63  }
0x357: {  	s2 =	simm.s32 $0x40;
	v1 =	vld [tilespmem:s3+$0xDCA0]  }
.LBB2_48:
0x358: {  	p0 =	sne.s32 s2, $0x7CC0;
	v2 =	vld [tilespmem:s3+$0x11B20]  }
0x359: {  	v3 =	vld [tilespmem:s3+$0x159A0];
	_ =	sdelay $0x3  }
.Ltmp23:
0x35a: {  	(pc) =	sbr.rel @p0 .LBB2_48-.Ltmp23, $3  }
0x35b: {  	v2 =	vmul.f32 v3, v2;
	_ =	sdelay $0x1  }
0x35c: {  	s3 =	sshra.s32 s2, $0x2;
	[tilespmem:v1+s29+$0x0] =	vst.idx.add.f32.msk $0xffff, v2  }
0x35d: {  	s2 =	sadd.s32 $0x40, s2;
	v1 =	vld [tilespmem:s3+$0xDCA0]  }
0x35e: {  	v2 =	vld [tilespmem:s3+$0x11B20]  }
0x35f: {  	v3 =	vld [tilespmem:s3+$0x159A0];
	_ =	sdelay $0x4  }
0x360: {  	v2 =	vmul.f32 v3, v2;
	_ =	sdelay $0x1  }
0x361: {  	[tilespmem:v1+s29+$0x0] =	vst.idx.add.f32.msk $0xffff, v2  }
0x362: {  	_ =	swait.ge [sflag:s24], $0x1F40  }
0x363: {  	[sflag:s24] =	ssyncset.done $0x0  }
0x364: {  	[sflag:s24] =	ssyncadd.s32 $0xFFFFE0C0  }
0x365: {  	_ =	swait.ge [sflag:s24], $0x1F40  }
0x366: {  	[sflag:s24] =	ssyncset.done $0x0  }
0x367: {  	[sflag:s24] =	ssyncadd.s32 $0xFFFFE0C0  }
0x368: {  	_ =	swait.ge [sflag:s24], $0x1F40  }
0x369: {  	s4 =	sld [smem:$0x7DA]  }
0x36a: {  	[sflag:s24] =	ssyncset.done $0x0  }
0x36b: {  	s2 =	simm.s32 $0x0;
	[sflag:s24] =	ssyncadd.s32 $0xFFFFE0C0  }
0x36c: {  	[tilespmem:s25], [sflag:$0x3] =	stream.linear.gather [hbm4b:s4+s2], $0x1F40, $0x38;
	[tilespmem:$0x1C8E0] =	vst v63  }
0x36d: {  	s4 =	sld [smem:$0x7DB];
	_ =	sdelay $0x2  }
0x36e: {  	[tilespmem:s26], [sflag:$0x3] =	stream.linear.gather [hbm4b:s4+s2], $0x1F40, $0x38;
	[tilespmem:$0x1C8E0] =	vst v63  }
0x36f: {  	s4 =	sld [smem:$0x7EF];
	_ =	sdelay $0x1  }
0x370: {  	s3 =	simm.s32 $0x0  }
0x371: {  	[tilespmem:s28], [sflag:$0x3] =	stream.linear.gather [hbm4b:s4+s2], $0x1F40, $0x38;
	[tilespmem:$0x1C8E0] =	vst v63  }
0x372: {  	s2 =	simm.s32 $0x40;
	v1 =	vld [tilespmem:s3+$0xBD60]  }
.LBB2_50:
0x373: {  	p0 =	sne.s32 s2, $0x7CC0;
	v2 =	vld [tilespmem:s3+$0xFBE0]  }
0x374: {  	v3 =	vld [tilespmem:s3+$0x13A60];
	_ =	sdelay $0x3  }
.Ltmp24:
0x375: {  	(pc) =	sbr.rel @p0 .LBB2_50-.Ltmp24, $3  }
0x376: {  	v2 =	vmul.f32 v3, v2;
	_ =	sdelay $0x1  }
0x377: {  	s3 =	sshra.s32 s2, $0x2;
	[tilespmem:v1+s29+$0x0] =	vst.idx.add.f32.msk $0xffff, v2  }
0x378: {  	s2 =	sadd.s32 $0x40, s2;
	v1 =	vld [tilespmem:s3+$0xBD60]  }
0x379: {  	v2 =	vld [tilespmem:s3+$0xFBE0]  }
0x37a: {  	v3 =	vld [tilespmem:s3+$0x13A60];
	_ =	sdelay $0x4  }
0x37b: {  	v2 =	vmul.f32 v3, v2;
	_ =	sdelay $0x1  }
0x37c: {  	[tilespmem:v1+s29+$0x0] =	vst.idx.add.f32.msk $0xffff, v2  }
0x37d: {  	_ =	swait.ge [sflag:s30], $0x1F40  }
0x37e: {  	[sflag:s30] =	ssyncset.done $0x0  }
0x37f: {  	[sflag:s30] =	ssyncadd.s32 $0xFFFFE0C0  }
0x380: {  	_ =	swait.ge [sflag:s30], $0x1F40  }
0x381: {  	[sflag:s30] =	ssyncset.done $0x0  }
0x382: {  	[sflag:s30] =	ssyncadd.s32 $0xFFFFE0C0  }
0x383: {  	_ =	swait.ge [sflag:s30], $0x1F40  }
0x384: {  	[sflag:s30] =	ssyncset.done $0x0  }
0x385: {  	s3 =	simm.s32 $0x0;
	[sflag:s30] =	ssyncadd.s32 $0xFFFFE0C0  }
0x386: {  	s2 =	simm.s32 $0x40;
	v1 =	vld [tilespmem:s3+$0xDCA0]  }
.LBB2_52:
0x387: {  	p0 =	sne.s32 s2, $0x7CC0;
	v2 =	vld [tilespmem:s3+$0x11B20]  }
0x388: {  	v3 =	vld [tilespmem:s3+$0x159A0];
	_ =	sdelay $0x3  }
.Ltmp25:
0x389: {  	(pc) =	sbr.rel @p0 .LBB2_52-.Ltmp25, $3  }
0x38a: {  	v2 =	vmul.f32 v3, v2;
	_ =	sdelay $0x1  }
0x38b: {  	s3 =	sshra.s32 s2, $0x2;
	[tilespmem:v1+s29+$0x0] =	vst.idx.add.f32.msk $0xffff, v2  }
0x38c: {  	s2 =	sadd.s32 $0x40, s2;
	v1 =	vld [tilespmem:s3+$0xDCA0]  }
0x38d: {  	v2 =	vld [tilespmem:s3+$0x11B20]  }
0x38e: {  	v3 =	vld [tilespmem:s3+$0x159A0];
	_ =	sdelay $0x4  }
0x38f: {  	s2 =	sld [smem:$0x7F0];
	v2 =	vmul.f32 v3, v2;
	_ =	sdelay $0x1  }
0x390: {  	[tilespmem:v1+s29+$0x0] =	vst.idx.add.f32.msk $0xffff, v2  }
0x391: {  	[hbm4b:s2+s31] =	stream.linear.scatter [tilespmem:s29], [sflag:$0x4], $0x2800, $0x38;
	[tilespmem:$0x1C8E0] =	vst v63  }
0x392: {  	_ =	swait.ge [sflag:s19], $0x2800  }
0x393: {  	s4 =	sld [smem:$0x7F1]  }
0x394: {  	[sflag:s19] =	ssyncset.done $0x0  }
0x395: {  	[sflag:s19] =	ssyncadd.s32 $0xFFFFD800  }
0x396: {  	[spmem:s4] =	stream.linear.scatter [tilespmem:s17], [sflag:$0x4], $0x2800, $0x38;
	[tilespmem:$0x1C8E0] =	vst v63  }
0x397: {  	_ =	swait.ge [sflag:s19], $0x2800  }
0x398: {  	[sflag:s19] =	ssyncset.done $0x0  }
0x399: {  	[sflag:s19] =	ssyncadd.s32 $0xFFFFD800  }
0x39a: {  	[bflag:$0x0] =	sbarrier.arrive $0xFFFF  }
0x39b: {  	[tilespmem:s0], [sflag:$0x4] =	stream.linear.gather [spmem:s22], $0x280, $0x38;
	[tilespmem:$0x1C8E0] =	vst v63  }
0x39c: {  	_ =	swait.ge [sflag:s19], $0x280  }
0x39d: {  	s3 =	sld [smem:$0x7F6]  }
0x39e: {  	[sflag:s19] =	ssyncset.done $0x0  }
0x39f: {  	s4 =	simm.s32 $0x17B60;
	[sflag:s19] =	ssyncadd.s32 $0xFFFFFD80  }
0x3a0: {  	[tilespmem:s4], [sflag:$0x4] =	stream.linear.gather [spmem:s3], $0x280, $0x38;
	[tilespmem:$0x1C8E0] =	vst v63  }
0x3a1: {  	_ =	swait.ge [sflag:s19], $0x280  }
0x3a2: {  	s3 =	sld [smem:$0x7F7]  }
0x3a3: {  	[sflag:s19] =	ssyncset.done $0x0  }
0x3a4: {  	s4 =	simm.s32 $0x17DE0;
	[sflag:s19] =	ssyncadd.s32 $0xFFFFFD80  }
0x3a5: {  	[tilespmem:s4], [sflag:$0x4] =	stream.linear.gather [spmem:s3], $0x280, $0x38;
	[tilespmem:$0x1C8E0] =	vst v63  }
0x3a6: {  	_ =	swait.ge [sflag:s19], $0x280  }
0x3a7: {  	s3 =	sld [smem:$0x7F8]  }
0x3a8: {  	[sflag:s19] =	ssyncset.done $0x0  }
0x3a9: {  	s4 =	simm.s32 $0x18060;
	[sflag:s19] =	ssyncadd.s32 $0xFFFFFD80  }
0x3aa: {  	[tilespmem:s4], [sflag:$0x4] =	stream.linear.gather [spmem:s3], $0x280, $0x38;
	[tilespmem:$0x1C8E0] =	vst v63  }
0x3ab: {  	_ =	swait.ge [sflag:s19], $0x280  }
0x3ac: {  	s3 =	sld [smem:$0x7F9]  }
0x3ad: {  	[sflag:s19] =	ssyncset.done $0x0  }
0x3ae: {  	s4 =	simm.s32 $0x182E0;
	[sflag:s19] =	ssyncadd.s32 $0xFFFFFD80  }
0x3af: {  	[tilespmem:s4], [sflag:$0x4] =	stream.linear.gather [spmem:s3], $0x280, $0x38;
	[tilespmem:$0x1C8E0] =	vst v63  }
0x3b0: {  	_ =	swait.ge [sflag:s19], $0x280  }
0x3b1: {  	s3 =	sld [smem:$0x7FA]  }
0x3b2: {  	[sflag:s19] =	ssyncset.done $0x0  }
0x3b3: {  	s4 =	simm.s32 $0x18560;
	[sflag:s19] =	ssyncadd.s32 $0xFFFFFD80  }
0x3b4: {  	[tilespmem:s4], [sflag:$0x4] =	stream.linear.gather [spmem:s3], $0x280, $0x38;
	[tilespmem:$0x1C8E0] =	vst v63  }
0x3b5: {  	_ =	swait.ge [sflag:s19], $0x280  }
0x3b6: {  	s3 =	sld [smem:$0x7FB]  }
0x3b7: {  	[sflag:s19] =	ssyncset.done $0x0  }
0x3b8: {  	s4 =	simm.s32 $0x187E0;
	[sflag:s19] =	ssyncadd.s32 $0xFFFFFD80  }
0x3b9: {  	[tilespmem:s4], [sflag:$0x4] =	stream.linear.gather [spmem:s3], $0x280, $0x38;
	[tilespmem:$0x1C8E0] =	vst v63  }
0x3ba: {  	_ =	swait.ge [sflag:s19], $0x280  }
0x3bb: {  	s3 =	sld [smem:$0x7FC]  }
0x3bc: {  	[sflag:s19] =	ssyncset.done $0x0  }
0x3bd: {  	s4 =	simm.s32 $0x18A60;
	[sflag:s19] =	ssyncadd.s32 $0xFFFFFD80  }
0x3be: {  	[tilespmem:s4], [sflag:$0x4] =	stream.linear.gather [spmem:s3], $0x280, $0x38;
	[tilespmem:$0x1C8E0] =	vst v63  }
0x3bf: {  	_ =	swait.ge [sflag:s19], $0x280  }
0x3c0: {  	s3 =	sld [smem:$0x7FD]  }
0x3c1: {  	[sflag:s19] =	ssyncset.done $0x0  }
0x3c2: {  	s4 =	simm.s32 $0x18CE0;
	[sflag:s19] =	ssyncadd.s32 $0xFFFFFD80  }
0x3c3: {  	[tilespmem:s4], [sflag:$0x4] =	stream.linear.gather [spmem:s3], $0x280, $0x38;
	[tilespmem:$0x1C8E0] =	vst v63  }
0x3c4: {  	_ =	swait.ge [sflag:s19], $0x280  }
0x3c5: {  	[sflag:s19] =	ssyncset.done $0x0  }
0x3c6: {  	s4 =	simm.s32 $0x18F60;
	[sflag:s19] =	ssyncadd.s32 $0xFFFFFD80  }
0x3c7: {  	[tilespmem:s4], [sflag:$0x4] =	stream.linear.gather [spmem:s5], $0x280, $0x38;
	[tilespmem:$0x1C8E0] =	vst v63  }
0x3c8: {  	_ =	swait.ge [sflag:s19], $0x280  }
0x3c9: {  	[sflag:s19] =	ssyncset.done $0x0  }
0x3ca: {  	s3 =	simm.s32 $0x191E0;
	[sflag:s19] =	ssyncadd.s32 $0xFFFFFD80  }
0x3cb: {  	[tilespmem:s3], [sflag:$0x4] =	stream.linear.gather [spmem:s6], $0x280, $0x38;
	[tilespmem:$0x1C8E0] =	vst v63  }
0x3cc: {  	_ =	swait.ge [sflag:s19], $0x280  }
0x3cd: {  	[sflag:s19] =	ssyncset.done $0x0  }
0x3ce: {  	s4 =	simm.s32 $0x19460;
	[sflag:s19] =	ssyncadd.s32 $0xFFFFFD80  }
0x3cf: {  	[tilespmem:s4], [sflag:$0x4] =	stream.linear.gather [spmem:s7], $0x280, $0x38;
	[tilespmem:$0x1C8E0] =	vst v63  }
0x3d0: {  	_ =	swait.ge [sflag:s19], $0x280  }
0x3d1: {  	[sflag:s19] =	ssyncset.done $0x0  }
0x3d2: {  	s3 =	simm.s32 $0x196E0;
	[sflag:s19] =	ssyncadd.s32 $0xFFFFFD80  }
0x3d3: {  	[tilespmem:s3], [sflag:$0x4] =	stream.linear.gather [spmem:s8], $0x280, $0x38;
	[tilespmem:$0x1C8E0] =	vst v63  }
0x3d4: {  	_ =	swait.ge [sflag:s19], $0x280  }
0x3d5: {  	[sflag:s19] =	ssyncset.done $0x0  }
0x3d6: {  	s4 =	simm.s32 $0x19960;
	[sflag:s19] =	ssyncadd.s32 $0xFFFFFD80  }
0x3d7: {  	[tilespmem:s4], [sflag:$0x4] =	stream.linear.gather [spmem:s9], $0x280, $0x38;
	[tilespmem:$0x1C8E0] =	vst v63  }
0x3d8: {  	_ =	swait.ge [sflag:s19], $0x280  }
0x3d9: {  	[sflag:s19] =	ssyncset.done $0x0  }
0x3da: {  	s3 =	simm.s32 $0x19BE0;
	[sflag:s19] =	ssyncadd.s32 $0xFFFFFD80  }
0x3db: {  	[tilespmem:s3], [sflag:$0x4] =	stream.linear.gather [spmem:s10], $0x280, $0x38;
	[tilespmem:$0x1C8E0] =	vst v63  }
0x3dc: {  	_ =	swait.ge [sflag:s19], $0x280  }
0x3dd: {  	[sflag:s19] =	ssyncset.done $0x0  }
0x3de: {  	s4 =	simm.s32 $0x19E60;
	[sflag:s19] =	ssyncadd.s32 $0xFFFFFD80  }
0x3df: {  	[tilespmem:s4], [sflag:$0x4] =	stream.linear.gather [spmem:s11], $0x280, $0x38;
	[tilespmem:$0x1C8E0] =	vst v63  }
0x3e0: {  	_ =	swait.ge [sflag:s19], $0x280  }
0x3e1: {  	[sflag:s19] =	ssyncset.done $0x0  }
0x3e2: {  	s2 =	simm.s32 $0xFFFFFD80;
	[sflag:s19] =	ssyncadd.s32 $0xFFFFFD80  }
0x3e3: {  	s3 =	simm.s32 $0xFFFFF640;
	v1 =	vld [tilespmem:s2+$0x17DE0]  }
.LBB2_54:
0x3e4: {  	p0 =	sne.s32 s3, $0xFFFFFFC0;
	v2 =	vld [tilespmem:s2+$0x17B60];
	_ =	sdelay $0x1  }
0x3e5: {  	v3 =	vld [tilespmem:s2+$0x18060];
	_ =	sdelay $0x1  }
0x3e6: {  	v4 =	vld [tilespmem:s2+$0x182E0]  }
0x3e7: {  	v1 =	vadd.f32 v1, v2  }
0x3e8: {  	v2 =	vld [tilespmem:s2+$0x18560]  }
0x3e9: {  	v1 =	vadd.f32 v3, v1  }
0x3ea: {  	v3 =	vld [tilespmem:s2+$0x187E0]  }
0x3eb: {  	v1 =	vadd.f32 v4, v1  }
0x3ec: {  	v4 =	vld [tilespmem:s2+$0x18A60]  }
0x3ed: {  	v1 =	vadd.f32 v2, v1  }
0x3ee: {  	v2 =	vld [tilespmem:s2+$0x18CE0]  }
0x3ef: {  	v1 =	vadd.f32 v3, v1  }
0x3f0: {  	v3 =	vld [tilespmem:s2+$0x18F60]  }
0x3f1: {  	v1 =	vadd.f32 v4, v1  }
0x3f2: {  	v4 =	vld [tilespmem:s2+$0x191E0]  }
0x3f3: {  	v1 =	vadd.f32 v2, v1  }
0x3f4: {  	v2 =	vld [tilespmem:s2+$0x19460]  }
0x3f5: {  	v1 =	vadd.f32 v3, v1  }
0x3f6: {  	v3 =	vld [tilespmem:s2+$0x196E0]  }
0x3f7: {  	v1 =	vadd.f32 v4, v1  }
0x3f8: {  	v4 =	vld [tilespmem:s2+$0x19960]  }
0x3f9: {  	v1 =	vadd.f32 v2, v1  }
0x3fa: {  	v2 =	vld [tilespmem:s2+$0x19BE0]  }
0x3fb: {  	v1 =	vadd.f32 v3, v1  }
0x3fc: {  	v3 =	vld [tilespmem:s2+$0x19E60]  }
0x3fd: {  	v1 =	vadd.f32 v4, v1  }
0x3fe: {  	v4 =	vld [tilespmem:s2+$0x1A0E0]  }
0x3ff: {  	v1 =	vadd.f32 v2, v1;
	_ =	sdelay $0x1  }
.Ltmp26:
0x400: {  	v1 =	vadd.f32 v3, v1;
	(pc) =	sbr.rel @p0 .LBB2_54-.Ltmp26, $4  }
0x401: {  	_ = 	snop  }
0x402: {  	v2 =	vadd.f32 v4, v1  }
0x403: {  	s4 =	sshra.s32 s3, $0x2  }
0x404: {  	s3 =	sadd.s32 $0x40, s3;
	v1 =	vld [tilespmem:s4+$0x17DE0];
	[tilespmem:s2+$0x17B60] =	vst v2;
	s2 =	smov.u32 s4  }
0x405: {  	v2 =	vld [tilespmem:s2+$0x17B60];
	_ =	sdelay $0x1  }
0x406: {  	v3 =	vld [tilespmem:s2+$0x18060];
	_ =	sdelay $0x1  }
0x407: {  	v4 =	vld [tilespmem:s2+$0x182E0]  }
0x408: {  	v1 =	vadd.f32 v1, v2  }
0x409: {  	v2 =	vld [tilespmem:s2+$0x18560]  }
0x40a: {  	v1 =	vadd.f32 v3, v1  }
0x40b: {  	v3 =	vld [tilespmem:s2+$0x187E0]  }
0x40c: {  	v1 =	vadd.f32 v4, v1  }
0x40d: {  	v60 =	vld [tilespmem:s2+$0x18A60]  }
0x40e: {  	v1 =	vadd.f32 v2, v1  }
0x40f: {  	v2 =	vld [tilespmem:s2+$0x18CE0]  }
0x410: {  	v1 =	vadd.f32 v3, v1  }
0x411: {  	v3 =	vld [tilespmem:s2+$0x18F60]  }
0x412: {  	v1 =	vadd.f32 v60, v1  }
0x413: {  	v61 =	vld [tilespmem:s2+$0x191E0]  }
0x414: {  	v1 =	vadd.f32 v2, v1  }
0x415: {  	v2 =	vld [tilespmem:s2+$0x19460]  }
0x416: {  	v1 =	vadd.f32 v3, v1  }
0x417: {  	v3 =	vld [tilespmem:s2+$0x196E0]  }
0x418: {  	v1 =	vadd.f32 v61, v1  }
0x419: {  	v62 =	vld [tilespmem:s2+$0x19960]  }
0x41a: {  	v1 =	vadd.f32 v2, v1  }
0x41b: {  	v2 =	vld [tilespmem:s2+$0x19BE0]  }
0x41c: {  	v1 =	vadd.f32 v3, v1  }
0x41d: {  	v3 =	vld [tilespmem:s2+$0x19E60]  }
0x41e: {  	v1 =	vadd.f32 v62, v1  }
0x41f: {  	v63 =	vld [tilespmem:s2+$0x1A0E0]  }
0x420: {  	v1 =	vadd.f32 v2, v1;
	_ =	sdelay $0x1  }
0x421: {  	v1 =	vadd.f32 v3, v1;
	_ =	sdelay $0x1  }
0x422: {  	s3 =	sld [smem:$0x7F4];
	v1 =	vadd.f32 v63, v1;
	_ =	sdelay $0x1  }
0x423: {  	[tilespmem:s2+$0x17B60] =	vst v1  }
0x424: {  	[hbm4b:s3+s31] =	stream.linear.scatter [tilespmem:s0], [sflag:$0x4], $0x280, $0x38;
	[tilespmem:$0x1C8E0] =	vst v63  }
0x425: {  	_ =	swait.ge [sflag:s19], $0x280  }
0x426: {  	s4 =	sld [smem:$0x7F5];
	_ =	sdelay $0x1  }
0x427: {  	s1 =	sadd.s32 $0x1, s1  }
0x428: {  	p0 =	sne.s32 s1, s4  }
.Ltmp27:
0x429: {  	_ = 	snop;
	(pc) =	sbr.rel @p0 .LBB2_1-.Ltmp27, $3  }
0x42a: {  	_ =	sdelay $0x1  }
0x42b: {  	[sflag:s19] =	ssyncset.done $0x0  }
0x42c: {  	[sflag:s19] =	ssyncadd.s32 $0xFFFFFD80  }
0x42d: {  	_ =	sfence.sel $0x180000  }
0x42e: {  	[bflag:$0x0] =	sbarrier.arrive $0xFFFF  }
0x42f: {  	_ =	strace $0x90000047  }
0x430: {  	s0 =	stileid.u32;
	[bflag:$0x2] =	sbarrier.arrive $0xFFFF  }
0x431: {  	p0 =	sne.s32 s0, $0x0;
	s0 =	rddreg [dreg:$0x3]  }
0x432: {  	s0 =	sadd.s32 @!p0 $0x100000, s0  }
0x433: {  	[sflag:s0] =	ssyncadd.tile.s32 @!p0 $0x1;
	_ =	shalt  }
.Lfunc_end2:
_tile_overlayer_lowered:
.L_overlay_start_2:
0x434: {  	(tag) =	ssettag $0x2  }
0x435: {  	s0 =	rddreg [dreg:$0x0];
	s2 =	stileid.u32  }
0x436: {  	s1 =	rddreg [dreg:$0x1];
	p0 =	sne.s32 s2, $0x0  }
0x437: {  	s3 =	rddreg [dreg:$0x2];
	[bflag:$0x3] =	sbarrier.arrive $0xFFFF;
	s2 =	simm.s32 @!p0 $0x1C04  }
0x438: {  	[timem:s3], [sflag:s2] =	dma.local @!p0 [hbm:s0], s1  }
0x439: {  	s0 =	simm.s32 @!p0 $0x4  }
0x43a: {  	_ =	swait.ge @!p0 [sflag:s0], s1  }
0x43b: {  	s1 =	ssub.s32 @!p0 $0x0, s1;
	[sflag:s0] =	ssyncset.done @!p0 $0x0  }
0x43c: {  	[sflag:s0] =	ssyncadd.s32 @!p0 s1  }
0x43d: {  	[bflag:$0x3] =	sbarrier.arrive $0xFFFF  }
0x43e: {  	_ =	shalt  }

</sc_bundles>
